<compile_context>
chip_gen: v7x
topology: tpu7x:2x2x1
jax: 0.10.2.dev20260603
libtpu: 0.0.44.dev20260713+nightly
codegen_flags: <defaults>
</compile_context>

<pallas_src>
import functools

import jax
import jax.numpy as jnp
from jax import lax
from jax.experimental import pallas as pl
from jax.experimental.pallas import tpu as pltpu
from jax.experimental.pallas import tpu_sc as plsc

NC = 2
NS = 16
NW = NC * NS
CH = 80
U = 10
UA = 5

_f32 = jnp.float32


def _round_up(v, m):
    return (v + m - 1) // m * m



def _make_degree_kernel(n_pad, e_pad):
    per_w = e_pad // NW
    n_ch = per_w // CH
    rows_pt = n_pad // NS
    mesh = plsc.VectorSubcoreMesh(core_axis_name="c", subcore_axis_name="s")
    n_wave = n_ch // U
    tail = n_ch - n_wave * U

    @functools.partial(
        pl.kernel,
        out_type=jax.ShapeDtypeStruct((NC, 1, n_pad), _f32),
        mesh=mesh,
        compiler_params=pltpu.CompilerParams(use_tc_tiling_on_sc=False),
        scratch_types=[
            pltpu.VMEM((n_ch, CH), jnp.int32),
            pltpu.VMEM((CH,), _f32),
            pltpu.VMEM((rows_pt,), _f32),
            pltpu.VMEM_SHARED((n_pad,), _f32),
            pltpu.SemaphoreType.DMA,
        ],
    )
    def deg_kernel(ei_hbm, out_hbm, didx2, ones_v, stage, acc, ssem):
        cid = lax.axis_index("c")
        sid = lax.axis_index("s")
        wid = sid * NC + cid

        pltpu.sync_copy(ei_hbm.at[1, pl.ds(wid * n_ch, n_ch)], didx2)

        def _fill(i, _):
            ones_v[pl.ds(i * 16, 16)] = jnp.ones((16,), _f32)
            return 0
        lax.fori_loop(0, CH // 16, _fill, 0)

        def _zero(i, _):
            stage[pl.ds(i * 16, 16)] = jnp.zeros((16,), _f32)
            return 0
        lax.fori_loop(0, rows_pt // 16, _zero, 0)
        pltpu.sync_copy(stage, acc.at[pl.ds(sid * rows_pt, rows_pt)])
        plsc.subcore_barrier()

        def _wave(wv, _):
            base = wv * U
            descs = [pltpu.async_copy(ones_v, acc.at[didx2.at[base + b]],
                                      ssem, add=True)
                     for b in range(U)]
            for d in descs:
                d.wait()
            return 0
        lax.fori_loop(0, n_wave, _wave, 0)
        if tail:
            descs = [pltpu.async_copy(ones_v,
                                      acc.at[didx2.at[n_wave * U + b]],
                                      ssem, add=True)
                     for b in range(tail)]
            for d in descs:
                d.wait()
        plsc.subcore_barrier()

        pltpu.sync_copy(acc.at[pl.ds(sid * rows_pt, rows_pt)], stage)
        pltpu.sync_copy(stage,
                        out_hbm.at[cid, 0, pl.ds(sid * rows_pt, rows_pt)])

    return deg_kernel


def _make_agg_kernel(n_pad, e_pad, width):
    per_w = e_pad // NW
    n_ch = per_w // CH
    rows_pt = n_pad // NS
    n_wave = n_ch // UA
    tail = n_ch - n_wave * UA
    n_pair = (n_wave - 1) // 2
    rem = n_wave - 2 * n_pair
    mesh = plsc.VectorSubcoreMesh(core_axis_name="c", subcore_axis_name="s")

    @functools.partial(
        pl.kernel,
        out_type=jax.ShapeDtypeStruct((NC, n_pad, width), _f32),
        mesh=mesh,
        compiler_params=pltpu.CompilerParams(use_tc_tiling_on_sc=False),
        scratch_types=[
            pltpu.VMEM((n_ch, CH), jnp.int32),
            pltpu.VMEM((n_ch, CH), jnp.int32),
            pltpu.VMEM((2, UA, CH, width), _f32),
            pltpu.VMEM((rows_pt, width), _f32),
            pltpu.VMEM_SHARED((n_pad, width), _f32),
            pltpu.SemaphoreType.DMA,
            pltpu.SemaphoreType.DMA,
            pltpu.SemaphoreType.DMA,
        ],
    )
    def agg_kernel(g_hbm, ei_hbm, out_hbm,
                   sidx2, didx2, rows, stage, acc, gsem0, gsem1, ssem):
        cid = lax.axis_index("c")
        sid = lax.axis_index("s")
        wid = sid * NC + cid
        gsems = (gsem0, gsem1)

        pltpu.sync_copy(ei_hbm.at[0, pl.ds(wid * n_ch, n_ch)], sidx2)
        pltpu.sync_copy(ei_hbm.at[1, pl.ds(wid * n_ch, n_ch)], didx2)

        def _zero(i, _):
            def _zcol(j, _):
                stage[i, pl.ds(j * 16, 16)] = jnp.zeros((16,), _f32)
                return 0
            lax.fori_loop(0, width // 16, _zcol, 0)
            return 0
        lax.fori_loop(0, rows_pt, _zero, 0)
        pltpu.sync_copy(stage, acc.at[pl.ds(sid * rows_pt, rows_pt)])
        plsc.subcore_barrier()

        def _fire_g(wv, bank, count=UA):
            return [pltpu.async_copy(g_hbm.at[sidx2.at[wv * UA + b]],
                                     rows.at[bank, b], gsems[bank])
                    for b in range(count)]

        def _drain_consume(wv, bank, count=UA):
            for b in range(count):
                pltpu.make_async_copy(g_hbm.at[sidx2.at[wv * UA + b]],
                                      rows.at[bank, b], gsems[bank]).wait()
            sds = [pltpu.async_copy(rows.at[bank, b],
                                    acc.at[didx2.at[wv * UA + b]],
                                    ssem, add=True)
                   for b in range(count)]
            for d in sds:
                d.wait()

        _fire_g(0, 0)

        def _pair(i, _):
            wa = 2 * i
            _fire_g(wa + 1, 1)
            _drain_consume(wa, 0)
            _fire_g(wa + 2, 0)
            _drain_consume(wa + 1, 1)
            return 0
        lax.fori_loop(0, n_pair, _pair, 0)

        if rem == 2:
            wa = 2 * n_pair
            _fire_g(wa + 1, 1)
            _drain_consume(wa, 0)
            _drain_consume(wa + 1, 1)
        else:
            _drain_consume(2 * n_pair, 0)
        if tail:
            base = n_wave * UA
            gds = [pltpu.async_copy(g_hbm.at[sidx2.at[base + b]],
                                    rows.at[0, b], gsem0)
                   for b in range(tail)]
            for d in gds:
                d.wait()
            sds = [pltpu.async_copy(rows.at[0, b],
                                    acc.at[didx2.at[base + b]],
                                    ssem, add=True)
                   for b in range(tail)]
            for d in sds:
                d.wait()
        plsc.subcore_barrier()

        pltpu.sync_copy(acc.at[pl.ds(sid * rows_pt, rows_pt)], stage)
        pltpu.sync_copy(stage, out_hbm.at[cid, pl.ds(sid * rows_pt, rows_pt)])

    return agg_kernel



def _mm(x, w1):
    n = x.shape[0]
    hid = w1.shape[1]

    def body(x_ref, w_ref, p_ref):
        p_ref[...] = jnp.dot(x_ref[...], w_ref[...],
                             preferred_element_type=_f32)

    return pl.pallas_call(
        body,
        out_shape=jax.ShapeDtypeStruct((n, hid), _f32),
    )(x, w1)


def _prep(p1, ccol):
    n, hid = p1.shape

    def body(p_ref, c_ref, g_ref, sp_ref):
        deg = c_ref[...]
        dis = lax.rsqrt(deg)
        inv = 1.0 / deg
        p = p_ref[...]
        g_ref[...] = p * dis
        sp_ref[...] = p * inv

    return pl.pallas_call(
        body,
        out_shape=(
            jax.ShapeDtypeStruct((n, hid), _f32),
            jax.ShapeDtypeStruct((n, hid), _f32),
        ),
    )(p1, ccol)


def _mid(s1, sp1, b1, ccol):
    n, hid = sp1.shape

    def body(s_ref, sp_ref, bias_ref, c_ref, g2_ref, sh_ref):
        deg = c_ref[...]
        dis = lax.rsqrt(deg)
        inv = 1.0 / deg
        s = s_ref[0, :n, :] + s_ref[1, :n, :]
        h = s * dis + sp_ref[...] + bias_ref[...]
        h = jnp.maximum(h, 0.0)
        g2_ref[...] = h * dis
        sh_ref[...] = h * inv

    return pl.pallas_call(
        body,
        out_shape=(
            jax.ShapeDtypeStruct((n, hid), _f32),
            jax.ShapeDtypeStruct((n, hid), _f32),
        ),
    )(s1, sp1, b1, ccol)


def _fin(s2, sh, ccol, wmu, bmu, wls, bls):
    n = sh.shape[0]
    out_d = wmu.shape[1]

    def body(s_ref, sh_ref, c_ref, wmu_ref, bmu_ref,
             wls_ref, bls_ref, mu_ref, ls_ref):
        dis = lax.rsqrt(c_ref[...])
        s = s_ref[0, :n, :] + s_ref[1, :n, :]
        agg = s * dis + sh_ref[...]
        mu_ref[...] = jnp.dot(agg, wmu_ref[...],
                              preferred_element_type=_f32) + bmu_ref[...]
        ls_ref[...] = jnp.dot(agg, wls_ref[...],
                              preferred_element_type=_f32) + bls_ref[...]

    return pl.pallas_call(
        body,
        out_shape=(
            jax.ShapeDtypeStruct((n, out_d), _f32),
            jax.ShapeDtypeStruct((n, out_d), _f32),
        ),
    )(s2, sh, ccol, wmu, bmu, wls, bls)



def kernel(x, edge_index, W1, b1, W_mu, b_mu, W_ls, b_ls):
    n, _ = x.shape
    hid = W1.shape[1]
    out_d = W_mu.shape[1]
    e = edge_index.shape[1]

    n_pad = _round_up(n + 1, NS * 128)
    e_pad = _round_up(e, NW * CH)

    if e_pad != e:
        pad = e_pad - e
        filler = jnp.stack([jnp.zeros((pad,), jnp.int32),
                            jnp.full((pad,), n, jnp.int32)])
        ei = jnp.concatenate([edge_index, filler], axis=1)
    else:
        ei = edge_index
    ei = ei.reshape(2, e_pad // CH, CH)

    deg_k = _make_degree_kernel(n_pad, e_pad)
    agg_k = _make_agg_kernel(n_pad, e_pad, hid)

    p1 = _mm(x, W1)
    cnt = deg_k(ei)
    ccol = (cnt[0, 0, :n] + cnt[1, 0, :n] + 1.0).reshape(n, 1)

    g1, sp1 = _prep(p1, ccol)
    s1 = agg_k(g1, ei)
    g2, sh = _mid(s1, sp1, b1.reshape(1, hid), ccol)
    s2 = agg_k(g2, ei)
    mu, ls = _fin(s2, sh, ccol, W_mu, b_mu.reshape(1, out_d),
                  W_ls, b_ls.reshape(1, out_d))
    return (mu, ls)

# --- scband reference (transcript-rebuilt; emitter-appended) ---
"""Pipeline reference for scband-variational-gcnencoder-48009144435530 (READ-ONLY COPY).

The authoritative reference and input builder live on the scoring server;
editing this copy changes nothing except your own understanding.
"""

import jax, jax.numpy as jnp
import numpy as np

N = 10000
E = 320000
D_IN = 128
OUT = 16
HID = 2 * OUT


def setup_inputs(seed: int = 0) -> dict:
    key = jax.random.key(seed)
    ks = jax.random.split(key, 8)
    x = jax.random.normal(ks[0], (N, D_IN), dtype=jnp.float32)
    edge_index = jax.random.randint(ks[1], (2, E), 0, N, dtype=jnp.int32)
    W1 = jax.random.normal(ks[2], (D_IN, HID), dtype=jnp.float32) * (1.0 / np.sqrt(D_IN))
    b1 = jnp.zeros((HID,), dtype=jnp.float32)
    W_mu = jax.random.normal(ks[3], (HID, OUT), dtype=jnp.float32) * (1.0 / np.sqrt(HID))
    b_mu = jnp.zeros((OUT,), dtype=jnp.float32)
    W_ls = jax.random.normal(ks[4], (HID, OUT), dtype=jnp.float32) * (1.0 / np.sqrt(HID))
    b_ls = jnp.zeros((OUT,), dtype=jnp.float32)
    return {"x": x, "edge_index": edge_index, "W1": W1, "b1": b1,
            "W_mu": W_mu, "b_mu": b_mu, "W_ls": W_ls, "b_ls": b_ls}


def gcn_conv(x, edge_index, W, b):
    # PyG GCNConv: add self-loops, symmetric normalization, linear transform, scatter-add aggregate
    num_nodes = x.shape[0]
    src = edge_index[0]
    dst = edge_index[1]
    loop = jnp.arange(num_nodes, dtype=edge_index.dtype)
    src = jnp.concatenate([src, loop])
    dst = jnp.concatenate([dst, loop])
    deg = jnp.zeros((num_nodes,), dtype=x.dtype).at[dst].add(1.0)
    deg_inv_sqrt = jnp.where(deg > 0, jax.lax.rsqrt(jnp.maximum(deg, 1e-12)), 0.0)
    norm = deg_inv_sqrt[src] * deg_inv_sqrt[dst]
    h = x @ W
    msg = h[src] * norm[:, None]
    out = jax.ops.segment_sum(msg, dst, num_segments=num_nodes)
    return out + b


def reference(x, edge_index, W1, b1, W_mu, b_mu, W_ls, b_ls):
    h = jax.nn.relu(gcn_conv(x, edge_index, W1, b1))
    mu = gcn_conv(h, edge_index, W_mu, b_mu)
    logstd = gcn_conv(h, edge_index, W_ls, b_ls)
    return (mu, logstd)

if __name__ == "__main__":
    import jax
    _d = setup_inputs()
    print(jax.jit(kernel)(*tuple(_d.values())))

</pallas_src>

<mosaic_0001>
#map = affine_map<(d0, d1) -> (0, 0)>
#map1 = affine_map<(d0, d1) -> (0, 0, 0)>
module attributes {stable_mosaic.version = 14 : i64} {
  func.func @agg_kernel(%arg0: i32, %arg1: i32, %arg2: memref<10000x32xf32, #tpu.memory_space<hbm>>, %arg3: memref<2x4000x80xi32, #tpu.memory_space<hbm>>, %arg4: memref<2x10240x32xf32, #tpu.memory_space<hbm>>, %arg5: memref<125x80xi32, #tpu.memory_space<vmem>>, %arg6: memref<125x80xi32, #tpu.memory_space<vmem>>, %arg7: memref<2x5x80x32xf32, #tpu.memory_space<vmem>>, %arg8: memref<640x32xf32, #tpu.memory_space<vmem>>, %arg9: memref<10240x32xf32, #tpu.memory_space<vmem_shared>>, %arg10: memref<!tpu.dma_semaphore, #tpu.memory_space<semaphore_mem>>, %arg11: memref<!tpu.dma_semaphore, #tpu.memory_space<semaphore_mem>>, %arg12: memref<!tpu.dma_semaphore, #tpu.memory_space<semaphore_mem>>) attributes {dimension_semantics = [#tpu.dimension_semantics<core_parallel>, #tpu.dimension_semantics<subcore_parallel>], iteration_bounds = array<i64: 2, 16>, scalar_prefetch = 0 : i64, scratch_operands = 8 : i64, tpu.core_type = #tpu.core_type<sc_vector_subcore>, window_params = [{transform_indices = #map}, {transform_indices = #map1}, {transform_indices = #map1}]} {
    %mul3A = arith.constant 2 : i32
    %mul3A_0 = arith.muli %arg1, %mul3A : i32
    %add3A = arith.addi %mul3A_0, %arg0 : i32
    %mul3A_1 = arith.constant 125 : i32
    %mul3A_2 = arith.muli %add3A, %mul3A_1 : i32
    %run_scoped3A = arith.constant 0 : i32
    "tpu.region"() ({
      %run_scoped3A_284 = tpu.sem_alloc : memref<!tpu.dma_semaphore, #tpu.memory_space<semaphore_mem>>
      %dma_start3A_285 = arith.constant 0 : i32
      %dma_start3A_286 = tpu.memref_slice %arg3[%run_scoped3A, %mul3A_2, %dma_start3A_285] : memref<2x4000x80xi32, #tpu.memory_space<hbm>> -> memref<1x125x80xi32, #tpu.memory_space<hbm>>
      %dma_start3A_287 = tpu.memref_squeeze %dma_start3A_286 : memref<1x125x80xi32, #tpu.memory_space<hbm>> -> memref<125x80xi32, #tpu.memory_space<hbm>>
      %dma_start3A_288 = arith.constant 0 : i32
      %dma_start3A_289 = tpu.memref_slice %arg3[%run_scoped3A, %mul3A_2, %dma_start3A_288] : memref<2x4000x80xi32, #tpu.memory_space<hbm>> -> memref<1x125x80xi32, #tpu.memory_space<hbm>>
      %dma_start3A_290 = tpu.memref_squeeze %dma_start3A_289 : memref<1x125x80xi32, #tpu.memory_space<hbm>> -> memref<125x80xi32, #tpu.memory_space<hbm>>
      tpu.enqueue_dma source(%dma_start3A_290 : memref<125x80xi32, #tpu.memory_space<hbm>>) target(%arg5 : memref<125x80xi32, #tpu.memory_space<vmem>>) target_semaphore(%run_scoped3A_284 : memref<!tpu.dma_semaphore, #tpu.memory_space<semaphore_mem>>)
      %dma_wait3A_291 = arith.constant 0 : i32
      %dma_wait3A_292 = tpu.memref_slice %arg3[%run_scoped3A, %mul3A_2, %dma_wait3A_291] : memref<2x4000x80xi32, #tpu.memory_space<hbm>> -> memref<1x125x80xi32, #tpu.memory_space<hbm>>
      %dma_wait3A_293 = tpu.memref_squeeze %dma_wait3A_292 : memref<1x125x80xi32, #tpu.memory_space<hbm>> -> memref<125x80xi32, #tpu.memory_space<hbm>>
      %dma_wait3A_294 = arith.constant 0 : i32
      %dma_wait3A_295 = tpu.memref_slice %arg3[%run_scoped3A, %mul3A_2, %dma_wait3A_294] : memref<2x4000x80xi32, #tpu.memory_space<hbm>> -> memref<1x125x80xi32, #tpu.memory_space<hbm>>
      %dma_wait3A_296 = tpu.memref_squeeze %dma_wait3A_295 : memref<1x125x80xi32, #tpu.memory_space<hbm>> -> memref<125x80xi32, #tpu.memory_space<hbm>>
      tpu.wait_dma2 semaphore(%run_scoped3A_284 : memref<!tpu.dma_semaphore, #tpu.memory_space<semaphore_mem>>) src(%dma_wait3A_296 : memref<125x80xi32, #tpu.memory_space<hbm>>) dst(%arg5 : memref<125x80xi32, #tpu.memory_space<vmem>>)
      tpu.yield
    }) : () -> ()
    %mul3A_3 = arith.constant 125 : i32
    %mul3A_4 = arith.muli %add3A, %mul3A_3 : i32
    %run_scoped3A_5 = arith.constant 1 : i32
    "tpu.region"() ({
      %run_scoped3A_284 = tpu.sem_alloc : memref<!tpu.dma_semaphore, #tpu.memory_space<semaphore_mem>>
      %dma_start3A_285 = arith.constant 0 : i32
      %dma_start3A_286 = tpu.memref_slice %arg3[%run_scoped3A_5, %mul3A_4, %dma_start3A_285] : memref<2x4000x80xi32, #tpu.memory_space<hbm>> -> memref<1x125x80xi32, #tpu.memory_space<hbm>>
      %dma_start3A_287 = tpu.memref_squeeze %dma_start3A_286 : memref<1x125x80xi32, #tpu.memory_space<hbm>> -> memref<125x80xi32, #tpu.memory_space<hbm>>
      %dma_start3A_288 = arith.constant 0 : i32
      %dma_start3A_289 = tpu.memref_slice %arg3[%run_scoped3A_5, %mul3A_4, %dma_start3A_288] : memref<2x4000x80xi32, #tpu.memory_space<hbm>> -> memref<1x125x80xi32, #tpu.memory_space<hbm>>
      %dma_start3A_290 = tpu.memref_squeeze %dma_start3A_289 : memref<1x125x80xi32, #tpu.memory_space<hbm>> -> memref<125x80xi32, #tpu.memory_space<hbm>>
      tpu.enqueue_dma source(%dma_start3A_290 : memref<125x80xi32, #tpu.memory_space<hbm>>) target(%arg6 : memref<125x80xi32, #tpu.memory_space<vmem>>) target_semaphore(%run_scoped3A_284 : memref<!tpu.dma_semaphore, #tpu.memory_space<semaphore_mem>>)
      %dma_wait3A_291 = arith.constant 0 : i32
      %dma_wait3A_292 = tpu.memref_slice %arg3[%run_scoped3A_5, %mul3A_4, %dma_wait3A_291] : memref<2x4000x80xi32, #tpu.memory_space<hbm>> -> memref<1x125x80xi32, #tpu.memory_space<hbm>>
      %dma_wait3A_293 = tpu.memref_squeeze %dma_wait3A_292 : memref<1x125x80xi32, #tpu.memory_space<hbm>> -> memref<125x80xi32, #tpu.memory_space<hbm>>
      %dma_wait3A_294 = arith.constant 0 : i32
      %dma_wait3A_295 = tpu.memref_slice %arg3[%run_scoped3A_5, %mul3A_4, %dma_wait3A_294] : memref<2x4000x80xi32, #tpu.memory_space<hbm>> -> memref<1x125x80xi32, #tpu.memory_space<hbm>>
      %dma_wait3A_296 = tpu.memref_squeeze %dma_wait3A_295 : memref<1x125x80xi32, #tpu.memory_space<hbm>> -> memref<125x80xi32, #tpu.memory_space<hbm>>
      tpu.wait_dma2 semaphore(%run_scoped3A_284 : memref<!tpu.dma_semaphore, #tpu.memory_space<semaphore_mem>>) src(%dma_wait3A_296 : memref<125x80xi32, #tpu.memory_space<hbm>>) dst(%arg6 : memref<125x80xi32, #tpu.memory_space<vmem>>)
      tpu.yield
    }) : () -> ()
    %scan3A = arith.constant 0 : i32
    %scan3A_6 = arith.constant 0 : i32
    %scan3A_7 = arith.constant 640 : i32
    %scan3A_8 = arith.addi %scan3A_6, %scan3A_7 : i32
    %scan3A_9 = arith.constant 1 : i32
    %scan3A_10 = scf.for %scan3A_284 = %scan3A_6 to %scan3A_8 step %scan3A_9 iter_args(%scan3A_285 = %scan3A) -> (i32)  : i32 {
      %scan3A_286 = arith.constant 0 : i32
      %scan3A_287 = arith.constant 0 : i32
      %scan3A_288 = arith.constant 2 : i32
      %scan3A_289 = arith.addi %scan3A_287, %scan3A_288 : i32
      %scan3A_290 = arith.constant 1 : i32
      %scan3A_291 = scf.for %scan3A_294 = %scan3A_287 to %scan3A_289 step %scan3A_290 iter_args(%scan3A_295 = %scan3A_286) -> (i32)  : i32 {
        %broadcast_in_dim3A = arith.constant 0.000000e+00 : f32
        %broadcast_in_dim3A_296 = vector.broadcast %broadcast_in_dim3A : f32 to vector<16xf32>
        %mul3A_297 = arith.constant 16 : i32
        %mul3A_298 = arith.muli %scan3A_294, %mul3A_297 : i32
        %swap3A = arith.index_cast %scan3A_284 : i32 to index
        %swap3A_299 = arith.index_cast %mul3A_298 : i32 to index
        %swap3A_300 = tpu.vector_load %arg8[%swap3A, %swap3A_299] {strides = array<i32>} : memref<640x32xf32, #tpu.memory_space<vmem>>, vector<1x16xf32>,
        %swap3A_301 = vector.shape_cast %swap3A_300 : vector<1x16xf32> to vector<16xf32>
        %swap3A_302 = vector.shape_cast %broadcast_in_dim3A_296 : vector<16xf32> to vector<1x16xf32>
        tpu.vector_store %arg8[%swap3A, %swap3A_299], %swap3A_302 {strides = array<i32>} : memref<640x32xf32, #tpu.memory_space<vmem>>, vector<1x16xf32>,
        %scan3A_303 = arith.constant 0 : i32
        scf.yield %scan3A_303 : i32
      }
      %scan3A_292 = arith.constant 2 : i32
      %scan3A_293 = arith.constant 0 : i32
      scf.yield %scan3A_293 : i32
    }
    %scan3A_11 = arith.constant 640 : i32
    %mul3A_12 = arith.constant 640 : i32
    %mul3A_13 = arith.muli %arg1, %mul3A_12 : i32
    "tpu.region"() ({
      %run_scoped3A_284 = tpu.sem_alloc : memref<!tpu.dma_semaphore, #tpu.memory_space<semaphore_mem>>
      %dma_start3A_285 = arith.constant 0 : i32
      %dma_start3A_286 = tpu.memref_slice %arg9[%mul3A_13, %dma_start3A_285] : memref<10240x32xf32, #tpu.memory_space<vmem_shared>> -> memref<640x32xf32, #tpu.memory_space<vmem_shared>>
      %dma_start3A_287 = arith.constant 0 : i32
      %dma_start3A_288 = tpu.memref_slice %arg9[%mul3A_13, %dma_start3A_287] : memref<10240x32xf32, #tpu.memory_space<vmem_shared>> -> memref<640x32xf32, #tpu.memory_space<vmem_shared>>
      tpu.enqueue_dma source(%arg8 : memref<640x32xf32, #tpu.memory_space<vmem>>) target(%dma_start3A_288 : memref<640x32xf32, #tpu.memory_space<vmem_shared>>) target_semaphore(%run_scoped3A_284 : memref<!tpu.dma_semaphore, #tpu.memory_space<semaphore_mem>>)
      %dma_wait3A_289 = arith.constant 0 : i32
      %dma_wait3A_290 = tpu.memref_slice %arg9[%mul3A_13, %dma_wait3A_289] : memref<10240x32xf32, #tpu.memory_space<vmem_shared>> -> memref<640x32xf32, #tpu.memory_space<vmem_shared>>
      %dma_wait3A_291 = arith.constant 0 : i32
      %dma_wait3A_292 = tpu.memref_slice %arg9[%mul3A_13, %dma_wait3A_291] : memref<10240x32xf32, #tpu.memory_space<vmem_shared>> -> memref<640x32xf32, #tpu.memory_space<vmem_shared>>
      tpu.wait_dma2 semaphore(%run_scoped3A_284 : memref<!tpu.dma_semaphore, #tpu.memory_space<semaphore_mem>>) src(%arg8 : memref<640x32xf32, #tpu.memory_space<vmem>>) dst(%dma_wait3A_292 : memref<640x32xf32, #tpu.memory_space<vmem_shared>>)
      tpu.yield
    }) : () -> ()
    %barrier3A = arith.constant 0 : index
    tpu.barrier barrier_id(%barrier3A)
    %dma_start3A = arith.constant 0 : i32
    %dma_start3A_14 = arith.constant 0 : i32
    %dma_start3A_15 = arith.constant 0 : i32
    %dma_start3A_16 = arith.constant 0 : i32
    %dma_start3A_17 = arith.constant 0 : i32
    %dma_start3A_18 = tpu.memref_slice %arg7[%dma_start3A_14, %dma_start3A_15, %dma_start3A_16, %dma_start3A_17] : memref<2x5x80x32xf32, #tpu.memory_space<vmem>> -> memref<1x1x80x32xf32, #tpu.memory_space<vmem>>
    %dma_start3A_19 = tpu.memref_squeeze %dma_start3A_18 : memref<1x1x80x32xf32, #tpu.memory_space<vmem>> -> memref<80x32xf32, #tpu.memory_space<vmem>>
    %dma_start3A_20 = arith.constant 0 : i32
    %dma_start3A_21 = tpu.memref_slice %arg5[%dma_start3A, %dma_start3A_20] : memref<125x80xi32, #tpu.memory_space<vmem>> -> memref<1x80xi32, #tpu.memory_space<vmem>>
    %dma_start3A_22 = tpu.memref_squeeze %dma_start3A_21 : memref<1x80xi32, #tpu.memory_space<vmem>> -> memref<80xi32, #tpu.memory_space<vmem>>
    %dma_start3A_23 = arith.constant 0 : i32
    %dma_start3A_24 = arith.constant 0 : i32
    %dma_start3A_25 = tpu.memref_slice %arg2[%dma_start3A_23, %dma_start3A_24] : memref<10000x32xf32, #tpu.memory_space<hbm>> -> memref<10000x32xf32, #tpu.memory_space<hbm>>
    tpu.enqueue_indirect_dma source(%dma_start3A_25 : memref<10000x32xf32, #tpu.memory_space<hbm>>) target(%dma_start3A_19 : memref<80x32xf32, #tpu.memory_space<vmem>>) offsets(%dma_start3A_22 : memref<80xi32, #tpu.memory_space<vmem>>) semaphore(%arg10 : memref<!tpu.dma_semaphore, #tpu.memory_space<semaphore_mem>>)
    %dma_start3A_26 = arith.constant 1 : i32
    %dma_start3A_27 = arith.constant 0 : i32
    %dma_start3A_28 = arith.constant 1 : i32
    %dma_start3A_29 = arith.constant 0 : i32
    %dma_start3A_30 = arith.constant 0 : i32
    %dma_start3A_31 = tpu.memref_slice %arg7[%dma_start3A_27, %dma_start3A_28, %dma_start3A_29, %dma_start3A_30] : memref<2x5x80x32xf32, #tpu.memory_space<vmem>> -> memref<1x1x80x32xf32, #tpu.memory_space<vmem>>
    %dma_start3A_32 = tpu.memref_squeeze %dma_start3A_31 : memref<1x1x80x32xf32, #tpu.memory_space<vmem>> -> memref<80x32xf32, #tpu.memory_space<vmem>>
    %dma_start3A_33 = arith.constant 0 : i32
    %dma_start3A_34 = tpu.memref_slice %arg5[%dma_start3A_26, %dma_start3A_33] : memref<125x80xi32, #tpu.memory_space<vmem>> -> memref<1x80xi32, #tpu.memory_space<vmem>>
    %dma_start3A_35 = tpu.memref_squeeze %dma_start3A_34 : memref<1x80xi32, #tpu.memory_space<vmem>> -> memref<80xi32, #tpu.memory_space<vmem>>
    %dma_start3A_36 = arith.constant 0 : i32
    %dma_start3A_37 = arith.constant 0 : i32
    %dma_start3A_38 = tpu.memref_slice %arg2[%dma_start3A_36, %dma_start3A_37] : memref<10000x32xf32, #tpu.memory_space<hbm>> -> memref<10000x32xf32, #tpu.memory_space<hbm>>
    tpu.enqueue_indirect_dma source(%dma_start3A_38 : memref<10000x32xf32, #tpu.memory_space<hbm>>) target(%dma_start3A_32 : memref<80x32xf32, #tpu.memory_space<vmem>>) offsets(%dma_start3A_35 : memref<80xi32, #tpu.memory_space<vmem>>) semaphore(%arg10 : memref<!tpu.dma_semaphore, #tpu.memory_space<semaphore_mem>>)
    %dma_start3A_39 = arith.constant 2 : i32
    %dma_start3A_40 = arith.constant 0 : i32
    %dma_start3A_41 = arith.constant 2 : i32
    %dma_start3A_42 = arith.constant 0 : i32
    %dma_start3A_43 = arith.constant 0 : i32
    %dma_start3A_44 = tpu.memref_slice %arg7[%dma_start3A_40, %dma_start3A_41, %dma_start3A_42, %dma_start3A_43] : memref<2x5x80x32xf32, #tpu.memory_space<vmem>> -> memref<1x1x80x32xf32, #tpu.memory_space<vmem>>
    %dma_start3A_45 = tpu.memref_squeeze %dma_start3A_44 : memref<1x1x80x32xf32, #tpu.memory_space<vmem>> -> memref<80x32xf32, #tpu.memory_space<vmem>>
    %dma_start3A_46 = arith.constant 0 : i32
    %dma_start3A_47 = tpu.memref_slice %arg5[%dma_start3A_39, %dma_start3A_46] : memref<125x80xi32, #tpu.memory_space<vmem>> -> memref<1x80xi32, #tpu.memory_space<vmem>>
    %dma_start3A_48 = tpu.memref_squeeze %dma_start3A_47 : memref<1x80xi32, #tpu.memory_space<vmem>> -> memref<80xi32, #tpu.memory_space<vmem>>
    %dma_start3A_49 = arith.constant 0 : i32
    %dma_start3A_50 = arith.constant 0 : i32
    %dma_start3A_51 = tpu.memref_slice %arg2[%dma_start3A_49, %dma_start3A_50] : memref<10000x32xf32, #tpu.memory_space<hbm>> -> memref<10000x32xf32, #tpu.memory_space<hbm>>
    tpu.enqueue_indirect_dma source(%dma_start3A_51 : memref<10000x32xf32, #tpu.memory_space<hbm>>) target(%dma_start3A_45 : memref<80x32xf32, #tpu.memory_space<vmem>>) offsets(%dma_start3A_48 : memref<80xi32, #tpu.memory_space<vmem>>) semaphore(%arg10 : memref<!tpu.dma_semaphore, #tpu.memory_space<semaphore_mem>>)
    %dma_start3A_52 = arith.constant 3 : i32
    %dma_start3A_53 = arith.constant 0 : i32
    %dma_start3A_54 = arith.constant 3 : i32
    %dma_start3A_55 = arith.constant 0 : i32
    %dma_start3A_56 = arith.constant 0 : i32
    %dma_start3A_57 = tpu.memref_slice %arg7[%dma_start3A_53, %dma_start3A_54, %dma_start3A_55, %dma_start3A_56] : memref<2x5x80x32xf32, #tpu.memory_space<vmem>> -> memref<1x1x80x32xf32, #tpu.memory_space<vmem>>
    %dma_start3A_58 = tpu.memref_squeeze %dma_start3A_57 : memref<1x1x80x32xf32, #tpu.memory_space<vmem>> -> memref<80x32xf32, #tpu.memory_space<vmem>>
    %dma_start3A_59 = arith.constant 0 : i32
    %dma_start3A_60 = tpu.memref_slice %arg5[%dma_start3A_52, %dma_start3A_59] : memref<125x80xi32, #tpu.memory_space<vmem>> -> memref<1x80xi32, #tpu.memory_space<vmem>>
    %dma_start3A_61 = tpu.memref_squeeze %dma_start3A_60 : memref<1x80xi32, #tpu.memory_space<vmem>> -> memref<80xi32, #tpu.memory_space<vmem>>
    %dma_start3A_62 = arith.constant 0 : i32
    %dma_start3A_63 = arith.constant 0 : i32
    %dma_start3A_64 = tpu.memref_slice %arg2[%dma_start3A_62, %dma_start3A_63] : memref<10000x32xf32, #tpu.memory_space<hbm>> -> memref<10000x32xf32, #tpu.memory_space<hbm>>
    tpu.enqueue_indirect_dma source(%dma_start3A_64 : memref<10000x32xf32, #tpu.memory_space<hbm>>) target(%dma_start3A_58 : memref<80x32xf32, #tpu.memory_space<vmem>>) offsets(%dma_start3A_61 : memref<80xi32, #tpu.memory_space<vmem>>) semaphore(%arg10 : memref<!tpu.dma_semaphore, #tpu.memory_space<semaphore_mem>>)
    %dma_start3A_65 = arith.constant 4 : i32
    %dma_start3A_66 = arith.constant 0 : i32
    %dma_start3A_67 = arith.constant 4 : i32
    %dma_start3A_68 = arith.constant 0 : i32
    %dma_start3A_69 = arith.constant 0 : i32
    %dma_start3A_70 = tpu.memref_slice %arg7[%dma_start3A_66, %dma_start3A_67, %dma_start3A_68, %dma_start3A_69] : memref<2x5x80x32xf32, #tpu.memory_space<vmem>> -> memref<1x1x80x32xf32, #tpu.memory_space<vmem>>
    %dma_start3A_71 = tpu.memref_squeeze %dma_start3A_70 : memref<1x1x80x32xf32, #tpu.memory_space<vmem>> -> memref<80x32xf32, #tpu.memory_space<vmem>>
    %dma_start3A_72 = arith.constant 0 : i32
    %dma_start3A_73 = tpu.memref_slice %arg5[%dma_start3A_65, %dma_start3A_72] : memref<125x80xi32, #tpu.memory_space<vmem>> -> memref<1x80xi32, #tpu.memory_space<vmem>>
    %dma_start3A_74 = tpu.memref_squeeze %dma_start3A_73 : memref<1x80xi32, #tpu.memory_space<vmem>> -> memref<80xi32, #tpu.memory_space<vmem>>
    %dma_start3A_75 = arith.constant 0 : i32
    %dma_start3A_76 = arith.constant 0 : i32
    %dma_start3A_77 = tpu.memref_slice %arg2[%dma_start3A_75, %dma_start3A_76] : memref<10000x32xf32, #tpu.memory_space<hbm>> -> memref<10000x32xf32, #tpu.memory_space<hbm>>
    tpu.enqueue_indirect_dma source(%dma_start3A_77 : memref<10000x32xf32, #tpu.memory_space<hbm>>) target(%dma_start3A_71 : memref<80x32xf32, #tpu.memory_space<vmem>>) offsets(%dma_start3A_74 : memref<80xi32, #tpu.memory_space<vmem>>) semaphore(%arg10 : memref<!tpu.dma_semaphore, #tpu.memory_space<semaphore_mem>>)
    %scan3A_78 = arith.constant 0 : i32
    %scan3A_79 = arith.constant 0 : i32
    %scan3A_80 = arith.constant 12 : i32
    %scan3A_81 = arith.addi %scan3A_79, %scan3A_80 : i32
    %scan3A_82 = arith.constant 1 : i32
    %scan3A_83 = scf.for %scan3A_284 = %scan3A_79 to %scan3A_81 step %scan3A_82 iter_args(%scan3A_285 = %scan3A_78) -> (i32)  : i32 {
      %mul3A_286 = arith.constant 2 : i32
      %mul3A_287 = arith.muli %mul3A_286, %scan3A_284 : i32
      %add3A_288 = arith.constant 1 : i32
      %add3A_289 = arith.addi %mul3A_287, %add3A_288 : i32
      %mul3A_290 = arith.constant 5 : i32
      %mul3A_291 = arith.muli %add3A_289, %mul3A_290 : i32
      %add3A_292 = arith.constant 0 : i32
      %add3A_293 = arith.addi %mul3A_291, %add3A_292 : i32
      %dma_start3A_294 = arith.constant 1 : i32
      %dma_start3A_295 = arith.constant 0 : i32
      %dma_start3A_296 = arith.constant 0 : i32
      %dma_start3A_297 = arith.constant 0 : i32
      %dma_start3A_298 = tpu.memref_slice %arg7[%dma_start3A_294, %dma_start3A_295, %dma_start3A_296, %dma_start3A_297] : memref<2x5x80x32xf32, #tpu.memory_space<vmem>> -> memref<1x1x80x32xf32, #tpu.memory_space<vmem>>
      %dma_start3A_299 = tpu.memref_squeeze %dma_start3A_298 : memref<1x1x80x32xf32, #tpu.memory_space<vmem>> -> memref<80x32xf32, #tpu.memory_space<vmem>>
      %dma_start3A_300 = arith.constant 0 : i32
      %dma_start3A_301 = tpu.memref_slice %arg5[%add3A_293, %dma_start3A_300] : memref<125x80xi32, #tpu.memory_space<vmem>> -> memref<1x80xi32, #tpu.memory_space<vmem>>
      %dma_start3A_302 = tpu.memref_squeeze %dma_start3A_301 : memref<1x80xi32, #tpu.memory_space<vmem>> -> memref<80xi32, #tpu.memory_space<vmem>>
      %dma_start3A_303 = arith.constant 0 : i32
      %dma_start3A_304 = arith.constant 0 : i32
      %dma_start3A_305 = tpu.memref_slice %arg2[%dma_start3A_303, %dma_start3A_304] : memref<10000x32xf32, #tpu.memory_space<hbm>> -> memref<10000x32xf32, #tpu.memory_space<hbm>>
      tpu.enqueue_indirect_dma source(%dma_start3A_305 : memref<10000x32xf32, #tpu.memory_space<hbm>>) target(%dma_start3A_299 : memref<80x32xf32, #tpu.memory_space<vmem>>) offsets(%dma_start3A_302 : memref<80xi32, #tpu.memory_space<vmem>>) semaphore(%arg11 : memref<!tpu.dma_semaphore, #tpu.memory_space<semaphore_mem>>)
      %mul3A_306 = arith.constant 5 : i32
      %mul3A_307 = arith.muli %add3A_289, %mul3A_306 : i32
      %add3A_308 = arith.constant 1 : i32
      %add3A_309 = arith.addi %mul3A_307, %add3A_308 : i32
      %dma_start3A_310 = arith.constant 1 : i32
      %dma_start3A_311 = arith.constant 1 : i32
      %dma_start3A_312 = arith.constant 0 : i32
      %dma_start3A_313 = arith.constant 0 : i32
      %dma_start3A_314 = tpu.memref_slice %arg7[%dma_start3A_310, %dma_start3A_311, %dma_start3A_312, %dma_start3A_313] : memref<2x5x80x32xf32, #tpu.memory_space<vmem>> -> memref<1x1x80x32xf32, #tpu.memory_space<vmem>>
      %dma_start3A_315 = tpu.memref_squeeze %dma_start3A_314 : memref<1x1x80x32xf32, #tpu.memory_space<vmem>> -> memref<80x32xf32, #tpu.memory_space<vmem>>
      %dma_start3A_316 = arith.constant 0 : i32
      %dma_start3A_317 = tpu.memref_slice %arg5[%add3A_309, %dma_start3A_316] : memref<125x80xi32, #tpu.memory_space<vmem>> -> memref<1x80xi32, #tpu.memory_space<vmem>>
      %dma_start3A_318 = tpu.memref_squeeze %dma_start3A_317 : memref<1x80xi32, #tpu.memory_space<vmem>> -> memref<80xi32, #tpu.memory_space<vmem>>
      %dma_start3A_319 = arith.constant 0 : i32
      %dma_start3A_320 = arith.constant 0 : i32
      %dma_start3A_321 = tpu.memref_slice %arg2[%dma_start3A_319, %dma_start3A_320] : memref<10000x32xf32, #tpu.memory_space<hbm>> -> memref<10000x32xf32, #tpu.memory_space<hbm>>
      tpu.enqueue_indirect_dma source(%dma_start3A_321 : memref<10000x32xf32, #tpu.memory_space<hbm>>) target(%dma_start3A_315 : memref<80x32xf32, #tpu.memory_space<vmem>>) offsets(%dma_start3A_318 : memref<80xi32, #tpu.memory_space<vmem>>) semaphore(%arg11 : memref<!tpu.dma_semaphore, #tpu.memory_space<semaphore_mem>>)
      %mul3A_322 = arith.constant 5 : i32
      %mul3A_323 = arith.muli %add3A_289, %mul3A_322 : i32
      %add3A_324 = arith.constant 2 : i32
      %add3A_325 = arith.addi %mul3A_323, %add3A_324 : i32
      %dma_start3A_326 = arith.constant 1 : i32
      %dma_start3A_327 = arith.constant 2 : i32
      %dma_start3A_328 = arith.constant 0 : i32
      %dma_start3A_329 = arith.constant 0 : i32
      %dma_start3A_330 = tpu.memref_slice %arg7[%dma_start3A_326, %dma_start3A_327, %dma_start3A_328, %dma_start3A_329] : memref<2x5x80x32xf32, #tpu.memory_space<vmem>> -> memref<1x1x80x32xf32, #tpu.memory_space<vmem>>
      %dma_start3A_331 = tpu.memref_squeeze %dma_start3A_330 : memref<1x1x80x32xf32, #tpu.memory_space<vmem>> -> memref<80x32xf32, #tpu.memory_space<vmem>>
      %dma_start3A_332 = arith.constant 0 : i32
      %dma_start3A_333 = tpu.memref_slice %arg5[%add3A_325, %dma_start3A_332] : memref<125x80xi32, #tpu.memory_space<vmem>> -> memref<1x80xi32, #tpu.memory_space<vmem>>
      %dma_start3A_334 = tpu.memref_squeeze %dma_start3A_333 : memref<1x80xi32, #tpu.memory_space<vmem>> -> memref<80xi32, #tpu.memory_space<vmem>>
      %dma_start3A_335 = arith.constant 0 : i32
      %dma_start3A_336 = arith.constant 0 : i32
      %dma_start3A_337 = tpu.memref_slice %arg2[%dma_start3A_335, %dma_start3A_336] : memref<10000x32xf32, #tpu.memory_space<hbm>> -> memref<10000x32xf32, #tpu.memory_space<hbm>>
      tpu.enqueue_indirect_dma source(%dma_start3A_337 : memref<10000x32xf32, #tpu.memory_space<hbm>>) target(%dma_start3A_331 : memref<80x32xf32, #tpu.memory_space<vmem>>) offsets(%dma_start3A_334 : memref<80xi32, #tpu.memory_space<vmem>>) semaphore(%arg11 : memref<!tpu.dma_semaphore, #tpu.memory_space<semaphore_mem>>)
      %mul3A_338 = arith.constant 5 : i32
      %mul3A_339 = arith.muli %add3A_289, %mul3A_338 : i32
      %add3A_340 = arith.constant 3 : i32
      %add3A_341 = arith.addi %mul3A_339, %add3A_340 : i32
      %dma_start3A_342 = arith.constant 1 : i32
      %dma_start3A_343 = arith.constant 3 : i32
      %dma_start3A_344 = arith.constant 0 : i32
      %dma_start3A_345 = arith.constant 0 : i32
      %dma_start3A_346 = tpu.memref_slice %arg7[%dma_start3A_342, %dma_start3A_343, %dma_start3A_344, %dma_start3A_345] : memref<2x5x80x32xf32, #tpu.memory_space<vmem>> -> memref<1x1x80x32xf32, #tpu.memory_space<vmem>>
      %dma_start3A_347 = tpu.memref_squeeze %dma_start3A_346 : memref<1x1x80x32xf32, #tpu.memory_space<vmem>> -> memref<80x32xf32, #tpu.memory_space<vmem>>
      %dma_start3A_348 = arith.constant 0 : i32
      %dma_start3A_349 = tpu.memref_slice %arg5[%add3A_341, %dma_start3A_348] : memref<125x80xi32, #tpu.memory_space<vmem>> -> memref<1x80xi32, #tpu.memory_space<vmem>>
      %dma_start3A_350 = tpu.memref_squeeze %dma_start3A_349 : memref<1x80xi32, #tpu.memory_space<vmem>> -> memref<80xi32, #tpu.memory_space<vmem>>
      %dma_start3A_351 = arith.constant 0 : i32
      %dma_start3A_352 = arith.constant 0 : i32
      %dma_start3A_353 = tpu.memref_slice %arg2[%dma_start3A_351, %dma_start3A_352] : memref<10000x32xf32, #tpu.memory_space<hbm>> -> memref<10000x32xf32, #tpu.memory_space<hbm>>
      tpu.enqueue_indirect_dma source(%dma_start3A_353 : memref<10000x32xf32, #tpu.memory_space<hbm>>) target(%dma_start3A_347 : memref<80x32xf32, #tpu.memory_space<vmem>>) offsets(%dma_start3A_350 : memref<80xi32, #tpu.memory_space<vmem>>) semaphore(%arg11 : memref<!tpu.dma_semaphore, #tpu.memory_space<semaphore_mem>>)
      %mul3A_354 = arith.constant 5 : i32
      %mul3A_355 = arith.muli %add3A_289, %mul3A_354 : i32
      %add3A_356 = arith.constant 4 : i32
      %add3A_357 = arith.addi %mul3A_355, %add3A_356 : i32
      %dma_start3A_358 = arith.constant 1 : i32
      %dma_start3A_359 = arith.constant 4 : i32
      %dma_start3A_360 = arith.constant 0 : i32
      %dma_start3A_361 = arith.constant 0 : i32
      %dma_start3A_362 = tpu.memref_slice %arg7[%dma_start3A_358, %dma_start3A_359, %dma_start3A_360, %dma_start3A_361] : memref<2x5x80x32xf32, #tpu.memory_space<vmem>> -> memref<1x1x80x32xf32, #tpu.memory_space<vmem>>
      %dma_start3A_363 = tpu.memref_squeeze %dma_start3A_362 : memref<1x1x80x32xf32, #tpu.memory_space<vmem>> -> memref<80x32xf32, #tpu.memory_space<vmem>>
      %dma_start3A_364 = arith.constant 0 : i32
      %dma_start3A_365 = tpu.memref_slice %arg5[%add3A_357, %dma_start3A_364] : memref<125x80xi32, #tpu.memory_space<vmem>> -> memref<1x80xi32, #tpu.memory_space<vmem>>
      %dma_start3A_366 = tpu.memref_squeeze %dma_start3A_365 : memref<1x80xi32, #tpu.memory_space<vmem>> -> memref<80xi32, #tpu.memory_space<vmem>>
      %dma_start3A_367 = arith.constant 0 : i32
      %dma_start3A_368 = arith.constant 0 : i32
      %dma_start3A_369 = tpu.memref_slice %arg2[%dma_start3A_367, %dma_start3A_368] : memref<10000x32xf32, #tpu.memory_space<hbm>> -> memref<10000x32xf32, #tpu.memory_space<hbm>>
      tpu.enqueue_indirect_dma source(%dma_start3A_369 : memref<10000x32xf32, #tpu.memory_space<hbm>>) target(%dma_start3A_363 : memref<80x32xf32, #tpu.memory_space<vmem>>) offsets(%dma_start3A_366 : memref<80xi32, #tpu.memory_space<vmem>>) semaphore(%arg11 : memref<!tpu.dma_semaphore, #tpu.memory_space<semaphore_mem>>)
      %mul3A_370 = arith.constant 5 : i32
      %mul3A_371 = arith.muli %mul3A_287, %mul3A_370 : i32
      %add3A_372 = arith.constant 0 : i32
      %add3A_373 = arith.addi %mul3A_371, %add3A_372 : i32
      %dma_wait3A_374 = arith.constant 0 : i32
      %dma_wait3A_375 = arith.constant 0 : i32
      %dma_wait3A_376 = arith.constant 0 : i32
      %dma_wait3A_377 = arith.constant 0 : i32
      %dma_wait3A_378 = tpu.memref_slice %arg7[%dma_wait3A_374, %dma_wait3A_375, %dma_wait3A_376, %dma_wait3A_377] : memref<2x5x80x32xf32, #tpu.memory_space<vmem>> -> memref<1x1x80x32xf32, #tpu.memory_space<vmem>>
      %dma_wait3A_379 = tpu.memref_squeeze %dma_wait3A_378 : memref<1x1x80x32xf32, #tpu.memory_space<vmem>> -> memref<80x32xf32, #tpu.memory_space<vmem>>
      %dma_wait3A_380 = arith.constant 0 : i32
      %dma_wait3A_381 = tpu.memref_slice %arg5[%add3A_373, %dma_wait3A_380] : memref<125x80xi32, #tpu.memory_space<vmem>> -> memref<1x80xi32, #tpu.memory_space<vmem>>
      %dma_wait3A_382 = tpu.memref_squeeze %dma_wait3A_381 : memref<1x80xi32, #tpu.memory_space<vmem>> -> memref<80xi32, #tpu.memory_space<vmem>>
      %dma_wait3A_383 = arith.constant 0 : i32
      %dma_wait3A_384 = arith.constant 0 : i32
      %dma_wait3A_385 = tpu.memref_slice %arg2[%dma_wait3A_383, %dma_wait3A_384] : memref<10000x32xf32, #tpu.memory_space<hbm>> -> memref<10000x32xf32, #tpu.memory_space<hbm>>
      tpu.wait_indirect_dma semaphore(%arg10 : memref<!tpu.dma_semaphore, #tpu.memory_space<semaphore_mem>>) src(%dma_wait3A_385 : memref<10000x32xf32, #tpu.memory_space<hbm>>) dst(%dma_wait3A_379 : memref<80x32xf32, #tpu.memory_space<vmem>>)
      %mul3A_386 = arith.constant 5 : i32
      %mul3A_387 = arith.muli %mul3A_287, %mul3A_386 : i32
      %add3A_388 = arith.constant 1 : i32
      %add3A_389 = arith.addi %mul3A_387, %add3A_388 : i32
      %dma_wait3A_390 = arith.constant 0 : i32
      %dma_wait3A_391 = arith.constant 1 : i32
      %dma_wait3A_392 = arith.constant 0 : i32
      %dma_wait3A_393 = arith.constant 0 : i32
      %dma_wait3A_394 = tpu.memref_slice %arg7[%dma_wait3A_390, %dma_wait3A_391, %dma_wait3A_392, %dma_wait3A_393] : memref<2x5x80x32xf32, #tpu.memory_space<vmem>> -> memref<1x1x80x32xf32, #tpu.memory_space<vmem>>
      %dma_wait3A_395 = tpu.memref_squeeze %dma_wait3A_394 : memref<1x1x80x32xf32, #tpu.memory_space<vmem>> -> memref<80x32xf32, #tpu.memory_space<vmem>>
      %dma_wait3A_396 = arith.constant 0 : i32
      %dma_wait3A_397 = tpu.memref_slice %arg5[%add3A_389, %dma_wait3A_396] : memref<125x80xi32, #tpu.memory_space<vmem>> -> memref<1x80xi32, #tpu.memory_space<vmem>>
      %dma_wait3A_398 = tpu.memref_squeeze %dma_wait3A_397 : memref<1x80xi32, #tpu.memory_space<vmem>> -> memref<80xi32, #tpu.memory_space<vmem>>
      %dma_wait3A_399 = arith.constant 0 : i32
      %dma_wait3A_400 = arith.constant 0 : i32
      %dma_wait3A_401 = tpu.memref_slice %arg2[%dma_wait3A_399, %dma_wait3A_400] : memref<10000x32xf32, #tpu.memory_space<hbm>> -> memref<10000x32xf32, #tpu.memory_space<hbm>>
      tpu.wait_indirect_dma semaphore(%arg10 : memref<!tpu.dma_semaphore, #tpu.memory_space<semaphore_mem>>) src(%dma_wait3A_401 : memref<10000x32xf32, #tpu.memory_space<hbm>>) dst(%dma_wait3A_395 : memref<80x32xf32, #tpu.memory_space<vmem>>)
      %mul3A_402 = arith.constant 5 : i32
      %mul3A_403 = arith.muli %mul3A_287, %mul3A_402 : i32
      %add3A_404 = arith.constant 2 : i32
      %add3A_405 = arith.addi %mul3A_403, %add3A_404 : i32
      %dma_wait3A_406 = arith.constant 0 : i32
      %dma_wait3A_407 = arith.constant 2 : i32
      %dma_wait3A_408 = arith.constant 0 : i32
      %dma_wait3A_409 = arith.constant 0 : i32
      %dma_wait3A_410 = tpu.memref_slice %arg7[%dma_wait3A_406, %dma_wait3A_407, %dma_wait3A_408, %dma_wait3A_409] : memref<2x5x80x32xf32, #tpu.memory_space<vmem>> -> memref<1x1x80x32xf32, #tpu.memory_space<vmem>>
      %dma_wait3A_411 = tpu.memref_squeeze %dma_wait3A_410 : memref<1x1x80x32xf32, #tpu.memory_space<vmem>> -> memref<80x32xf32, #tpu.memory_space<vmem>>
      %dma_wait3A_412 = arith.constant 0 : i32
      %dma_wait3A_413 = tpu.memref_slice %arg5[%add3A_405, %dma_wait3A_412] : memref<125x80xi32, #tpu.memory_space<vmem>> -> memref<1x80xi32, #tpu.memory_space<vmem>>
      %dma_wait3A_414 = tpu.memref_squeeze %dma_wait3A_413 : memref<1x80xi32, #tpu.memory_space<vmem>> -> memref<80xi32, #tpu.memory_space<vmem>>
      %dma_wait3A_415 = arith.constant 0 : i32
      %dma_wait3A_416 = arith.constant 0 : i32
      %dma_wait3A_417 = tpu.memref_slice %arg2[%dma_wait3A_415, %dma_wait3A_416] : memref<10000x32xf32, #tpu.memory_space<hbm>> -> memref<10000x32xf32, #tpu.memory_space<hbm>>
      tpu.wait_indirect_dma semaphore(%arg10 : memref<!tpu.dma_semaphore, #tpu.memory_space<semaphore_mem>>) src(%dma_wait3A_417 : memref<10000x32xf32, #tpu.memory_space<hbm>>) dst(%dma_wait3A_411 : memref<80x32xf32, #tpu.memory_space<vmem>>)
      %mul3A_418 = arith.constant 5 : i32
      %mul3A_419 = arith.muli %mul3A_287, %mul3A_418 : i32
      %add3A_420 = arith.constant 3 : i32
      %add3A_421 = arith.addi %mul3A_419, %add3A_420 : i32
      %dma_wait3A_422 = arith.constant 0 : i32
      %dma_wait3A_423 = arith.constant 3 : i32
      %dma_wait3A_424 = arith.constant 0 : i32
      %dma_wait3A_425 = arith.constant 0 : i32
      %dma_wait3A_426 = tpu.memref_slice %arg7[%dma_wait3A_422, %dma_wait3A_423, %dma_wait3A_424, %dma_wait3A_425] : memref<2x5x80x32xf32, #tpu.memory_space<vmem>> -> memref<1x1x80x32xf32, #tpu.memory_space<vmem>>
      %dma_wait3A_427 = tpu.memref_squeeze %dma_wait3A_426 : memref<1x1x80x32xf32, #tpu.memory_space<vmem>> -> memref<80x32xf32, #tpu.memory_space<vmem>>
      %dma_wait3A_428 = arith.constant 0 : i32
      %dma_wait3A_429 = tpu.memref_slice %arg5[%add3A_421, %dma_wait3A_428] : memref<125x80xi32, #tpu.memory_space<vmem>> -> memref<1x80xi32, #tpu.memory_space<vmem>>
      %dma_wait3A_430 = tpu.memref_squeeze %dma_wait3A_429 : memref<1x80xi32, #tpu.memory_space<vmem>> -> memref<80xi32, #tpu.memory_space<vmem>>
      %dma_wait3A_431 = arith.constant 0 : i32
      %dma_wait3A_432 = arith.constant 0 : i32
      %dma_wait3A_433 = tpu.memref_slice %arg2[%dma_wait3A_431, %dma_wait3A_432] : memref<10000x32xf32, #tpu.memory_space<hbm>> -> memref<10000x32xf32, #tpu.memory_space<hbm>>
      tpu.wait_indirect_dma semaphore(%arg10 : memref<!tpu.dma_semaphore, #tpu.memory_space<semaphore_mem>>) src(%dma_wait3A_433 : memref<10000x32xf32, #tpu.memory_space<hbm>>) dst(%dma_wait3A_427 : memref<80x32xf32, #tpu.memory_space<vmem>>)
      %mul3A_434 = arith.constant 5 : i32
      %mul3A_435 = arith.muli %mul3A_287, %mul3A_434 : i32
      %add3A_436 = arith.constant 4 : i32
      %add3A_437 = arith.addi %mul3A_435, %add3A_436 : i32
      %dma_wait3A_438 = arith.constant 0 : i32
      %dma_wait3A_439 = arith.constant 4 : i32
      %dma_wait3A_440 = arith.constant 0 : i32
      %dma_wait3A_441 = arith.constant 0 : i32
      %dma_wait3A_442 = tpu.memref_slice %arg7[%dma_wait3A_438, %dma_wait3A_439, %dma_wait3A_440, %dma_wait3A_441] : memref<2x5x80x32xf32, #tpu.memory_space<vmem>> -> memref<1x1x80x32xf32, #tpu.memory_space<vmem>>
      %dma_wait3A_443 = tpu.memref_squeeze %dma_wait3A_442 : memref<1x1x80x32xf32, #tpu.memory_space<vmem>> -> memref<80x32xf32, #tpu.memory_space<vmem>>
      %dma_wait3A_444 = arith.constant 0 : i32
      %dma_wait3A_445 = tpu.memref_slice %arg5[%add3A_437, %dma_wait3A_444] : memref<125x80xi32, #tpu.memory_space<vmem>> -> memref<1x80xi32, #tpu.memory_space<vmem>>
      %dma_wait3A_446 = tpu.memref_squeeze %dma_wait3A_445 : memref<1x80xi32, #tpu.memory_space<vmem>> -> memref<80xi32, #tpu.memory_space<vmem>>
      %dma_wait3A_447 = arith.constant 0 : i32
      %dma_wait3A_448 = arith.constant 0 : i32
      %dma_wait3A_449 = tpu.memref_slice %arg2[%dma_wait3A_447, %dma_wait3A_448] : memref<10000x32xf32, #tpu.memory_space<hbm>> -> memref<10000x32xf32, #tpu.memory_space<hbm>>
      tpu.wait_indirect_dma semaphore(%arg10 : memref<!tpu.dma_semaphore, #tpu.memory_space<semaphore_mem>>) src(%dma_wait3A_449 : memref<10000x32xf32, #tpu.memory_space<hbm>>) dst(%dma_wait3A_443 : memref<80x32xf32, #tpu.memory_space<vmem>>)
      %mul3A_450 = arith.constant 5 : i32
      %mul3A_451 = arith.muli %mul3A_287, %mul3A_450 : i32
      %add3A_452 = arith.constant 0 : i32
      %add3A_453 = arith.addi %mul3A_451, %add3A_452 : i32
      %dma_start3A_454 = arith.constant 0 : i32
      %dma_start3A_455 = arith.constant 0 : i32
      %dma_start3A_456 = arith.constant 0 : i32
      %dma_start3A_457 = arith.constant 0 : i32
      %dma_start3A_458 = tpu.memref_slice %arg7[%dma_start3A_454, %dma_start3A_455, %dma_start3A_456, %dma_start3A_457] : memref<2x5x80x32xf32, #tpu.memory_space<vmem>> -> memref<1x1x80x32xf32, #tpu.memory_space<vmem>>
      %dma_start3A_459 = tpu.memref_squeeze %dma_start3A_458 : memref<1x1x80x32xf32, #tpu.memory_space<vmem>> -> memref<80x32xf32, #tpu.memory_space<vmem>>
      %dma_start3A_460 = arith.constant 0 : i32
      %dma_start3A_461 = tpu.memref_slice %arg6[%add3A_453, %dma_start3A_460] : memref<125x80xi32, #tpu.memory_space<vmem>> -> memref<1x80xi32, #tpu.memory_space<vmem>>
      %dma_start3A_462 = tpu.memref_squeeze %dma_start3A_461 : memref<1x80xi32, #tpu.memory_space<vmem>> -> memref<80xi32, #tpu.memory_space<vmem>>
      %dma_start3A_463 = arith.constant 0 : i32
      %dma_start3A_464 = arith.constant 0 : i32
      %dma_start3A_465 = tpu.memref_slice %arg9[%dma_start3A_463, %dma_start3A_464] : memref<10240x32xf32, #tpu.memory_space<vmem_shared>> -> memref<10240x32xf32, #tpu.memory_space<vmem_shared>>
      tpu.enqueue_indirect_dma source(%dma_start3A_459 : memref<80x32xf32, #tpu.memory_space<vmem>>) target(%dma_start3A_465 : memref<10240x32xf32, #tpu.memory_space<vmem_shared>>) offsets(%dma_start3A_462 : memref<80xi32, #tpu.memory_space<vmem>>) semaphore(%arg12 : memref<!tpu.dma_semaphore, #tpu.memory_space<semaphore_mem>>) {add = true}
      %mul3A_466 = arith.constant 5 : i32
      %mul3A_467 = arith.muli %mul3A_287, %mul3A_466 : i32
      %add3A_468 = arith.constant 1 : i32
      %add3A_469 = arith.addi %mul3A_467, %add3A_468 : i32
      %dma_start3A_470 = arith.constant 0 : i32
      %dma_start3A_471 = arith.constant 1 : i32
      %dma_start3A_472 = arith.constant 0 : i32
      %dma_start3A_473 = arith.constant 0 : i32
      %dma_start3A_474 = tpu.memref_slice %arg7[%dma_start3A_470, %dma_start3A_471, %dma_start3A_472, %dma_start3A_473] : memref<2x5x80x32xf32, #tpu.memory_space<vmem>> -> memref<1x1x80x32xf32, #tpu.memory_space<vmem>>
      %dma_start3A_475 = tpu.memref_squeeze %dma_start3A_474 : memref<1x1x80x32xf32, #tpu.memory_space<vmem>> -> memref<80x32xf32, #tpu.memory_space<vmem>>
      %dma_start3A_476 = arith.constant 0 : i32
      %dma_start3A_477 = tpu.memref_slice %arg6[%add3A_469, %dma_start3A_476] : memref<125x80xi32, #tpu.memory_space<vmem>> -> memref<1x80xi32, #tpu.memory_space<vmem>>
      %dma_start3A_478 = tpu.memref_squeeze %dma_start3A_477 : memref<1x80xi32, #tpu.memory_space<vmem>> -> memref<80xi32, #tpu.memory_space<vmem>>
      %dma_start3A_479 = arith.constant 0 : i32
      %dma_start3A_480 = arith.constant 0 : i32
      %dma_start3A_481 = tpu.memref_slice %arg9[%dma_start3A_479, %dma_start3A_480] : memref<10240x32xf32, #tpu.memory_space<vmem_shared>> -> memref<10240x32xf32, #tpu.memory_space<vmem_shared>>
      tpu.enqueue_indirect_dma source(%dma_start3A_475 : memref<80x32xf32, #tpu.memory_space<vmem>>) target(%dma_start3A_481 : memref<10240x32xf32, #tpu.memory_space<vmem_shared>>) offsets(%dma_start3A_478 : memref<80xi32, #tpu.memory_space<vmem>>) semaphore(%arg12 : memref<!tpu.dma_semaphore, #tpu.memory_space<semaphore_mem>>) {add = true}
      %mul3A_482 = arith.constant 5 : i32
      %mul3A_483 = arith.muli %mul3A_287, %mul3A_482 : i32
      %add3A_484 = arith.constant 2 : i32
      %add3A_485 = arith.addi %mul3A_483, %add3A_484 : i32
      %dma_start3A_486 = arith.constant 0 : i32
      %dma_start3A_487 = arith.constant 2 : i32
      %dma_start3A_488 = arith.constant 0 : i32
      %dma_start3A_489 = arith.constant 0 : i32
      %dma_start3A_490 = tpu.memref_slice %arg7[%dma_start3A_486, %dma_start3A_487, %dma_start3A_488, %dma_start3A_489] : memref<2x5x80x32xf32, #tpu.memory_space<vmem>> -> memref<1x1x80x32xf32, #tpu.memory_space<vmem>>
      %dma_start3A_491 = tpu.memref_squeeze %dma_start3A_490 : memref<1x1x80x32xf32, #tpu.memory_space<vmem>> -> memref<80x32xf32, #tpu.memory_space<vmem>>
      %dma_start3A_492 = arith.constant 0 : i32
      %dma_start3A_493 = tpu.memref_slice %arg6[%add3A_485, %dma_start3A_492] : memref<125x80xi32, #tpu.memory_space<vmem>> -> memref<1x80xi32, #tpu.memory_space<vmem>>
      %dma_start3A_494 = tpu.memref_squeeze %dma_start3A_493 : memref<1x80xi32, #tpu.memory_space<vmem>> -> memref<80xi32, #tpu.memory_space<vmem>>
      %dma_start3A_495 = arith.constant 0 : i32
      %dma_start3A_496 = arith.constant 0 : i32
      %dma_start3A_497 = tpu.memref_slice %arg9[%dma_start3A_495, %dma_start3A_496] : memref<10240x32xf32, #tpu.memory_space<vmem_shared>> -> memref<10240x32xf32, #tpu.memory_space<vmem_shared>>
      tpu.enqueue_indirect_dma source(%dma_start3A_491 : memref<80x32xf32, #tpu.memory_space<vmem>>) target(%dma_start3A_497 : memref<10240x32xf32, #tpu.memory_space<vmem_shared>>) offsets(%dma_start3A_494 : memref<80xi32, #tpu.memory_space<vmem>>) semaphore(%arg12 : memref<!tpu.dma_semaphore, #tpu.memory_space<semaphore_mem>>) {add = true}
      %mul3A_498 = arith.constant 5 : i32
      %mul3A_499 = arith.muli %mul3A_287, %mul3A_498 : i32
      %add3A_500 = arith.constant 3 : i32
      %add3A_501 = arith.addi %mul3A_499, %add3A_500 : i32
      %dma_start3A_502 = arith.constant 0 : i32
      %dma_start3A_503 = arith.constant 3 : i32
      %dma_start3A_504 = arith.constant 0 : i32
      %dma_start3A_505 = arith.constant 0 : i32
      %dma_start3A_506 = tpu.memref_slice %arg7[%dma_start3A_502, %dma_start3A_503, %dma_start3A_504, %dma_start3A_505] : memref<2x5x80x32xf32, #tpu.memory_space<vmem>> -> memref<1x1x80x32xf32, #tpu.memory_space<vmem>>
      %dma_start3A_507 = tpu.memref_squeeze %dma_start3A_506 : memref<1x1x80x32xf32, #tpu.memory_space<vmem>> -> memref<80x32xf32, #tpu.memory_space<vmem>>
      %dma_start3A_508 = arith.constant 0 : i32
      %dma_start3A_509 = tpu.memref_slice %arg6[%add3A_501, %dma_start3A_508] : memref<125x80xi32, #tpu.memory_space<vmem>> -> memref<1x80xi32, #tpu.memory_space<vmem>>
      %dma_start3A_510 = tpu.memref_squeeze %dma_start3A_509 : memref<1x80xi32, #tpu.memory_space<vmem>> -> memref<80xi32, #tpu.memory_space<vmem>>
      %dma_start3A_511 = arith.constant 0 : i32
      %dma_start3A_512 = arith.constant 0 : i32
      %dma_start3A_513 = tpu.memref_slice %arg9[%dma_start3A_511, %dma_start3A_512] : memref<10240x32xf32, #tpu.memory_space<vmem_shared>> -> memref<10240x32xf32, #tpu.memory_space<vmem_shared>>
      tpu.enqueue_indirect_dma source(%dma_start3A_507 : memref<80x32xf32, #tpu.memory_space<vmem>>) target(%dma_start3A_513 : memref<10240x32xf32, #tpu.memory_space<vmem_shared>>) offsets(%dma_start3A_510 : memref<80xi32, #tpu.memory_space<vmem>>) semaphore(%arg12 : memref<!tpu.dma_semaphore, #tpu.memory_space<semaphore_mem>>) {add = true}
      %mul3A_514 = arith.constant 5 : i32
      %mul3A_515 = arith.muli %mul3A_287, %mul3A_514 : i32
      %add3A_516 = arith.constant 4 : i32
      %add3A_517 = arith.addi %mul3A_515, %add3A_516 : i32
      %dma_start3A_518 = arith.constant 0 : i32
      %dma_start3A_519 = arith.constant 4 : i32
      %dma_start3A_520 = arith.constant 0 : i32
      %dma_start3A_521 = arith.constant 0 : i32
      %dma_start3A_522 = tpu.memref_slice %arg7[%dma_start3A_518, %dma_start3A_519, %dma_start3A_520, %dma_start3A_521] : memref<2x5x80x32xf32, #tpu.memory_space<vmem>> -> memref<1x1x80x32xf32, #tpu.memory_space<vmem>>
      %dma_start3A_523 = tpu.memref_squeeze %dma_start3A_522 : memref<1x1x80x32xf32, #tpu.memory_space<vmem>> -> memref<80x32xf32, #tpu.memory_space<vmem>>
      %dma_start3A_524 = arith.constant 0 : i32
      %dma_start3A_525 = tpu.memref_slice %arg6[%add3A_517, %dma_start3A_524] : memref<125x80xi32, #tpu.memory_space<vmem>> -> memref<1x80xi32, #tpu.memory_space<vmem>>
      %dma_start3A_526 = tpu.memref_squeeze %dma_start3A_525 : memref<1x80xi32, #tpu.memory_space<vmem>> -> memref<80xi32, #tpu.memory_space<vmem>>
      %dma_start3A_527 = arith.constant 0 : i32
      %dma_start3A_528 = arith.constant 0 : i32
      %dma_start3A_529 = tpu.memref_slice %arg9[%dma_start3A_527, %dma_start3A_528] : memref<10240x32xf32, #tpu.memory_space<vmem_shared>> -> memref<10240x32xf32, #tpu.memory_space<vmem_shared>>
      tpu.enqueue_indirect_dma source(%dma_start3A_523 : memref<80x32xf32, #tpu.memory_space<vmem>>) target(%dma_start3A_529 : memref<10240x32xf32, #tpu.memory_space<vmem_shared>>) offsets(%dma_start3A_526 : memref<80xi32, #tpu.memory_space<vmem>>) semaphore(%arg12 : memref<!tpu.dma_semaphore, #tpu.memory_space<semaphore_mem>>) {add = true}
      %dma_wait3A_530 = arith.constant 0 : i32
      %dma_wait3A_531 = arith.constant 0 : i32
      %dma_wait3A_532 = arith.constant 0 : i32
      %dma_wait3A_533 = arith.constant 0 : i32
      %dma_wait3A_534 = tpu.memref_slice %arg7[%dma_wait3A_530, %dma_wait3A_531, %dma_wait3A_532, %dma_wait3A_533] : memref<2x5x80x32xf32, #tpu.memory_space<vmem>> -> memref<1x1x80x32xf32, #tpu.memory_space<vmem>>
      %dma_wait3A_535 = tpu.memref_squeeze %dma_wait3A_534 : memref<1x1x80x32xf32, #tpu.memory_space<vmem>> -> memref<80x32xf32, #tpu.memory_space<vmem>>
      %dma_wait3A_536 = arith.constant 0 : i32
      %dma_wait3A_537 = tpu.memref_slice %arg6[%add3A_453, %dma_wait3A_536] : memref<125x80xi32, #tpu.memory_space<vmem>> -> memref<1x80xi32, #tpu.memory_space<vmem>>
      %dma_wait3A_538 = tpu.memref_squeeze %dma_wait3A_537 : memref<1x80xi32, #tpu.memory_space<vmem>> -> memref<80xi32, #tpu.memory_space<vmem>>
      %dma_wait3A_539 = arith.constant 0 : i32
      %dma_wait3A_540 = arith.constant 0 : i32
      %dma_wait3A_541 = tpu.memref_slice %arg9[%dma_wait3A_539, %dma_wait3A_540] : memref<10240x32xf32, #tpu.memory_space<vmem_shared>> -> memref<10240x32xf32, #tpu.memory_space<vmem_shared>>
      tpu.wait_indirect_dma semaphore(%arg12 : memref<!tpu.dma_semaphore, #tpu.memory_space<semaphore_mem>>) src(%dma_wait3A_535 : memref<80x32xf32, #tpu.memory_space<vmem>>) dst(%dma_wait3A_541 : memref<10240x32xf32, #tpu.memory_space<vmem_shared>>)
      %dma_wait3A_542 = arith.constant 0 : i32
      %dma_wait3A_543 = arith.constant 1 : i32
      %dma_wait3A_544 = arith.constant 0 : i32
      %dma_wait3A_545 = arith.constant 0 : i32
      %dma_wait3A_546 = tpu.memref_slice %arg7[%dma_wait3A_542, %dma_wait3A_543, %dma_wait3A_544, %dma_wait3A_545] : memref<2x5x80x32xf32, #tpu.memory_space<vmem>> -> memref<1x1x80x32xf32, #tpu.memory_space<vmem>>
      %dma_wait3A_547 = tpu.memref_squeeze %dma_wait3A_546 : memref<1x1x80x32xf32, #tpu.memory_space<vmem>> -> memref<80x32xf32, #tpu.memory_space<vmem>>
      %dma_wait3A_548 = arith.constant 0 : i32
      %dma_wait3A_549 = tpu.memref_slice %arg6[%add3A_469, %dma_wait3A_548] : memref<125x80xi32, #tpu.memory_space<vmem>> -> memref<1x80xi32, #tpu.memory_space<vmem>>
      %dma_wait3A_550 = tpu.memref_squeeze %dma_wait3A_549 : memref<1x80xi32, #tpu.memory_space<vmem>> -> memref<80xi32, #tpu.memory_space<vmem>>
      %dma_wait3A_551 = arith.constant 0 : i32
      %dma_wait3A_552 = arith.constant 0 : i32
      %dma_wait3A_553 = tpu.memref_slice %arg9[%dma_wait3A_551, %dma_wait3A_552] : memref<10240x32xf32, #tpu.memory_space<vmem_shared>> -> memref<10240x32xf32, #tpu.memory_space<vmem_shared>>
      tpu.wait_indirect_dma semaphore(%arg12 : memref<!tpu.dma_semaphore, #tpu.memory_space<semaphore_mem>>) src(%dma_wait3A_547 : memref<80x32xf32, #tpu.memory_space<vmem>>) dst(%dma_wait3A_553 : memref<10240x32xf32, #tpu.memory_space<vmem_shared>>)
      %dma_wait3A_554 = arith.constant 0 : i32
      %dma_wait3A_555 = arith.constant 2 : i32
      %dma_wait3A_556 = arith.constant 0 : i32
      %dma_wait3A_557 = arith.constant 0 : i32
      %dma_wait3A_558 = tpu.memref_slice %arg7[%dma_wait3A_554, %dma_wait3A_555, %dma_wait3A_556, %dma_wait3A_557] : memref<2x5x80x32xf32, #tpu.memory_space<vmem>> -> memref<1x1x80x32xf32, #tpu.memory_space<vmem>>
      %dma_wait3A_559 = tpu.memref_squeeze %dma_wait3A_558 : memref<1x1x80x32xf32, #tpu.memory_space<vmem>> -> memref<80x32xf32, #tpu.memory_space<vmem>>
      %dma_wait3A_560 = arith.constant 0 : i32
      %dma_wait3A_561 = tpu.memref_slice %arg6[%add3A_485, %dma_wait3A_560] : memref<125x80xi32, #tpu.memory_space<vmem>> -> memref<1x80xi32, #tpu.memory_space<vmem>>
      %dma_wait3A_562 = tpu.memref_squeeze %dma_wait3A_561 : memref<1x80xi32, #tpu.memory_space<vmem>> -> memref<80xi32, #tpu.memory_space<vmem>>
      %dma_wait3A_563 = arith.constant 0 : i32
      %dma_wait3A_564 = arith.constant 0 : i32
      %dma_wait3A_565 = tpu.memref_slice %arg9[%dma_wait3A_563, %dma_wait3A_564] : memref<10240x32xf32, #tpu.memory_space<vmem_shared>> -> memref<10240x32xf32, #tpu.memory_space<vmem_shared>>
      tpu.wait_indirect_dma semaphore(%arg12 : memref<!tpu.dma_semaphore, #tpu.memory_space<semaphore_mem>>) src(%dma_wait3A_559 : memref<80x32xf32, #tpu.memory_space<vmem>>) dst(%dma_wait3A_565 : memref<10240x32xf32, #tpu.memory_space<vmem_shared>>)
      %dma_wait3A_566 = arith.constant 0 : i32
      %dma_wait3A_567 = arith.constant 3 : i32
      %dma_wait3A_568 = arith.constant 0 : i32
      %dma_wait3A_569 = arith.constant 0 : i32
      %dma_wait3A_570 = tpu.memref_slice %arg7[%dma_wait3A_566, %dma_wait3A_567, %dma_wait3A_568, %dma_wait3A_569] : memref<2x5x80x32xf32, #tpu.memory_space<vmem>> -> memref<1x1x80x32xf32, #tpu.memory_space<vmem>>
      %dma_wait3A_571 = tpu.memref_squeeze %dma_wait3A_570 : memref<1x1x80x32xf32, #tpu.memory_space<vmem>> -> memref<80x32xf32, #tpu.memory_space<vmem>>
      %dma_wait3A_572 = arith.constant 0 : i32
      %dma_wait3A_573 = tpu.memref_slice %arg6[%add3A_501, %dma_wait3A_572] : memref<125x80xi32, #tpu.memory_space<vmem>> -> memref<1x80xi32, #tpu.memory_space<vmem>>
      %dma_wait3A_574 = tpu.memref_squeeze %dma_wait3A_573 : memref<1x80xi32, #tpu.memory_space<vmem>> -> memref<80xi32, #tpu.memory_space<vmem>>
      %dma_wait3A_575 = arith.constant 0 : i32
      %dma_wait3A_576 = arith.constant 0 : i32
      %dma_wait3A_577 = tpu.memref_slice %arg9[%dma_wait3A_575, %dma_wait3A_576] : memref<10240x32xf32, #tpu.memory_space<vmem_shared>> -> memref<10240x32xf32, #tpu.memory_space<vmem_shared>>
      tpu.wait_indirect_dma semaphore(%arg12 : memref<!tpu.dma_semaphore, #tpu.memory_space<semaphore_mem>>) src(%dma_wait3A_571 : memref<80x32xf32, #tpu.memory_space<vmem>>) dst(%dma_wait3A_577 : memref<10240x32xf32, #tpu.memory_space<vmem_shared>>)
      %dma_wait3A_578 = arith.constant 0 : i32
      %dma_wait3A_579 = arith.constant 4 : i32
      %dma_wait3A_580 = arith.constant 0 : i32
      %dma_wait3A_581 = arith.constant 0 : i32
      %dma_wait3A_582 = tpu.memref_slice %arg7[%dma_wait3A_578, %dma_wait3A_579, %dma_wait3A_580, %dma_wait3A_581] : memref<2x5x80x32xf32, #tpu.memory_space<vmem>> -> memref<1x1x80x32xf32, #tpu.memory_space<vmem>>
      %dma_wait3A_583 = tpu.memref_squeeze %dma_wait3A_582 : memref<1x1x80x32xf32, #tpu.memory_space<vmem>> -> memref<80x32xf32, #tpu.memory_space<vmem>>
      %dma_wait3A_584 = arith.constant 0 : i32
      %dma_wait3A_585 = tpu.memref_slice %arg6[%add3A_517, %dma_wait3A_584] : memref<125x80xi32, #tpu.memory_space<vmem>> -> memref<1x80xi32, #tpu.memory_space<vmem>>
      %dma_wait3A_586 = tpu.memref_squeeze %dma_wait3A_585 : memref<1x80xi32, #tpu.memory_space<vmem>> -> memref<80xi32, #tpu.memory_space<vmem>>
      %dma_wait3A_587 = arith.constant 0 : i32
      %dma_wait3A_588 = arith.constant 0 : i32
      %dma_wait3A_589 = tpu.memref_slice %arg9[%dma_wait3A_587, %dma_wait3A_588] : memref<10240x32xf32, #tpu.memory_space<vmem_shared>> -> memref<10240x32xf32, #tpu.memory_space<vmem_shared>>
      tpu.wait_indirect_dma semaphore(%arg12 : memref<!tpu.dma_semaphore, #tpu.memory_space<semaphore_mem>>) src(%dma_wait3A_583 : memref<80x32xf32, #tpu.memory_space<vmem>>) dst(%dma_wait3A_589 : memref<10240x32xf32, #tpu.memory_space<vmem_shared>>)
      %add3A_590 = arith.constant 2 : i32
      %add3A_591 = arith.addi %mul3A_287, %add3A_590 : i32
      %mul3A_592 = arith.constant 5 : i32
      %mul3A_593 = arith.muli %add3A_591, %mul3A_592 : i32
      %add3A_594 = arith.constant 0 : i32
      %add3A_595 = arith.addi %mul3A_593, %add3A_594 : i32
      %dma_start3A_596 = arith.constant 0 : i32
      %dma_start3A_597 = arith.constant 0 : i32
      %dma_start3A_598 = arith.constant 0 : i32
      %dma_start3A_599 = arith.constant 0 : i32
      %dma_start3A_600 = tpu.memref_slice %arg7[%dma_start3A_596, %dma_start3A_597, %dma_start3A_598, %dma_start3A_599] : memref<2x5x80x32xf32, #tpu.memory_space<vmem>> -> memref<1x1x80x32xf32, #tpu.memory_space<vmem>>
      %dma_start3A_601 = tpu.memref_squeeze %dma_start3A_600 : memref<1x1x80x32xf32, #tpu.memory_space<vmem>> -> memref<80x32xf32, #tpu.memory_space<vmem>>
      %dma_start3A_602 = arith.constant 0 : i32
      %dma_start3A_603 = tpu.memref_slice %arg5[%add3A_595, %dma_start3A_602] : memref<125x80xi32, #tpu.memory_space<vmem>> -> memref<1x80xi32, #tpu.memory_space<vmem>>
      %dma_start3A_604 = tpu.memref_squeeze %dma_start3A_603 : memref<1x80xi32, #tpu.memory_space<vmem>> -> memref<80xi32, #tpu.memory_space<vmem>>
      %dma_start3A_605 = arith.constant 0 : i32
      %dma_start3A_606 = arith.constant 0 : i32
      %dma_start3A_607 = tpu.memref_slice %arg2[%dma_start3A_605, %dma_start3A_606] : memref<10000x32xf32, #tpu.memory_space<hbm>> -> memref<10000x32xf32, #tpu.memory_space<hbm>>
      tpu.enqueue_indirect_dma source(%dma_start3A_607 : memref<10000x32xf32, #tpu.memory_space<hbm>>) target(%dma_start3A_601 : memref<80x32xf32, #tpu.memory_space<vmem>>) offsets(%dma_start3A_604 : memref<80xi32, #tpu.memory_space<vmem>>) semaphore(%arg10 : memref<!tpu.dma_semaphore, #tpu.memory_space<semaphore_mem>>)
      %mul3A_608 = arith.constant 5 : i32
      %mul3A_609 = arith.muli %add3A_591, %mul3A_608 : i32
      %add3A_610 = arith.constant 1 : i32
      %add3A_611 = arith.addi %mul3A_609, %add3A_610 : i32
      %dma_start3A_612 = arith.constant 0 : i32
      %dma_start3A_613 = arith.constant 1 : i32
      %dma_start3A_614 = arith.constant 0 : i32
      %dma_start3A_615 = arith.constant 0 : i32
      %dma_start3A_616 = tpu.memref_slice %arg7[%dma_start3A_612, %dma_start3A_613, %dma_start3A_614, %dma_start3A_615] : memref<2x5x80x32xf32, #tpu.memory_space<vmem>> -> memref<1x1x80x32xf32, #tpu.memory_space<vmem>>
      %dma_start3A_617 = tpu.memref_squeeze %dma_start3A_616 : memref<1x1x80x32xf32, #tpu.memory_space<vmem>> -> memref<80x32xf32, #tpu.memory_space<vmem>>
      %dma_start3A_618 = arith.constant 0 : i32
      %dma_start3A_619 = tpu.memref_slice %arg5[%add3A_611, %dma_start3A_618] : memref<125x80xi32, #tpu.memory_space<vmem>> -> memref<1x80xi32, #tpu.memory_space<vmem>>
      %dma_start3A_620 = tpu.memref_squeeze %dma_start3A_619 : memref<1x80xi32, #tpu.memory_space<vmem>> -> memref<80xi32, #tpu.memory_space<vmem>>
      %dma_start3A_621 = arith.constant 0 : i32
      %dma_start3A_622 = arith.constant 0 : i32
      %dma_start3A_623 = tpu.memref_slice %arg2[%dma_start3A_621, %dma_start3A_622] : memref<10000x32xf32, #tpu.memory_space<hbm>> -> memref<10000x32xf32, #tpu.memory_space<hbm>>
      tpu.enqueue_indirect_dma source(%dma_start3A_623 : memref<10000x32xf32, #tpu.memory_space<hbm>>) target(%dma_start3A_617 : memref<80x32xf32, #tpu.memory_space<vmem>>) offsets(%dma_start3A_620 : memref<80xi32, #tpu.memory_space<vmem>>) semaphore(%arg10 : memref<!tpu.dma_semaphore, #tpu.memory_space<semaphore_mem>>)
      %mul3A_624 = arith.constant 5 : i32
      %mul3A_625 = arith.muli %add3A_591, %mul3A_624 : i32
      %add3A_626 = arith.constant 2 : i32
      %add3A_627 = arith.addi %mul3A_625, %add3A_626 : i32
      %dma_start3A_628 = arith.constant 0 : i32
      %dma_start3A_629 = arith.constant 2 : i32
      %dma_start3A_630 = arith.constant 0 : i32
      %dma_start3A_631 = arith.constant 0 : i32
      %dma_start3A_632 = tpu.memref_slice %arg7[%dma_start3A_628, %dma_start3A_629, %dma_start3A_630, %dma_start3A_631] : memref<2x5x80x32xf32, #tpu.memory_space<vmem>> -> memref<1x1x80x32xf32, #tpu.memory_space<vmem>>
      %dma_start3A_633 = tpu.memref_squeeze %dma_start3A_632 : memref<1x1x80x32xf32, #tpu.memory_space<vmem>> -> memref<80x32xf32, #tpu.memory_space<vmem>>
      %dma_start3A_634 = arith.constant 0 : i32
      %dma_start3A_635 = tpu.memref_slice %arg5[%add3A_627, %dma_start3A_634] : memref<125x80xi32, #tpu.memory_space<vmem>> -> memref<1x80xi32, #tpu.memory_space<vmem>>
      %dma_start3A_636 = tpu.memref_squeeze %dma_start3A_635 : memref<1x80xi32, #tpu.memory_space<vmem>> -> memref<80xi32, #tpu.memory_space<vmem>>
      %dma_start3A_637 = arith.constant 0 : i32
      %dma_start3A_638 = arith.constant 0 : i32
      %dma_start3A_639 = tpu.memref_slice %arg2[%dma_start3A_637, %dma_start3A_638] : memref<10000x32xf32, #tpu.memory_space<hbm>> -> memref<10000x32xf32, #tpu.memory_space<hbm>>
      tpu.enqueue_indirect_dma source(%dma_start3A_639 : memref<10000x32xf32, #tpu.memory_space<hbm>>) target(%dma_start3A_633 : memref<80x32xf32, #tpu.memory_space<vmem>>) offsets(%dma_start3A_636 : memref<80xi32, #tpu.memory_space<vmem>>) semaphore(%arg10 : memref<!tpu.dma_semaphore, #tpu.memory_space<semaphore_mem>>)
      %mul3A_640 = arith.constant 5 : i32
      %mul3A_641 = arith.muli %add3A_591, %mul3A_640 : i32
      %add3A_642 = arith.constant 3 : i32
      %add3A_643 = arith.addi %mul3A_641, %add3A_642 : i32
      %dma_start3A_644 = arith.constant 0 : i32
      %dma_start3A_645 = arith.constant 3 : i32
      %dma_start3A_646 = arith.constant 0 : i32
      %dma_start3A_647 = arith.constant 0 : i32
      %dma_start3A_648 = tpu.memref_slice %arg7[%dma_start3A_644, %dma_start3A_645, %dma_start3A_646, %dma_start3A_647] : memref<2x5x80x32xf32, #tpu.memory_space<vmem>> -> memref<1x1x80x32xf32, #tpu.memory_space<vmem>>
      %dma_start3A_649 = tpu.memref_squeeze %dma_start3A_648 : memref<1x1x80x32xf32, #tpu.memory_space<vmem>> -> memref<80x32xf32, #tpu.memory_space<vmem>>
      %dma_start3A_650 = arith.constant 0 : i32
      %dma_start3A_651 = tpu.memref_slice %arg5[%add3A_643, %dma_start3A_650] : memref<125x80xi32, #tpu.memory_space<vmem>> -> memref<1x80xi32, #tpu.memory_space<vmem>>
      %dma_start3A_652 = tpu.memref_squeeze %dma_start3A_651 : memref<1x80xi32, #tpu.memory_space<vmem>> -> memref<80xi32, #tpu.memory_space<vmem>>
      %dma_start3A_653 = arith.constant 0 : i32
      %dma_start3A_654 = arith.constant 0 : i32
      %dma_start3A_655 = tpu.memref_slice %arg2[%dma_start3A_653, %dma_start3A_654] : memref<10000x32xf32, #tpu.memory_space<hbm>> -> memref<10000x32xf32, #tpu.memory_space<hbm>>
      tpu.enqueue_indirect_dma source(%dma_start3A_655 : memref<10000x32xf32, #tpu.memory_space<hbm>>) target(%dma_start3A_649 : memref<80x32xf32, #tpu.memory_space<vmem>>) offsets(%dma_start3A_652 : memref<80xi32, #tpu.memory_space<vmem>>) semaphore(%arg10 : memref<!tpu.dma_semaphore, #tpu.memory_space<semaphore_mem>>)
      %mul3A_656 = arith.constant 5 : i32
      %mul3A_657 = arith.muli %add3A_591, %mul3A_656 : i32
      %add3A_658 = arith.constant 4 : i32
      %add3A_659 = arith.addi %mul3A_657, %add3A_658 : i32
      %dma_start3A_660 = arith.constant 0 : i32
      %dma_start3A_661 = arith.constant 4 : i32
      %dma_start3A_662 = arith.constant 0 : i32
      %dma_start3A_663 = arith.constant 0 : i32
      %dma_start3A_664 = tpu.memref_slice %arg7[%dma_start3A_660, %dma_start3A_661, %dma_start3A_662, %dma_start3A_663] : memref<2x5x80x32xf32, #tpu.memory_space<vmem>> -> memref<1x1x80x32xf32, #tpu.memory_space<vmem>>
      %dma_start3A_665 = tpu.memref_squeeze %dma_start3A_664 : memref<1x1x80x32xf32, #tpu.memory_space<vmem>> -> memref<80x32xf32, #tpu.memory_space<vmem>>
      %dma_start3A_666 = arith.constant 0 : i32
      %dma_start3A_667 = tpu.memref_slice %arg5[%add3A_659, %dma_start3A_666] : memref<125x80xi32, #tpu.memory_space<vmem>> -> memref<1x80xi32, #tpu.memory_space<vmem>>
      %dma_start3A_668 = tpu.memref_squeeze %dma_start3A_667 : memref<1x80xi32, #tpu.memory_space<vmem>> -> memref<80xi32, #tpu.memory_space<vmem>>
      %dma_start3A_669 = arith.constant 0 : i32
      %dma_start3A_670 = arith.constant 0 : i32
      %dma_start3A_671 = tpu.memref_slice %arg2[%dma_start3A_669, %dma_start3A_670] : memref<10000x32xf32, #tpu.memory_space<hbm>> -> memref<10000x32xf32, #tpu.memory_space<hbm>>
      tpu.enqueue_indirect_dma source(%dma_start3A_671 : memref<10000x32xf32, #tpu.memory_space<hbm>>) target(%dma_start3A_665 : memref<80x32xf32, #tpu.memory_space<vmem>>) offsets(%dma_start3A_668 : memref<80xi32, #tpu.memory_space<vmem>>) semaphore(%arg10 : memref<!tpu.dma_semaphore, #tpu.memory_space<semaphore_mem>>)
      %add3A_672 = arith.constant 1 : i32
      %add3A_673 = arith.addi %mul3A_287, %add3A_672 : i32
      %mul3A_674 = arith.constant 5 : i32
      %mul3A_675 = arith.muli %add3A_673, %mul3A_674 : i32
      %add3A_676 = arith.constant 0 : i32
      %add3A_677 = arith.addi %mul3A_675, %add3A_676 : i32
      %dma_wait3A_678 = arith.constant 1 : i32
      %dma_wait3A_679 = arith.constant 0 : i32
      %dma_wait3A_680 = arith.constant 0 : i32
      %dma_wait3A_681 = arith.constant 0 : i32
      %dma_wait3A_682 = tpu.memref_slice %arg7[%dma_wait3A_678, %dma_wait3A_679, %dma_wait3A_680, %dma_wait3A_681] : memref<2x5x80x32xf32, #tpu.memory_space<vmem>> -> memref<1x1x80x32xf32, #tpu.memory_space<vmem>>
      %dma_wait3A_683 = tpu.memref_squeeze %dma_wait3A_682 : memref<1x1x80x32xf32, #tpu.memory_space<vmem>> -> memref<80x32xf32, #tpu.memory_space<vmem>>
      %dma_wait3A_684 = arith.constant 0 : i32
      %dma_wait3A_685 = tpu.memref_slice %arg5[%add3A_677, %dma_wait3A_684] : memref<125x80xi32, #tpu.memory_space<vmem>> -> memref<1x80xi32, #tpu.memory_space<vmem>>
      %dma_wait3A_686 = tpu.memref_squeeze %dma_wait3A_685 : memref<1x80xi32, #tpu.memory_space<vmem>> -> memref<80xi32, #tpu.memory_space<vmem>>
      %dma_wait3A_687 = arith.constant 0 : i32
      %dma_wait3A_688 = arith.constant 0 : i32
      %dma_wait3A_689 = tpu.memref_slice %arg2[%dma_wait3A_687, %dma_wait3A_688] : memref<10000x32xf32, #tpu.memory_space<hbm>> -> memref<10000x32xf32, #tpu.memory_space<hbm>>
      tpu.wait_indirect_dma semaphore(%arg11 : memref<!tpu.dma_semaphore, #tpu.memory_space<semaphore_mem>>) src(%dma_wait3A_689 : memref<10000x32xf32, #tpu.memory_space<hbm>>) dst(%dma_wait3A_683 : memref<80x32xf32, #tpu.memory_space<vmem>>)
      %mul3A_690 = arith.constant 5 : i32
      %mul3A_691 = arith.muli %add3A_673, %mul3A_690 : i32
      %add3A_692 = arith.constant 1 : i32
      %add3A_693 = arith.addi %mul3A_691, %add3A_692 : i32
      %dma_wait3A_694 = arith.constant 1 : i32
      %dma_wait3A_695 = arith.constant 1 : i32
      %dma_wait3A_696 = arith.constant 0 : i32
      %dma_wait3A_697 = arith.constant 0 : i32
      %dma_wait3A_698 = tpu.memref_slice %arg7[%dma_wait3A_694, %dma_wait3A_695, %dma_wait3A_696, %dma_wait3A_697] : memref<2x5x80x32xf32, #tpu.memory_space<vmem>> -> memref<1x1x80x32xf32, #tpu.memory_space<vmem>>
      %dma_wait3A_699 = tpu.memref_squeeze %dma_wait3A_698 : memref<1x1x80x32xf32, #tpu.memory_space<vmem>> -> memref<80x32xf32, #tpu.memory_space<vmem>>
      %dma_wait3A_700 = arith.constant 0 : i32
      %dma_wait3A_701 = tpu.memref_slice %arg5[%add3A_693, %dma_wait3A_700] : memref<125x80xi32, #tpu.memory_space<vmem>> -> memref<1x80xi32, #tpu.memory_space<vmem>>
      %dma_wait3A_702 = tpu.memref_squeeze %dma_wait3A_701 : memref<1x80xi32, #tpu.memory_space<vmem>> -> memref<80xi32, #tpu.memory_space<vmem>>
      %dma_wait3A_703 = arith.constant 0 : i32
      %dma_wait3A_704 = arith.constant 0 : i32
      %dma_wait3A_705 = tpu.memref_slice %arg2[%dma_wait3A_703, %dma_wait3A_704] : memref<10000x32xf32, #tpu.memory_space<hbm>> -> memref<10000x32xf32, #tpu.memory_space<hbm>>
      tpu.wait_indirect_dma semaphore(%arg11 : memref<!tpu.dma_semaphore, #tpu.memory_space<semaphore_mem>>) src(%dma_wait3A_705 : memref<10000x32xf32, #tpu.memory_space<hbm>>) dst(%dma_wait3A_699 : memref<80x32xf32, #tpu.memory_space<vmem>>)
      %mul3A_706 = arith.constant 5 : i32
      %mul3A_707 = arith.muli %add3A_673, %mul3A_706 : i32
      %add3A_708 = arith.constant 2 : i32
      %add3A_709 = arith.addi %mul3A_707, %add3A_708 : i32
      %dma_wait3A_710 = arith.constant 1 : i32
      %dma_wait3A_711 = arith.constant 2 : i32
      %dma_wait3A_712 = arith.constant 0 : i32
      %dma_wait3A_713 = arith.constant 0 : i32
      %dma_wait3A_714 = tpu.memref_slice %arg7[%dma_wait3A_710, %dma_wait3A_711, %dma_wait3A_712, %dma_wait3A_713] : memref<2x5x80x32xf32, #tpu.memory_space<vmem>> -> memref<1x1x80x32xf32, #tpu.memory_space<vmem>>
      %dma_wait3A_715 = tpu.memref_squeeze %dma_wait3A_714 : memref<1x1x80x32xf32, #tpu.memory_space<vmem>> -> memref<80x32xf32, #tpu.memory_space<vmem>>
      %dma_wait3A_716 = arith.constant 0 : i32
      %dma_wait3A_717 = tpu.memref_slice %arg5[%add3A_709, %dma_wait3A_716] : memref<125x80xi32, #tpu.memory_space<vmem>> -> memref<1x80xi32, #tpu.memory_space<vmem>>
      %dma_wait3A_718 = tpu.memref_squeeze %dma_wait3A_717 : memref<1x80xi32, #tpu.memory_space<vmem>> -> memref<80xi32, #tpu.memory_space<vmem>>
      %dma_wait3A_719 = arith.constant 0 : i32
      %dma_wait3A_720 = arith.constant 0 : i32
      %dma_wait3A_721 = tpu.memref_slice %arg2[%dma_wait3A_719, %dma_wait3A_720] : memref<10000x32xf32, #tpu.memory_space<hbm>> -> memref<10000x32xf32, #tpu.memory_space<hbm>>
      tpu.wait_indirect_dma semaphore(%arg11 : memref<!tpu.dma_semaphore, #tpu.memory_space<semaphore_mem>>) src(%dma_wait3A_721 : memref<10000x32xf32, #tpu.memory_space<hbm>>) dst(%dma_wait3A_715 : memref<80x32xf32, #tpu.memory_space<vmem>>)
      %mul3A_722 = arith.constant 5 : i32
      %mul3A_723 = arith.muli %add3A_673, %mul3A_722 : i32
      %add3A_724 = arith.constant 3 : i32
      %add3A_725 = arith.addi %mul3A_723, %add3A_724 : i32
      %dma_wait3A_726 = arith.constant 1 : i32
      %dma_wait3A_727 = arith.constant 3 : i32
      %dma_wait3A_728 = arith.constant 0 : i32
      %dma_wait3A_729 = arith.constant 0 : i32
      %dma_wait3A_730 = tpu.memref_slice %arg7[%dma_wait3A_726, %dma_wait3A_727, %dma_wait3A_728, %dma_wait3A_729] : memref<2x5x80x32xf32, #tpu.memory_space<vmem>> -> memref<1x1x80x32xf32, #tpu.memory_space<vmem>>
      %dma_wait3A_731 = tpu.memref_squeeze %dma_wait3A_730 : memref<1x1x80x32xf32, #tpu.memory_space<vmem>> -> memref<80x32xf32, #tpu.memory_space<vmem>>
      %dma_wait3A_732 = arith.constant 0 : i32
      %dma_wait3A_733 = tpu.memref_slice %arg5[%add3A_725, %dma_wait3A_732] : memref<125x80xi32, #tpu.memory_space<vmem>> -> memref<1x80xi32, #tpu.memory_space<vmem>>
      %dma_wait3A_734 = tpu.memref_squeeze %dma_wait3A_733 : memref<1x80xi32, #tpu.memory_space<vmem>> -> memref<80xi32, #tpu.memory_space<vmem>>
      %dma_wait3A_735 = arith.constant 0 : i32
      %dma_wait3A_736 = arith.constant 0 : i32
      %dma_wait3A_737 = tpu.memref_slice %arg2[%dma_wait3A_735, %dma_wait3A_736] : memref<10000x32xf32, #tpu.memory_space<hbm>> -> memref<10000x32xf32, #tpu.memory_space<hbm>>
      tpu.wait_indirect_dma semaphore(%arg11 : memref<!tpu.dma_semaphore, #tpu.memory_space<semaphore_mem>>) src(%dma_wait3A_737 : memref<10000x32xf32, #tpu.memory_space<hbm>>) dst(%dma_wait3A_731 : memref<80x32xf32, #tpu.memory_space<vmem>>)
      %mul3A_738 = arith.constant 5 : i32
      %mul3A_739 = arith.muli %add3A_673, %mul3A_738 : i32
      %add3A_740 = arith.constant 4 : i32
      %add3A_741 = arith.addi %mul3A_739, %add3A_740 : i32
      %dma_wait3A_742 = arith.constant 1 : i32
      %dma_wait3A_743 = arith.constant 4 : i32
      %dma_wait3A_744 = arith.constant 0 : i32
      %dma_wait3A_745 = arith.constant 0 : i32
      %dma_wait3A_746 = tpu.memref_slice %arg7[%dma_wait3A_742, %dma_wait3A_743, %dma_wait3A_744, %dma_wait3A_745] : memref<2x5x80x32xf32, #tpu.memory_space<vmem>> -> memref<1x1x80x32xf32, #tpu.memory_space<vmem>>
      %dma_wait3A_747 = tpu.memref_squeeze %dma_wait3A_746 : memref<1x1x80x32xf32, #tpu.memory_space<vmem>> -> memref<80x32xf32, #tpu.memory_space<vmem>>
      %dma_wait3A_748 = arith.constant 0 : i32
      %dma_wait3A_749 = tpu.memref_slice %arg5[%add3A_741, %dma_wait3A_748] : memref<125x80xi32, #tpu.memory_space<vmem>> -> memref<1x80xi32, #tpu.memory_space<vmem>>
      %dma_wait3A_750 = tpu.memref_squeeze %dma_wait3A_749 : memref<1x80xi32, #tpu.memory_space<vmem>> -> memref<80xi32, #tpu.memory_space<vmem>>
      %dma_wait3A_751 = arith.constant 0 : i32
      %dma_wait3A_752 = arith.constant 0 : i32
      %dma_wait3A_753 = tpu.memref_slice %arg2[%dma_wait3A_751, %dma_wait3A_752] : memref<10000x32xf32, #tpu.memory_space<hbm>> -> memref<10000x32xf32, #tpu.memory_space<hbm>>
      tpu.wait_indirect_dma semaphore(%arg11 : memref<!tpu.dma_semaphore, #tpu.memory_space<semaphore_mem>>) src(%dma_wait3A_753 : memref<10000x32xf32, #tpu.memory_space<hbm>>) dst(%dma_wait3A_747 : memref<80x32xf32, #tpu.memory_space<vmem>>)
      %mul3A_754 = arith.constant 5 : i32
      %mul3A_755 = arith.muli %add3A_673, %mul3A_754 : i32
      %add3A_756 = arith.constant 0 : i32
      %add3A_757 = arith.addi %mul3A_755, %add3A_756 : i32
      %dma_start3A_758 = arith.constant 1 : i32
      %dma_start3A_759 = arith.constant 0 : i32
      %dma_start3A_760 = arith.constant 0 : i32
      %dma_start3A_761 = arith.constant 0 : i32
      %dma_start3A_762 = tpu.memref_slice %arg7[%dma_start3A_758, %dma_start3A_759, %dma_start3A_760, %dma_start3A_761] : memref<2x5x80x32xf32, #tpu.memory_space<vmem>> -> memref<1x1x80x32xf32, #tpu.memory_space<vmem>>
      %dma_start3A_763 = tpu.memref_squeeze %dma_start3A_762 : memref<1x1x80x32xf32, #tpu.memory_space<vmem>> -> memref<80x32xf32, #tpu.memory_space<vmem>>
      %dma_start3A_764 = arith.constant 0 : i32
      %dma_start3A_765 = tpu.memref_slice %arg6[%add3A_757, %dma_start3A_764] : memref<125x80xi32, #tpu.memory_space<vmem>> -> memref<1x80xi32, #tpu.memory_space<vmem>>
      %dma_start3A_766 = tpu.memref_squeeze %dma_start3A_765 : memref<1x80xi32, #tpu.memory_space<vmem>> -> memref<80xi32, #tpu.memory_space<vmem>>
      %dma_start3A_767 = arith.constant 0 : i32
      %dma_start3A_768 = arith.constant 0 : i32
      %dma_start3A_769 = tpu.memref_slice %arg9[%dma_start3A_767, %dma_start3A_768] : memref<10240x32xf32, #tpu.memory_space<vmem_shared>> -> memref<10240x32xf32, #tpu.memory_space<vmem_shared>>
      tpu.enqueue_indirect_dma source(%dma_start3A_763 : memref<80x32xf32, #tpu.memory_space<vmem>>) target(%dma_start3A_769 : memref<10240x32xf32, #tpu.memory_space<vmem_shared>>) offsets(%dma_start3A_766 : memref<80xi32, #tpu.memory_space<vmem>>) semaphore(%arg12 : memref<!tpu.dma_semaphore, #tpu.memory_space<semaphore_mem>>) {add = true}
      %mul3A_770 = arith.constant 5 : i32
      %mul3A_771 = arith.muli %add3A_673, %mul3A_770 : i32
      %add3A_772 = arith.constant 1 : i32
      %add3A_773 = arith.addi %mul3A_771, %add3A_772 : i32
      %dma_start3A_774 = arith.constant 1 : i32
      %dma_start3A_775 = arith.constant 1 : i32
      %dma_start3A_776 = arith.constant 0 : i32
      %dma_start3A_777 = arith.constant 0 : i32
      %dma_start3A_778 = tpu.memref_slice %arg7[%dma_start3A_774, %dma_start3A_775, %dma_start3A_776, %dma_start3A_777] : memref<2x5x80x32xf32, #tpu.memory_space<vmem>> -> memref<1x1x80x32xf32, #tpu.memory_space<vmem>>
      %dma_start3A_779 = tpu.memref_squeeze %dma_start3A_778 : memref<1x1x80x32xf32, #tpu.memory_space<vmem>> -> memref<80x32xf32, #tpu.memory_space<vmem>>
      %dma_start3A_780 = arith.constant 0 : i32
      %dma_start3A_781 = tpu.memref_slice %arg6[%add3A_773, %dma_start3A_780] : memref<125x80xi32, #tpu.memory_space<vmem>> -> memref<1x80xi32, #tpu.memory_space<vmem>>
      %dma_start3A_782 = tpu.memref_squeeze %dma_start3A_781 : memref<1x80xi32, #tpu.memory_space<vmem>> -> memref<80xi32, #tpu.memory_space<vmem>>
      %dma_start3A_783 = arith.constant 0 : i32
      %dma_start3A_784 = arith.constant 0 : i32
      %dma_start3A_785 = tpu.memref_slice %arg9[%dma_start3A_783, %dma_start3A_784] : memref<10240x32xf32, #tpu.memory_space<vmem_shared>> -> memref<10240x32xf32, #tpu.memory_space<vmem_shared>>
      tpu.enqueue_indirect_dma source(%dma_start3A_779 : memref<80x32xf32, #tpu.memory_space<vmem>>) target(%dma_start3A_785 : memref<10240x32xf32, #tpu.memory_space<vmem_shared>>) offsets(%dma_start3A_782 : memref<80xi32, #tpu.memory_space<vmem>>) semaphore(%arg12 : memref<!tpu.dma_semaphore, #tpu.memory_space<semaphore_mem>>) {add = true}
      %mul3A_786 = arith.constant 5 : i32
      %mul3A_787 = arith.muli %add3A_673, %mul3A_786 : i32
      %add3A_788 = arith.constant 2 : i32
      %add3A_789 = arith.addi %mul3A_787, %add3A_788 : i32
      %dma_start3A_790 = arith.constant 1 : i32
      %dma_start3A_791 = arith.constant 2 : i32
      %dma_start3A_792 = arith.constant 0 : i32
      %dma_start3A_793 = arith.constant 0 : i32
      %dma_start3A_794 = tpu.memref_slice %arg7[%dma_start3A_790, %dma_start3A_791, %dma_start3A_792, %dma_start3A_793] : memref<2x5x80x32xf32, #tpu.memory_space<vmem>> -> memref<1x1x80x32xf32, #tpu.memory_space<vmem>>
      %dma_start3A_795 = tpu.memref_squeeze %dma_start3A_794 : memref<1x1x80x32xf32, #tpu.memory_space<vmem>> -> memref<80x32xf32, #tpu.memory_space<vmem>>
      %dma_start3A_796 = arith.constant 0 : i32
      %dma_start3A_797 = tpu.memref_slice %arg6[%add3A_789, %dma_start3A_796] : memref<125x80xi32, #tpu.memory_space<vmem>> -> memref<1x80xi32, #tpu.memory_space<vmem>>
      %dma_start3A_798 = tpu.memref_squeeze %dma_start3A_797 : memref<1x80xi32, #tpu.memory_space<vmem>> -> memref<80xi32, #tpu.memory_space<vmem>>
      %dma_start3A_799 = arith.constant 0 : i32
      %dma_start3A_800 = arith.constant 0 : i32
      %dma_start3A_801 = tpu.memref_slice %arg9[%dma_start3A_799, %dma_start3A_800] : memref<10240x32xf32, #tpu.memory_space<vmem_shared>> -> memref<10240x32xf32, #tpu.memory_space<vmem_shared>>
      tpu.enqueue_indirect_dma source(%dma_start3A_795 : memref<80x32xf32, #tpu.memory_space<vmem>>) target(%dma_start3A_801 : memref<10240x32xf32, #tpu.memory_space<vmem_shared>>) offsets(%dma_start3A_798 : memref<80xi32, #tpu.memory_space<vmem>>) semaphore(%arg12 : memref<!tpu.dma_semaphore, #tpu.memory_space<semaphore_mem>>) {add = true}
      %mul3A_802 = arith.constant 5 : i32
      %mul3A_803 = arith.muli %add3A_673, %mul3A_802 : i32
      %add3A_804 = arith.constant 3 : i32
      %add3A_805 = arith.addi %mul3A_803, %add3A_804 : i32
      %dma_start3A_806 = arith.constant 1 : i32
      %dma_start3A_807 = arith.constant 3 : i32
      %dma_start3A_808 = arith.constant 0 : i32
      %dma_start3A_809 = arith.constant 0 : i32
      %dma_start3A_810 = tpu.memref_slice %arg7[%dma_start3A_806, %dma_start3A_807, %dma_start3A_808, %dma_start3A_809] : memref<2x5x80x32xf32, #tpu.memory_space<vmem>> -> memref<1x1x80x32xf32, #tpu.memory_space<vmem>>
      %dma_start3A_811 = tpu.memref_squeeze %dma_start3A_810 : memref<1x1x80x32xf32, #tpu.memory_space<vmem>> -> memref<80x32xf32, #tpu.memory_space<vmem>>
      %dma_start3A_812 = arith.constant 0 : i32
      %dma_start3A_813 = tpu.memref_slice %arg6[%add3A_805, %dma_start3A_812] : memref<125x80xi32, #tpu.memory_space<vmem>> -> memref<1x80xi32, #tpu.memory_space<vmem>>
      %dma_start3A_814 = tpu.memref_squeeze %dma_start3A_813 : memref<1x80xi32, #tpu.memory_space<vmem>> -> memref<80xi32, #tpu.memory_space<vmem>>
      %dma_start3A_815 = arith.constant 0 : i32
      %dma_start3A_816 = arith.constant 0 : i32
      %dma_start3A_817 = tpu.memref_slice %arg9[%dma_start3A_815, %dma_start3A_816] : memref<10240x32xf32, #tpu.memory_space<vmem_shared>> -> memref<10240x32xf32, #tpu.memory_space<vmem_shared>>
      tpu.enqueue_indirect_dma source(%dma_start3A_811 : memref<80x32xf32, #tpu.memory_space<vmem>>) target(%dma_start3A_817 : memref<10240x32xf32, #tpu.memory_space<vmem_shared>>) offsets(%dma_start3A_814 : memref<80xi32, #tpu.memory_space<vmem>>) semaphore(%arg12 : memref<!tpu.dma_semaphore, #tpu.memory_space<semaphore_mem>>) {add = true}
      %mul3A_818 = arith.constant 5 : i32
      %mul3A_819 = arith.muli %add3A_673, %mul3A_818 : i32
      %add3A_820 = arith.constant 4 : i32
      %add3A_821 = arith.addi %mul3A_819, %add3A_820 : i32
      %dma_start3A_822 = arith.constant 1 : i32
      %dma_start3A_823 = arith.constant 4 : i32
      %dma_start3A_824 = arith.constant 0 : i32
      %dma_start3A_825 = arith.constant 0 : i32
      %dma_start3A_826 = tpu.memref_slice %arg7[%dma_start3A_822, %dma_start3A_823, %dma_start3A_824, %dma_start3A_825] : memref<2x5x80x32xf32, #tpu.memory_space<vmem>> -> memref<1x1x80x32xf32, #tpu.memory_space<vmem>>
      %dma_start3A_827 = tpu.memref_squeeze %dma_start3A_826 : memref<1x1x80x32xf32, #tpu.memory_space<vmem>> -> memref<80x32xf32, #tpu.memory_space<vmem>>
      %dma_start3A_828 = arith.constant 0 : i32
      %dma_start3A_829 = tpu.memref_slice %arg6[%add3A_821, %dma_start3A_828] : memref<125x80xi32, #tpu.memory_space<vmem>> -> memref<1x80xi32, #tpu.memory_space<vmem>>
      %dma_start3A_830 = tpu.memref_squeeze %dma_start3A_829 : memref<1x80xi32, #tpu.memory_space<vmem>> -> memref<80xi32, #tpu.memory_space<vmem>>
      %dma_start3A_831 = arith.constant 0 : i32
      %dma_start3A_832 = arith.constant 0 : i32
      %dma_start3A_833 = tpu.memref_slice %arg9[%dma_start3A_831, %dma_start3A_832] : memref<10240x32xf32, #tpu.memory_space<vmem_shared>> -> memref<10240x32xf32, #tpu.memory_space<vmem_shared>>
      tpu.enqueue_indirect_dma source(%dma_start3A_827 : memref<80x32xf32, #tpu.memory_space<vmem>>) target(%dma_start3A_833 : memref<10240x32xf32, #tpu.memory_space<vmem_shared>>) offsets(%dma_start3A_830 : memref<80xi32, #tpu.memory_space<vmem>>) semaphore(%arg12 : memref<!tpu.dma_semaphore, #tpu.memory_space<semaphore_mem>>) {add = true}
      %dma_wait3A_834 = arith.constant 1 : i32
      %dma_wait3A_835 = arith.constant 0 : i32
      %dma_wait3A_836 = arith.constant 0 : i32
      %dma_wait3A_837 = arith.constant 0 : i32
      %dma_wait3A_838 = tpu.memref_slice %arg7[%dma_wait3A_834, %dma_wait3A_835, %dma_wait3A_836, %dma_wait3A_837] : memref<2x5x80x32xf32, #tpu.memory_space<vmem>> -> memref<1x1x80x32xf32, #tpu.memory_space<vmem>>
      %dma_wait3A_839 = tpu.memref_squeeze %dma_wait3A_838 : memref<1x1x80x32xf32, #tpu.memory_space<vmem>> -> memref<80x32xf32, #tpu.memory_space<vmem>>
      %dma_wait3A_840 = arith.constant 0 : i32
      %dma_wait3A_841 = tpu.memref_slice %arg6[%add3A_757, %dma_wait3A_840] : memref<125x80xi32, #tpu.memory_space<vmem>> -> memref<1x80xi32, #tpu.memory_space<vmem>>
      %dma_wait3A_842 = tpu.memref_squeeze %dma_wait3A_841 : memref<1x80xi32, #tpu.memory_space<vmem>> -> memref<80xi32, #tpu.memory_space<vmem>>
      %dma_wait3A_843 = arith.constant 0 : i32
      %dma_wait3A_844 = arith.constant 0 : i32
      %dma_wait3A_845 = tpu.memref_slice %arg9[%dma_wait3A_843, %dma_wait3A_844] : memref<10240x32xf32, #tpu.memory_space<vmem_shared>> -> memref<10240x32xf32, #tpu.memory_space<vmem_shared>>
      tpu.wait_indirect_dma semaphore(%arg12 : memref<!tpu.dma_semaphore, #tpu.memory_space<semaphore_mem>>) src(%dma_wait3A_839 : memref<80x32xf32, #tpu.memory_space<vmem>>) dst(%dma_wait3A_845 : memref<10240x32xf32, #tpu.memory_space<vmem_shared>>)
      %dma_wait3A_846 = arith.constant 1 : i32
      %dma_wait3A_847 = arith.constant 1 : i32
      %dma_wait3A_848 = arith.constant 0 : i32
      %dma_wait3A_849 = arith.constant 0 : i32
      %dma_wait3A_850 = tpu.memref_slice %arg7[%dma_wait3A_846, %dma_wait3A_847, %dma_wait3A_848, %dma_wait3A_849] : memref<2x5x80x32xf32, #tpu.memory_space<vmem>> -> memref<1x1x80x32xf32, #tpu.memory_space<vmem>>
      %dma_wait3A_851 = tpu.memref_squeeze %dma_wait3A_850 : memref<1x1x80x32xf32, #tpu.memory_space<vmem>> -> memref<80x32xf32, #tpu.memory_space<vmem>>
      %dma_wait3A_852 = arith.constant 0 : i32
      %dma_wait3A_853 = tpu.memref_slice %arg6[%add3A_773, %dma_wait3A_852] : memref<125x80xi32, #tpu.memory_space<vmem>> -> memref<1x80xi32, #tpu.memory_space<vmem>>
      %dma_wait3A_854 = tpu.memref_squeeze %dma_wait3A_853 : memref<1x80xi32, #tpu.memory_space<vmem>> -> memref<80xi32, #tpu.memory_space<vmem>>
      %dma_wait3A_855 = arith.constant 0 : i32
      %dma_wait3A_856 = arith.constant 0 : i32
      %dma_wait3A_857 = tpu.memref_slice %arg9[%dma_wait3A_855, %dma_wait3A_856] : memref<10240x32xf32, #tpu.memory_space<vmem_shared>> -> memref<10240x32xf32, #tpu.memory_space<vmem_shared>>
      tpu.wait_indirect_dma semaphore(%arg12 : memref<!tpu.dma_semaphore, #tpu.memory_space<semaphore_mem>>) src(%dma_wait3A_851 : memref<80x32xf32, #tpu.memory_space<vmem>>) dst(%dma_wait3A_857 : memref<10240x32xf32, #tpu.memory_space<vmem_shared>>)
      %dma_wait3A_858 = arith.constant 1 : i32
      %dma_wait3A_859 = arith.constant 2 : i32
      %dma_wait3A_860 = arith.constant 0 : i32
      %dma_wait3A_861 = arith.constant 0 : i32
      %dma_wait3A_862 = tpu.memref_slice %arg7[%dma_wait3A_858, %dma_wait3A_859, %dma_wait3A_860, %dma_wait3A_861] : memref<2x5x80x32xf32, #tpu.memory_space<vmem>> -> memref<1x1x80x32xf32, #tpu.memory_space<vmem>>
      %dma_wait3A_863 = tpu.memref_squeeze %dma_wait3A_862 : memref<1x1x80x32xf32, #tpu.memory_space<vmem>> -> memref<80x32xf32, #tpu.memory_space<vmem>>
      %dma_wait3A_864 = arith.constant 0 : i32
      %dma_wait3A_865 = tpu.memref_slice %arg6[%add3A_789, %dma_wait3A_864] : memref<125x80xi32, #tpu.memory_space<vmem>> -> memref<1x80xi32, #tpu.memory_space<vmem>>
      %dma_wait3A_866 = tpu.memref_squeeze %dma_wait3A_865 : memref<1x80xi32, #tpu.memory_space<vmem>> -> memref<80xi32, #tpu.memory_space<vmem>>
      %dma_wait3A_867 = arith.constant 0 : i32
      %dma_wait3A_868 = arith.constant 0 : i32
      %dma_wait3A_869 = tpu.memref_slice %arg9[%dma_wait3A_867, %dma_wait3A_868] : memref<10240x32xf32, #tpu.memory_space<vmem_shared>> -> memref<10240x32xf32, #tpu.memory_space<vmem_shared>>
      tpu.wait_indirect_dma semaphore(%arg12 : memref<!tpu.dma_semaphore, #tpu.memory_space<semaphore_mem>>) src(%dma_wait3A_863 : memref<80x32xf32, #tpu.memory_space<vmem>>) dst(%dma_wait3A_869 : memref<10240x32xf32, #tpu.memory_space<vmem_shared>>)
      %dma_wait3A_870 = arith.constant 1 : i32
      %dma_wait3A_871 = arith.constant 3 : i32
      %dma_wait3A_872 = arith.constant 0 : i32
      %dma_wait3A_873 = arith.constant 0 : i32
      %dma_wait3A_874 = tpu.memref_slice %arg7[%dma_wait3A_870, %dma_wait3A_871, %dma_wait3A_872, %dma_wait3A_873] : memref<2x5x80x32xf32, #tpu.memory_space<vmem>> -> memref<1x1x80x32xf32, #tpu.memory_space<vmem>>
      %dma_wait3A_875 = tpu.memref_squeeze %dma_wait3A_874 : memref<1x1x80x32xf32, #tpu.memory_space<vmem>> -> memref<80x32xf32, #tpu.memory_space<vmem>>
      %dma_wait3A_876 = arith.constant 0 : i32
      %dma_wait3A_877 = tpu.memref_slice %arg6[%add3A_805, %dma_wait3A_876] : memref<125x80xi32, #tpu.memory_space<vmem>> -> memref<1x80xi32, #tpu.memory_space<vmem>>
      %dma_wait3A_878 = tpu.memref_squeeze %dma_wait3A_877 : memref<1x80xi32, #tpu.memory_space<vmem>> -> memref<80xi32, #tpu.memory_space<vmem>>
      %dma_wait3A_879 = arith.constant 0 : i32
      %dma_wait3A_880 = arith.constant 0 : i32
      %dma_wait3A_881 = tpu.memref_slice %arg9[%dma_wait3A_879, %dma_wait3A_880] : memref<10240x32xf32, #tpu.memory_space<vmem_shared>> -> memref<10240x32xf32, #tpu.memory_space<vmem_shared>>
      tpu.wait_indirect_dma semaphore(%arg12 : memref<!tpu.dma_semaphore, #tpu.memory_space<semaphore_mem>>) src(%dma_wait3A_875 : memref<80x32xf32, #tpu.memory_space<vmem>>) dst(%dma_wait3A_881 : memref<10240x32xf32, #tpu.memory_space<vmem_shared>>)
      %dma_wait3A_882 = arith.constant 1 : i32
      %dma_wait3A_883 = arith.constant 4 : i32
      %dma_wait3A_884 = arith.constant 0 : i32
      %dma_wait3A_885 = arith.constant 0 : i32
      %dma_wait3A_886 = tpu.memref_slice %arg7[%dma_wait3A_882, %dma_wait3A_883, %dma_wait3A_884, %dma_wait3A_885] : memref<2x5x80x32xf32, #tpu.memory_space<vmem>> -> memref<1x1x80x32xf32, #tpu.memory_space<vmem>>
      %dma_wait3A_887 = tpu.memref_squeeze %dma_wait3A_886 : memref<1x1x80x32xf32, #tpu.memory_space<vmem>> -> memref<80x32xf32, #tpu.memory_space<vmem>>
      %dma_wait3A_888 = arith.constant 0 : i32
      %dma_wait3A_889 = tpu.memref_slice %arg6[%add3A_821, %dma_wait3A_888] : memref<125x80xi32, #tpu.memory_space<vmem>> -> memref<1x80xi32, #tpu.memory_space<vmem>>
      %dma_wait3A_890 = tpu.memref_squeeze %dma_wait3A_889 : memref<1x80xi32, #tpu.memory_space<vmem>> -> memref<80xi32, #tpu.memory_space<vmem>>
      %dma_wait3A_891 = arith.constant 0 : i32
      %dma_wait3A_892 = arith.constant 0 : i32
      %dma_wait3A_893 = tpu.memref_slice %arg9[%dma_wait3A_891, %dma_wait3A_892] : memref<10240x32xf32, #tpu.memory_space<vmem_shared>> -> memref<10240x32xf32, #tpu.memory_space<vmem_shared>>
      tpu.wait_indirect_dma semaphore(%arg12 : memref<!tpu.dma_semaphore, #tpu.memory_space<semaphore_mem>>) src(%dma_wait3A_887 : memref<80x32xf32, #tpu.memory_space<vmem>>) dst(%dma_wait3A_893 : memref<10240x32xf32, #tpu.memory_space<vmem_shared>>)
      %scan3A_894 = arith.constant 0 : i32
      scf.yield %scan3A_894 : i32
    }
    %scan3A_84 = arith.constant 12 : i32
    %dma_wait3A = arith.constant 120 : i32
    %dma_wait3A_85 = arith.constant 0 : i32
    %dma_wait3A_86 = arith.constant 0 : i32
    %dma_wait3A_87 = arith.constant 0 : i32
    %dma_wait3A_88 = arith.constant 0 : i32
    %dma_wait3A_89 = tpu.memref_slice %arg7[%dma_wait3A_85, %dma_wait3A_86, %dma_wait3A_87, %dma_wait3A_88] : memref<2x5x80x32xf32, #tpu.memory_space<vmem>> -> memref<1x1x80x32xf32, #tpu.memory_space<vmem>>
    %dma_wait3A_90 = tpu.memref_squeeze %dma_wait3A_89 : memref<1x1x80x32xf32, #tpu.memory_space<vmem>> -> memref<80x32xf32, #tpu.memory_space<vmem>>
    %dma_wait3A_91 = arith.constant 0 : i32
    %dma_wait3A_92 = tpu.memref_slice %arg5[%dma_wait3A, %dma_wait3A_91] : memref<125x80xi32, #tpu.memory_space<vmem>> -> memref<1x80xi32, #tpu.memory_space<vmem>>
    %dma_wait3A_93 = tpu.memref_squeeze %dma_wait3A_92 : memref<1x80xi32, #tpu.memory_space<vmem>> -> memref<80xi32, #tpu.memory_space<vmem>>
    %dma_wait3A_94 = arith.constant 0 : i32
    %dma_wait3A_95 = arith.constant 0 : i32
    %dma_wait3A_96 = tpu.memref_slice %arg2[%dma_wait3A_94, %dma_wait3A_95] : memref<10000x32xf32, #tpu.memory_space<hbm>> -> memref<10000x32xf32, #tpu.memory_space<hbm>>
    tpu.wait_indirect_dma semaphore(%arg10 : memref<!tpu.dma_semaphore, #tpu.memory_space<semaphore_mem>>) src(%dma_wait3A_96 : memref<10000x32xf32, #tpu.memory_space<hbm>>) dst(%dma_wait3A_90 : memref<80x32xf32, #tpu.memory_space<vmem>>)
    %dma_wait3A_97 = arith.constant 121 : i32
    %dma_wait3A_98 = arith.constant 0 : i32
    %dma_wait3A_99 = arith.constant 1 : i32
    %dma_wait3A_100 = arith.constant 0 : i32
    %dma_wait3A_101 = arith.constant 0 : i32
    %dma_wait3A_102 = tpu.memref_slice %arg7[%dma_wait3A_98, %dma_wait3A_99, %dma_wait3A_100, %dma_wait3A_101] : memref<2x5x80x32xf32, #tpu.memory_space<vmem>> -> memref<1x1x80x32xf32, #tpu.memory_space<vmem>>
    %dma_wait3A_103 = tpu.memref_squeeze %dma_wait3A_102 : memref<1x1x80x32xf32, #tpu.memory_space<vmem>> -> memref<80x32xf32, #tpu.memory_space<vmem>>
    %dma_wait3A_104 = arith.constant 0 : i32
    %dma_wait3A_105 = tpu.memref_slice %arg5[%dma_wait3A_97, %dma_wait3A_104] : memref<125x80xi32, #tpu.memory_space<vmem>> -> memref<1x80xi32, #tpu.memory_space<vmem>>
    %dma_wait3A_106 = tpu.memref_squeeze %dma_wait3A_105 : memref<1x80xi32, #tpu.memory_space<vmem>> -> memref<80xi32, #tpu.memory_space<vmem>>
    %dma_wait3A_107 = arith.constant 0 : i32
    %dma_wait3A_108 = arith.constant 0 : i32
    %dma_wait3A_109 = tpu.memref_slice %arg2[%dma_wait3A_107, %dma_wait3A_108] : memref<10000x32xf32, #tpu.memory_space<hbm>> -> memref<10000x32xf32, #tpu.memory_space<hbm>>
    tpu.wait_indirect_dma semaphore(%arg10 : memref<!tpu.dma_semaphore, #tpu.memory_space<semaphore_mem>>) src(%dma_wait3A_109 : memref<10000x32xf32, #tpu.memory_space<hbm>>) dst(%dma_wait3A_103 : memref<80x32xf32, #tpu.memory_space<vmem>>)
    %dma_wait3A_110 = arith.constant 122 : i32
    %dma_wait3A_111 = arith.constant 0 : i32
    %dma_wait3A_112 = arith.constant 2 : i32
    %dma_wait3A_113 = arith.constant 0 : i32
    %dma_wait3A_114 = arith.constant 0 : i32
    %dma_wait3A_115 = tpu.memref_slice %arg7[%dma_wait3A_111, %dma_wait3A_112, %dma_wait3A_113, %dma_wait3A_114] : memref<2x5x80x32xf32, #tpu.memory_space<vmem>> -> memref<1x1x80x32xf32, #tpu.memory_space<vmem>>
    %dma_wait3A_116 = tpu.memref_squeeze %dma_wait3A_115 : memref<1x1x80x32xf32, #tpu.memory_space<vmem>> -> memref<80x32xf32, #tpu.memory_space<vmem>>
    %dma_wait3A_117 = arith.constant 0 : i32
    %dma_wait3A_118 = tpu.memref_slice %arg5[%dma_wait3A_110, %dma_wait3A_117] : memref<125x80xi32, #tpu.memory_space<vmem>> -> memref<1x80xi32, #tpu.memory_space<vmem>>
    %dma_wait3A_119 = tpu.memref_squeeze %dma_wait3A_118 : memref<1x80xi32, #tpu.memory_space<vmem>> -> memref<80xi32, #tpu.memory_space<vmem>>
    %dma_wait3A_120 = arith.constant 0 : i32
    %dma_wait3A_121 = arith.constant 0 : i32
    %dma_wait3A_122 = tpu.memref_slice %arg2[%dma_wait3A_120, %dma_wait3A_121] : memref<10000x32xf32, #tpu.memory_space<hbm>> -> memref<10000x32xf32, #tpu.memory_space<hbm>>
    tpu.wait_indirect_dma semaphore(%arg10 : memref<!tpu.dma_semaphore, #tpu.memory_space<semaphore_mem>>) src(%dma_wait3A_122 : memref<10000x32xf32, #tpu.memory_space<hbm>>) dst(%dma_wait3A_116 : memref<80x32xf32, #tpu.memory_space<vmem>>)
    %dma_wait3A_123 = arith.constant 123 : i32
    %dma_wait3A_124 = arith.constant 0 : i32
    %dma_wait3A_125 = arith.constant 3 : i32
    %dma_wait3A_126 = arith.constant 0 : i32
    %dma_wait3A_127 = arith.constant 0 : i32
    %dma_wait3A_128 = tpu.memref_slice %arg7[%dma_wait3A_124, %dma_wait3A_125, %dma_wait3A_126, %dma_wait3A_127] : memref<2x5x80x32xf32, #tpu.memory_space<vmem>> -> memref<1x1x80x32xf32, #tpu.memory_space<vmem>>
    %dma_wait3A_129 = tpu.memref_squeeze %dma_wait3A_128 : memref<1x1x80x32xf32, #tpu.memory_space<vmem>> -> memref<80x32xf32, #tpu.memory_space<vmem>>
    %dma_wait3A_130 = arith.constant 0 : i32
    %dma_wait3A_131 = tpu.memref_slice %arg5[%dma_wait3A_123, %dma_wait3A_130] : memref<125x80xi32, #tpu.memory_space<vmem>> -> memref<1x80xi32, #tpu.memory_space<vmem>>
    %dma_wait3A_132 = tpu.memref_squeeze %dma_wait3A_131 : memref<1x80xi32, #tpu.memory_space<vmem>> -> memref<80xi32, #tpu.memory_space<vmem>>
    %dma_wait3A_133 = arith.constant 0 : i32
    %dma_wait3A_134 = arith.constant 0 : i32
    %dma_wait3A_135 = tpu.memref_slice %arg2[%dma_wait3A_133, %dma_wait3A_134] : memref<10000x32xf32, #tpu.memory_space<hbm>> -> memref<10000x32xf32, #tpu.memory_space<hbm>>
    tpu.wait_indirect_dma semaphore(%arg10 : memref<!tpu.dma_semaphore, #tpu.memory_space<semaphore_mem>>) src(%dma_wait3A_135 : memref<10000x32xf32, #tpu.memory_space<hbm>>) dst(%dma_wait3A_129 : memref<80x32xf32, #tpu.memory_space<vmem>>)
    %dma_wait3A_136 = arith.constant 124 : i32
    %dma_wait3A_137 = arith.constant 0 : i32
    %dma_wait3A_138 = arith.constant 4 : i32
    %dma_wait3A_139 = arith.constant 0 : i32
    %dma_wait3A_140 = arith.constant 0 : i32
    %dma_wait3A_141 = tpu.memref_slice %arg7[%dma_wait3A_137, %dma_wait3A_138, %dma_wait3A_139, %dma_wait3A_140] : memref<2x5x80x32xf32, #tpu.memory_space<vmem>> -> memref<1x1x80x32xf32, #tpu.memory_space<vmem>>
    %dma_wait3A_142 = tpu.memref_squeeze %dma_wait3A_141 : memref<1x1x80x32xf32, #tpu.memory_space<vmem>> -> memref<80x32xf32, #tpu.memory_space<vmem>>
    %dma_wait3A_143 = arith.constant 0 : i32
    %dma_wait3A_144 = tpu.memref_slice %arg5[%dma_wait3A_136, %dma_wait3A_143] : memref<125x80xi32, #tpu.memory_space<vmem>> -> memref<1x80xi32, #tpu.memory_space<vmem>>
    %dma_wait3A_145 = tpu.memref_squeeze %dma_wait3A_144 : memref<1x80xi32, #tpu.memory_space<vmem>> -> memref<80xi32, #tpu.memory_space<vmem>>
    %dma_wait3A_146 = arith.constant 0 : i32
    %dma_wait3A_147 = arith.constant 0 : i32
    %dma_wait3A_148 = tpu.memref_slice %arg2[%dma_wait3A_146, %dma_wait3A_147] : memref<10000x32xf32, #tpu.memory_space<hbm>> -> memref<10000x32xf32, #tpu.memory_space<hbm>>
    tpu.wait_indirect_dma semaphore(%arg10 : memref<!tpu.dma_semaphore, #tpu.memory_space<semaphore_mem>>) src(%dma_wait3A_148 : memref<10000x32xf32, #tpu.memory_space<hbm>>) dst(%dma_wait3A_142 : memref<80x32xf32, #tpu.memory_space<vmem>>)
    %dma_start3A_149 = arith.constant 0 : i32
    %dma_start3A_150 = arith.constant 0 : i32
    %dma_start3A_151 = arith.constant 120 : i32
    %dma_start3A_152 = arith.constant 0 : i32
    %dma_start3A_153 = arith.constant 0 : i32
    %dma_start3A_154 = tpu.memref_slice %arg7[%dma_start3A_149, %dma_start3A_150, %dma_start3A_152, %dma_start3A_153] : memref<2x5x80x32xf32, #tpu.memory_space<vmem>> -> memref<1x1x80x32xf32, #tpu.memory_space<vmem>>
    %dma_start3A_155 = tpu.memref_squeeze %dma_start3A_154 : memref<1x1x80x32xf32, #tpu.memory_space<vmem>> -> memref<80x32xf32, #tpu.memory_space<vmem>>
    %dma_start3A_156 = arith.constant 0 : i32
    %dma_start3A_157 = tpu.memref_slice %arg6[%dma_start3A_151, %dma_start3A_156] : memref<125x80xi32, #tpu.memory_space<vmem>> -> memref<1x80xi32, #tpu.memory_space<vmem>>
    %dma_start3A_158 = tpu.memref_squeeze %dma_start3A_157 : memref<1x80xi32, #tpu.memory_space<vmem>> -> memref<80xi32, #tpu.memory_space<vmem>>
    %dma_start3A_159 = arith.constant 0 : i32
    %dma_start3A_160 = arith.constant 0 : i32
    %dma_start3A_161 = tpu.memref_slice %arg9[%dma_start3A_159, %dma_start3A_160] : memref<10240x32xf32, #tpu.memory_space<vmem_shared>> -> memref<10240x32xf32, #tpu.memory_space<vmem_shared>>
    tpu.enqueue_indirect_dma source(%dma_start3A_155 : memref<80x32xf32, #tpu.memory_space<vmem>>) target(%dma_start3A_161 : memref<10240x32xf32, #tpu.memory_space<vmem_shared>>) offsets(%dma_start3A_158 : memref<80xi32, #tpu.memory_space<vmem>>) semaphore(%arg12 : memref<!tpu.dma_semaphore, #tpu.memory_space<semaphore_mem>>) {add = true}
    %dma_start3A_162 = arith.constant 0 : i32
    %dma_start3A_163 = arith.constant 1 : i32
    %dma_start3A_164 = arith.constant 121 : i32
    %dma_start3A_165 = arith.constant 0 : i32
    %dma_start3A_166 = arith.constant 0 : i32
    %dma_start3A_167 = tpu.memref_slice %arg7[%dma_start3A_162, %dma_start3A_163, %dma_start3A_165, %dma_start3A_166] : memref<2x5x80x32xf32, #tpu.memory_space<vmem>> -> memref<1x1x80x32xf32, #tpu.memory_space<vmem>>
    %dma_start3A_168 = tpu.memref_squeeze %dma_start3A_167 : memref<1x1x80x32xf32, #tpu.memory_space<vmem>> -> memref<80x32xf32, #tpu.memory_space<vmem>>
    %dma_start3A_169 = arith.constant 0 : i32
    %dma_start3A_170 = tpu.memref_slice %arg6[%dma_start3A_164, %dma_start3A_169] : memref<125x80xi32, #tpu.memory_space<vmem>> -> memref<1x80xi32, #tpu.memory_space<vmem>>
    %dma_start3A_171 = tpu.memref_squeeze %dma_start3A_170 : memref<1x80xi32, #tpu.memory_space<vmem>> -> memref<80xi32, #tpu.memory_space<vmem>>
    %dma_start3A_172 = arith.constant 0 : i32
    %dma_start3A_173 = arith.constant 0 : i32
    %dma_start3A_174 = tpu.memref_slice %arg9[%dma_start3A_172, %dma_start3A_173] : memref<10240x32xf32, #tpu.memory_space<vmem_shared>> -> memref<10240x32xf32, #tpu.memory_space<vmem_shared>>
    tpu.enqueue_indirect_dma source(%dma_start3A_168 : memref<80x32xf32, #tpu.memory_space<vmem>>) target(%dma_start3A_174 : memref<10240x32xf32, #tpu.memory_space<vmem_shared>>) offsets(%dma_start3A_171 : memref<80xi32, #tpu.memory_space<vmem>>) semaphore(%arg12 : memref<!tpu.dma_semaphore, #tpu.memory_space<semaphore_mem>>) {add = true}
    %dma_start3A_175 = arith.constant 0 : i32
    %dma_start3A_176 = arith.constant 2 : i32
    %dma_start3A_177 = arith.constant 122 : i32
    %dma_start3A_178 = arith.constant 0 : i32
    %dma_start3A_179 = arith.constant 0 : i32
    %dma_start3A_180 = tpu.memref_slice %arg7[%dma_start3A_175, %dma_start3A_176, %dma_start3A_178, %dma_start3A_179] : memref<2x5x80x32xf32, #tpu.memory_space<vmem>> -> memref<1x1x80x32xf32, #tpu.memory_space<vmem>>
    %dma_start3A_181 = tpu.memref_squeeze %dma_start3A_180 : memref<1x1x80x32xf32, #tpu.memory_space<vmem>> -> memref<80x32xf32, #tpu.memory_space<vmem>>
    %dma_start3A_182 = arith.constant 0 : i32
    %dma_start3A_183 = tpu.memref_slice %arg6[%dma_start3A_177, %dma_start3A_182] : memref<125x80xi32, #tpu.memory_space<vmem>> -> memref<1x80xi32, #tpu.memory_space<vmem>>
    %dma_start3A_184 = tpu.memref_squeeze %dma_start3A_183 : memref<1x80xi32, #tpu.memory_space<vmem>> -> memref<80xi32, #tpu.memory_space<vmem>>
    %dma_start3A_185 = arith.constant 0 : i32
    %dma_start3A_186 = arith.constant 0 : i32
    %dma_start3A_187 = tpu.memref_slice %arg9[%dma_start3A_185, %dma_start3A_186] : memref<10240x32xf32, #tpu.memory_space<vmem_shared>> -> memref<10240x32xf32, #tpu.memory_space<vmem_shared>>
    tpu.enqueue_indirect_dma source(%dma_start3A_181 : memref<80x32xf32, #tpu.memory_space<vmem>>) target(%dma_start3A_187 : memref<10240x32xf32, #tpu.memory_space<vmem_shared>>) offsets(%dma_start3A_184 : memref<80xi32, #tpu.memory_space<vmem>>) semaphore(%arg12 : memref<!tpu.dma_semaphore, #tpu.memory_space<semaphore_mem>>) {add = true}
    %dma_start3A_188 = arith.constant 0 : i32
    %dma_start3A_189 = arith.constant 3 : i32
    %dma_start3A_190 = arith.constant 123 : i32
    %dma_start3A_191 = arith.constant 0 : i32
    %dma_start3A_192 = arith.constant 0 : i32
    %dma_start3A_193 = tpu.memref_slice %arg7[%dma_start3A_188, %dma_start3A_189, %dma_start3A_191, %dma_start3A_192] : memref<2x5x80x32xf32, #tpu.memory_space<vmem>> -> memref<1x1x80x32xf32, #tpu.memory_space<vmem>>
    %dma_start3A_194 = tpu.memref_squeeze %dma_start3A_193 : memref<1x1x80x32xf32, #tpu.memory_space<vmem>> -> memref<80x32xf32, #tpu.memory_space<vmem>>
    %dma_start3A_195 = arith.constant 0 : i32
    %dma_start3A_196 = tpu.memref_slice %arg6[%dma_start3A_190, %dma_start3A_195] : memref<125x80xi32, #tpu.memory_space<vmem>> -> memref<1x80xi32, #tpu.memory_space<vmem>>
    %dma_start3A_197 = tpu.memref_squeeze %dma_start3A_196 : memref<1x80xi32, #tpu.memory_space<vmem>> -> memref<80xi32, #tpu.memory_space<vmem>>
    %dma_start3A_198 = arith.constant 0 : i32
    %dma_start3A_199 = arith.constant 0 : i32
    %dma_start3A_200 = tpu.memref_slice %arg9[%dma_start3A_198, %dma_start3A_199] : memref<10240x32xf32, #tpu.memory_space<vmem_shared>> -> memref<10240x32xf32, #tpu.memory_space<vmem_shared>>
    tpu.enqueue_indirect_dma source(%dma_start3A_194 : memref<80x32xf32, #tpu.memory_space<vmem>>) target(%dma_start3A_200 : memref<10240x32xf32, #tpu.memory_space<vmem_shared>>) offsets(%dma_start3A_197 : memref<80xi32, #tpu.memory_space<vmem>>) semaphore(%arg12 : memref<!tpu.dma_semaphore, #tpu.memory_space<semaphore_mem>>) {add = true}
    %dma_start3A_201 = arith.constant 0 : i32
    %dma_start3A_202 = arith.constant 4 : i32
    %dma_start3A_203 = arith.constant 124 : i32
    %dma_start3A_204 = arith.constant 0 : i32
    %dma_start3A_205 = arith.constant 0 : i32
    %dma_start3A_206 = tpu.memref_slice %arg7[%dma_start3A_201, %dma_start3A_202, %dma_start3A_204, %dma_start3A_205] : memref<2x5x80x32xf32, #tpu.memory_space<vmem>> -> memref<1x1x80x32xf32, #tpu.memory_space<vmem>>
    %dma_start3A_207 = tpu.memref_squeeze %dma_start3A_206 : memref<1x1x80x32xf32, #tpu.memory_space<vmem>> -> memref<80x32xf32, #tpu.memory_space<vmem>>
    %dma_start3A_208 = arith.constant 0 : i32
    %dma_start3A_209 = tpu.memref_slice %arg6[%dma_start3A_203, %dma_start3A_208] : memref<125x80xi32, #tpu.memory_space<vmem>> -> memref<1x80xi32, #tpu.memory_space<vmem>>
    %dma_start3A_210 = tpu.memref_squeeze %dma_start3A_209 : memref<1x80xi32, #tpu.memory_space<vmem>> -> memref<80xi32, #tpu.memory_space<vmem>>
    %dma_start3A_211 = arith.constant 0 : i32
    %dma_start3A_212 = arith.constant 0 : i32
    %dma_start3A_213 = tpu.memref_slice %arg9[%dma_start3A_211, %dma_start3A_212] : memref<10240x32xf32, #tpu.memory_space<vmem_shared>> -> memref<10240x32xf32, #tpu.memory_space<vmem_shared>>
    tpu.enqueue_indirect_dma source(%dma_start3A_207 : memref<80x32xf32, #tpu.memory_space<vmem>>) target(%dma_start3A_213 : memref<10240x32xf32, #tpu.memory_space<vmem_shared>>) offsets(%dma_start3A_210 : memref<80xi32, #tpu.memory_space<vmem>>) semaphore(%arg12 : memref<!tpu.dma_semaphore, #tpu.memory_space<semaphore_mem>>) {add = true}
    %dma_wait3A_214 = arith.constant 0 : i32
    %dma_wait3A_215 = arith.constant 0 : i32
    %dma_wait3A_216 = arith.constant 120 : i32
    %dma_wait3A_217 = arith.constant 0 : i32
    %dma_wait3A_218 = arith.constant 0 : i32
    %dma_wait3A_219 = tpu.memref_slice %arg7[%dma_wait3A_214, %dma_wait3A_215, %dma_wait3A_217, %dma_wait3A_218] : memref<2x5x80x32xf32, #tpu.memory_space<vmem>> -> memref<1x1x80x32xf32, #tpu.memory_space<vmem>>
    %dma_wait3A_220 = tpu.memref_squeeze %dma_wait3A_219 : memref<1x1x80x32xf32, #tpu.memory_space<vmem>> -> memref<80x32xf32, #tpu.memory_space<vmem>>
    %dma_wait3A_221 = arith.constant 0 : i32
    %dma_wait3A_222 = tpu.memref_slice %arg6[%dma_wait3A_216, %dma_wait3A_221] : memref<125x80xi32, #tpu.memory_space<vmem>> -> memref<1x80xi32, #tpu.memory_space<vmem>>
    %dma_wait3A_223 = tpu.memref_squeeze %dma_wait3A_222 : memref<1x80xi32, #tpu.memory_space<vmem>> -> memref<80xi32, #tpu.memory_space<vmem>>
    %dma_wait3A_224 = arith.constant 0 : i32
    %dma_wait3A_225 = arith.constant 0 : i32
    %dma_wait3A_226 = tpu.memref_slice %arg9[%dma_wait3A_224, %dma_wait3A_225] : memref<10240x32xf32, #tpu.memory_space<vmem_shared>> -> memref<10240x32xf32, #tpu.memory_space<vmem_shared>>
    tpu.wait_indirect_dma semaphore(%arg12 : memref<!tpu.dma_semaphore, #tpu.memory_space<semaphore_mem>>) src(%dma_wait3A_220 : memref<80x32xf32, #tpu.memory_space<vmem>>) dst(%dma_wait3A_226 : memref<10240x32xf32, #tpu.memory_space<vmem_shared>>)
    %dma_wait3A_227 = arith.constant 0 : i32
    %dma_wait3A_228 = arith.constant 1 : i32
    %dma_wait3A_229 = arith.constant 121 : i32
    %dma_wait3A_230 = arith.constant 0 : i32
    %dma_wait3A_231 = arith.constant 0 : i32
    %dma_wait3A_232 = tpu.memref_slice %arg7[%dma_wait3A_227, %dma_wait3A_228, %dma_wait3A_230, %dma_wait3A_231] : memref<2x5x80x32xf32, #tpu.memory_space<vmem>> -> memref<1x1x80x32xf32, #tpu.memory_space<vmem>>
    %dma_wait3A_233 = tpu.memref_squeeze %dma_wait3A_232 : memref<1x1x80x32xf32, #tpu.memory_space<vmem>> -> memref<80x32xf32, #tpu.memory_space<vmem>>
    %dma_wait3A_234 = arith.constant 0 : i32
    %dma_wait3A_235 = tpu.memref_slice %arg6[%dma_wait3A_229, %dma_wait3A_234] : memref<125x80xi32, #tpu.memory_space<vmem>> -> memref<1x80xi32, #tpu.memory_space<vmem>>
    %dma_wait3A_236 = tpu.memref_squeeze %dma_wait3A_235 : memref<1x80xi32, #tpu.memory_space<vmem>> -> memref<80xi32, #tpu.memory_space<vmem>>
    %dma_wait3A_237 = arith.constant 0 : i32
    %dma_wait3A_238 = arith.constant 0 : i32
    %dma_wait3A_239 = tpu.memref_slice %arg9[%dma_wait3A_237, %dma_wait3A_238] : memref<10240x32xf32, #tpu.memory_space<vmem_shared>> -> memref<10240x32xf32, #tpu.memory_space<vmem_shared>>
    tpu.wait_indirect_dma semaphore(%arg12 : memref<!tpu.dma_semaphore, #tpu.memory_space<semaphore_mem>>) src(%dma_wait3A_233 : memref<80x32xf32, #tpu.memory_space<vmem>>) dst(%dma_wait3A_239 : memref<10240x32xf32, #tpu.memory_space<vmem_shared>>)
    %dma_wait3A_240 = arith.constant 0 : i32
    %dma_wait3A_241 = arith.constant 2 : i32
    %dma_wait3A_242 = arith.constant 122 : i32
    %dma_wait3A_243 = arith.constant 0 : i32
    %dma_wait3A_244 = arith.constant 0 : i32
    %dma_wait3A_245 = tpu.memref_slice %arg7[%dma_wait3A_240, %dma_wait3A_241, %dma_wait3A_243, %dma_wait3A_244] : memref<2x5x80x32xf32, #tpu.memory_space<vmem>> -> memref<1x1x80x32xf32, #tpu.memory_space<vmem>>
    %dma_wait3A_246 = tpu.memref_squeeze %dma_wait3A_245 : memref<1x1x80x32xf32, #tpu.memory_space<vmem>> -> memref<80x32xf32, #tpu.memory_space<vmem>>
    %dma_wait3A_247 = arith.constant 0 : i32
    %dma_wait3A_248 = tpu.memref_slice %arg6[%dma_wait3A_242, %dma_wait3A_247] : memref<125x80xi32, #tpu.memory_space<vmem>> -> memref<1x80xi32, #tpu.memory_space<vmem>>
    %dma_wait3A_249 = tpu.memref_squeeze %dma_wait3A_248 : memref<1x80xi32, #tpu.memory_space<vmem>> -> memref<80xi32, #tpu.memory_space<vmem>>
    %dma_wait3A_250 = arith.constant 0 : i32
    %dma_wait3A_251 = arith.constant 0 : i32
    %dma_wait3A_252 = tpu.memref_slice %arg9[%dma_wait3A_250, %dma_wait3A_251] : memref<10240x32xf32, #tpu.memory_space<vmem_shared>> -> memref<10240x32xf32, #tpu.memory_space<vmem_shared>>
    tpu.wait_indirect_dma semaphore(%arg12 : memref<!tpu.dma_semaphore, #tpu.memory_space<semaphore_mem>>) src(%dma_wait3A_246 : memref<80x32xf32, #tpu.memory_space<vmem>>) dst(%dma_wait3A_252 : memref<10240x32xf32, #tpu.memory_space<vmem_shared>>)
    %dma_wait3A_253 = arith.constant 0 : i32
    %dma_wait3A_254 = arith.constant 3 : i32
    %dma_wait3A_255 = arith.constant 123 : i32
    %dma_wait3A_256 = arith.constant 0 : i32
    %dma_wait3A_257 = arith.constant 0 : i32
    %dma_wait3A_258 = tpu.memref_slice %arg7[%dma_wait3A_253, %dma_wait3A_254, %dma_wait3A_256, %dma_wait3A_257] : memref<2x5x80x32xf32, #tpu.memory_space<vmem>> -> memref<1x1x80x32xf32, #tpu.memory_space<vmem>>
    %dma_wait3A_259 = tpu.memref_squeeze %dma_wait3A_258 : memref<1x1x80x32xf32, #tpu.memory_space<vmem>> -> memref<80x32xf32, #tpu.memory_space<vmem>>
    %dma_wait3A_260 = arith.constant 0 : i32
    %dma_wait3A_261 = tpu.memref_slice %arg6[%dma_wait3A_255, %dma_wait3A_260] : memref<125x80xi32, #tpu.memory_space<vmem>> -> memref<1x80xi32, #tpu.memory_space<vmem>>
    %dma_wait3A_262 = tpu.memref_squeeze %dma_wait3A_261 : memref<1x80xi32, #tpu.memory_space<vmem>> -> memref<80xi32, #tpu.memory_space<vmem>>
    %dma_wait3A_263 = arith.constant 0 : i32
    %dma_wait3A_264 = arith.constant 0 : i32
    %dma_wait3A_265 = tpu.memref_slice %arg9[%dma_wait3A_263, %dma_wait3A_264] : memref<10240x32xf32, #tpu.memory_space<vmem_shared>> -> memref<10240x32xf32, #tpu.memory_space<vmem_shared>>
    tpu.wait_indirect_dma semaphore(%arg12 : memref<!tpu.dma_semaphore, #tpu.memory_space<semaphore_mem>>) src(%dma_wait3A_259 : memref<80x32xf32, #tpu.memory_space<vmem>>) dst(%dma_wait3A_265 : memref<10240x32xf32, #tpu.memory_space<vmem_shared>>)
    %dma_wait3A_266 = arith.constant 0 : i32
    %dma_wait3A_267 = arith.constant 4 : i32
    %dma_wait3A_268 = arith.constant 124 : i32
    %dma_wait3A_269 = arith.constant 0 : i32
    %dma_wait3A_270 = arith.constant 0 : i32
    %dma_wait3A_271 = tpu.memref_slice %arg7[%dma_wait3A_266, %dma_wait3A_267, %dma_wait3A_269, %dma_wait3A_270] : memref<2x5x80x32xf32, #tpu.memory_space<vmem>> -> memref<1x1x80x32xf32, #tpu.memory_space<vmem>>
    %dma_wait3A_272 = tpu.memref_squeeze %dma_wait3A_271 : memref<1x1x80x32xf32, #tpu.memory_space<vmem>> -> memref<80x32xf32, #tpu.memory_space<vmem>>
    %dma_wait3A_273 = arith.constant 0 : i32
    %dma_wait3A_274 = tpu.memref_slice %arg6[%dma_wait3A_268, %dma_wait3A_273] : memref<125x80xi32, #tpu.memory_space<vmem>> -> memref<1x80xi32, #tpu.memory_space<vmem>>
    %dma_wait3A_275 = tpu.memref_squeeze %dma_wait3A_274 : memref<1x80xi32, #tpu.memory_space<vmem>> -> memref<80xi32, #tpu.memory_space<vmem>>
    %dma_wait3A_276 = arith.constant 0 : i32
    %dma_wait3A_277 = arith.constant 0 : i32
    %dma_wait3A_278 = tpu.memref_slice %arg9[%dma_wait3A_276, %dma_wait3A_277] : memref<10240x32xf32, #tpu.memory_space<vmem_shared>> -> memref<10240x32xf32, #tpu.memory_space<vmem_shared>>
    tpu.wait_indirect_dma semaphore(%arg12 : memref<!tpu.dma_semaphore, #tpu.memory_space<semaphore_mem>>) src(%dma_wait3A_272 : memref<80x32xf32, #tpu.memory_space<vmem>>) dst(%dma_wait3A_278 : memref<10240x32xf32, #tpu.memory_space<vmem_shared>>)
    %barrier3A_279 = arith.constant 0 : index
    tpu.barrier barrier_id(%barrier3A_279)
    %mul3A_280 = arith.constant 640 : i32
    %mul3A_281 = arith.muli %arg1, %mul3A_280 : i32
    "tpu.region"() ({
      %run_scoped3A_284 = tpu.sem_alloc : memref<!tpu.dma_semaphore, #tpu.memory_space<semaphore_mem>>
      %dma_start3A_285 = arith.constant 0 : i32
      %dma_start3A_286 = tpu.memref_slice %arg9[%mul3A_281, %dma_start3A_285] : memref<10240x32xf32, #tpu.memory_space<vmem_shared>> -> memref<640x32xf32, #tpu.memory_space<vmem_shared>>
      %dma_start3A_287 = arith.constant 0 : i32
      %dma_start3A_288 = tpu.memref_slice %arg9[%mul3A_281, %dma_start3A_287] : memref<10240x32xf32, #tpu.memory_space<vmem_shared>> -> memref<640x32xf32, #tpu.memory_space<vmem_shared>>
      tpu.enqueue_dma source(%dma_start3A_288 : memref<640x32xf32, #tpu.memory_space<vmem_shared>>) target(%arg8 : memref<640x32xf32, #tpu.memory_space<vmem>>) target_semaphore(%run_scoped3A_284 : memref<!tpu.dma_semaphore, #tpu.memory_space<semaphore_mem>>)
      %dma_wait3A_289 = arith.constant 0 : i32
      %dma_wait3A_290 = tpu.memref_slice %arg9[%mul3A_281, %dma_wait3A_289] : memref<10240x32xf32, #tpu.memory_space<vmem_shared>> -> memref<640x32xf32, #tpu.memory_space<vmem_shared>>
      %dma_wait3A_291 = arith.constant 0 : i32
      %dma_wait3A_292 = tpu.memref_slice %arg9[%mul3A_281, %dma_wait3A_291] : memref<10240x32xf32, #tpu.memory_space<vmem_shared>> -> memref<640x32xf32, #tpu.memory_space<vmem_shared>>
      tpu.wait_dma2 semaphore(%run_scoped3A_284 : memref<!tpu.dma_semaphore, #tpu.memory_space<semaphore_mem>>) src(%dma_wait3A_292 : memref<640x32xf32, #tpu.memory_space<vmem_shared>>) dst(%arg8 : memref<640x32xf32, #tpu.memory_space<vmem>>)
      tpu.yield
    }) : () -> ()
    %mul3A_282 = arith.constant 640 : i32
    %mul3A_283 = arith.muli %arg1, %mul3A_282 : i32
    "tpu.region"() ({
      %run_scoped3A_284 = tpu.sem_alloc : memref<!tpu.dma_semaphore, #tpu.memory_space<semaphore_mem>>
      %dma_start3A_285 = arith.constant 0 : i32
      %dma_start3A_286 = tpu.memref_slice %arg4[%arg0, %mul3A_283, %dma_start3A_285] : memref<2x10240x32xf32, #tpu.memory_space<hbm>> -> memref<1x640x32xf32, #tpu.memory_space<hbm>>
      %dma_start3A_287 = tpu.memref_squeeze %dma_start3A_286 : memref<1x640x32xf32, #tpu.memory_space<hbm>> -> memref<640x32xf32, #tpu.memory_space<hbm>>
      %dma_start3A_288 = arith.constant 0 : i32
      %dma_start3A_289 = tpu.memref_slice %arg4[%arg0, %mul3A_283, %dma_start3A_288] : memref<2x10240x32xf32, #tpu.memory_space<hbm>> -> memref<1x640x32xf32, #tpu.memory_space<hbm>>
      %dma_start3A_290 = tpu.memref_squeeze %dma_start3A_289 : memref<1x640x32xf32, #tpu.memory_space<hbm>> -> memref<640x32xf32, #tpu.memory_space<hbm>>
      tpu.enqueue_dma source(%arg8 : memref<640x32xf32, #tpu.memory_space<vmem>>) target(%dma_start3A_290 : memref<640x32xf32, #tpu.memory_space<hbm>>) target_semaphore(%run_scoped3A_284 : memref<!tpu.dma_semaphore, #tpu.memory_space<semaphore_mem>>)
      %dma_wait3A_291 = arith.constant 0 : i32
      %dma_wait3A_292 = tpu.memref_slice %arg4[%arg0, %mul3A_283, %dma_wait3A_291] : memref<2x10240x32xf32, #tpu.memory_space<hbm>> -> memref<1x640x32xf32, #tpu.memory_space<hbm>>
      %dma_wait3A_293 = tpu.memref_squeeze %dma_wait3A_292 : memref<1x640x32xf32, #tpu.memory_space<hbm>> -> memref<640x32xf32, #tpu.memory_space<hbm>>
      %dma_wait3A_294 = arith.constant 0 : i32
      %dma_wait3A_295 = tpu.memref_slice %arg4[%arg0, %mul3A_283, %dma_wait3A_294] : memref<2x10240x32xf32, #tpu.memory_space<hbm>> -> memref<1x640x32xf32, #tpu.memory_space<hbm>>
      %dma_wait3A_296 = tpu.memref_squeeze %dma_wait3A_295 : memref<1x640x32xf32, #tpu.memory_space<hbm>> -> memref<640x32xf32, #tpu.memory_space<hbm>>
      tpu.wait_dma2 semaphore(%run_scoped3A_284 : memref<!tpu.dma_semaphore, #tpu.memory_space<semaphore_mem>>) src(%arg8 : memref<640x32xf32, #tpu.memory_space<vmem>>) dst(%dma_wait3A_296 : memref<640x32xf32, #tpu.memory_space<hbm>>)
      tpu.yield
    }) : () -> ()
    return
  }
}

#map = affine_map<(d0, d1) -> (0, 0)>
#map1 = affine_map<(d0, d1) -> (0, 0, 0)>
module attributes {stable_mosaic.version = 14 : i64} {
  func.func @agg_kernel(%arg0: i32, %arg1: i32, %arg2: memref<10000x32xf32, #tpu.memory_space<hbm>>, %arg3: memref<2x4000x80xi32, #tpu.memory_space<hbm>>, %arg4: memref<2x10240x32xf32, #tpu.memory_space<hbm>>, %arg5: memref<125x80xi32, #tpu.memory_space<vmem>>, %arg6: memref<125x80xi32, #tpu.memory_space<vmem>>, %arg7: memref<2x5x80x32xf32, #tpu.memory_space<vmem>>, %arg8: memref<640x32xf32, #tpu.memory_space<vmem>>, %arg9: memref<10240x32xf32, #tpu.memory_space<vmem_shared>>, %arg10: memref<!tpu.dma_semaphore, #tpu.memory_space<semaphore_mem>>, %arg11: memref<!tpu.dma_semaphore, #tpu.memory_space<semaphore_mem>>, %arg12: memref<!tpu.dma_semaphore, #tpu.memory_space<semaphore_mem>>) attributes {dimension_semantics = [#tpu.dimension_semantics<core_parallel>, #tpu.dimension_semantics<subcore_parallel>], iteration_bounds = array<i64: 2, 16>, scalar_prefetch = 0 : i64, scratch_operands = 8 : i64, tpu.core_type = #tpu.core_type<sc_vector_subcore>, window_params = [{transform_indices = #map}, {transform_indices = #map1}, {transform_indices = #map1}]} {
    %mul3A = arith.constant 2 : i32
    %mul3A_0 = arith.muli %arg1, %mul3A : i32
    %add3A = arith.addi %mul3A_0, %arg0 : i32
    %mul3A_1 = arith.constant 125 : i32
    %mul3A_2 = arith.muli %add3A, %mul3A_1 : i32
    %run_scoped3A = arith.constant 0 : i32
    "tpu.region"() ({
      %run_scoped3A_284 = tpu.sem_alloc : memref<!tpu.dma_semaphore, #tpu.memory_space<semaphore_mem>>
      %dma_start3A_285 = arith.constant 0 : i32
      %dma_start3A_286 = tpu.memref_slice %arg3[%run_scoped3A, %mul3A_2, %dma_start3A_285] : memref<2x4000x80xi32, #tpu.memory_space<hbm>> -> memref<1x125x80xi32, #tpu.memory_space<hbm>>
      %dma_start3A_287 = tpu.memref_squeeze %dma_start3A_286 : memref<1x125x80xi32, #tpu.memory_space<hbm>> -> memref<125x80xi32, #tpu.memory_space<hbm>>
      %dma_start3A_288 = arith.constant 0 : i32
      %dma_start3A_289 = tpu.memref_slice %arg3[%run_scoped3A, %mul3A_2, %dma_start3A_288] : memref<2x4000x80xi32, #tpu.memory_space<hbm>> -> memref<1x125x80xi32, #tpu.memory_space<hbm>>
      %dma_start3A_290 = tpu.memref_squeeze %dma_start3A_289 : memref<1x125x80xi32, #tpu.memory_space<hbm>> -> memref<125x80xi32, #tpu.memory_space<hbm>>
      tpu.enqueue_dma source(%dma_start3A_290 : memref<125x80xi32, #tpu.memory_space<hbm>>) target(%arg5 : memref<125x80xi32, #tpu.memory_space<vmem>>) target_semaphore(%run_scoped3A_284 : memref<!tpu.dma_semaphore, #tpu.memory_space<semaphore_mem>>)
      %dma_wait3A_291 = arith.constant 0 : i32
      %dma_wait3A_292 = tpu.memref_slice %arg3[%run_scoped3A, %mul3A_2, %dma_wait3A_291] : memref<2x4000x80xi32, #tpu.memory_space<hbm>> -> memref<1x125x80xi32, #tpu.memory_space<hbm>>
      %dma_wait3A_293 = tpu.memref_squeeze %dma_wait3A_292 : memref<1x125x80xi32, #tpu.memory_space<hbm>> -> memref<125x80xi32, #tpu.memory_space<hbm>>
      %dma_wait3A_294 = arith.constant 0 : i32
      %dma_wait3A_295 = tpu.memref_slice %arg3[%run_scoped3A, %mul3A_2, %dma_wait3A_294] : memref<2x4000x80xi32, #tpu.memory_space<hbm>> -> memref<1x125x80xi32, #tpu.memory_space<hbm>>
      %dma_wait3A_296 = tpu.memref_squeeze %dma_wait3A_295 : memref<1x125x80xi32, #tpu.memory_space<hbm>> -> memref<125x80xi32, #tpu.memory_space<hbm>>
      tpu.wait_dma2 semaphore(%run_scoped3A_284 : memref<!tpu.dma_semaphore, #tpu.memory_space<semaphore_mem>>) src(%dma_wait3A_296 : memref<125x80xi32, #tpu.memory_space<hbm>>) dst(%arg5 : memref<125x80xi32, #tpu.memory_space<vmem>>)
      tpu.yield
    }) : () -> ()
    %mul3A_3 = arith.constant 125 : i32
    %mul3A_4 = arith.muli %add3A, %mul3A_3 : i32
    %run_scoped3A_5 = arith.constant 1 : i32
    "tpu.region"() ({
      %run_scoped3A_284 = tpu.sem_alloc : memref<!tpu.dma_semaphore, #tpu.memory_space<semaphore_mem>>
      %dma_start3A_285 = arith.constant 0 : i32
      %dma_start3A_286 = tpu.memref_slice %arg3[%run_scoped3A_5, %mul3A_4, %dma_start3A_285] : memref<2x4000x80xi32, #tpu.memory_space<hbm>> -> memref<1x125x80xi32, #tpu.memory_space<hbm>>
      %dma_start3A_287 = tpu.memref_squeeze %dma_start3A_286 : memref<1x125x80xi32, #tpu.memory_space<hbm>> -> memref<125x80xi32, #tpu.memory_space<hbm>>
      %dma_start3A_288 = arith.constant 0 : i32
      %dma_start3A_289 = tpu.memref_slice %arg3[%run_scoped3A_5, %mul3A_4, %dma_start3A_288] : memref<2x4000x80xi32, #tpu.memory_space<hbm>> -> memref<1x125x80xi32, #tpu.memory_space<hbm>>
      %dma_start3A_290 = tpu.memref_squeeze %dma_start3A_289 : memref<1x125x80xi32, #tpu.memory_space<hbm>> -> memref<125x80xi32, #tpu.memory_space<hbm>>
      tpu.enqueue_dma source(%dma_start3A_290 : memref<125x80xi32, #tpu.memory_space<hbm>>) target(%arg6 : memref<125x80xi32, #tpu.memory_space<vmem>>) target_semaphore(%run_scoped3A_284 : memref<!tpu.dma_semaphore, #tpu.memory_space<semaphore_mem>>)
      %dma_wait3A_291 = arith.constant 0 : i32
      %dma_wait3A_292 = tpu.memref_slice %arg3[%run_scoped3A_5, %mul3A_4, %dma_wait3A_291] : memref<2x4000x80xi32, #tpu.memory_space<hbm>> -> memref<1x125x80xi32, #tpu.memory_space<hbm>>
      %dma_wait3A_293 = tpu.memref_squeeze %dma_wait3A_292 : memref<1x125x80xi32, #tpu.memory_space<hbm>> -> memref<125x80xi32, #tpu.memory_space<hbm>>
      %dma_wait3A_294 = arith.constant 0 : i32
      %dma_wait3A_295 = tpu.memref_slice %arg3[%run_scoped3A_5, %mul3A_4, %dma_wait3A_294] : memref<2x4000x80xi32, #tpu.memory_space<hbm>> -> memref<1x125x80xi32, #tpu.memory_space<hbm>>
      %dma_wait3A_296 = tpu.memref_squeeze %dma_wait3A_295 : memref<1x125x80xi32, #tpu.memory_space<hbm>> -> memref<125x80xi32, #tpu.memory_space<hbm>>
      tpu.wait_dma2 semaphore(%run_scoped3A_284 : memref<!tpu.dma_semaphore, #tpu.memory_space<semaphore_mem>>) src(%dma_wait3A_296 : memref<125x80xi32, #tpu.memory_space<hbm>>) dst(%arg6 : memref<125x80xi32, #tpu.memory_space<vmem>>)
      tpu.yield
    }) : () -> ()
    %scan3A = arith.constant 0 : i32
    %scan3A_6 = arith.constant 0 : i32
    %scan3A_7 = arith.constant 640 : i32
    %scan3A_8 = arith.addi %scan3A_6, %scan3A_7 : i32
    %scan3A_9 = arith.constant 1 : i32
    %scan3A_10 = scf.for %scan3A_284 = %scan3A_6 to %scan3A_8 step %scan3A_9 iter_args(%scan3A_285 = %scan3A) -> (i32)  : i32 {
      %scan3A_286 = arith.constant 0 : i32
      %scan3A_287 = arith.constant 0 : i32
      %scan3A_288 = arith.constant 2 : i32
      %scan3A_289 = arith.addi %scan3A_287, %scan3A_288 : i32
      %scan3A_290 = arith.constant 1 : i32
      %scan3A_291 = scf.for %scan3A_294 = %scan3A_287 to %scan3A_289 step %scan3A_290 iter_args(%scan3A_295 = %scan3A_286) -> (i32)  : i32 {
        %broadcast_in_dim3A = arith.constant 0.000000e+00 : f32
        %broadcast_in_dim3A_296 = vector.broadcast %broadcast_in_dim3A : f32 to vector<16xf32>
        %mul3A_297 = arith.constant 16 : i32
        %mul3A_298 = arith.muli %scan3A_294, %mul3A_297 : i32
        %swap3A = arith.index_cast %scan3A_284 : i32 to index
        %swap3A_299 = arith.index_cast %mul3A_298 : i32 to index
        %swap3A_300 = tpu.vector_load %arg8[%swap3A, %swap3A_299] {strides = array<i32>} : memref<640x32xf32, #tpu.memory_space<vmem>>, vector<1x16xf32>,
        %swap3A_301 = vector.shape_cast %swap3A_300 : vector<1x16xf32> to vector<16xf32>
        %swap3A_302 = vector.shape_cast %broadcast_in_dim3A_296 : vector<16xf32> to vector<1x16xf32>
        tpu.vector_store %arg8[%swap3A, %swap3A_299], %swap3A_302 {strides = array<i32>} : memref<640x32xf32, #tpu.memory_space<vmem>>, vector<1x16xf32>,
        %scan3A_303 = arith.constant 0 : i32
        scf.yield %scan3A_303 : i32
      }
      %scan3A_292 = arith.constant 2 : i32
      %scan3A_293 = arith.constant 0 : i32
      scf.yield %scan3A_293 : i32
    }
    %scan3A_11 = arith.constant 640 : i32
    %mul3A_12 = arith.constant 640 : i32
    %mul3A_13 = arith.muli %arg1, %mul3A_12 : i32
    "tpu.region"() ({
      %run_scoped3A_284 = tpu.sem_alloc : memref<!tpu.dma_semaphore, #tpu.memory_space<semaphore_mem>>
      %dma_start3A_285 = arith.constant 0 : i32
      %dma_start3A_286 = tpu.memref_slice %arg9[%mul3A_13, %dma_start3A_285] : memref<10240x32xf32, #tpu.memory_space<vmem_shared>> -> memref<640x32xf32, #tpu.memory_space<vmem_shared>>
      %dma_start3A_287 = arith.constant 0 : i32
      %dma_start3A_288 = tpu.memref_slice %arg9[%mul3A_13, %dma_start3A_287] : memref<10240x32xf32, #tpu.memory_space<vmem_shared>> -> memref<640x32xf32, #tpu.memory_space<vmem_shared>>
      tpu.enqueue_dma source(%arg8 : memref<640x32xf32, #tpu.memory_space<vmem>>) target(%dma_start3A_288 : memref<640x32xf32, #tpu.memory_space<vmem_shared>>) target_semaphore(%run_scoped3A_284 : memref<!tpu.dma_semaphore, #tpu.memory_space<semaphore_mem>>)
      %dma_wait3A_289 = arith.constant 0 : i32
      %dma_wait3A_290 = tpu.memref_slice %arg9[%mul3A_13, %dma_wait3A_289] : memref<10240x32xf32, #tpu.memory_space<vmem_shared>> -> memref<640x32xf32, #tpu.memory_space<vmem_shared>>
      %dma_wait3A_291 = arith.constant 0 : i32
      %dma_wait3A_292 = tpu.memref_slice %arg9[%mul3A_13, %dma_wait3A_291] : memref<10240x32xf32, #tpu.memory_space<vmem_shared>> -> memref<640x32xf32, #tpu.memory_space<vmem_shared>>
      tpu.wait_dma2 semaphore(%run_scoped3A_284 : memref<!tpu.dma_semaphore, #tpu.memory_space<semaphore_mem>>) src(%arg8 : memref<640x32xf32, #tpu.memory_space<vmem>>) dst(%dma_wait3A_292 : memref<640x32xf32, #tpu.memory_space<vmem_shared>>)
      tpu.yield
    }) : () -> ()
    %barrier3A = arith.constant 0 : index
    tpu.barrier barrier_id(%barrier3A)
    %dma_start3A = arith.constant 0 : i32
    %dma_start3A_14 = arith.constant 0 : i32
    %dma_start3A_15 = arith.constant 0 : i32
    %dma_start3A_16 = arith.constant 0 : i32
    %dma_start3A_17 = arith.constant 0 : i32
    %dma_start3A_18 = tpu.memref_slice %arg7[%dma_start3A_14, %dma_start3A_15, %dma_start3A_16, %dma_start3A_17] : memref<2x5x80x32xf32, #tpu.memory_space<vmem>> -> memref<1x1x80x32xf32, #tpu.memory_space<vmem>>
    %dma_start3A_19 = tpu.memref_squeeze %dma_start3A_18 : memref<1x1x80x32xf32, #tpu.memory_space<vmem>> -> memref<80x32xf32, #tpu.memory_space<vmem>>
    %dma_start3A_20 = arith.constant 0 : i32
    %dma_start3A_21 = tpu.memref_slice %arg5[%dma_start3A, %dma_start3A_20] : memref<125x80xi32, #tpu.memory_space<vmem>> -> memref<1x80xi32, #tpu.memory_space<vmem>>
    %dma_start3A_22 = tpu.memref_squeeze %dma_start3A_21 : memref<1x80xi32, #tpu.memory_space<vmem>> -> memref<80xi32, #tpu.memory_space<vmem>>
    %dma_start3A_23 = arith.constant 0 : i32
    %dma_start3A_24 = arith.constant 0 : i32
    %dma_start3A_25 = tpu.memref_slice %arg2[%dma_start3A_23, %dma_start3A_24] : memref<10000x32xf32, #tpu.memory_space<hbm>> -> memref<10000x32xf32, #tpu.memory_space<hbm>>
    tpu.enqueue_indirect_dma source(%dma_start3A_25 : memref<10000x32xf32, #tpu.memory_space<hbm>>) target(%dma_start3A_19 : memref<80x32xf32, #tpu.memory_space<vmem>>) offsets(%dma_start3A_22 : memref<80xi32, #tpu.memory_space<vmem>>) semaphore(%arg10 : memref<!tpu.dma_semaphore, #tpu.memory_space<semaphore_mem>>)
    %dma_start3A_26 = arith.constant 1 : i32
    %dma_start3A_27 = arith.constant 0 : i32
    %dma_start3A_28 = arith.constant 1 : i32
    %dma_start3A_29 = arith.constant 0 : i32
    %dma_start3A_30 = arith.constant 0 : i32
    %dma_start3A_31 = tpu.memref_slice %arg7[%dma_start3A_27, %dma_start3A_28, %dma_start3A_29, %dma_start3A_30] : memref<2x5x80x32xf32, #tpu.memory_space<vmem>> -> memref<1x1x80x32xf32, #tpu.memory_space<vmem>>
    %dma_start3A_32 = tpu.memref_squeeze %dma_start3A_31 : memref<1x1x80x32xf32, #tpu.memory_space<vmem>> -> memref<80x32xf32, #tpu.memory_space<vmem>>
    %dma_start3A_33 = arith.constant 0 : i32
    %dma_start3A_34 = tpu.memref_slice %arg5[%dma_start3A_26, %dma_start3A_33] : memref<125x80xi32, #tpu.memory_space<vmem>> -> memref<1x80xi32, #tpu.memory_space<vmem>>
    %dma_start3A_35 = tpu.memref_squeeze %dma_start3A_34 : memref<1x80xi32, #tpu.memory_space<vmem>> -> memref<80xi32, #tpu.memory_space<vmem>>
    %dma_start3A_36 = arith.constant 0 : i32
    %dma_start3A_37 = arith.constant 0 : i32
    %dma_start3A_38 = tpu.memref_slice %arg2[%dma_start3A_36, %dma_start3A_37] : memref<10000x32xf32, #tpu.memory_space<hbm>> -> memref<10000x32xf32, #tpu.memory_space<hbm>>
    tpu.enqueue_indirect_dma source(%dma_start3A_38 : memref<10000x32xf32, #tpu.memory_space<hbm>>) target(%dma_start3A_32 : memref<80x32xf32, #tpu.memory_space<vmem>>) offsets(%dma_start3A_35 : memref<80xi32, #tpu.memory_space<vmem>>) semaphore(%arg10 : memref<!tpu.dma_semaphore, #tpu.memory_space<semaphore_mem>>)
    %dma_start3A_39 = arith.constant 2 : i32
    %dma_start3A_40 = arith.constant 0 : i32
    %dma_start3A_41 = arith.constant 2 : i32
    %dma_start3A_42 = arith.constant 0 : i32
    %dma_start3A_43 = arith.constant 0 : i32
    %dma_start3A_44 = tpu.memref_slice %arg7[%dma_start3A_40, %dma_start3A_41, %dma_start3A_42, %dma_start3A_43] : memref<2x5x80x32xf32, #tpu.memory_space<vmem>> -> memref<1x1x80x32xf32, #tpu.memory_space<vmem>>
    %dma_start3A_45 = tpu.memref_squeeze %dma_start3A_44 : memref<1x1x80x32xf32, #tpu.memory_space<vmem>> -> memref<80x32xf32, #tpu.memory_space<vmem>>
    %dma_start3A_46 = arith.constant 0 : i32
    %dma_start3A_47 = tpu.memref_slice %arg5[%dma_start3A_39, %dma_start3A_46] : memref<125x80xi32, #tpu.memory_space<vmem>> -> memref<1x80xi32, #tpu.memory_space<vmem>>
    %dma_start3A_48 = tpu.memref_squeeze %dma_start3A_47 : memref<1x80xi32, #tpu.memory_space<vmem>> -> memref<80xi32, #tpu.memory_space<vmem>>
    %dma_start3A_49 = arith.constant 0 : i32
    %dma_start3A_50 = arith.constant 0 : i32
    %dma_start3A_51 = tpu.memref_slice %arg2[%dma_start3A_49, %dma_start3A_50] : memref<10000x32xf32, #tpu.memory_space<hbm>> -> memref<10000x32xf32, #tpu.memory_space<hbm>>
    tpu.enqueue_indirect_dma source(%dma_start3A_51 : memref<10000x32xf32, #tpu.memory_space<hbm>>) target(%dma_start3A_45 : memref<80x32xf32, #tpu.memory_space<vmem>>) offsets(%dma_start3A_48 : memref<80xi32, #tpu.memory_space<vmem>>) semaphore(%arg10 : memref<!tpu.dma_semaphore, #tpu.memory_space<semaphore_mem>>)
    %dma_start3A_52 = arith.constant 3 : i32
    %dma_start3A_53 = arith.constant 0 : i32
    %dma_start3A_54 = arith.constant 3 : i32
    %dma_start3A_55 = arith.constant 0 : i32
    %dma_start3A_56 = arith.constant 0 : i32
    %dma_start3A_57 = tpu.memref_slice %arg7[%dma_start3A_53, %dma_start3A_54, %dma_start3A_55, %dma_start3A_56] : memref<2x5x80x32xf32, #tpu.memory_space<vmem>> -> memref<1x1x80x32xf32, #tpu.memory_space<vmem>>
    %dma_start3A_58 = tpu.memref_squeeze %dma_start3A_57 : memref<1x1x80x32xf32, #tpu.memory_space<vmem>> -> memref<80x32xf32, #tpu.memory_space<vmem>>
    %dma_start3A_59 = arith.constant 0 : i32
    %dma_start3A_60 = tpu.memref_slice %arg5[%dma_start3A_52, %dma_start3A_59] : memref<125x80xi32, #tpu.memory_space<vmem>> -> memref<1x80xi32, #tpu.memory_space<vmem>>
    %dma_start3A_61 = tpu.memref_squeeze %dma_start3A_60 : memref<1x80xi32, #tpu.memory_space<vmem>> -> memref<80xi32, #tpu.memory_space<vmem>>
    %dma_start3A_62 = arith.constant 0 : i32
    %dma_start3A_63 = arith.constant 0 : i32
    %dma_start3A_64 = tpu.memref_slice %arg2[%dma_start3A_62, %dma_start3A_63] : memref<10000x32xf32, #tpu.memory_space<hbm>> -> memref<10000x32xf32, #tpu.memory_space<hbm>>
    tpu.enqueue_indirect_dma source(%dma_start3A_64 : memref<10000x32xf32, #tpu.memory_space<hbm>>) target(%dma_start3A_58 : memref<80x32xf32, #tpu.memory_space<vmem>>) offsets(%dma_start3A_61 : memref<80xi32, #tpu.memory_space<vmem>>) semaphore(%arg10 : memref<!tpu.dma_semaphore, #tpu.memory_space<semaphore_mem>>)
    %dma_start3A_65 = arith.constant 4 : i32
    %dma_start3A_66 = arith.constant 0 : i32
    %dma_start3A_67 = arith.constant 4 : i32
    %dma_start3A_68 = arith.constant 0 : i32
    %dma_start3A_69 = arith.constant 0 : i32
    %dma_start3A_70 = tpu.memref_slice %arg7[%dma_start3A_66, %dma_start3A_67, %dma_start3A_68, %dma_start3A_69] : memref<2x5x80x32xf32, #tpu.memory_space<vmem>> -> memref<1x1x80x32xf32, #tpu.memory_space<vmem>>
    %dma_start3A_71 = tpu.memref_squeeze %dma_start3A_70 : memref<1x1x80x32xf32, #tpu.memory_space<vmem>> -> memref<80x32xf32, #tpu.memory_space<vmem>>
    %dma_start3A_72 = arith.constant 0 : i32
    %dma_start3A_73 = tpu.memref_slice %arg5[%dma_start3A_65, %dma_start3A_72] : memref<125x80xi32, #tpu.memory_space<vmem>> -> memref<1x80xi32, #tpu.memory_space<vmem>>
    %dma_start3A_74 = tpu.memref_squeeze %dma_start3A_73 : memref<1x80xi32, #tpu.memory_space<vmem>> -> memref<80xi32, #tpu.memory_space<vmem>>
    %dma_start3A_75 = arith.constant 0 : i32
    %dma_start3A_76 = arith.constant 0 : i32
    %dma_start3A_77 = tpu.memref_slice %arg2[%dma_start3A_75, %dma_start3A_76] : memref<10000x32xf32, #tpu.memory_space<hbm>> -> memref<10000x32xf32, #tpu.memory_space<hbm>>
    tpu.enqueue_indirect_dma source(%dma_start3A_77 : memref<10000x32xf32, #tpu.memory_space<hbm>>) target(%dma_start3A_71 : memref<80x32xf32, #tpu.memory_space<vmem>>) offsets(%dma_start3A_74 : memref<80xi32, #tpu.memory_space<vmem>>) semaphore(%arg10 : memref<!tpu.dma_semaphore, #tpu.memory_space<semaphore_mem>>)
    %scan3A_78 = arith.constant 0 : i32
    %scan3A_79 = arith.constant 0 : i32
    %scan3A_80 = arith.constant 12 : i32
    %scan3A_81 = arith.addi %scan3A_79, %scan3A_80 : i32
    %scan3A_82 = arith.constant 1 : i32
    %scan3A_83 = scf.for %scan3A_284 = %scan3A_79 to %scan3A_81 step %scan3A_82 iter_args(%scan3A_285 = %scan3A_78) -> (i32)  : i32 {
      %mul3A_286 = arith.constant 2 : i32
      %mul3A_287 = arith.muli %mul3A_286, %scan3A_284 : i32
      %add3A_288 = arith.constant 1 : i32
      %add3A_289 = arith.addi %mul3A_287, %add3A_288 : i32
      %mul3A_290 = arith.constant 5 : i32
      %mul3A_291 = arith.muli %add3A_289, %mul3A_290 : i32
      %add3A_292 = arith.constant 0 : i32
      %add3A_293 = arith.addi %mul3A_291, %add3A_292 : i32
      %dma_start3A_294 = arith.constant 1 : i32
      %dma_start3A_295 = arith.constant 0 : i32
      %dma_start3A_296 = arith.constant 0 : i32
      %dma_start3A_297 = arith.constant 0 : i32
      %dma_start3A_298 = tpu.memref_slice %arg7[%dma_start3A_294, %dma_start3A_295, %dma_start3A_296, %dma_start3A_297] : memref<2x5x80x32xf32, #tpu.memory_space<vmem>> -> memref<1x1x80x32xf32, #tpu.memory_space<vmem>>
      %dma_start3A_299 = tpu.memref_squeeze %dma_start3A_298 : memref<1x1x80x32xf32, #tpu.memory_space<vmem>> -> memref<80x32xf32, #tpu.memory_space<vmem>>
      %dma_start3A_300 = arith.constant 0 : i32
      %dma_start3A_301 = tpu.memref_slice %arg5[%add3A_293, %dma_start3A_300] : memref<125x80xi32, #tpu.memory_space<vmem>> -> memref<1x80xi32, #tpu.memory_space<vmem>>
      %dma_start3A_302 = tpu.memref_squeeze %dma_start3A_301 : memref<1x80xi32, #tpu.memory_space<vmem>> -> memref<80xi32, #tpu.memory_space<vmem>>
      %dma_start3A_303 = arith.constant 0 : i32
      %dma_start3A_304 = arith.constant 0 : i32
      %dma_start3A_305 = tpu.memref_slice %arg2[%dma_start3A_303, %dma_start3A_304] : memref<10000x32xf32, #tpu.memory_space<hbm>> -> memref<10000x32xf32, #tpu.memory_space<hbm>>
      tpu.enqueue_indirect_dma source(%dma_start3A_305 : memref<10000x32xf32, #tpu.memory_space<hbm>>) target(%dma_start3A_299 : memref<80x32xf32, #tpu.memory_space<vmem>>) offsets(%dma_start3A_302 : memref<80xi32, #tpu.memory_space<vmem>>) semaphore(%arg11 : memref<!tpu.dma_semaphore, #tpu.memory_space<semaphore_mem>>)
      %mul3A_306 = arith.constant 5 : i32
      %mul3A_307 = arith.muli %add3A_289, %mul3A_306 : i32
      %add3A_308 = arith.constant 1 : i32
      %add3A_309 = arith.addi %mul3A_307, %add3A_308 : i32
      %dma_start3A_310 = arith.constant 1 : i32
      %dma_start3A_311 = arith.constant 1 : i32
      %dma_start3A_312 = arith.constant 0 : i32
      %dma_start3A_313 = arith.constant 0 : i32
      %dma_start3A_314 = tpu.memref_slice %arg7[%dma_start3A_310, %dma_start3A_311, %dma_start3A_312, %dma_start3A_313] : memref<2x5x80x32xf32, #tpu.memory_space<vmem>> -> memref<1x1x80x32xf32, #tpu.memory_space<vmem>>
      %dma_start3A_315 = tpu.memref_squeeze %dma_start3A_314 : memref<1x1x80x32xf32, #tpu.memory_space<vmem>> -> memref<80x32xf32, #tpu.memory_space<vmem>>
      %dma_start3A_316 = arith.constant 0 : i32
      %dma_start3A_317 = tpu.memref_slice %arg5[%add3A_309, %dma_start3A_316] : memref<125x80xi32, #tpu.memory_space<vmem>> -> memref<1x80xi32, #tpu.memory_space<vmem>>
      %dma_start3A_318 = tpu.memref_squeeze %dma_start3A_317 : memref<1x80xi32, #tpu.memory_space<vmem>> -> memref<80xi32, #tpu.memory_space<vmem>>
      %dma_start3A_319 = arith.constant 0 : i32
      %dma_start3A_320 = arith.constant 0 : i32
      %dma_start3A_321 = tpu.memref_slice %arg2[%dma_start3A_319, %dma_start3A_320] : memref<10000x32xf32, #tpu.memory_space<hbm>> -> memref<10000x32xf32, #tpu.memory_space<hbm>>
      tpu.enqueue_indirect_dma source(%dma_start3A_321 : memref<10000x32xf32, #tpu.memory_space<hbm>>) target(%dma_start3A_315 : memref<80x32xf32, #tpu.memory_space<vmem>>) offsets(%dma_start3A_318 : memref<80xi32, #tpu.memory_space<vmem>>) semaphore(%arg11 : memref<!tpu.dma_semaphore, #tpu.memory_space<semaphore_mem>>)
      %mul3A_322 = arith.constant 5 : i32
      %mul3A_323 = arith.muli %add3A_289, %mul3A_322 : i32
      %add3A_324 = arith.constant 2 : i32
      %add3A_325 = arith.addi %mul3A_323, %add3A_324 : i32
      %dma_start3A_326 = arith.constant 1 : i32
      %dma_start3A_327 = arith.constant 2 : i32
      %dma_start3A_328 = arith.constant 0 : i32
      %dma_start3A_329 = arith.constant 0 : i32
      %dma_start3A_330 = tpu.memref_slice %arg7[%dma_start3A_326, %dma_start3A_327, %dma_start3A_328, %dma_start3A_329] : memref<2x5x80x32xf32, #tpu.memory_space<vmem>> -> memref<1x1x80x32xf32, #tpu.memory_space<vmem>>
      %dma_start3A_331 = tpu.memref_squeeze %dma_start3A_330 : memref<1x1x80x32xf32, #tpu.memory_space<vmem>> -> memref<80x32xf32, #tpu.memory_space<vmem>>
      %dma_start3A_332 = arith.constant 0 : i32
      %dma_start3A_333 = tpu.memref_slice %arg5[%add3A_325, %dma_start3A_332] : memref<125x80xi32, #tpu.memory_space<vmem>> -> memref<1x80xi32, #tpu.memory_space<vmem>>
      %dma_start3A_334 = tpu.memref_squeeze %dma_start3A_333 : memref<1x80xi32, #tpu.memory_space<vmem>> -> memref<80xi32, #tpu.memory_space<vmem>>
      %dma_start3A_335 = arith.constant 0 : i32
      %dma_start3A_336 = arith.constant 0 : i32
      %dma_start3A_337 = tpu.memref_slice %arg2[%dma_start3A_335, %dma_start3A_336] : memref<10000x32xf32, #tpu.memory_space<hbm>> -> memref<10000x32xf32, #tpu.memory_space<hbm>>
      tpu.enqueue_indirect_dma source(%dma_start3A_337 : memref<10000x32xf32, #tpu.memory_space<hbm>>) target(%dma_start3A_331 : memref<80x32xf32, #tpu.memory_space<vmem>>) offsets(%dma_start3A_334 : memref<80xi32, #tpu.memory_space<vmem>>) semaphore(%arg11 : memref<!tpu.dma_semaphore, #tpu.memory_space<semaphore_mem>>)
      %mul3A_338 = arith.constant 5 : i32
      %mul3A_339 = arith.muli %add3A_289, %mul3A_338 : i32
      %add3A_340 = arith.constant 3 : i32
      %add3A_341 = arith.addi %mul3A_339, %add3A_340 : i32
      %dma_start3A_342 = arith.constant 1 : i32
      %dma_start3A_343 = arith.constant 3 : i32
      %dma_start3A_344 = arith.constant 0 : i32
      %dma_start3A_345 = arith.constant 0 : i32
      %dma_start3A_346 = tpu.memref_slice %arg7[%dma_start3A_342, %dma_start3A_343, %dma_start3A_344, %dma_start3A_345] : memref<2x5x80x32xf32, #tpu.memory_space<vmem>> -> memref<1x1x80x32xf32, #tpu.memory_space<vmem>>
      %dma_start3A_347 = tpu.memref_squeeze %dma_start3A_346 : memref<1x1x80x32xf32, #tpu.memory_space<vmem>> -> memref<80x32xf32, #tpu.memory_space<vmem>>
      %dma_start3A_348 = arith.constant 0 : i32
      %dma_start3A_349 = tpu.memref_slice %arg5[%add3A_341, %dma_start3A_348] : memref<125x80xi32, #tpu.memory_space<vmem>> -> memref<1x80xi32, #tpu.memory_space<vmem>>
      %dma_start3A_350 = tpu.memref_squeeze %dma_start3A_349 : memref<1x80xi32, #tpu.memory_space<vmem>> -> memref<80xi32, #tpu.memory_space<vmem>>
      %dma_start3A_351 = arith.constant 0 : i32
      %dma_start3A_352 = arith.constant 0 : i32
      %dma_start3A_353 = tpu.memref_slice %arg2[%dma_start3A_351, %dma_start3A_352] : memref<10000x32xf32, #tpu.memory_space<hbm>> -> memref<10000x32xf32, #tpu.memory_space<hbm>>
      tpu.enqueue_indirect_dma source(%dma_start3A_353 : memref<10000x32xf32, #tpu.memory_space<hbm>>) target(%dma_start3A_347 : memref<80x32xf32, #tpu.memory_space<vmem>>) offsets(%dma_start3A_350 : memref<80xi32, #tpu.memory_space<vmem>>) semaphore(%arg11 : memref<!tpu.dma_semaphore, #tpu.memory_space<semaphore_mem>>)
      %mul3A_354 = arith.constant 5 : i32
      %mul3A_355 = arith.muli %add3A_289, %mul3A_354 : i32
      %add3A_356 = arith.constant 4 : i32
      %add3A_357 = arith.addi %mul3A_355, %add3A_356 : i32
      %dma_start3A_358 = arith.constant 1 : i32
      %dma_start3A_359 = arith.constant 4 : i32
      %dma_start3A_360 = arith.constant 0 : i32
      %dma_start3A_361 = arith.constant 0 : i32
      %dma_start3A_362 = tpu.memref_slice %arg7[%dma_start3A_358, %dma_start3A_359, %dma_start3A_360, %dma_start3A_361] : memref<2x5x80x32xf32, #tpu.memory_space<vmem>> -> memref<1x1x80x32xf32, #tpu.memory_space<vmem>>
      %dma_start3A_363 = tpu.memref_squeeze %dma_start3A_362 : memref<1x1x80x32xf32, #tpu.memory_space<vmem>> -> memref<80x32xf32, #tpu.memory_space<vmem>>
      %dma_start3A_364 = arith.constant 0 : i32
      %dma_start3A_365 = tpu.memref_slice %arg5[%add3A_357, %dma_start3A_364] : memref<125x80xi32, #tpu.memory_space<vmem>> -> memref<1x80xi32, #tpu.memory_space<vmem>>
      %dma_start3A_366 = tpu.memref_squeeze %dma_start3A_365 : memref<1x80xi32, #tpu.memory_space<vmem>> -> memref<80xi32, #tpu.memory_space<vmem>>
      %dma_start3A_367 = arith.constant 0 : i32
      %dma_start3A_368 = arith.constant 0 : i32
      %dma_start3A_369 = tpu.memref_slice %arg2[%dma_start3A_367, %dma_start3A_368] : memref<10000x32xf32, #tpu.memory_space<hbm>> -> memref<10000x32xf32, #tpu.memory_space<hbm>>
      tpu.enqueue_indirect_dma source(%dma_start3A_369 : memref<10000x32xf32, #tpu.memory_space<hbm>>) target(%dma_start3A_363 : memref<80x32xf32, #tpu.memory_space<vmem>>) offsets(%dma_start3A_366 : memref<80xi32, #tpu.memory_space<vmem>>) semaphore(%arg11 : memref<!tpu.dma_semaphore, #tpu.memory_space<semaphore_mem>>)
      %mul3A_370 = arith.constant 5 : i32
      %mul3A_371 = arith.muli %mul3A_287, %mul3A_370 : i32
      %add3A_372 = arith.constant 0 : i32
      %add3A_373 = arith.addi %mul3A_371, %add3A_372 : i32
      %dma_wait3A_374 = arith.constant 0 : i32
      %dma_wait3A_375 = arith.constant 0 : i32
      %dma_wait3A_376 = arith.constant 0 : i32
      %dma_wait3A_377 = arith.constant 0 : i32
      %dma_wait3A_378 = tpu.memref_slice %arg7[%dma_wait3A_374, %dma_wait3A_375, %dma_wait3A_376, %dma_wait3A_377] : memref<2x5x80x32xf32, #tpu.memory_space<vmem>> -> memref<1x1x80x32xf32, #tpu.memory_space<vmem>>
      %dma_wait3A_379 = tpu.memref_squeeze %dma_wait3A_378 : memref<1x1x80x32xf32, #tpu.memory_space<vmem>> -> memref<80x32xf32, #tpu.memory_space<vmem>>
      %dma_wait3A_380 = arith.constant 0 : i32
      %dma_wait3A_381 = tpu.memref_slice %arg5[%add3A_373, %dma_wait3A_380] : memref<125x80xi32, #tpu.memory_space<vmem>> -> memref<1x80xi32, #tpu.memory_space<vmem>>
      %dma_wait3A_382 = tpu.memref_squeeze %dma_wait3A_381 : memref<1x80xi32, #tpu.memory_space<vmem>> -> memref<80xi32, #tpu.memory_space<vmem>>
      %dma_wait3A_383 = arith.constant 0 : i32
      %dma_wait3A_384 = arith.constant 0 : i32
      %dma_wait3A_385 = tpu.memref_slice %arg2[%dma_wait3A_383, %dma_wait3A_384] : memref<10000x32xf32, #tpu.memory_space<hbm>> -> memref<10000x32xf32, #tpu.memory_space<hbm>>
      tpu.wait_indirect_dma semaphore(%arg10 : memref<!tpu.dma_semaphore, #tpu.memory_space<semaphore_mem>>) src(%dma_wait3A_385 : memref<10000x32xf32, #tpu.memory_space<hbm>>) dst(%dma_wait3A_379 : memref<80x32xf32, #tpu.memory_space<vmem>>)
      %mul3A_386 = arith.constant 5 : i32
      %mul3A_387 = arith.muli %mul3A_287, %mul3A_386 : i32
      %add3A_388 = arith.constant 1 : i32
      %add3A_389 = arith.addi %mul3A_387, %add3A_388 : i32
      %dma_wait3A_390 = arith.constant 0 : i32
      %dma_wait3A_391 = arith.constant 1 : i32
      %dma_wait3A_392 = arith.constant 0 : i32
      %dma_wait3A_393 = arith.constant 0 : i32
      %dma_wait3A_394 = tpu.memref_slice %arg7[%dma_wait3A_390, %dma_wait3A_391, %dma_wait3A_392, %dma_wait3A_393] : memref<2x5x80x32xf32, #tpu.memory_space<vmem>> -> memref<1x1x80x32xf32, #tpu.memory_space<vmem>>
      %dma_wait3A_395 = tpu.memref_squeeze %dma_wait3A_394 : memref<1x1x80x32xf32, #tpu.memory_space<vmem>> -> memref<80x32xf32, #tpu.memory_space<vmem>>
      %dma_wait3A_396 = arith.constant 0 : i32
      %dma_wait3A_397 = tpu.memref_slice %arg5[%add3A_389, %dma_wait3A_396] : memref<125x80xi32, #tpu.memory_space<vmem>> -> memref<1x80xi32, #tpu.memory_space<vmem>>
      %dma_wait3A_398 = tpu.memref_squeeze %dma_wait3A_397 : memref<1x80xi32, #tpu.memory_space<vmem>> -> memref<80xi32, #tpu.memory_space<vmem>>
      %dma_wait3A_399 = arith.constant 0 : i32
      %dma_wait3A_400 = arith.constant 0 : i32
      %dma_wait3A_401 = tpu.memref_slice %arg2[%dma_wait3A_399, %dma_wait3A_400] : memref<10000x32xf32, #tpu.memory_space<hbm>> -> memref<10000x32xf32, #tpu.memory_space<hbm>>
      tpu.wait_indirect_dma semaphore(%arg10 : memref<!tpu.dma_semaphore, #tpu.memory_space<semaphore_mem>>) src(%dma_wait3A_401 : memref<10000x32xf32, #tpu.memory_space<hbm>>) dst(%dma_wait3A_395 : memref<80x32xf32, #tpu.memory_space<vmem>>)
      %mul3A_402 = arith.constant 5 : i32
      %mul3A_403 = arith.muli %mul3A_287, %mul3A_402 : i32
      %add3A_404 = arith.constant 2 : i32
      %add3A_405 = arith.addi %mul3A_403, %add3A_404 : i32
      %dma_wait3A_406 = arith.constant 0 : i32
      %dma_wait3A_407 = arith.constant 2 : i32
      %dma_wait3A_408 = arith.constant 0 : i32
      %dma_wait3A_409 = arith.constant 0 : i32
      %dma_wait3A_410 = tpu.memref_slice %arg7[%dma_wait3A_406, %dma_wait3A_407, %dma_wait3A_408, %dma_wait3A_409] : memref<2x5x80x32xf32, #tpu.memory_space<vmem>> -> memref<1x1x80x32xf32, #tpu.memory_space<vmem>>
      %dma_wait3A_411 = tpu.memref_squeeze %dma_wait3A_410 : memref<1x1x80x32xf32, #tpu.memory_space<vmem>> -> memref<80x32xf32, #tpu.memory_space<vmem>>
      %dma_wait3A_412 = arith.constant 0 : i32
      %dma_wait3A_413 = tpu.memref_slice %arg5[%add3A_405, %dma_wait3A_412] : memref<125x80xi32, #tpu.memory_space<vmem>> -> memref<1x80xi32, #tpu.memory_space<vmem>>
      %dma_wait3A_414 = tpu.memref_squeeze %dma_wait3A_413 : memref<1x80xi32, #tpu.memory_space<vmem>> -> memref<80xi32, #tpu.memory_space<vmem>>
      %dma_wait3A_415 = arith.constant 0 : i32
      %dma_wait3A_416 = arith.constant 0 : i32
      %dma_wait3A_417 = tpu.memref_slice %arg2[%dma_wait3A_415, %dma_wait3A_416] : memref<10000x32xf32, #tpu.memory_space<hbm>> -> memref<10000x32xf32, #tpu.memory_space<hbm>>
      tpu.wait_indirect_dma semaphore(%arg10 : memref<!tpu.dma_semaphore, #tpu.memory_space<semaphore_mem>>) src(%dma_wait3A_417 : memref<10000x32xf32, #tpu.memory_space<hbm>>) dst(%dma_wait3A_411 : memref<80x32xf32, #tpu.memory_space<vmem>>)
      %mul3A_418 = arith.constant 5 : i32
      %mul3A_419 = arith.muli %mul3A_287, %mul3A_418 : i32
      %add3A_420 = arith.constant 3 : i32
      %add3A_421 = arith.addi %mul3A_419, %add3A_420 : i32
      %dma_wait3A_422 = arith.constant 0 : i32
      %dma_wait3A_423 = arith.constant 3 : i32
      %dma_wait3A_424 = arith.constant 0 : i32
      %dma_wait3A_425 = arith.constant 0 : i32
      %dma_wait3A_426 = tpu.memref_slice %arg7[%dma_wait3A_422, %dma_wait3A_423, %dma_wait3A_424, %dma_wait3A_425] : memref<2x5x80x32xf32, #tpu.memory_space<vmem>> -> memref<1x1x80x32xf32, #tpu.memory_space<vmem>>
      %dma_wait3A_427 = tpu.memref_squeeze %dma_wait3A_426 : memref<1x1x80x32xf32, #tpu.memory_space<vmem>> -> memref<80x32xf32, #tpu.memory_space<vmem>>
      %dma_wait3A_428 = arith.constant 0 : i32
      %dma_wait3A_429 = tpu.memref_slice %arg5[%add3A_421, %dma_wait3A_428] : memref<125x80xi32, #tpu.memory_space<vmem>> -> memref<1x80xi32, #tpu.memory_space<vmem>>
      %dma_wait3A_430 = tpu.memref_squeeze %dma_wait3A_429 : memref<1x80xi32, #tpu.memory_space<vmem>> -> memref<80xi32, #tpu.memory_space<vmem>>
      %dma_wait3A_431 = arith.constant 0 : i32
      %dma_wait3A_432 = arith.constant 0 : i32
      %dma_wait3A_433 = tpu.memref_slice %arg2[%dma_wait3A_431, %dma_wait3A_432] : memref<10000x32xf32, #tpu.memory_space<hbm>> -> memref<10000x32xf32, #tpu.memory_space<hbm>>
      tpu.wait_indirect_dma semaphore(%arg10 : memref<!tpu.dma_semaphore, #tpu.memory_space<semaphore_mem>>) src(%dma_wait3A_433 : memref<10000x32xf32, #tpu.memory_space<hbm>>) dst(%dma_wait3A_427 : memref<80x32xf32, #tpu.memory_space<vmem>>)
      %mul3A_434 = arith.constant 5 : i32
      %mul3A_435 = arith.muli %mul3A_287, %mul3A_434 : i32
      %add3A_436 = arith.constant 4 : i32
      %add3A_437 = arith.addi %mul3A_435, %add3A_436 : i32
      %dma_wait3A_438 = arith.constant 0 : i32
      %dma_wait3A_439 = arith.constant 4 : i32
      %dma_wait3A_440 = arith.constant 0 : i32
      %dma_wait3A_441 = arith.constant 0 : i32
      %dma_wait3A_442 = tpu.memref_slice %arg7[%dma_wait3A_438, %dma_wait3A_439, %dma_wait3A_440, %dma_wait3A_441] : memref<2x5x80x32xf32, #tpu.memory_space<vmem>> -> memref<1x1x80x32xf32, #tpu.memory_space<vmem>>
      %dma_wait3A_443 = tpu.memref_squeeze %dma_wait3A_442 : memref<1x1x80x32xf32, #tpu.memory_space<vmem>> -> memref<80x32xf32, #tpu.memory_space<vmem>>
      %dma_wait3A_444 = arith.constant 0 : i32
      %dma_wait3A_445 = tpu.memref_slice %arg5[%add3A_437, %dma_wait3A_444] : memref<125x80xi32, #tpu.memory_space<vmem>> -> memref<1x80xi32, #tpu.memory_space<vmem>>
      %dma_wait3A_446 = tpu.memref_squeeze %dma_wait3A_445 : memref<1x80xi32, #tpu.memory_space<vmem>> -> memref<80xi32, #tpu.memory_space<vmem>>
      %dma_wait3A_447 = arith.constant 0 : i32
      %dma_wait3A_448 = arith.constant 0 : i32
      %dma_wait3A_449 = tpu.memref_slice %arg2[%dma_wait3A_447, %dma_wait3A_448] : memref<10000x32xf32, #tpu.memory_space<hbm>> -> memref<10000x32xf32, #tpu.memory_space<hbm>>
      tpu.wait_indirect_dma semaphore(%arg10 : memref<!tpu.dma_semaphore, #tpu.memory_space<semaphore_mem>>) src(%dma_wait3A_449 : memref<10000x32xf32, #tpu.memory_space<hbm>>) dst(%dma_wait3A_443 : memref<80x32xf32, #tpu.memory_space<vmem>>)
      %mul3A_450 = arith.constant 5 : i32
      %mul3A_451 = arith.muli %mul3A_287, %mul3A_450 : i32
      %add3A_452 = arith.constant 0 : i32
      %add3A_453 = arith.addi %mul3A_451, %add3A_452 : i32
      %dma_start3A_454 = arith.constant 0 : i32
      %dma_start3A_455 = arith.constant 0 : i32
      %dma_start3A_456 = arith.constant 0 : i32
      %dma_start3A_457 = arith.constant 0 : i32
      %dma_start3A_458 = tpu.memref_slice %arg7[%dma_start3A_454, %dma_start3A_455, %dma_start3A_456, %dma_start3A_457] : memref<2x5x80x32xf32, #tpu.memory_space<vmem>> -> memref<1x1x80x32xf32, #tpu.memory_space<vmem>>
      %dma_start3A_459 = tpu.memref_squeeze %dma_start3A_458 : memref<1x1x80x32xf32, #tpu.memory_space<vmem>> -> memref<80x32xf32, #tpu.memory_space<vmem>>
      %dma_start3A_460 = arith.constant 0 : i32
      %dma_start3A_461 = tpu.memref_slice %arg6[%add3A_453, %dma_start3A_460] : memref<125x80xi32, #tpu.memory_space<vmem>> -> memref<1x80xi32, #tpu.memory_space<vmem>>
      %dma_start3A_462 = tpu.memref_squeeze %dma_start3A_461 : memref<1x80xi32, #tpu.memory_space<vmem>> -> memref<80xi32, #tpu.memory_space<vmem>>
      %dma_start3A_463 = arith.constant 0 : i32
      %dma_start3A_464 = arith.constant 0 : i32
      %dma_start3A_465 = tpu.memref_slice %arg9[%dma_start3A_463, %dma_start3A_464] : memref<10240x32xf32, #tpu.memory_space<vmem_shared>> -> memref<10240x32xf32, #tpu.memory_space<vmem_shared>>
      tpu.enqueue_indirect_dma source(%dma_start3A_459 : memref<80x32xf32, #tpu.memory_space<vmem>>) target(%dma_start3A_465 : memref<10240x32xf32, #tpu.memory_space<vmem_shared>>) offsets(%dma_start3A_462 : memref<80xi32, #tpu.memory_space<vmem>>) semaphore(%arg12 : memref<!tpu.dma_semaphore, #tpu.memory_space<semaphore_mem>>) {add = true}
      %mul3A_466 = arith.constant 5 : i32
      %mul3A_467 = arith.muli %mul3A_287, %mul3A_466 : i32
      %add3A_468 = arith.constant 1 : i32
      %add3A_469 = arith.addi %mul3A_467, %add3A_468 : i32
      %dma_start3A_470 = arith.constant 0 : i32
      %dma_start3A_471 = arith.constant 1 : i32
      %dma_start3A_472 = arith.constant 0 : i32
      %dma_start3A_473 = arith.constant 0 : i32
      %dma_start3A_474 = tpu.memref_slice %arg7[%dma_start3A_470, %dma_start3A_471, %dma_start3A_472, %dma_start3A_473] : memref<2x5x80x32xf32, #tpu.memory_space<vmem>> -> memref<1x1x80x32xf32, #tpu.memory_space<vmem>>
      %dma_start3A_475 = tpu.memref_squeeze %dma_start3A_474 : memref<1x1x80x32xf32, #tpu.memory_space<vmem>> -> memref<80x32xf32, #tpu.memory_space<vmem>>
      %dma_start3A_476 = arith.constant 0 : i32
      %dma_start3A_477 = tpu.memref_slice %arg6[%add3A_469, %dma_start3A_476] : memref<125x80xi32, #tpu.memory_space<vmem>> -> memref<1x80xi32, #tpu.memory_space<vmem>>
      %dma_start3A_478 = tpu.memref_squeeze %dma_start3A_477 : memref<1x80xi32, #tpu.memory_space<vmem>> -> memref<80xi32, #tpu.memory_space<vmem>>
      %dma_start3A_479 = arith.constant 0 : i32
      %dma_start3A_480 = arith.constant 0 : i32
      %dma_start3A_481 = tpu.memref_slice %arg9[%dma_start3A_479, %dma_start3A_480] : memref<10240x32xf32, #tpu.memory_space<vmem_shared>> -> memref<10240x32xf32, #tpu.memory_space<vmem_shared>>
      tpu.enqueue_indirect_dma source(%dma_start3A_475 : memref<80x32xf32, #tpu.memory_space<vmem>>) target(%dma_start3A_481 : memref<10240x32xf32, #tpu.memory_space<vmem_shared>>) offsets(%dma_start3A_478 : memref<80xi32, #tpu.memory_space<vmem>>) semaphore(%arg12 : memref<!tpu.dma_semaphore, #tpu.memory_space<semaphore_mem>>) {add = true}
      %mul3A_482 = arith.constant 5 : i32
      %mul3A_483 = arith.muli %mul3A_287, %mul3A_482 : i32
      %add3A_484 = arith.constant 2 : i32
      %add3A_485 = arith.addi %mul3A_483, %add3A_484 : i32
      %dma_start3A_486 = arith.constant 0 : i32
      %dma_start3A_487 = arith.constant 2 : i32
      %dma_start3A_488 = arith.constant 0 : i32
      %dma_start3A_489 = arith.constant 0 : i32
      %dma_start3A_490 = tpu.memref_slice %arg7[%dma_start3A_486, %dma_start3A_487, %dma_start3A_488, %dma_start3A_489] : memref<2x5x80x32xf32, #tpu.memory_space<vmem>> -> memref<1x1x80x32xf32, #tpu.memory_space<vmem>>
      %dma_start3A_491 = tpu.memref_squeeze %dma_start3A_490 : memref<1x1x80x32xf32, #tpu.memory_space<vmem>> -> memref<80x32xf32, #tpu.memory_space<vmem>>
      %dma_start3A_492 = arith.constant 0 : i32
      %dma_start3A_493 = tpu.memref_slice %arg6[%add3A_485, %dma_start3A_492] : memref<125x80xi32, #tpu.memory_space<vmem>> -> memref<1x80xi32, #tpu.memory_space<vmem>>
      %dma_start3A_494 = tpu.memref_squeeze %dma_start3A_493 : memref<1x80xi32, #tpu.memory_space<vmem>> -> memref<80xi32, #tpu.memory_space<vmem>>
      %dma_start3A_495 = arith.constant 0 : i32
      %dma_start3A_496 = arith.constant 0 : i32
      %dma_start3A_497 = tpu.memref_slice %arg9[%dma_start3A_495, %dma_start3A_496] : memref<10240x32xf32, #tpu.memory_space<vmem_shared>> -> memref<10240x32xf32, #tpu.memory_space<vmem_shared>>
      tpu.enqueue_indirect_dma source(%dma_start3A_491 : memref<80x32xf32, #tpu.memory_space<vmem>>) target(%dma_start3A_497 : memref<10240x32xf32, #tpu.memory_space<vmem_shared>>) offsets(%dma_start3A_494 : memref<80xi32, #tpu.memory_space<vmem>>) semaphore(%arg12 : memref<!tpu.dma_semaphore, #tpu.memory_space<semaphore_mem>>) {add = true}
      %mul3A_498 = arith.constant 5 : i32
      %mul3A_499 = arith.muli %mul3A_287, %mul3A_498 : i32
      %add3A_500 = arith.constant 3 : i32
      %add3A_501 = arith.addi %mul3A_499, %add3A_500 : i32
      %dma_start3A_502 = arith.constant 0 : i32
      %dma_start3A_503 = arith.constant 3 : i32
      %dma_start3A_504 = arith.constant 0 : i32
      %dma_start3A_505 = arith.constant 0 : i32
      %dma_start3A_506 = tpu.memref_slice %arg7[%dma_start3A_502, %dma_start3A_503, %dma_start3A_504, %dma_start3A_505] : memref<2x5x80x32xf32, #tpu.memory_space<vmem>> -> memref<1x1x80x32xf32, #tpu.memory_space<vmem>>
      %dma_start3A_507 = tpu.memref_squeeze %dma_start3A_506 : memref<1x1x80x32xf32, #tpu.memory_space<vmem>> -> memref<80x32xf32, #tpu.memory_space<vmem>>
      %dma_start3A_508 = arith.constant 0 : i32
      %dma_start3A_509 = tpu.memref_slice %arg6[%add3A_501, %dma_start3A_508] : memref<125x80xi32, #tpu.memory_space<vmem>> -> memref<1x80xi32, #tpu.memory_space<vmem>>
      %dma_start3A_510 = tpu.memref_squeeze %dma_start3A_509 : memref<1x80xi32, #tpu.memory_space<vmem>> -> memref<80xi32, #tpu.memory_space<vmem>>
      %dma_start3A_511 = arith.constant 0 : i32
      %dma_start3A_512 = arith.constant 0 : i32
      %dma_start3A_513 = tpu.memref_slice %arg9[%dma_start3A_511, %dma_start3A_512] : memref<10240x32xf32, #tpu.memory_space<vmem_shared>> -> memref<10240x32xf32, #tpu.memory_space<vmem_shared>>
      tpu.enqueue_indirect_dma source(%dma_start3A_507 : memref<80x32xf32, #tpu.memory_space<vmem>>) target(%dma_start3A_513 : memref<10240x32xf32, #tpu.memory_space<vmem_shared>>) offsets(%dma_start3A_510 : memref<80xi32, #tpu.memory_space<vmem>>) semaphore(%arg12 : memref<!tpu.dma_semaphore, #tpu.memory_space<semaphore_mem>>) {add = true}
      %mul3A_514 = arith.constant 5 : i32
      %mul3A_515 = arith.muli %mul3A_287, %mul3A_514 : i32
      %add3A_516 = arith.constant 4 : i32
      %add3A_517 = arith.addi %mul3A_515, %add3A_516 : i32
      %dma_start3A_518 = arith.constant 0 : i32
      %dma_start3A_519 = arith.constant 4 : i32
      %dma_start3A_520 = arith.constant 0 : i32
      %dma_start3A_521 = arith.constant 0 : i32
      %dma_start3A_522 = tpu.memref_slice %arg7[%dma_start3A_518, %dma_start3A_519, %dma_start3A_520, %dma_start3A_521] : memref<2x5x80x32xf32, #tpu.memory_space<vmem>> -> memref<1x1x80x32xf32, #tpu.memory_space<vmem>>
      %dma_start3A_523 = tpu.memref_squeeze %dma_start3A_522 : memref<1x1x80x32xf32, #tpu.memory_space<vmem>> -> memref<80x32xf32, #tpu.memory_space<vmem>>
      %dma_start3A_524 = arith.constant 0 : i32
      %dma_start3A_525 = tpu.memref_slice %arg6[%add3A_517, %dma_start3A_524] : memref<125x80xi32, #tpu.memory_space<vmem>> -> memref<1x80xi32, #tpu.memory_space<vmem>>
      %dma_start3A_526 = tpu.memref_squeeze %dma_start3A_525 : memref<1x80xi32, #tpu.memory_space<vmem>> -> memref<80xi32, #tpu.memory_space<vmem>>
      %dma_start3A_527 = arith.constant 0 : i32
      %dma_start3A_528 = arith.constant 0 : i32
      %dma_start3A_529 = tpu.memref_slice %arg9[%dma_start3A_527, %dma_start3A_528] : memref<10240x32xf32, #tpu.memory_space<vmem_shared>> -> memref<10240x32xf32, #tpu.memory_space<vmem_shared>>
      tpu.enqueue_indirect_dma source(%dma_start3A_523 : memref<80x32xf32, #tpu.memory_space<vmem>>) target(%dma_start3A_529 : memref<10240x32xf32, #tpu.memory_space<vmem_shared>>) offsets(%dma_start3A_526 : memref<80xi32, #tpu.memory_space<vmem>>) semaphore(%arg12 : memref<!tpu.dma_semaphore, #tpu.memory_space<semaphore_mem>>) {add = true}
      %dma_wait3A_530 = arith.constant 0 : i32
      %dma_wait3A_531 = arith.constant 0 : i32
      %dma_wait3A_532 = arith.constant 0 : i32
      %dma_wait3A_533 = arith.constant 0 : i32
      %dma_wait3A_534 = tpu.memref_slice %arg7[%dma_wait3A_530, %dma_wait3A_531, %dma_wait3A_532, %dma_wait3A_533] : memref<2x5x80x32xf32, #tpu.memory_space<vmem>> -> memref<1x1x80x32xf32, #tpu.memory_space<vmem>>
      %dma_wait3A_535 = tpu.memref_squeeze %dma_wait3A_534 : memref<1x1x80x32xf32, #tpu.memory_space<vmem>> -> memref<80x32xf32, #tpu.memory_space<vmem>>
      %dma_wait3A_536 = arith.constant 0 : i32
      %dma_wait3A_537 = tpu.memref_slice %arg6[%add3A_453, %dma_wait3A_536] : memref<125x80xi32, #tpu.memory_space<vmem>> -> memref<1x80xi32, #tpu.memory_space<vmem>>
      %dma_wait3A_538 = tpu.memref_squeeze %dma_wait3A_537 : memref<1x80xi32, #tpu.memory_space<vmem>> -> memref<80xi32, #tpu.memory_space<vmem>>
      %dma_wait3A_539 = arith.constant 0 : i32
      %dma_wait3A_540 = arith.constant 0 : i32
      %dma_wait3A_541 = tpu.memref_slice %arg9[%dma_wait3A_539, %dma_wait3A_540] : memref<10240x32xf32, #tpu.memory_space<vmem_shared>> -> memref<10240x32xf32, #tpu.memory_space<vmem_shared>>
      tpu.wait_indirect_dma semaphore(%arg12 : memref<!tpu.dma_semaphore, #tpu.memory_space<semaphore_mem>>) src(%dma_wait3A_535 : memref<80x32xf32, #tpu.memory_space<vmem>>) dst(%dma_wait3A_541 : memref<10240x32xf32, #tpu.memory_space<vmem_shared>>)
      %dma_wait3A_542 = arith.constant 0 : i32
      %dma_wait3A_543 = arith.constant 1 : i32
      %dma_wait3A_544 = arith.constant 0 : i32
      %dma_wait3A_545 = arith.constant 0 : i32
      %dma_wait3A_546 = tpu.memref_slice %arg7[%dma_wait3A_542, %dma_wait3A_543, %dma_wait3A_544, %dma_wait3A_545] : memref<2x5x80x32xf32, #tpu.memory_space<vmem>> -> memref<1x1x80x32xf32, #tpu.memory_space<vmem>>
      %dma_wait3A_547 = tpu.memref_squeeze %dma_wait3A_546 : memref<1x1x80x32xf32, #tpu.memory_space<vmem>> -> memref<80x32xf32, #tpu.memory_space<vmem>>
      %dma_wait3A_548 = arith.constant 0 : i32
      %dma_wait3A_549 = tpu.memref_slice %arg6[%add3A_469, %dma_wait3A_548] : memref<125x80xi32, #tpu.memory_space<vmem>> -> memref<1x80xi32, #tpu.memory_space<vmem>>
      %dma_wait3A_550 = tpu.memref_squeeze %dma_wait3A_549 : memref<1x80xi32, #tpu.memory_space<vmem>> -> memref<80xi32, #tpu.memory_space<vmem>>
      %dma_wait3A_551 = arith.constant 0 : i32
      %dma_wait3A_552 = arith.constant 0 : i32
      %dma_wait3A_553 = tpu.memref_slice %arg9[%dma_wait3A_551, %dma_wait3A_552] : memref<10240x32xf32, #tpu.memory_space<vmem_shared>> -> memref<10240x32xf32, #tpu.memory_space<vmem_shared>>
      tpu.wait_indirect_dma semaphore(%arg12 : memref<!tpu.dma_semaphore, #tpu.memory_space<semaphore_mem>>) src(%dma_wait3A_547 : memref<80x32xf32, #tpu.memory_space<vmem>>) dst(%dma_wait3A_553 : memref<10240x32xf32, #tpu.memory_space<vmem_shared>>)
      %dma_wait3A_554 = arith.constant 0 : i32
      %dma_wait3A_555 = arith.constant 2 : i32
      %dma_wait3A_556 = arith.constant 0 : i32
      %dma_wait3A_557 = arith.constant 0 : i32
      %dma_wait3A_558 = tpu.memref_slice %arg7[%dma_wait3A_554, %dma_wait3A_555, %dma_wait3A_556, %dma_wait3A_557] : memref<2x5x80x32xf32, #tpu.memory_space<vmem>> -> memref<1x1x80x32xf32, #tpu.memory_space<vmem>>
      %dma_wait3A_559 = tpu.memref_squeeze %dma_wait3A_558 : memref<1x1x80x32xf32, #tpu.memory_space<vmem>> -> memref<80x32xf32, #tpu.memory_space<vmem>>
      %dma_wait3A_560 = arith.constant 0 : i32
      %dma_wait3A_561 = tpu.memref_slice %arg6[%add3A_485, %dma_wait3A_560] : memref<125x80xi32, #tpu.memory_space<vmem>> -> memref<1x80xi32, #tpu.memory_space<vmem>>
      %dma_wait3A_562 = tpu.memref_squeeze %dma_wait3A_561 : memref<1x80xi32, #tpu.memory_space<vmem>> -> memref<80xi32, #tpu.memory_space<vmem>>
      %dma_wait3A_563 = arith.constant 0 : i32
      %dma_wait3A_564 = arith.constant 0 : i32
      %dma_wait3A_565 = tpu.memref_slice %arg9[%dma_wait3A_563, %dma_wait3A_564] : memref<10240x32xf32, #tpu.memory_space<vmem_shared>> -> memref<10240x32xf32, #tpu.memory_space<vmem_shared>>
      tpu.wait_indirect_dma semaphore(%arg12 : memref<!tpu.dma_semaphore, #tpu.memory_space<semaphore_mem>>) src(%dma_wait3A_559 : memref<80x32xf32, #tpu.memory_space<vmem>>) dst(%dma_wait3A_565 : memref<10240x32xf32, #tpu.memory_space<vmem_shared>>)
      %dma_wait3A_566 = arith.constant 0 : i32
      %dma_wait3A_567 = arith.constant 3 : i32
      %dma_wait3A_568 = arith.constant 0 : i32
      %dma_wait3A_569 = arith.constant 0 : i32
      %dma_wait3A_570 = tpu.memref_slice %arg7[%dma_wait3A_566, %dma_wait3A_567, %dma_wait3A_568, %dma_wait3A_569] : memref<2x5x80x32xf32, #tpu.memory_space<vmem>> -> memref<1x1x80x32xf32, #tpu.memory_space<vmem>>
      %dma_wait3A_571 = tpu.memref_squeeze %dma_wait3A_570 : memref<1x1x80x32xf32, #tpu.memory_space<vmem>> -> memref<80x32xf32, #tpu.memory_space<vmem>>
      %dma_wait3A_572 = arith.constant 0 : i32
      %dma_wait3A_573 = tpu.memref_slice %arg6[%add3A_501, %dma_wait3A_572] : memref<125x80xi32, #tpu.memory_space<vmem>> -> memref<1x80xi32, #tpu.memory_space<vmem>>
      %dma_wait3A_574 = tpu.memref_squeeze %dma_wait3A_573 : memref<1x80xi32, #tpu.memory_space<vmem>> -> memref<80xi32, #tpu.memory_space<vmem>>
      %dma_wait3A_575 = arith.constant 0 : i32
      %dma_wait3A_576 = arith.constant 0 : i32
      %dma_wait3A_577 = tpu.memref_slice %arg9[%dma_wait3A_575, %dma_wait3A_576] : memref<10240x32xf32, #tpu.memory_space<vmem_shared>> -> memref<10240x32xf32, #tpu.memory_space<vmem_shared>>
      tpu.wait_indirect_dma semaphore(%arg12 : memref<!tpu.dma_semaphore, #tpu.memory_space<semaphore_mem>>) src(%dma_wait3A_571 : memref<80x32xf32, #tpu.memory_space<vmem>>) dst(%dma_wait3A_577 : memref<10240x32xf32, #tpu.memory_space<vmem_shared>>)
      %dma_wait3A_578 = arith.constant 0 : i32
      %dma_wait3A_579 = arith.constant 4 : i32
      %dma_wait3A_580 = arith.constant 0 : i32
      %dma_wait3A_581 = arith.constant 0 : i32
      %dma_wait3A_582 = tpu.memref_slice %arg7[%dma_wait3A_578, %dma_wait3A_579, %dma_wait3A_580, %dma_wait3A_581] : memref<2x5x80x32xf32, #tpu.memory_space<vmem>> -> memref<1x1x80x32xf32, #tpu.memory_space<vmem>>
      %dma_wait3A_583 = tpu.memref_squeeze %dma_wait3A_582 : memref<1x1x80x32xf32, #tpu.memory_space<vmem>> -> memref<80x32xf32, #tpu.memory_space<vmem>>
      %dma_wait3A_584 = arith.constant 0 : i32
      %dma_wait3A_585 = tpu.memref_slice %arg6[%add3A_517, %dma_wait3A_584] : memref<125x80xi32, #tpu.memory_space<vmem>> -> memref<1x80xi32, #tpu.memory_space<vmem>>
      %dma_wait3A_586 = tpu.memref_squeeze %dma_wait3A_585 : memref<1x80xi32, #tpu.memory_space<vmem>> -> memref<80xi32, #tpu.memory_space<vmem>>
      %dma_wait3A_587 = arith.constant 0 : i32
      %dma_wait3A_588 = arith.constant 0 : i32
      %dma_wait3A_589 = tpu.memref_slice %arg9[%dma_wait3A_587, %dma_wait3A_588] : memref<10240x32xf32, #tpu.memory_space<vmem_shared>> -> memref<10240x32xf32, #tpu.memory_space<vmem_shared>>
      tpu.wait_indirect_dma semaphore(%arg12 : memref<!tpu.dma_semaphore, #tpu.memory_space<semaphore_mem>>) src(%dma_wait3A_583 : memref<80x32xf32, #tpu.memory_space<vmem>>) dst(%dma_wait3A_589 : memref<10240x32xf32, #tpu.memory_space<vmem_shared>>)
      %add3A_590 = arith.constant 2 : i32
      %add3A_591 = arith.addi %mul3A_287, %add3A_590 : i32
      %mul3A_592 = arith.constant 5 : i32
      %mul3A_593 = arith.muli %add3A_591, %mul3A_592 : i32
      %add3A_594 = arith.constant 0 : i32
      %add3A_595 = arith.addi %mul3A_593, %add3A_594 : i32
      %dma_start3A_596 = arith.constant 0 : i32
      %dma_start3A_597 = arith.constant 0 : i32
      %dma_start3A_598 = arith.constant 0 : i32
      %dma_start3A_599 = arith.constant 0 : i32
      %dma_start3A_600 = tpu.memref_slice %arg7[%dma_start3A_596, %dma_start3A_597, %dma_start3A_598, %dma_start3A_599] : memref<2x5x80x32xf32, #tpu.memory_space<vmem>> -> memref<1x1x80x32xf32, #tpu.memory_space<vmem>>
      %dma_start3A_601 = tpu.memref_squeeze %dma_start3A_600 : memref<1x1x80x32xf32, #tpu.memory_space<vmem>> -> memref<80x32xf32, #tpu.memory_space<vmem>>
      %dma_start3A_602 = arith.constant 0 : i32
      %dma_start3A_603 = tpu.memref_slice %arg5[%add3A_595, %dma_start3A_602] : memref<125x80xi32, #tpu.memory_space<vmem>> -> memref<1x80xi32, #tpu.memory_space<vmem>>
      %dma_start3A_604 = tpu.memref_squeeze %dma_start3A_603 : memref<1x80xi32, #tpu.memory_space<vmem>> -> memref<80xi32, #tpu.memory_space<vmem>>
      %dma_start3A_605 = arith.constant 0 : i32
      %dma_start3A_606 = arith.constant 0 : i32
      %dma_start3A_607 = tpu.memref_slice %arg2[%dma_start3A_605, %dma_start3A_606] : memref<10000x32xf32, #tpu.memory_space<hbm>> -> memref<10000x32xf32, #tpu.memory_space<hbm>>
      tpu.enqueue_indirect_dma source(%dma_start3A_607 : memref<10000x32xf32, #tpu.memory_space<hbm>>) target(%dma_start3A_601 : memref<80x32xf32, #tpu.memory_space<vmem>>) offsets(%dma_start3A_604 : memref<80xi32, #tpu.memory_space<vmem>>) semaphore(%arg10 : memref<!tpu.dma_semaphore, #tpu.memory_space<semaphore_mem>>)
      %mul3A_608 = arith.constant 5 : i32
      %mul3A_609 = arith.muli %add3A_591, %mul3A_608 : i32
      %add3A_610 = arith.constant 1 : i32
      %add3A_611 = arith.addi %mul3A_609, %add3A_610 : i32
      %dma_start3A_612 = arith.constant 0 : i32
      %dma_start3A_613 = arith.constant 1 : i32
      %dma_start3A_614 = arith.constant 0 : i32
      %dma_start3A_615 = arith.constant 0 : i32
      %dma_start3A_616 = tpu.memref_slice %arg7[%dma_start3A_612, %dma_start3A_613, %dma_start3A_614, %dma_start3A_615] : memref<2x5x80x32xf32, #tpu.memory_space<vmem>> -> memref<1x1x80x32xf32, #tpu.memory_space<vmem>>
      %dma_start3A_617 = tpu.memref_squeeze %dma_start3A_616 : memref<1x1x80x32xf32, #tpu.memory_space<vmem>> -> memref<80x32xf32, #tpu.memory_space<vmem>>
      %dma_start3A_618 = arith.constant 0 : i32
      %dma_start3A_619 = tpu.memref_slice %arg5[%add3A_611, %dma_start3A_618] : memref<125x80xi32, #tpu.memory_space<vmem>> -> memref<1x80xi32, #tpu.memory_space<vmem>>
      %dma_start3A_620 = tpu.memref_squeeze %dma_start3A_619 : memref<1x80xi32, #tpu.memory_space<vmem>> -> memref<80xi32, #tpu.memory_space<vmem>>
      %dma_start3A_621 = arith.constant 0 : i32
      %dma_start3A_622 = arith.constant 0 : i32
      %dma_start3A_623 = tpu.memref_slice %arg2[%dma_start3A_621, %dma_start3A_622] : memref<10000x32xf32, #tpu.memory_space<hbm>> -> memref<10000x32xf32, #tpu.memory_space<hbm>>
      tpu.enqueue_indirect_dma source(%dma_start3A_623 : memref<10000x32xf32, #tpu.memory_space<hbm>>) target(%dma_start3A_617 : memref<80x32xf32, #tpu.memory_space<vmem>>) offsets(%dma_start3A_620 : memref<80xi32, #tpu.memory_space<vmem>>) semaphore(%arg10 : memref<!tpu.dma_semaphore, #tpu.memory_space<semaphore_mem>>)
      %mul3A_624 = arith.constant 5 : i32
      %mul3A_625 = arith.muli %add3A_591, %mul3A_624 : i32
      %add3A_626 = arith.constant 2 : i32
      %add3A_627 = arith.addi %mul3A_625, %add3A_626 : i32
      %dma_start3A_628 = arith.constant 0 : i32
      %dma_start3A_629 = arith.constant 2 : i32
      %dma_start3A_630 = arith.constant 0 : i32
      %dma_start3A_631 = arith.constant 0 : i32
      %dma_start3A_632 = tpu.memref_slice %arg7[%dma_start3A_628, %dma_start3A_629, %dma_start3A_630, %dma_start3A_631] : memref<2x5x80x32xf32, #tpu.memory_space<vmem>> -> memref<1x1x80x32xf32, #tpu.memory_space<vmem>>
      %dma_start3A_633 = tpu.memref_squeeze %dma_start3A_632 : memref<1x1x80x32xf32, #tpu.memory_space<vmem>> -> memref<80x32xf32, #tpu.memory_space<vmem>>
      %dma_start3A_634 = arith.constant 0 : i32
      %dma_start3A_635 = tpu.memref_slice %arg5[%add3A_627, %dma_start3A_634] : memref<125x80xi32, #tpu.memory_space<vmem>> -> memref<1x80xi32, #tpu.memory_space<vmem>>
      %dma_start3A_636 = tpu.memref_squeeze %dma_start3A_635 : memref<1x80xi32, #tpu.memory_space<vmem>> -> memref<80xi32, #tpu.memory_space<vmem>>
      %dma_start3A_637 = arith.constant 0 : i32
      %dma_start3A_638 = arith.constant 0 : i32
      %dma_start3A_639 = tpu.memref_slice %arg2[%dma_start3A_637, %dma_start3A_638] : memref<10000x32xf32, #tpu.memory_space<hbm>> -> memref<10000x32xf32, #tpu.memory_space<hbm>>
      tpu.enqueue_indirect_dma source(%dma_start3A_639 : memref<10000x32xf32, #tpu.memory_space<hbm>>) target(%dma_start3A_633 : memref<80x32xf32, #tpu.memory_space<vmem>>) offsets(%dma_start3A_636 : memref<80xi32, #tpu.memory_space<vmem>>) semaphore(%arg10 : memref<!tpu.dma_semaphore, #tpu.memory_space<semaphore_mem>>)
      %mul3A_640 = arith.constant 5 : i32
      %mul3A_641 = arith.muli %add3A_591, %mul3A_640 : i32
      %add3A_642 = arith.constant 3 : i32
      %add3A_643 = arith.addi %mul3A_641, %add3A_642 : i32
      %dma_start3A_644 = arith.constant 0 : i32
      %dma_start3A_645 = arith.constant 3 : i32
      %dma_start3A_646 = arith.constant 0 : i32
      %dma_start3A_647 = arith.constant 0 : i32
      %dma_start3A_648 = tpu.memref_slice %arg7[%dma_start3A_644, %dma_start3A_645, %dma_start3A_646, %dma_start3A_647] : memref<2x5x80x32xf32, #tpu.memory_space<vmem>> -> memref<1x1x80x32xf32, #tpu.memory_space<vmem>>
      %dma_start3A_649 = tpu.memref_squeeze %dma_start3A_648 : memref<1x1x80x32xf32, #tpu.memory_space<vmem>> -> memref<80x32xf32, #tpu.memory_space<vmem>>
      %dma_start3A_650 = arith.constant 0 : i32
      %dma_start3A_651 = tpu.memref_slice %arg5[%add3A_643, %dma_start3A_650] : memref<125x80xi32, #tpu.memory_space<vmem>> -> memref<1x80xi32, #tpu.memory_space<vmem>>
      %dma_start3A_652 = tpu.memref_squeeze %dma_start3A_651 : memref<1x80xi32, #tpu.memory_space<vmem>> -> memref<80xi32, #tpu.memory_space<vmem>>
      %dma_start3A_653 = arith.constant 0 : i32
      %dma_start3A_654 = arith.constant 0 : i32
      %dma_start3A_655 = tpu.memref_slice %arg2[%dma_start3A_653, %dma_start3A_654] : memref<10000x32xf32, #tpu.memory_space<hbm>> -> memref<10000x32xf32, #tpu.memory_space<hbm>>
      tpu.enqueue_indirect_dma source(%dma_start3A_655 : memref<10000x32xf32, #tpu.memory_space<hbm>>) target(%dma_start3A_649 : memref<80x32xf32, #tpu.memory_space<vmem>>) offsets(%dma_start3A_652 : memref<80xi32, #tpu.memory_space<vmem>>) semaphore(%arg10 : memref<!tpu.dma_semaphore, #tpu.memory_space<semaphore_mem>>)
      %mul3A_656 = arith.constant 5 : i32
      %mul3A_657 = arith.muli %add3A_591, %mul3A_656 : i32
      %add3A_658 = arith.constant 4 : i32
      %add3A_659 = arith.addi %mul3A_657, %add3A_658 : i32
      %dma_start3A_660 = arith.constant 0 : i32
      %dma_start3A_661 = arith.constant 4 : i32
      %dma_start3A_662 = arith.constant 0 : i32
      %dma_start3A_663 = arith.constant 0 : i32
      %dma_start3A_664 = tpu.memref_slice %arg7[%dma_start3A_660, %dma_start3A_661, %dma_start3A_662, %dma_start3A_663] : memref<2x5x80x32xf32, #tpu.memory_space<vmem>> -> memref<1x1x80x32xf32, #tpu.memory_space<vmem>>
      %dma_start3A_665 = tpu.memref_squeeze %dma_start3A_664 : memref<1x1x80x32xf32, #tpu.memory_space<vmem>> -> memref<80x32xf32, #tpu.memory_space<vmem>>
      %dma_start3A_666 = arith.constant 0 : i32
      %dma_start3A_667 = tpu.memref_slice %arg5[%add3A_659, %dma_start3A_666] : memref<125x80xi32, #tpu.memory_space<vmem>> -> memref<1x80xi32, #tpu.memory_space<vmem>>
      %dma_start3A_668 = tpu.memref_squeeze %dma_start3A_667 : memref<1x80xi32, #tpu.memory_space<vmem>> -> memref<80xi32, #tpu.memory_space<vmem>>
      %dma_start3A_669 = arith.constant 0 : i32
      %dma_start3A_670 = arith.constant 0 : i32
      %dma_start3A_671 = tpu.memref_slice %arg2[%dma_start3A_669, %dma_start3A_670] : memref<10000x32xf32, #tpu.memory_space<hbm>> -> memref<10000x32xf32, #tpu.memory_space<hbm>>
      tpu.enqueue_indirect_dma source(%dma_start3A_671 : memref<10000x32xf32, #tpu.memory_space<hbm>>) target(%dma_start3A_665 : memref<80x32xf32, #tpu.memory_space<vmem>>) offsets(%dma_start3A_668 : memref<80xi32, #tpu.memory_space<vmem>>) semaphore(%arg10 : memref<!tpu.dma_semaphore, #tpu.memory_space<semaphore_mem>>)
      %add3A_672 = arith.constant 1 : i32
      %add3A_673 = arith.addi %mul3A_287, %add3A_672 : i32
      %mul3A_674 = arith.constant 5 : i32
      %mul3A_675 = arith.muli %add3A_673, %mul3A_674 : i32
      %add3A_676 = arith.constant 0 : i32
      %add3A_677 = arith.addi %mul3A_675, %add3A_676 : i32
      %dma_wait3A_678 = arith.constant 1 : i32
      %dma_wait3A_679 = arith.constant 0 : i32
      %dma_wait3A_680 = arith.constant 0 : i32
      %dma_wait3A_681 = arith.constant 0 : i32
      %dma_wait3A_682 = tpu.memref_slice %arg7[%dma_wait3A_678, %dma_wait3A_679, %dma_wait3A_680, %dma_wait3A_681] : memref<2x5x80x32xf32, #tpu.memory_space<vmem>> -> memref<1x1x80x32xf32, #tpu.memory_space<vmem>>
      %dma_wait3A_683 = tpu.memref_squeeze %dma_wait3A_682 : memref<1x1x80x32xf32, #tpu.memory_space<vmem>> -> memref<80x32xf32, #tpu.memory_space<vmem>>
      %dma_wait3A_684 = arith.constant 0 : i32
      %dma_wait3A_685 = tpu.memref_slice %arg5[%add3A_677, %dma_wait3A_684] : memref<125x80xi32, #tpu.memory_space<vmem>> -> memref<1x80xi32, #tpu.memory_space<vmem>>
      %dma_wait3A_686 = tpu.memref_squeeze %dma_wait3A_685 : memref<1x80xi32, #tpu.memory_space<vmem>> -> memref<80xi32, #tpu.memory_space<vmem>>
      %dma_wait3A_687 = arith.constant 0 : i32
      %dma_wait3A_688 = arith.constant 0 : i32
      %dma_wait3A_689 = tpu.memref_slice %arg2[%dma_wait3A_687, %dma_wait3A_688] : memref<10000x32xf32, #tpu.memory_space<hbm>> -> memref<10000x32xf32, #tpu.memory_space<hbm>>
      tpu.wait_indirect_dma semaphore(%arg11 : memref<!tpu.dma_semaphore, #tpu.memory_space<semaphore_mem>>) src(%dma_wait3A_689 : memref<10000x32xf32, #tpu.memory_space<hbm>>) dst(%dma_wait3A_683 : memref<80x32xf32, #tpu.memory_space<vmem>>)
      %mul3A_690 = arith.constant 5 : i32
      %mul3A_691 = arith.muli %add3A_673, %mul3A_690 : i32
      %add3A_692 = arith.constant 1 : i32
      %add3A_693 = arith.addi %mul3A_691, %add3A_692 : i32
      %dma_wait3A_694 = arith.constant 1 : i32
      %dma_wait3A_695 = arith.constant 1 : i32
      %dma_wait3A_696 = arith.constant 0 : i32
      %dma_wait3A_697 = arith.constant 0 : i32
      %dma_wait3A_698 = tpu.memref_slice %arg7[%dma_wait3A_694, %dma_wait3A_695, %dma_wait3A_696, %dma_wait3A_697] : memref<2x5x80x32xf32, #tpu.memory_space<vmem>> -> memref<1x1x80x32xf32, #tpu.memory_space<vmem>>
      %dma_wait3A_699 = tpu.memref_squeeze %dma_wait3A_698 : memref<1x1x80x32xf32, #tpu.memory_space<vmem>> -> memref<80x32xf32, #tpu.memory_space<vmem>>
      %dma_wait3A_700 = arith.constant 0 : i32
      %dma_wait3A_701 = tpu.memref_slice %arg5[%add3A_693, %dma_wait3A_700] : memref<125x80xi32, #tpu.memory_space<vmem>> -> memref<1x80xi32, #tpu.memory_space<vmem>>
      %dma_wait3A_702 = tpu.memref_squeeze %dma_wait3A_701 : memref<1x80xi32, #tpu.memory_space<vmem>> -> memref<80xi32, #tpu.memory_space<vmem>>
      %dma_wait3A_703 = arith.constant 0 : i32
      %dma_wait3A_704 = arith.constant 0 : i32
      %dma_wait3A_705 = tpu.memref_slice %arg2[%dma_wait3A_703, %dma_wait3A_704] : memref<10000x32xf32, #tpu.memory_space<hbm>> -> memref<10000x32xf32, #tpu.memory_space<hbm>>
      tpu.wait_indirect_dma semaphore(%arg11 : memref<!tpu.dma_semaphore, #tpu.memory_space<semaphore_mem>>) src(%dma_wait3A_705 : memref<10000x32xf32, #tpu.memory_space<hbm>>) dst(%dma_wait3A_699 : memref<80x32xf32, #tpu.memory_space<vmem>>)
      %mul3A_706 = arith.constant 5 : i32
      %mul3A_707 = arith.muli %add3A_673, %mul3A_706 : i32
      %add3A_708 = arith.constant 2 : i32
      %add3A_709 = arith.addi %mul3A_707, %add3A_708 : i32
      %dma_wait3A_710 = arith.constant 1 : i32
      %dma_wait3A_711 = arith.constant 2 : i32
      %dma_wait3A_712 = arith.constant 0 : i32
      %dma_wait3A_713 = arith.constant 0 : i32
      %dma_wait3A_714 = tpu.memref_slice %arg7[%dma_wait3A_710, %dma_wait3A_711, %dma_wait3A_712, %dma_wait3A_713] : memref<2x5x80x32xf32, #tpu.memory_space<vmem>> -> memref<1x1x80x32xf32, #tpu.memory_space<vmem>>
      %dma_wait3A_715 = tpu.memref_squeeze %dma_wait3A_714 : memref<1x1x80x32xf32, #tpu.memory_space<vmem>> -> memref<80x32xf32, #tpu.memory_space<vmem>>
      %dma_wait3A_716 = arith.constant 0 : i32
      %dma_wait3A_717 = tpu.memref_slice %arg5[%add3A_709, %dma_wait3A_716] : memref<125x80xi32, #tpu.memory_space<vmem>> -> memref<1x80xi32, #tpu.memory_space<vmem>>
      %dma_wait3A_718 = tpu.memref_squeeze %dma_wait3A_717 : memref<1x80xi32, #tpu.memory_space<vmem>> -> memref<80xi32, #tpu.memory_space<vmem>>
      %dma_wait3A_719 = arith.constant 0 : i32
      %dma_wait3A_720 = arith.constant 0 : i32
      %dma_wait3A_721 = tpu.memref_slice %arg2[%dma_wait3A_719, %dma_wait3A_720] : memref<10000x32xf32, #tpu.memory_space<hbm>> -> memref<10000x32xf32, #tpu.memory_space<hbm>>
      tpu.wait_indirect_dma semaphore(%arg11 : memref<!tpu.dma_semaphore, #tpu.memory_space<semaphore_mem>>) src(%dma_wait3A_721 : memref<10000x32xf32, #tpu.memory_space<hbm>>) dst(%dma_wait3A_715 : memref<80x32xf32, #tpu.memory_space<vmem>>)
      %mul3A_722 = arith.constant 5 : i32
      %mul3A_723 = arith.muli %add3A_673, %mul3A_722 : i32
      %add3A_724 = arith.constant 3 : i32
      %add3A_725 = arith.addi %mul3A_723, %add3A_724 : i32
      %dma_wait3A_726 = arith.constant 1 : i32
      %dma_wait3A_727 = arith.constant 3 : i32
      %dma_wait3A_728 = arith.constant 0 : i32
      %dma_wait3A_729 = arith.constant 0 : i32
      %dma_wait3A_730 = tpu.memref_slice %arg7[%dma_wait3A_726, %dma_wait3A_727, %dma_wait3A_728, %dma_wait3A_729] : memref<2x5x80x32xf32, #tpu.memory_space<vmem>> -> memref<1x1x80x32xf32, #tpu.memory_space<vmem>>
      %dma_wait3A_731 = tpu.memref_squeeze %dma_wait3A_730 : memref<1x1x80x32xf32, #tpu.memory_space<vmem>> -> memref<80x32xf32, #tpu.memory_space<vmem>>
      %dma_wait3A_732 = arith.constant 0 : i32
      %dma_wait3A_733 = tpu.memref_slice %arg5[%add3A_725, %dma_wait3A_732] : memref<125x80xi32, #tpu.memory_space<vmem>> -> memref<1x80xi32, #tpu.memory_space<vmem>>
      %dma_wait3A_734 = tpu.memref_squeeze %dma_wait3A_733 : memref<1x80xi32, #tpu.memory_space<vmem>> -> memref<80xi32, #tpu.memory_space<vmem>>
      %dma_wait3A_735 = arith.constant 0 : i32
      %dma_wait3A_736 = arith.constant 0 : i32
      %dma_wait3A_737 = tpu.memref_slice %arg2[%dma_wait3A_735, %dma_wait3A_736] : memref<10000x32xf32, #tpu.memory_space<hbm>> -> memref<10000x32xf32, #tpu.memory_space<hbm>>
      tpu.wait_indirect_dma semaphore(%arg11 : memref<!tpu.dma_semaphore, #tpu.memory_space<semaphore_mem>>) src(%dma_wait3A_737 : memref<10000x32xf32, #tpu.memory_space<hbm>>) dst(%dma_wait3A_731 : memref<80x32xf32, #tpu.memory_space<vmem>>)
      %mul3A_738 = arith.constant 5 : i32
      %mul3A_739 = arith.muli %add3A_673, %mul3A_738 : i32
      %add3A_740 = arith.constant 4 : i32
      %add3A_741 = arith.addi %mul3A_739, %add3A_740 : i32
      %dma_wait3A_742 = arith.constant 1 : i32
      %dma_wait3A_743 = arith.constant 4 : i32
      %dma_wait3A_744 = arith.constant 0 : i32
      %dma_wait3A_745 = arith.constant 0 : i32
      %dma_wait3A_746 = tpu.memref_slice %arg7[%dma_wait3A_742, %dma_wait3A_743, %dma_wait3A_744, %dma_wait3A_745] : memref<2x5x80x32xf32, #tpu.memory_space<vmem>> -> memref<1x1x80x32xf32, #tpu.memory_space<vmem>>
      %dma_wait3A_747 = tpu.memref_squeeze %dma_wait3A_746 : memref<1x1x80x32xf32, #tpu.memory_space<vmem>> -> memref<80x32xf32, #tpu.memory_space<vmem>>
      %dma_wait3A_748 = arith.constant 0 : i32
      %dma_wait3A_749 = tpu.memref_slice %arg5[%add3A_741, %dma_wait3A_748] : memref<125x80xi32, #tpu.memory_space<vmem>> -> memref<1x80xi32, #tpu.memory_space<vmem>>
      %dma_wait3A_750 = tpu.memref_squeeze %dma_wait3A_749 : memref<1x80xi32, #tpu.memory_space<vmem>> -> memref<80xi32, #tpu.memory_space<vmem>>
      %dma_wait3A_751 = arith.constant 0 : i32
      %dma_wait3A_752 = arith.constant 0 : i32
      %dma_wait3A_753 = tpu.memref_slice %arg2[%dma_wait3A_751, %dma_wait3A_752] : memref<10000x32xf32, #tpu.memory_space<hbm>> -> memref<10000x32xf32, #tpu.memory_space<hbm>>
      tpu.wait_indirect_dma semaphore(%arg11 : memref<!tpu.dma_semaphore, #tpu.memory_space<semaphore_mem>>) src(%dma_wait3A_753 : memref<10000x32xf32, #tpu.memory_space<hbm>>) dst(%dma_wait3A_747 : memref<80x32xf32, #tpu.memory_space<vmem>>)
      %mul3A_754 = arith.constant 5 : i32
      %mul3A_755 = arith.muli %add3A_673, %mul3A_754 : i32
      %add3A_756 = arith.constant 0 : i32
      %add3A_757 = arith.addi %mul3A_755, %add3A_756 : i32
      %dma_start3A_758 = arith.constant 1 : i32
      %dma_start3A_759 = arith.constant 0 : i32
      %dma_start3A_760 = arith.constant 0 : i32
      %dma_start3A_761 = arith.constant 0 : i32
      %dma_start3A_762 = tpu.memref_slice %arg7[%dma_start3A_758, %dma_start3A_759, %dma_start3A_760, %dma_start3A_761] : memref<2x5x80x32xf32, #tpu.memory_space<vmem>> -> memref<1x1x80x32xf32, #tpu.memory_space<vmem>>
      %dma_start3A_763 = tpu.memref_squeeze %dma_start3A_762 : memref<1x1x80x32xf32, #tpu.memory_space<vmem>> -> memref<80x32xf32, #tpu.memory_space<vmem>>
      %dma_start3A_764 = arith.constant 0 : i32
      %dma_start3A_765 = tpu.memref_slice %arg6[%add3A_757, %dma_start3A_764] : memref<125x80xi32, #tpu.memory_space<vmem>> -> memref<1x80xi32, #tpu.memory_space<vmem>>
      %dma_start3A_766 = tpu.memref_squeeze %dma_start3A_765 : memref<1x80xi32, #tpu.memory_space<vmem>> -> memref<80xi32, #tpu.memory_space<vmem>>
      %dma_start3A_767 = arith.constant 0 : i32
      %dma_start3A_768 = arith.constant 0 : i32
      %dma_start3A_769 = tpu.memref_slice %arg9[%dma_start3A_767, %dma_start3A_768] : memref<10240x32xf32, #tpu.memory_space<vmem_shared>> -> memref<10240x32xf32, #tpu.memory_space<vmem_shared>>
      tpu.enqueue_indirect_dma source(%dma_start3A_763 : memref<80x32xf32, #tpu.memory_space<vmem>>) target(%dma_start3A_769 : memref<10240x32xf32, #tpu.memory_space<vmem_shared>>) offsets(%dma_start3A_766 : memref<80xi32, #tpu.memory_space<vmem>>) semaphore(%arg12 : memref<!tpu.dma_semaphore, #tpu.memory_space<semaphore_mem>>) {add = true}
      %mul3A_770 = arith.constant 5 : i32
      %mul3A_771 = arith.muli %add3A_673, %mul3A_770 : i32
      %add3A_772 = arith.constant 1 : i32
      %add3A_773 = arith.addi %mul3A_771, %add3A_772 : i32
      %dma_start3A_774 = arith.constant 1 : i32
      %dma_start3A_775 = arith.constant 1 : i32
      %dma_start3A_776 = arith.constant 0 : i32
      %dma_start3A_777 = arith.constant 0 : i32
      %dma_start3A_778 = tpu.memref_slice %arg7[%dma_start3A_774, %dma_start3A_775, %dma_start3A_776, %dma_start3A_777] : memref<2x5x80x32xf32, #tpu.memory_space<vmem>> -> memref<1x1x80x32xf32, #tpu.memory_space<vmem>>
      %dma_start3A_779 = tpu.memref_squeeze %dma_start3A_778 : memref<1x1x80x32xf32, #tpu.memory_space<vmem>> -> memref<80x32xf32, #tpu.memory_space<vmem>>
      %dma_start3A_780 = arith.constant 0 : i32
      %dma_start3A_781 = tpu.memref_slice %arg6[%add3A_773, %dma_start3A_780] : memref<125x80xi32, #tpu.memory_space<vmem>> -> memref<1x80xi32, #tpu.memory_space<vmem>>
      %dma_start3A_782 = tpu.memref_squeeze %dma_start3A_781 : memref<1x80xi32, #tpu.memory_space<vmem>> -> memref<80xi32, #tpu.memory_space<vmem>>
      %dma_start3A_783 = arith.constant 0 : i32
      %dma_start3A_784 = arith.constant 0 : i32
      %dma_start3A_785 = tpu.memref_slice %arg9[%dma_start3A_783, %dma_start3A_784] : memref<10240x32xf32, #tpu.memory_space<vmem_shared>> -> memref<10240x32xf32, #tpu.memory_space<vmem_shared>>
      tpu.enqueue_indirect_dma source(%dma_start3A_779 : memref<80x32xf32, #tpu.memory_space<vmem>>) target(%dma_start3A_785 : memref<10240x32xf32, #tpu.memory_space<vmem_shared>>) offsets(%dma_start3A_782 : memref<80xi32, #tpu.memory_space<vmem>>) semaphore(%arg12 : memref<!tpu.dma_semaphore, #tpu.memory_space<semaphore_mem>>) {add = true}
      %mul3A_786 = arith.constant 5 : i32
      %mul3A_787 = arith.muli %add3A_673, %mul3A_786 : i32
      %add3A_788 = arith.constant 2 : i32
      %add3A_789 = arith.addi %mul3A_787, %add3A_788 : i32
      %dma_start3A_790 = arith.constant 1 : i32
      %dma_start3A_791 = arith.constant 2 : i32
      %dma_start3A_792 = arith.constant 0 : i32
      %dma_start3A_793 = arith.constant 0 : i32
      %dma_start3A_794 = tpu.memref_slice %arg7[%dma_start3A_790, %dma_start3A_791, %dma_start3A_792, %dma_start3A_793] : memref<2x5x80x32xf32, #tpu.memory_space<vmem>> -> memref<1x1x80x32xf32, #tpu.memory_space<vmem>>
      %dma_start3A_795 = tpu.memref_squeeze %dma_start3A_794 : memref<1x1x80x32xf32, #tpu.memory_space<vmem>> -> memref<80x32xf32, #tpu.memory_space<vmem>>
      %dma_start3A_796 = arith.constant 0 : i32
      %dma_start3A_797 = tpu.memref_slice %arg6[%add3A_789, %dma_start3A_796] : memref<125x80xi32, #tpu.memory_space<vmem>> -> memref<1x80xi32, #tpu.memory_space<vmem>>
      %dma_start3A_798 = tpu.memref_squeeze %dma_start3A_797 : memref<1x80xi32, #tpu.memory_space<vmem>> -> memref<80xi32, #tpu.memory_space<vmem>>
      %dma_start3A_799 = arith.constant 0 : i32
      %dma_start3A_800 = arith.constant 0 : i32
      %dma_start3A_801 = tpu.memref_slice %arg9[%dma_start3A_799, %dma_start3A_800] : memref<10240x32xf32, #tpu.memory_space<vmem_shared>> -> memref<10240x32xf32, #tpu.memory_space<vmem_shared>>
      tpu.enqueue_indirect_dma source(%dma_start3A_795 : memref<80x32xf32, #tpu.memory_space<vmem>>) target(%dma_start3A_801 : memref<10240x32xf32, #tpu.memory_space<vmem_shared>>) offsets(%dma_start3A_798 : memref<80xi32, #tpu.memory_space<vmem>>) semaphore(%arg12 : memref<!tpu.dma_semaphore, #tpu.memory_space<semaphore_mem>>) {add = true}
      %mul3A_802 = arith.constant 5 : i32
      %mul3A_803 = arith.muli %add3A_673, %mul3A_802 : i32
      %add3A_804 = arith.constant 3 : i32
      %add3A_805 = arith.addi %mul3A_803, %add3A_804 : i32
      %dma_start3A_806 = arith.constant 1 : i32
      %dma_start3A_807 = arith.constant 3 : i32
      %dma_start3A_808 = arith.constant 0 : i32
      %dma_start3A_809 = arith.constant 0 : i32
      %dma_start3A_810 = tpu.memref_slice %arg7[%dma_start3A_806, %dma_start3A_807, %dma_start3A_808, %dma_start3A_809] : memref<2x5x80x32xf32, #tpu.memory_space<vmem>> -> memref<1x1x80x32xf32, #tpu.memory_space<vmem>>
      %dma_start3A_811 = tpu.memref_squeeze %dma_start3A_810 : memref<1x1x80x32xf32, #tpu.memory_space<vmem>> -> memref<80x32xf32, #tpu.memory_space<vmem>>
      %dma_start3A_812 = arith.constant 0 : i32
      %dma_start3A_813 = tpu.memref_slice %arg6[%add3A_805, %dma_start3A_812] : memref<125x80xi32, #tpu.memory_space<vmem>> -> memref<1x80xi32, #tpu.memory_space<vmem>>
      %dma_start3A_814 = tpu.memref_squeeze %dma_start3A_813 : memref<1x80xi32, #tpu.memory_space<vmem>> -> memref<80xi32, #tpu.memory_space<vmem>>
      %dma_start3A_815 = arith.constant 0 : i32
      %dma_start3A_816 = arith.constant 0 : i32
      %dma_start3A_817 = tpu.memref_slice %arg9[%dma_start3A_815, %dma_start3A_816] : memref<10240x32xf32, #tpu.memory_space<vmem_shared>> -> memref<10240x32xf32, #tpu.memory_space<vmem_shared>>
      tpu.enqueue_indirect_dma source(%dma_start3A_811 : memref<80x32xf32, #tpu.memory_space<vmem>>) target(%dma_start3A_817 : memref<10240x32xf32, #tpu.memory_space<vmem_shared>>) offsets(%dma_start3A_814 : memref<80xi32, #tpu.memory_space<vmem>>) semaphore(%arg12 : memref<!tpu.dma_semaphore, #tpu.memory_space<semaphore_mem>>) {add = true}
      %mul3A_818 = arith.constant 5 : i32
      %mul3A_819 = arith.muli %add3A_673, %mul3A_818 : i32
      %add3A_820 = arith.constant 4 : i32
      %add3A_821 = arith.addi %mul3A_819, %add3A_820 : i32
      %dma_start3A_822 = arith.constant 1 : i32
      %dma_start3A_823 = arith.constant 4 : i32
      %dma_start3A_824 = arith.constant 0 : i32
      %dma_start3A_825 = arith.constant 0 : i32
      %dma_start3A_826 = tpu.memref_slice %arg7[%dma_start3A_822, %dma_start3A_823, %dma_start3A_824, %dma_start3A_825] : memref<2x5x80x32xf32, #tpu.memory_space<vmem>> -> memref<1x1x80x32xf32, #tpu.memory_space<vmem>>
      %dma_start3A_827 = tpu.memref_squeeze %dma_start3A_826 : memref<1x1x80x32xf32, #tpu.memory_space<vmem>> -> memref<80x32xf32, #tpu.memory_space<vmem>>
      %dma_start3A_828 = arith.constant 0 : i32
      %dma_start3A_829 = tpu.memref_slice %arg6[%add3A_821, %dma_start3A_828] : memref<125x80xi32, #tpu.memory_space<vmem>> -> memref<1x80xi32, #tpu.memory_space<vmem>>
      %dma_start3A_830 = tpu.memref_squeeze %dma_start3A_829 : memref<1x80xi32, #tpu.memory_space<vmem>> -> memref<80xi32, #tpu.memory_space<vmem>>
      %dma_start3A_831 = arith.constant 0 : i32
      %dma_start3A_832 = arith.constant 0 : i32
      %dma_start3A_833 = tpu.memref_slice %arg9[%dma_start3A_831, %dma_start3A_832] : memref<10240x32xf32, #tpu.memory_space<vmem_shared>> -> memref<10240x32xf32, #tpu.memory_space<vmem_shared>>
      tpu.enqueue_indirect_dma source(%dma_start3A_827 : memref<80x32xf32, #tpu.memory_space<vmem>>) target(%dma_start3A_833 : memref<10240x32xf32, #tpu.memory_space<vmem_shared>>) offsets(%dma_start3A_830 : memref<80xi32, #tpu.memory_space<vmem>>) semaphore(%arg12 : memref<!tpu.dma_semaphore, #tpu.memory_space<semaphore_mem>>) {add = true}
      %dma_wait3A_834 = arith.constant 1 : i32
      %dma_wait3A_835 = arith.constant 0 : i32
      %dma_wait3A_836 = arith.constant 0 : i32
      %dma_wait3A_837 = arith.constant 0 : i32
      %dma_wait3A_838 = tpu.memref_slice %arg7[%dma_wait3A_834, %dma_wait3A_835, %dma_wait3A_836, %dma_wait3A_837] : memref<2x5x80x32xf32, #tpu.memory_space<vmem>> -> memref<1x1x80x32xf32, #tpu.memory_space<vmem>>
      %dma_wait3A_839 = tpu.memref_squeeze %dma_wait3A_838 : memref<1x1x80x32xf32, #tpu.memory_space<vmem>> -> memref<80x32xf32, #tpu.memory_space<vmem>>
      %dma_wait3A_840 = arith.constant 0 : i32
      %dma_wait3A_841 = tpu.memref_slice %arg6[%add3A_757, %dma_wait3A_840] : memref<125x80xi32, #tpu.memory_space<vmem>> -> memref<1x80xi32, #tpu.memory_space<vmem>>
      %dma_wait3A_842 = tpu.memref_squeeze %dma_wait3A_841 : memref<1x80xi32, #tpu.memory_space<vmem>> -> memref<80xi32, #tpu.memory_space<vmem>>
      %dma_wait3A_843 = arith.constant 0 : i32
      %dma_wait3A_844 = arith.constant 0 : i32
      %dma_wait3A_845 = tpu.memref_slice %arg9[%dma_wait3A_843, %dma_wait3A_844] : memref<10240x32xf32, #tpu.memory_space<vmem_shared>> -> memref<10240x32xf32, #tpu.memory_space<vmem_shared>>
      tpu.wait_indirect_dma semaphore(%arg12 : memref<!tpu.dma_semaphore, #tpu.memory_space<semaphore_mem>>) src(%dma_wait3A_839 : memref<80x32xf32, #tpu.memory_space<vmem>>) dst(%dma_wait3A_845 : memref<10240x32xf32, #tpu.memory_space<vmem_shared>>)
      %dma_wait3A_846 = arith.constant 1 : i32
      %dma_wait3A_847 = arith.constant 1 : i32
      %dma_wait3A_848 = arith.constant 0 : i32
      %dma_wait3A_849 = arith.constant 0 : i32
      %dma_wait3A_850 = tpu.memref_slice %arg7[%dma_wait3A_846, %dma_wait3A_847, %dma_wait3A_848, %dma_wait3A_849] : memref<2x5x80x32xf32, #tpu.memory_space<vmem>> -> memref<1x1x80x32xf32, #tpu.memory_space<vmem>>
      %dma_wait3A_851 = tpu.memref_squeeze %dma_wait3A_850 : memref<1x1x80x32xf32, #tpu.memory_space<vmem>> -> memref<80x32xf32, #tpu.memory_space<vmem>>
      %dma_wait3A_852 = arith.constant 0 : i32
      %dma_wait3A_853 = tpu.memref_slice %arg6[%add3A_773, %dma_wait3A_852] : memref<125x80xi32, #tpu.memory_space<vmem>> -> memref<1x80xi32, #tpu.memory_space<vmem>>
      %dma_wait3A_854 = tpu.memref_squeeze %dma_wait3A_853 : memref<1x80xi32, #tpu.memory_space<vmem>> -> memref<80xi32, #tpu.memory_space<vmem>>
      %dma_wait3A_855 = arith.constant 0 : i32
      %dma_wait3A_856 = arith.constant 0 : i32
      %dma_wait3A_857 = tpu.memref_slice %arg9[%dma_wait3A_855, %dma_wait3A_856] : memref<10240x32xf32, #tpu.memory_space<vmem_shared>> -> memref<10240x32xf32, #tpu.memory_space<vmem_shared>>
      tpu.wait_indirect_dma semaphore(%arg12 : memref<!tpu.dma_semaphore, #tpu.memory_space<semaphore_mem>>) src(%dma_wait3A_851 : memref<80x32xf32, #tpu.memory_space<vmem>>) dst(%dma_wait3A_857 : memref<10240x32xf32, #tpu.memory_space<vmem_shared>>)
      %dma_wait3A_858 = arith.constant 1 : i32
      %dma_wait3A_859 = arith.constant 2 : i32
      %dma_wait3A_860 = arith.constant 0 : i32
      %dma_wait3A_861 = arith.constant 0 : i32
      %dma_wait3A_862 = tpu.memref_slice %arg7[%dma_wait3A_858, %dma_wait3A_859, %dma_wait3A_860, %dma_wait3A_861] : memref<2x5x80x32xf32, #tpu.memory_space<vmem>> -> memref<1x1x80x32xf32, #tpu.memory_space<vmem>>
      %dma_wait3A_863 = tpu.memref_squeeze %dma_wait3A_862 : memref<1x1x80x32xf32, #tpu.memory_space<vmem>> -> memref<80x32xf32, #tpu.memory_space<vmem>>
      %dma_wait3A_864 = arith.constant 0 : i32
      %dma_wait3A_865 = tpu.memref_slice %arg6[%add3A_789, %dma_wait3A_864] : memref<125x80xi32, #tpu.memory_space<vmem>> -> memref<1x80xi32, #tpu.memory_space<vmem>>
      %dma_wait3A_866 = tpu.memref_squeeze %dma_wait3A_865 : memref<1x80xi32, #tpu.memory_space<vmem>> -> memref<80xi32, #tpu.memory_space<vmem>>
      %dma_wait3A_867 = arith.constant 0 : i32
      %dma_wait3A_868 = arith.constant 0 : i32
      %dma_wait3A_869 = tpu.memref_slice %arg9[%dma_wait3A_867, %dma_wait3A_868] : memref<10240x32xf32, #tpu.memory_space<vmem_shared>> -> memref<10240x32xf32, #tpu.memory_space<vmem_shared>>
      tpu.wait_indirect_dma semaphore(%arg12 : memref<!tpu.dma_semaphore, #tpu.memory_space<semaphore_mem>>) src(%dma_wait3A_863 : memref<80x32xf32, #tpu.memory_space<vmem>>) dst(%dma_wait3A_869 : memref<10240x32xf32, #tpu.memory_space<vmem_shared>>)
      %dma_wait3A_870 = arith.constant 1 : i32
      %dma_wait3A_871 = arith.constant 3 : i32
      %dma_wait3A_872 = arith.constant 0 : i32
      %dma_wait3A_873 = arith.constant 0 : i32
      %dma_wait3A_874 = tpu.memref_slice %arg7[%dma_wait3A_870, %dma_wait3A_871, %dma_wait3A_872, %dma_wait3A_873] : memref<2x5x80x32xf32, #tpu.memory_space<vmem>> -> memref<1x1x80x32xf32, #tpu.memory_space<vmem>>
      %dma_wait3A_875 = tpu.memref_squeeze %dma_wait3A_874 : memref<1x1x80x32xf32, #tpu.memory_space<vmem>> -> memref<80x32xf32, #tpu.memory_space<vmem>>
      %dma_wait3A_876 = arith.constant 0 : i32
      %dma_wait3A_877 = tpu.memref_slice %arg6[%add3A_805, %dma_wait3A_876] : memref<125x80xi32, #tpu.memory_space<vmem>> -> memref<1x80xi32, #tpu.memory_space<vmem>>
      %dma_wait3A_878 = tpu.memref_squeeze %dma_wait3A_877 : memref<1x80xi32, #tpu.memory_space<vmem>> -> memref<80xi32, #tpu.memory_space<vmem>>
      %dma_wait3A_879 = arith.constant 0 : i32
      %dma_wait3A_880 = arith.constant 0 : i32
      %dma_wait3A_881 = tpu.memref_slice %arg9[%dma_wait3A_879, %dma_wait3A_880] : memref<10240x32xf32, #tpu.memory_space<vmem_shared>> -> memref<10240x32xf32, #tpu.memory_space<vmem_shared>>
      tpu.wait_indirect_dma semaphore(%arg12 : memref<!tpu.dma_semaphore, #tpu.memory_space<semaphore_mem>>) src(%dma_wait3A_875 : memref<80x32xf32, #tpu.memory_space<vmem>>) dst(%dma_wait3A_881 : memref<10240x32xf32, #tpu.memory_space<vmem_shared>>)
      %dma_wait3A_882 = arith.constant 1 : i32
      %dma_wait3A_883 = arith.constant 4 : i32
      %dma_wait3A_884 = arith.constant 0 : i32
      %dma_wait3A_885 = arith.constant 0 : i32
      %dma_wait3A_886 = tpu.memref_slice %arg7[%dma_wait3A_882, %dma_wait3A_883, %dma_wait3A_884, %dma_wait3A_885] : memref<2x5x80x32xf32, #tpu.memory_space<vmem>> -> memref<1x1x80x32xf32, #tpu.memory_space<vmem>>
      %dma_wait3A_887 = tpu.memref_squeeze %dma_wait3A_886 : memref<1x1x80x32xf32, #tpu.memory_space<vmem>> -> memref<80x32xf32, #tpu.memory_space<vmem>>
      %dma_wait3A_888 = arith.constant 0 : i32
      %dma_wait3A_889 = tpu.memref_slice %arg6[%add3A_821, %dma_wait3A_888] : memref<125x80xi32, #tpu.memory_space<vmem>> -> memref<1x80xi32, #tpu.memory_space<vmem>>
      %dma_wait3A_890 = tpu.memref_squeeze %dma_wait3A_889 : memref<1x80xi32, #tpu.memory_space<vmem>> -> memref<80xi32, #tpu.memory_space<vmem>>
      %dma_wait3A_891 = arith.constant 0 : i32
      %dma_wait3A_892 = arith.constant 0 : i32
      %dma_wait3A_893 = tpu.memref_slice %arg9[%dma_wait3A_891, %dma_wait3A_892] : memref<10240x32xf32, #tpu.memory_space<vmem_shared>> -> memref<10240x32xf32, #tpu.memory_space<vmem_shared>>
      tpu.wait_indirect_dma semaphore(%arg12 : memref<!tpu.dma_semaphore, #tpu.memory_space<semaphore_mem>>) src(%dma_wait3A_887 : memref<80x32xf32, #tpu.memory_space<vmem>>) dst(%dma_wait3A_893 : memref<10240x32xf32, #tpu.memory_space<vmem_shared>>)
      %scan3A_894 = arith.constant 0 : i32
      scf.yield %scan3A_894 : i32
    }
    %scan3A_84 = arith.constant 12 : i32
    %dma_wait3A = arith.constant 120 : i32
    %dma_wait3A_85 = arith.constant 0 : i32
    %dma_wait3A_86 = arith.constant 0 : i32
    %dma_wait3A_87 = arith.constant 0 : i32
    %dma_wait3A_88 = arith.constant 0 : i32
    %dma_wait3A_89 = tpu.memref_slice %arg7[%dma_wait3A_85, %dma_wait3A_86, %dma_wait3A_87, %dma_wait3A_88] : memref<2x5x80x32xf32, #tpu.memory_space<vmem>> -> memref<1x1x80x32xf32, #tpu.memory_space<vmem>>
    %dma_wait3A_90 = tpu.memref_squeeze %dma_wait3A_89 : memref<1x1x80x32xf32, #tpu.memory_space<vmem>> -> memref<80x32xf32, #tpu.memory_space<vmem>>
    %dma_wait3A_91 = arith.constant 0 : i32
    %dma_wait3A_92 = tpu.memref_slice %arg5[%dma_wait3A, %dma_wait3A_91] : memref<125x80xi32, #tpu.memory_space<vmem>> -> memref<1x80xi32, #tpu.memory_space<vmem>>
    %dma_wait3A_93 = tpu.memref_squeeze %dma_wait3A_92 : memref<1x80xi32, #tpu.memory_space<vmem>> -> memref<80xi32, #tpu.memory_space<vmem>>
    %dma_wait3A_94 = arith.constant 0 : i32
    %dma_wait3A_95 = arith.constant 0 : i32
    %dma_wait3A_96 = tpu.memref_slice %arg2[%dma_wait3A_94, %dma_wait3A_95] : memref<10000x32xf32, #tpu.memory_space<hbm>> -> memref<10000x32xf32, #tpu.memory_space<hbm>>
    tpu.wait_indirect_dma semaphore(%arg10 : memref<!tpu.dma_semaphore, #tpu.memory_space<semaphore_mem>>) src(%dma_wait3A_96 : memref<10000x32xf32, #tpu.memory_space<hbm>>) dst(%dma_wait3A_90 : memref<80x32xf32, #tpu.memory_space<vmem>>)
    %dma_wait3A_97 = arith.constant 121 : i32
    %dma_wait3A_98 = arith.constant 0 : i32
    %dma_wait3A_99 = arith.constant 1 : i32
    %dma_wait3A_100 = arith.constant 0 : i32
    %dma_wait3A_101 = arith.constant 0 : i32
    %dma_wait3A_102 = tpu.memref_slice %arg7[%dma_wait3A_98, %dma_wait3A_99, %dma_wait3A_100, %dma_wait3A_101] : memref<2x5x80x32xf32, #tpu.memory_space<vmem>> -> memref<1x1x80x32xf32, #tpu.memory_space<vmem>>
    %dma_wait3A_103 = tpu.memref_squeeze %dma_wait3A_102 : memref<1x1x80x32xf32, #tpu.memory_space<vmem>> -> memref<80x32xf32, #tpu.memory_space<vmem>>
    %dma_wait3A_104 = arith.constant 0 : i32
    %dma_wait3A_105 = tpu.memref_slice %arg5[%dma_wait3A_97, %dma_wait3A_104] : memref<125x80xi32, #tpu.memory_space<vmem>> -> memref<1x80xi32, #tpu.memory_space<vmem>>
    %dma_wait3A_106 = tpu.memref_squeeze %dma_wait3A_105 : memref<1x80xi32, #tpu.memory_space<vmem>> -> memref<80xi32, #tpu.memory_space<vmem>>
    %dma_wait3A_107 = arith.constant 0 : i32
    %dma_wait3A_108 = arith.constant 0 : i32
    %dma_wait3A_109 = tpu.memref_slice %arg2[%dma_wait3A_107, %dma_wait3A_108] : memref<10000x32xf32, #tpu.memory_space<hbm>> -> memref<10000x32xf32, #tpu.memory_space<hbm>>
    tpu.wait_indirect_dma semaphore(%arg10 : memref<!tpu.dma_semaphore, #tpu.memory_space<semaphore_mem>>) src(%dma_wait3A_109 : memref<10000x32xf32, #tpu.memory_space<hbm>>) dst(%dma_wait3A_103 : memref<80x32xf32, #tpu.memory_space<vmem>>)
    %dma_wait3A_110 = arith.constant 122 : i32
    %dma_wait3A_111 = arith.constant 0 : i32
    %dma_wait3A_112 = arith.constant 2 : i32
    %dma_wait3A_113 = arith.constant 0 : i32
    %dma_wait3A_114 = arith.constant 0 : i32
    %dma_wait3A_115 = tpu.memref_slice %arg7[%dma_wait3A_111, %dma_wait3A_112, %dma_wait3A_113, %dma_wait3A_114] : memref<2x5x80x32xf32, #tpu.memory_space<vmem>> -> memref<1x1x80x32xf32, #tpu.memory_space<vmem>>
    %dma_wait3A_116 = tpu.memref_squeeze %dma_wait3A_115 : memref<1x1x80x32xf32, #tpu.memory_space<vmem>> -> memref<80x32xf32, #tpu.memory_space<vmem>>
    %dma_wait3A_117 = arith.constant 0 : i32
    %dma_wait3A_118 = tpu.memref_slice %arg5[%dma_wait3A_110, %dma_wait3A_117] : memref<125x80xi32, #tpu.memory_space<vmem>> -> memref<1x80xi32, #tpu.memory_space<vmem>>
    %dma_wait3A_119 = tpu.memref_squeeze %dma_wait3A_118 : memref<1x80xi32, #tpu.memory_space<vmem>> -> memref<80xi32, #tpu.memory_space<vmem>>
    %dma_wait3A_120 = arith.constant 0 : i32
    %dma_wait3A_121 = arith.constant 0 : i32
    %dma_wait3A_122 = tpu.memref_slice %arg2[%dma_wait3A_120, %dma_wait3A_121] : memref<10000x32xf32, #tpu.memory_space<hbm>> -> memref<10000x32xf32, #tpu.memory_space<hbm>>
    tpu.wait_indirect_dma semaphore(%arg10 : memref<!tpu.dma_semaphore, #tpu.memory_space<semaphore_mem>>) src(%dma_wait3A_122 : memref<10000x32xf32, #tpu.memory_space<hbm>>) dst(%dma_wait3A_116 : memref<80x32xf32, #tpu.memory_space<vmem>>)
    %dma_wait3A_123 = arith.constant 123 : i32
    %dma_wait3A_124 = arith.constant 0 : i32
    %dma_wait3A_125 = arith.constant 3 : i32
    %dma_wait3A_126 = arith.constant 0 : i32
    %dma_wait3A_127 = arith.constant 0 : i32
    %dma_wait3A_128 = tpu.memref_slice %arg7[%dma_wait3A_124, %dma_wait3A_125, %dma_wait3A_126, %dma_wait3A_127] : memref<2x5x80x32xf32, #tpu.memory_space<vmem>> -> memref<1x1x80x32xf32, #tpu.memory_space<vmem>>
    %dma_wait3A_129 = tpu.memref_squeeze %dma_wait3A_128 : memref<1x1x80x32xf32, #tpu.memory_space<vmem>> -> memref<80x32xf32, #tpu.memory_space<vmem>>
    %dma_wait3A_130 = arith.constant 0 : i32
    %dma_wait3A_131 = tpu.memref_slice %arg5[%dma_wait3A_123, %dma_wait3A_130] : memref<125x80xi32, #tpu.memory_space<vmem>> -> memref<1x80xi32, #tpu.memory_space<vmem>>
    %dma_wait3A_132 = tpu.memref_squeeze %dma_wait3A_131 : memref<1x80xi32, #tpu.memory_space<vmem>> -> memref<80xi32, #tpu.memory_space<vmem>>
    %dma_wait3A_133 = arith.constant 0 : i32
    %dma_wait3A_134 = arith.constant 0 : i32
    %dma_wait3A_135 = tpu.memref_slice %arg2[%dma_wait3A_133, %dma_wait3A_134] : memref<10000x32xf32, #tpu.memory_space<hbm>> -> memref<10000x32xf32, #tpu.memory_space<hbm>>
    tpu.wait_indirect_dma semaphore(%arg10 : memref<!tpu.dma_semaphore, #tpu.memory_space<semaphore_mem>>) src(%dma_wait3A_135 : memref<10000x32xf32, #tpu.memory_space<hbm>>) dst(%dma_wait3A_129 : memref<80x32xf32, #tpu.memory_space<vmem>>)
    %dma_wait3A_136 = arith.constant 124 : i32
    %dma_wait3A_137 = arith.constant 0 : i32
    %dma_wait3A_138 = arith.constant 4 : i32
    %dma_wait3A_139 = arith.constant 0 : i32
    %dma_wait3A_140 = arith.constant 0 : i32
    %dma_wait3A_141 = tpu.memref_slice %arg7[%dma_wait3A_137, %dma_wait3A_138, %dma_wait3A_139, %dma_wait3A_140] : memref<2x5x80x32xf32, #tpu.memory_space<vmem>> -> memref<1x1x80x32xf32, #tpu.memory_space<vmem>>
    %dma_wait3A_142 = tpu.memref_squeeze %dma_wait3A_141 : memref<1x1x80x32xf32, #tpu.memory_space<vmem>> -> memref<80x32xf32, #tpu.memory_space<vmem>>
    %dma_wait3A_143 = arith.constant 0 : i32
    %dma_wait3A_144 = tpu.memref_slice %arg5[%dma_wait3A_136, %dma_wait3A_143] : memref<125x80xi32, #tpu.memory_space<vmem>> -> memref<1x80xi32, #tpu.memory_space<vmem>>
    %dma_wait3A_145 = tpu.memref_squeeze %dma_wait3A_144 : memref<1x80xi32, #tpu.memory_space<vmem>> -> memref<80xi32, #tpu.memory_space<vmem>>
    %dma_wait3A_146 = arith.constant 0 : i32
    %dma_wait3A_147 = arith.constant 0 : i32
    %dma_wait3A_148 = tpu.memref_slice %arg2[%dma_wait3A_146, %dma_wait3A_147] : memref<10000x32xf32, #tpu.memory_space<hbm>> -> memref<10000x32xf32, #tpu.memory_space<hbm>>
    tpu.wait_indirect_dma semaphore(%arg10 : memref<!tpu.dma_semaphore, #tpu.memory_space<semaphore_mem>>) src(%dma_wait3A_148 : memref<10000x32xf32, #tpu.memory_space<hbm>>) dst(%dma_wait3A_142 : memref<80x32xf32, #tpu.memory_space<vmem>>)
    %dma_start3A_149 = arith.constant 0 : i32
    %dma_start3A_150 = arith.constant 0 : i32
    %dma_start3A_151 = arith.constant 120 : i32
    %dma_start3A_152 = arith.constant 0 : i32
    %dma_start3A_153 = arith.constant 0 : i32
    %dma_start3A_154 = tpu.memref_slice %arg7[%dma_start3A_149, %dma_start3A_150, %dma_start3A_152, %dma_start3A_153] : memref<2x5x80x32xf32, #tpu.memory_space<vmem>> -> memref<1x1x80x32xf32, #tpu.memory_space<vmem>>
    %dma_start3A_155 = tpu.memref_squeeze %dma_start3A_154 : memref<1x1x80x32xf32, #tpu.memory_space<vmem>> -> memref<80x32xf32, #tpu.memory_space<vmem>>
    %dma_start3A_156 = arith.constant 0 : i32
    %dma_start3A_157 = tpu.memref_slice %arg6[%dma_start3A_151, %dma_start3A_156] : memref<125x80xi32, #tpu.memory_space<vmem>> -> memref<1x80xi32, #tpu.memory_space<vmem>>
    %dma_start3A_158 = tpu.memref_squeeze %dma_start3A_157 : memref<1x80xi32, #tpu.memory_space<vmem>> -> memref<80xi32, #tpu.memory_space<vmem>>
    %dma_start3A_159 = arith.constant 0 : i32
    %dma_start3A_160 = arith.constant 0 : i32
    %dma_start3A_161 = tpu.memref_slice %arg9[%dma_start3A_159, %dma_start3A_160] : memref<10240x32xf32, #tpu.memory_space<vmem_shared>> -> memref<10240x32xf32, #tpu.memory_space<vmem_shared>>
    tpu.enqueue_indirect_dma source(%dma_start3A_155 : memref<80x32xf32, #tpu.memory_space<vmem>>) target(%dma_start3A_161 : memref<10240x32xf32, #tpu.memory_space<vmem_shared>>) offsets(%dma_start3A_158 : memref<80xi32, #tpu.memory_space<vmem>>) semaphore(%arg12 : memref<!tpu.dma_semaphore, #tpu.memory_space<semaphore_mem>>) {add = true}
    %dma_start3A_162 = arith.constant 0 : i32
    %dma_start3A_163 = arith.constant 1 : i32
    %dma_start3A_164 = arith.constant 121 : i32
    %dma_start3A_165 = arith.constant 0 : i32
    %dma_start3A_166 = arith.constant 0 : i32
    %dma_start3A_167 = tpu.memref_slice %arg7[%dma_start3A_162, %dma_start3A_163, %dma_start3A_165, %dma_start3A_166] : memref<2x5x80x32xf32, #tpu.memory_space<vmem>> -> memref<1x1x80x32xf32, #tpu.memory_space<vmem>>
    %dma_start3A_168 = tpu.memref_squeeze %dma_start3A_167 : memref<1x1x80x32xf32, #tpu.memory_space<vmem>> -> memref<80x32xf32, #tpu.memory_space<vmem>>
    %dma_start3A_169 = arith.constant 0 : i32
    %dma_start3A_170 = tpu.memref_slice %arg6[%dma_start3A_164, %dma_start3A_169] : memref<125x80xi32, #tpu.memory_space<vmem>> -> memref<1x80xi32, #tpu.memory_space<vmem>>
    %dma_start3A_171 = tpu.memref_squeeze %dma_start3A_170 : memref<1x80xi32, #tpu.memory_space<vmem>> -> memref<80xi32, #tpu.memory_space<vmem>>
    %dma_start3A_172 = arith.constant 0 : i32
    %dma_start3A_173 = arith.constant 0 : i32
    %dma_start3A_174 = tpu.memref_slice %arg9[%dma_start3A_172, %dma_start3A_173] : memref<10240x32xf32, #tpu.memory_space<vmem_shared>> -> memref<10240x32xf32, #tpu.memory_space<vmem_shared>>
    tpu.enqueue_indirect_dma source(%dma_start3A_168 : memref<80x32xf32, #tpu.memory_space<vmem>>) target(%dma_start3A_174 : memref<10240x32xf32, #tpu.memory_space<vmem_shared>>) offsets(%dma_start3A_171 : memref<80xi32, #tpu.memory_space<vmem>>) semaphore(%arg12 : memref<!tpu.dma_semaphore, #tpu.memory_space<semaphore_mem>>) {add = true}
    %dma_start3A_175 = arith.constant 0 : i32
    %dma_start3A_176 = arith.constant 2 : i32
    %dma_start3A_177 = arith.constant 122 : i32
    %dma_start3A_178 = arith.constant 0 : i32
    %dma_start3A_179 = arith.constant 0 : i32
    %dma_start3A_180 = tpu.memref_slice %arg7[%dma_start3A_175, %dma_start3A_176, %dma_start3A_178, %dma_start3A_179] : memref<2x5x80x32xf32, #tpu.memory_space<vmem>> -> memref<1x1x80x32xf32, #tpu.memory_space<vmem>>
    %dma_start3A_181 = tpu.memref_squeeze %dma_start3A_180 : memref<1x1x80x32xf32, #tpu.memory_space<vmem>> -> memref<80x32xf32, #tpu.memory_space<vmem>>
    %dma_start3A_182 = arith.constant 0 : i32
    %dma_start3A_183 = tpu.memref_slice %arg6[%dma_start3A_177, %dma_start3A_182] : memref<125x80xi32, #tpu.memory_space<vmem>> -> memref<1x80xi32, #tpu.memory_space<vmem>>
    %dma_start3A_184 = tpu.memref_squeeze %dma_start3A_183 : memref<1x80xi32, #tpu.memory_space<vmem>> -> memref<80xi32, #tpu.memory_space<vmem>>
    %dma_start3A_185 = arith.constant 0 : i32
    %dma_start3A_186 = arith.constant 0 : i32
    %dma_start3A_187 = tpu.memref_slice %arg9[%dma_start3A_185, %dma_start3A_186] : memref<10240x32xf32, #tpu.memory_space<vmem_shared>> -> memref<10240x32xf32, #tpu.memory_space<vmem_shared>>
    tpu.enqueue_indirect_dma source(%dma_start3A_181 : memref<80x32xf32, #tpu.memory_space<vmem>>) target(%dma_start3A_187 : memref<10240x32xf32, #tpu.memory_space<vmem_shared>>) offsets(%dma_start3A_184 : memref<80xi32, #tpu.memory_space<vmem>>) semaphore(%arg12 : memref<!tpu.dma_semaphore, #tpu.memory_space<semaphore_mem>>) {add = true}
    %dma_start3A_188 = arith.constant 0 : i32
    %dma_start3A_189 = arith.constant 3 : i32
    %dma_start3A_190 = arith.constant 123 : i32
    %dma_start3A_191 = arith.constant 0 : i32
    %dma_start3A_192 = arith.constant 0 : i32
    %dma_start3A_193 = tpu.memref_slice %arg7[%dma_start3A_188, %dma_start3A_189, %dma_start3A_191, %dma_start3A_192] : memref<2x5x80x32xf32, #tpu.memory_space<vmem>> -> memref<1x1x80x32xf32, #tpu.memory_space<vmem>>
    %dma_start3A_194 = tpu.memref_squeeze %dma_start3A_193 : memref<1x1x80x32xf32, #tpu.memory_space<vmem>> -> memref<80x32xf32, #tpu.memory_space<vmem>>
    %dma_start3A_195 = arith.constant 0 : i32
    %dma_start3A_196 = tpu.memref_slice %arg6[%dma_start3A_190, %dma_start3A_195] : memref<125x80xi32, #tpu.memory_space<vmem>> -> memref<1x80xi32, #tpu.memory_space<vmem>>
    %dma_start3A_197 = tpu.memref_squeeze %dma_start3A_196 : memref<1x80xi32, #tpu.memory_space<vmem>> -> memref<80xi32, #tpu.memory_space<vmem>>
    %dma_start3A_198 = arith.constant 0 : i32
    %dma_start3A_199 = arith.constant 0 : i32
    %dma_start3A_200 = tpu.memref_slice %arg9[%dma_start3A_198, %dma_start3A_199] : memref<10240x32xf32, #tpu.memory_space<vmem_shared>> -> memref<10240x32xf32, #tpu.memory_space<vmem_shared>>
    tpu.enqueue_indirect_dma source(%dma_start3A_194 : memref<80x32xf32, #tpu.memory_space<vmem>>) target(%dma_start3A_200 : memref<10240x32xf32, #tpu.memory_space<vmem_shared>>) offsets(%dma_start3A_197 : memref<80xi32, #tpu.memory_space<vmem>>) semaphore(%arg12 : memref<!tpu.dma_semaphore, #tpu.memory_space<semaphore_mem>>) {add = true}
    %dma_start3A_201 = arith.constant 0 : i32
    %dma_start3A_202 = arith.constant 4 : i32
    %dma_start3A_203 = arith.constant 124 : i32
    %dma_start3A_204 = arith.constant 0 : i32
    %dma_start3A_205 = arith.constant 0 : i32
    %dma_start3A_206 = tpu.memref_slice %arg7[%dma_start3A_201, %dma_start3A_202, %dma_start3A_204, %dma_start3A_205] : memref<2x5x80x32xf32, #tpu.memory_space<vmem>> -> memref<1x1x80x32xf32, #tpu.memory_space<vmem>>
    %dma_start3A_207 = tpu.memref_squeeze %dma_start3A_206 : memref<1x1x80x32xf32, #tpu.memory_space<vmem>> -> memref<80x32xf32, #tpu.memory_space<vmem>>
    %dma_start3A_208 = arith.constant 0 : i32
    %dma_start3A_209 = tpu.memref_slice %arg6[%dma_start3A_203, %dma_start3A_208] : memref<125x80xi32, #tpu.memory_space<vmem>> -> memref<1x80xi32, #tpu.memory_space<vmem>>
    %dma_start3A_210 = tpu.memref_squeeze %dma_start3A_209 : memref<1x80xi32, #tpu.memory_space<vmem>> -> memref<80xi32, #tpu.memory_space<vmem>>
    %dma_start3A_211 = arith.constant 0 : i32
    %dma_start3A_212 = arith.constant 0 : i32
    %dma_start3A_213 = tpu.memref_slice %arg9[%dma_start3A_211, %dma_start3A_212] : memref<10240x32xf32, #tpu.memory_space<vmem_shared>> -> memref<10240x32xf32, #tpu.memory_space<vmem_shared>>
    tpu.enqueue_indirect_dma source(%dma_start3A_207 : memref<80x32xf32, #tpu.memory_space<vmem>>) target(%dma_start3A_213 : memref<10240x32xf32, #tpu.memory_space<vmem_shared>>) offsets(%dma_start3A_210 : memref<80xi32, #tpu.memory_space<vmem>>) semaphore(%arg12 : memref<!tpu.dma_semaphore, #tpu.memory_space<semaphore_mem>>) {add = true}
    %dma_wait3A_214 = arith.constant 0 : i32
    %dma_wait3A_215 = arith.constant 0 : i32
    %dma_wait3A_216 = arith.constant 120 : i32
    %dma_wait3A_217 = arith.constant 0 : i32
    %dma_wait3A_218 = arith.constant 0 : i32
    %dma_wait3A_219 = tpu.memref_slice %arg7[%dma_wait3A_214, %dma_wait3A_215, %dma_wait3A_217, %dma_wait3A_218] : memref<2x5x80x32xf32, #tpu.memory_space<vmem>> -> memref<1x1x80x32xf32, #tpu.memory_space<vmem>>
    %dma_wait3A_220 = tpu.memref_squeeze %dma_wait3A_219 : memref<1x1x80x32xf32, #tpu.memory_space<vmem>> -> memref<80x32xf32, #tpu.memory_space<vmem>>
    %dma_wait3A_221 = arith.constant 0 : i32
    %dma_wait3A_222 = tpu.memref_slice %arg6[%dma_wait3A_216, %dma_wait3A_221] : memref<125x80xi32, #tpu.memory_space<vmem>> -> memref<1x80xi32, #tpu.memory_space<vmem>>
    %dma_wait3A_223 = tpu.memref_squeeze %dma_wait3A_222 : memref<1x80xi32, #tpu.memory_space<vmem>> -> memref<80xi32, #tpu.memory_space<vmem>>
    %dma_wait3A_224 = arith.constant 0 : i32
    %dma_wait3A_225 = arith.constant 0 : i32
    %dma_wait3A_226 = tpu.memref_slice %arg9[%dma_wait3A_224, %dma_wait3A_225] : memref<10240x32xf32, #tpu.memory_space<vmem_shared>> -> memref<10240x32xf32, #tpu.memory_space<vmem_shared>>
    tpu.wait_indirect_dma semaphore(%arg12 : memref<!tpu.dma_semaphore, #tpu.memory_space<semaphore_mem>>) src(%dma_wait3A_220 : memref<80x32xf32, #tpu.memory_space<vmem>>) dst(%dma_wait3A_226 : memref<10240x32xf32, #tpu.memory_space<vmem_shared>>)
    %dma_wait3A_227 = arith.constant 0 : i32
    %dma_wait3A_228 = arith.constant 1 : i32
    %dma_wait3A_229 = arith.constant 121 : i32
    %dma_wait3A_230 = arith.constant 0 : i32
    %dma_wait3A_231 = arith.constant 0 : i32
    %dma_wait3A_232 = tpu.memref_slice %arg7[%dma_wait3A_227, %dma_wait3A_228, %dma_wait3A_230, %dma_wait3A_231] : memref<2x5x80x32xf32, #tpu.memory_space<vmem>> -> memref<1x1x80x32xf32, #tpu.memory_space<vmem>>
    %dma_wait3A_233 = tpu.memref_squeeze %dma_wait3A_232 : memref<1x1x80x32xf32, #tpu.memory_space<vmem>> -> memref<80x32xf32, #tpu.memory_space<vmem>>
    %dma_wait3A_234 = arith.constant 0 : i32
    %dma_wait3A_235 = tpu.memref_slice %arg6[%dma_wait3A_229, %dma_wait3A_234] : memref<125x80xi32, #tpu.memory_space<vmem>> -> memref<1x80xi32, #tpu.memory_space<vmem>>
    %dma_wait3A_236 = tpu.memref_squeeze %dma_wait3A_235 : memref<1x80xi32, #tpu.memory_space<vmem>> -> memref<80xi32, #tpu.memory_space<vmem>>
    %dma_wait3A_237 = arith.constant 0 : i32
    %dma_wait3A_238 = arith.constant 0 : i32
    %dma_wait3A_239 = tpu.memref_slice %arg9[%dma_wait3A_237, %dma_wait3A_238] : memref<10240x32xf32, #tpu.memory_space<vmem_shared>> -> memref<10240x32xf32, #tpu.memory_space<vmem_shared>>
    tpu.wait_indirect_dma semaphore(%arg12 : memref<!tpu.dma_semaphore, #tpu.memory_space<semaphore_mem>>) src(%dma_wait3A_233 : memref<80x32xf32, #tpu.memory_space<vmem>>) dst(%dma_wait3A_239 : memref<10240x32xf32, #tpu.memory_space<vmem_shared>>)
    %dma_wait3A_240 = arith.constant 0 : i32
    %dma_wait3A_241 = arith.constant 2 : i32
    %dma_wait3A_242 = arith.constant 122 : i32
    %dma_wait3A_243 = arith.constant 0 : i32
    %dma_wait3A_244 = arith.constant 0 : i32
    %dma_wait3A_245 = tpu.memref_slice %arg7[%dma_wait3A_240, %dma_wait3A_241, %dma_wait3A_243, %dma_wait3A_244] : memref<2x5x80x32xf32, #tpu.memory_space<vmem>> -> memref<1x1x80x32xf32, #tpu.memory_space<vmem>>
    %dma_wait3A_246 = tpu.memref_squeeze %dma_wait3A_245 : memref<1x1x80x32xf32, #tpu.memory_space<vmem>> -> memref<80x32xf32, #tpu.memory_space<vmem>>
    %dma_wait3A_247 = arith.constant 0 : i32
    %dma_wait3A_248 = tpu.memref_slice %arg6[%dma_wait3A_242, %dma_wait3A_247] : memref<125x80xi32, #tpu.memory_space<vmem>> -> memref<1x80xi32, #tpu.memory_space<vmem>>
    %dma_wait3A_249 = tpu.memref_squeeze %dma_wait3A_248 : memref<1x80xi32, #tpu.memory_space<vmem>> -> memref<80xi32, #tpu.memory_space<vmem>>
    %dma_wait3A_250 = arith.constant 0 : i32
    %dma_wait3A_251 = arith.constant 0 : i32
    %dma_wait3A_252 = tpu.memref_slice %arg9[%dma_wait3A_250, %dma_wait3A_251] : memref<10240x32xf32, #tpu.memory_space<vmem_shared>> -> memref<10240x32xf32, #tpu.memory_space<vmem_shared>>
    tpu.wait_indirect_dma semaphore(%arg12 : memref<!tpu.dma_semaphore, #tpu.memory_space<semaphore_mem>>) src(%dma_wait3A_246 : memref<80x32xf32, #tpu.memory_space<vmem>>) dst(%dma_wait3A_252 : memref<10240x32xf32, #tpu.memory_space<vmem_shared>>)
    %dma_wait3A_253 = arith.constant 0 : i32
    %dma_wait3A_254 = arith.constant 3 : i32
    %dma_wait3A_255 = arith.constant 123 : i32
    %dma_wait3A_256 = arith.constant 0 : i32
    %dma_wait3A_257 = arith.constant 0 : i32
    %dma_wait3A_258 = tpu.memref_slice %arg7[%dma_wait3A_253, %dma_wait3A_254, %dma_wait3A_256, %dma_wait3A_257] : memref<2x5x80x32xf32, #tpu.memory_space<vmem>> -> memref<1x1x80x32xf32, #tpu.memory_space<vmem>>
    %dma_wait3A_259 = tpu.memref_squeeze %dma_wait3A_258 : memref<1x1x80x32xf32, #tpu.memory_space<vmem>> -> memref<80x32xf32, #tpu.memory_space<vmem>>
    %dma_wait3A_260 = arith.constant 0 : i32
    %dma_wait3A_261 = tpu.memref_slice %arg6[%dma_wait3A_255, %dma_wait3A_260] : memref<125x80xi32, #tpu.memory_space<vmem>> -> memref<1x80xi32, #tpu.memory_space<vmem>>
    %dma_wait3A_262 = tpu.memref_squeeze %dma_wait3A_261 : memref<1x80xi32, #tpu.memory_space<vmem>> -> memref<80xi32, #tpu.memory_space<vmem>>
    %dma_wait3A_263 = arith.constant 0 : i32
    %dma_wait3A_264 = arith.constant 0 : i32
    %dma_wait3A_265 = tpu.memref_slice %arg9[%dma_wait3A_263, %dma_wait3A_264] : memref<10240x32xf32, #tpu.memory_space<vmem_shared>> -> memref<10240x32xf32, #tpu.memory_space<vmem_shared>>
    tpu.wait_indirect_dma semaphore(%arg12 : memref<!tpu.dma_semaphore, #tpu.memory_space<semaphore_mem>>) src(%dma_wait3A_259 : memref<80x32xf32, #tpu.memory_space<vmem>>) dst(%dma_wait3A_265 : memref<10240x32xf32, #tpu.memory_space<vmem_shared>>)
    %dma_wait3A_266 = arith.constant 0 : i32
    %dma_wait3A_267 = arith.constant 4 : i32
    %dma_wait3A_268 = arith.constant 124 : i32
    %dma_wait3A_269 = arith.constant 0 : i32
    %dma_wait3A_270 = arith.constant 0 : i32
    %dma_wait3A_271 = tpu.memref_slice %arg7[%dma_wait3A_266, %dma_wait3A_267, %dma_wait3A_269, %dma_wait3A_270] : memref<2x5x80x32xf32, #tpu.memory_space<vmem>> -> memref<1x1x80x32xf32, #tpu.memory_space<vmem>>
    %dma_wait3A_272 = tpu.memref_squeeze %dma_wait3A_271 : memref<1x1x80x32xf32, #tpu.memory_space<vmem>> -> memref<80x32xf32, #tpu.memory_space<vmem>>
    %dma_wait3A_273 = arith.constant 0 : i32
    %dma_wait3A_274 = tpu.memref_slice %arg6[%dma_wait3A_268, %dma_wait3A_273] : memref<125x80xi32, #tpu.memory_space<vmem>> -> memref<1x80xi32, #tpu.memory_space<vmem>>
    %dma_wait3A_275 = tpu.memref_squeeze %dma_wait3A_274 : memref<1x80xi32, #tpu.memory_space<vmem>> -> memref<80xi32, #tpu.memory_space<vmem>>
    %dma_wait3A_276 = arith.constant 0 : i32
    %dma_wait3A_277 = arith.constant 0 : i32
    %dma_wait3A_278 = tpu.memref_slice %arg9[%dma_wait3A_276, %dma_wait3A_277] : memref<10240x32xf32, #tpu.memory_space<vmem_shared>> -> memref<10240x32xf32, #tpu.memory_space<vmem_shared>>
    tpu.wait_indirect_dma semaphore(%arg12 : memref<!tpu.dma_semaphore, #tpu.memory_space<semaphore_mem>>) src(%dma_wait3A_272 : memref<80x32xf32, #tpu.memory_space<vmem>>) dst(%dma_wait3A_278 : memref<10240x32xf32, #tpu.memory_space<vmem_shared>>)
    %barrier3A_279 = arith.constant 0 : index
    tpu.barrier barrier_id(%barrier3A_279)
    %mul3A_280 = arith.constant 640 : i32
    %mul3A_281 = arith.muli %arg1, %mul3A_280 : i32
    "tpu.region"() ({
      %run_scoped3A_284 = tpu.sem_alloc : memref<!tpu.dma_semaphore, #tpu.memory_space<semaphore_mem>>
      %dma_start3A_285 = arith.constant 0 : i32
      %dma_start3A_286 = tpu.memref_slice %arg9[%mul3A_281, %dma_start3A_285] : memref<10240x32xf32, #tpu.memory_space<vmem_shared>> -> memref<640x32xf32, #tpu.memory_space<vmem_shared>>
      %dma_start3A_287 = arith.constant 0 : i32
      %dma_start3A_288 = tpu.memref_slice %arg9[%mul3A_281, %dma_start3A_287] : memref<10240x32xf32, #tpu.memory_space<vmem_shared>> -> memref<640x32xf32, #tpu.memory_space<vmem_shared>>
      tpu.enqueue_dma source(%dma_start3A_288 : memref<640x32xf32, #tpu.memory_space<vmem_shared>>) target(%arg8 : memref<640x32xf32, #tpu.memory_space<vmem>>) target_semaphore(%run_scoped3A_284 : memref<!tpu.dma_semaphore, #tpu.memory_space<semaphore_mem>>)
      %dma_wait3A_289 = arith.constant 0 : i32
      %dma_wait3A_290 = tpu.memref_slice %arg9[%mul3A_281, %dma_wait3A_289] : memref<10240x32xf32, #tpu.memory_space<vmem_shared>> -> memref<640x32xf32, #tpu.memory_space<vmem_shared>>
      %dma_wait3A_291 = arith.constant 0 : i32
      %dma_wait3A_292 = tpu.memref_slice %arg9[%mul3A_281, %dma_wait3A_291] : memref<10240x32xf32, #tpu.memory_space<vmem_shared>> -> memref<640x32xf32, #tpu.memory_space<vmem_shared>>
      tpu.wait_dma2 semaphore(%run_scoped3A_284 : memref<!tpu.dma_semaphore, #tpu.memory_space<semaphore_mem>>) src(%dma_wait3A_292 : memref<640x32xf32, #tpu.memory_space<vmem_shared>>) dst(%arg8 : memref<640x32xf32, #tpu.memory_space<vmem>>)
      tpu.yield
    }) : () -> ()
    %mul3A_282 = arith.constant 640 : i32
    %mul3A_283 = arith.muli %arg1, %mul3A_282 : i32
    "tpu.region"() ({
      %run_scoped3A_284 = tpu.sem_alloc : memref<!tpu.dma_semaphore, #tpu.memory_space<semaphore_mem>>
      %dma_start3A_285 = arith.constant 0 : i32
      %dma_start3A_286 = tpu.memref_slice %arg4[%arg0, %mul3A_283, %dma_start3A_285] : memref<2x10240x32xf32, #tpu.memory_space<hbm>> -> memref<1x640x32xf32, #tpu.memory_space<hbm>>
      %dma_start3A_287 = tpu.memref_squeeze %dma_start3A_286 : memref<1x640x32xf32, #tpu.memory_space<hbm>> -> memref<640x32xf32, #tpu.memory_space<hbm>>
      %dma_start3A_288 = arith.constant 0 : i32
      %dma_start3A_289 = tpu.memref_slice %arg4[%arg0, %mul3A_283, %dma_start3A_288] : memref<2x10240x32xf32, #tpu.memory_space<hbm>> -> memref<1x640x32xf32, #tpu.memory_space<hbm>>
      %dma_start3A_290 = tpu.memref_squeeze %dma_start3A_289 : memref<1x640x32xf32, #tpu.memory_space<hbm>> -> memref<640x32xf32, #tpu.memory_space<hbm>>
      tpu.enqueue_dma source(%arg8 : memref<640x32xf32, #tpu.memory_space<vmem>>) target(%dma_start3A_290 : memref<640x32xf32, #tpu.memory_space<hbm>>) target_semaphore(%run_scoped3A_284 : memref<!tpu.dma_semaphore, #tpu.memory_space<semaphore_mem>>)
      %dma_wait3A_291 = arith.constant 0 : i32
      %dma_wait3A_292 = tpu.memref_slice %arg4[%arg0, %mul3A_283, %dma_wait3A_291] : memref<2x10240x32xf32, #tpu.memory_space<hbm>> -> memref<1x640x32xf32, #tpu.memory_space<hbm>>
      %dma_wait3A_293 = tpu.memref_squeeze %dma_wait3A_292 : memref<1x640x32xf32, #tpu.memory_space<hbm>> -> memref<640x32xf32, #tpu.memory_space<hbm>>
      %dma_wait3A_294 = arith.constant 0 : i32
      %dma_wait3A_295 = tpu.memref_slice %arg4[%arg0, %mul3A_283, %dma_wait3A_294] : memref<2x10240x32xf32, #tpu.memory_space<hbm>> -> memref<1x640x32xf32, #tpu.memory_space<hbm>>
      %dma_wait3A_296 = tpu.memref_squeeze %dma_wait3A_295 : memref<1x640x32xf32, #tpu.memory_space<hbm>> -> memref<640x32xf32, #tpu.memory_space<hbm>>
      tpu.wait_dma2 semaphore(%run_scoped3A_284 : memref<!tpu.dma_semaphore, #tpu.memory_space<semaphore_mem>>) src(%arg8 : memref<640x32xf32, #tpu.memory_space<vmem>>) dst(%dma_wait3A_296 : memref<640x32xf32, #tpu.memory_space<hbm>>)
      tpu.yield
    }) : () -> ()
    return
  }
}

#map = affine_map<(d0, d1) -> (0, 0, 0)>
module attributes {stable_mosaic.version = 14 : i64} {
  func.func @deg_kernel(%arg0: i32, %arg1: i32, %arg2: memref<2x4000x80xi32, #tpu.memory_space<hbm>>, %arg3: memref<2x1x10240xf32, #tpu.memory_space<hbm>>, %arg4: memref<125x80xi32, #tpu.memory_space<vmem>>, %arg5: memref<80xf32, #tpu.memory_space<vmem>>, %arg6: memref<640xf32, #tpu.memory_space<vmem>>, %arg7: memref<10240xf32, #tpu.memory_space<vmem_shared>>, %arg8: memref<!tpu.dma_semaphore, #tpu.memory_space<semaphore_mem>>) attributes {dimension_semantics = [#tpu.dimension_semantics<core_parallel>, #tpu.dimension_semantics<subcore_parallel>], iteration_bounds = array<i64: 2, 16>, scalar_prefetch = 0 : i64, scratch_operands = 5 : i64, tpu.core_type = #tpu.core_type<sc_vector_subcore>, window_params = [{transform_indices = #map}, {transform_indices = #map}]} {
    %mul3A = arith.constant 2 : i32
    %mul3A_0 = arith.muli %arg1, %mul3A : i32
    %add3A = arith.addi %mul3A_0, %arg0 : i32
    %mul3A_1 = arith.constant 125 : i32
    %mul3A_2 = arith.muli %add3A, %mul3A_1 : i32
    %run_scoped3A = arith.constant 1 : i32
    "tpu.region"() ({
      %run_scoped3A_89 = tpu.sem_alloc : memref<!tpu.dma_semaphore, #tpu.memory_space<semaphore_mem>>
      %dma_start3A_90 = arith.constant 0 : i32
      %dma_start3A_91 = tpu.memref_slice %arg2[%run_scoped3A, %mul3A_2, %dma_start3A_90] : memref<2x4000x80xi32, #tpu.memory_space<hbm>> -> memref<1x125x80xi32, #tpu.memory_space<hbm>>
      %dma_start3A_92 = tpu.memref_squeeze %dma_start3A_91 : memref<1x125x80xi32, #tpu.memory_space<hbm>> -> memref<125x80xi32, #tpu.memory_space<hbm>>
      %dma_start3A_93 = arith.constant 0 : i32
      %dma_start3A_94 = tpu.memref_slice %arg2[%run_scoped3A, %mul3A_2, %dma_start3A_93] : memref<2x4000x80xi32, #tpu.memory_space<hbm>> -> memref<1x125x80xi32, #tpu.memory_space<hbm>>
      %dma_start3A_95 = tpu.memref_squeeze %dma_start3A_94 : memref<1x125x80xi32, #tpu.memory_space<hbm>> -> memref<125x80xi32, #tpu.memory_space<hbm>>
      tpu.enqueue_dma source(%dma_start3A_95 : memref<125x80xi32, #tpu.memory_space<hbm>>) target(%arg4 : memref<125x80xi32, #tpu.memory_space<vmem>>) target_semaphore(%run_scoped3A_89 : memref<!tpu.dma_semaphore, #tpu.memory_space<semaphore_mem>>)
      %dma_wait3A_96 = arith.constant 0 : i32
      %dma_wait3A_97 = tpu.memref_slice %arg2[%run_scoped3A, %mul3A_2, %dma_wait3A_96] : memref<2x4000x80xi32, #tpu.memory_space<hbm>> -> memref<1x125x80xi32, #tpu.memory_space<hbm>>
      %dma_wait3A_98 = tpu.memref_squeeze %dma_wait3A_97 : memref<1x125x80xi32, #tpu.memory_space<hbm>> -> memref<125x80xi32, #tpu.memory_space<hbm>>
      %dma_wait3A_99 = arith.constant 0 : i32
      %dma_wait3A_100 = tpu.memref_slice %arg2[%run_scoped3A, %mul3A_2, %dma_wait3A_99] : memref<2x4000x80xi32, #tpu.memory_space<hbm>> -> memref<1x125x80xi32, #tpu.memory_space<hbm>>
      %dma_wait3A_101 = tpu.memref_squeeze %dma_wait3A_100 : memref<1x125x80xi32, #tpu.memory_space<hbm>> -> memref<125x80xi32, #tpu.memory_space<hbm>>
      tpu.wait_dma2 semaphore(%run_scoped3A_89 : memref<!tpu.dma_semaphore, #tpu.memory_space<semaphore_mem>>) src(%dma_wait3A_101 : memref<125x80xi32, #tpu.memory_space<hbm>>) dst(%arg4 : memref<125x80xi32, #tpu.memory_space<vmem>>)
      tpu.yield
    }) : () -> ()
    %scan3A = arith.constant 0 : i32
    %scan3A_3 = arith.constant 0 : i32
    %scan3A_4 = arith.constant 5 : i32
    %scan3A_5 = arith.addi %scan3A_3, %scan3A_4 : i32
    %scan3A_6 = arith.constant 1 : i32
    %scan3A_7 = scf.for %scan3A_89 = %scan3A_3 to %scan3A_5 step %scan3A_6 iter_args(%scan3A_90 = %scan3A) -> (i32)  : i32 {
      %broadcast_in_dim3A = arith.constant 1.000000e+00 : f32
      %broadcast_in_dim3A_91 = vector.broadcast %broadcast_in_dim3A : f32 to vector<16xf32>
      %mul3A_92 = arith.constant 16 : i32
      %mul3A_93 = arith.muli %scan3A_89, %mul3A_92 : i32
      %swap3A = arith.index_cast %mul3A_93 : i32 to index
      %swap3A_94 = tpu.vector_load %arg5[%swap3A] {strides = array<i32>} : memref<80xf32, #tpu.memory_space<vmem>>, vector<16xf32>,
      %swap3A_95 = vector.shape_cast %swap3A_94 : vector<16xf32> to vector<16xf32>
      %swap3A_96 = vector.shape_cast %broadcast_in_dim3A_91 : vector<16xf32> to vector<16xf32>
      tpu.vector_store %arg5[%swap3A], %swap3A_96 {strides = array<i32>} : memref<80xf32, #tpu.memory_space<vmem>>, vector<16xf32>,
      %scan3A_97 = arith.constant 0 : i32
      scf.yield %scan3A_97 : i32
    }
    %scan3A_8 = arith.constant 5 : i32
    %scan3A_9 = arith.constant 0 : i32
    %scan3A_10 = arith.constant 0 : i32
    %scan3A_11 = arith.constant 40 : i32
    %scan3A_12 = arith.addi %scan3A_10, %scan3A_11 : i32
    %scan3A_13 = arith.constant 1 : i32
    %scan3A_14 = scf.for %scan3A_89 = %scan3A_10 to %scan3A_12 step %scan3A_13 iter_args(%scan3A_90 = %scan3A_9) -> (i32)  : i32 {
      %broadcast_in_dim3A = arith.constant 0.000000e+00 : f32
      %broadcast_in_dim3A_91 = vector.broadcast %broadcast_in_dim3A : f32 to vector<16xf32>
      %mul3A_92 = arith.constant 16 : i32
      %mul3A_93 = arith.muli %scan3A_89, %mul3A_92 : i32
      %swap3A = arith.index_cast %mul3A_93 : i32 to index
      %swap3A_94 = tpu.vector_load %arg6[%swap3A] {strides = array<i32>} : memref<640xf32, #tpu.memory_space<vmem>>, vector<16xf32>,
      %swap3A_95 = vector.shape_cast %swap3A_94 : vector<16xf32> to vector<16xf32>
      %swap3A_96 = vector.shape_cast %broadcast_in_dim3A_91 : vector<16xf32> to vector<16xf32>
      tpu.vector_store %arg6[%swap3A], %swap3A_96 {strides = array<i32>} : memref<640xf32, #tpu.memory_space<vmem>>, vector<16xf32>,
      %scan3A_97 = arith.constant 0 : i32
      scf.yield %scan3A_97 : i32
    }
    %scan3A_15 = arith.constant 40 : i32
    %mul3A_16 = arith.constant 640 : i32
    %mul3A_17 = arith.muli %arg1, %mul3A_16 : i32
    "tpu.region"() ({
      %run_scoped3A_89 = tpu.sem_alloc : memref<!tpu.dma_semaphore, #tpu.memory_space<semaphore_mem>>
      %dma_start3A_90 = tpu.memref_slice %arg7[%mul3A_17] : memref<10240xf32, #tpu.memory_space<vmem_shared>> -> memref<640xf32, #tpu.memory_space<vmem_shared>>
      %dma_start3A_91 = tpu.memref_slice %arg7[%mul3A_17] : memref<10240xf32, #tpu.memory_space<vmem_shared>> -> memref<640xf32, #tpu.memory_space<vmem_shared>>
      tpu.enqueue_dma source(%arg6 : memref<640xf32, #tpu.memory_space<vmem>>) target(%dma_start3A_91 : memref<640xf32, #tpu.memory_space<vmem_shared>>) target_semaphore(%run_scoped3A_89 : memref<!tpu.dma_semaphore, #tpu.memory_space<semaphore_mem>>)
      %dma_wait3A_92 = tpu.memref_slice %arg7[%mul3A_17] : memref<10240xf32, #tpu.memory_space<vmem_shared>> -> memref<640xf32, #tpu.memory_space<vmem_shared>>
      %dma_wait3A_93 = tpu.memref_slice %arg7[%mul3A_17] : memref<10240xf32, #tpu.memory_space<vmem_shared>> -> memref<640xf32, #tpu.memory_space<vmem_shared>>
      tpu.wait_dma2 semaphore(%run_scoped3A_89 : memref<!tpu.dma_semaphore, #tpu.memory_space<semaphore_mem>>) src(%arg6 : memref<640xf32, #tpu.memory_space<vmem>>) dst(%dma_wait3A_93 : memref<640xf32, #tpu.memory_space<vmem_shared>>)
      tpu.yield
    }) : () -> ()
    %barrier3A = arith.constant 0 : index
    tpu.barrier barrier_id(%barrier3A)
    %scan3A_18 = arith.constant 0 : i32
    %scan3A_19 = arith.constant 0 : i32
    %scan3A_20 = arith.constant 12 : i32
    %scan3A_21 = arith.addi %scan3A_19, %scan3A_20 : i32
    %scan3A_22 = arith.constant 1 : i32
    %scan3A_23 = scf.for %scan3A_89 = %scan3A_19 to %scan3A_21 step %scan3A_22 iter_args(%scan3A_90 = %scan3A_18) -> (i32)  : i32 {
      %mul3A_91 = arith.constant 10 : i32
      %mul3A_92 = arith.muli %scan3A_89, %mul3A_91 : i32
      %add3A_93 = arith.constant 0 : i32
      %add3A_94 = arith.addi %mul3A_92, %add3A_93 : i32
      %dma_start3A_95 = arith.constant 0 : i32
      %dma_start3A_96 = tpu.memref_slice %arg4[%add3A_94, %dma_start3A_95] : memref<125x80xi32, #tpu.memory_space<vmem>> -> memref<1x80xi32, #tpu.memory_space<vmem>>
      %dma_start3A_97 = tpu.memref_squeeze %dma_start3A_96 : memref<1x80xi32, #tpu.memory_space<vmem>> -> memref<80xi32, #tpu.memory_space<vmem>>
      %dma_start3A_98 = arith.constant 0 : i32
      %dma_start3A_99 = tpu.memref_slice %arg7[%dma_start3A_98] : memref<10240xf32, #tpu.memory_space<vmem_shared>> -> memref<10240xf32, #tpu.memory_space<vmem_shared>>
      tpu.enqueue_indirect_dma source(%arg5 : memref<80xf32, #tpu.memory_space<vmem>>) target(%dma_start3A_99 : memref<10240xf32, #tpu.memory_space<vmem_shared>>) offsets(%dma_start3A_97 : memref<80xi32, #tpu.memory_space<vmem>>) semaphore(%arg8 : memref<!tpu.dma_semaphore, #tpu.memory_space<semaphore_mem>>) {add = true}
      %add3A_100 = arith.constant 1 : i32
      %add3A_101 = arith.addi %mul3A_92, %add3A_100 : i32
      %dma_start3A_102 = arith.constant 0 : i32
      %dma_start3A_103 = tpu.memref_slice %arg4[%add3A_101, %dma_start3A_102] : memref<125x80xi32, #tpu.memory_space<vmem>> -> memref<1x80xi32, #tpu.memory_space<vmem>>
      %dma_start3A_104 = tpu.memref_squeeze %dma_start3A_103 : memref<1x80xi32, #tpu.memory_space<vmem>> -> memref<80xi32, #tpu.memory_space<vmem>>
      %dma_start3A_105 = arith.constant 0 : i32
      %dma_start3A_106 = tpu.memref_slice %arg7[%dma_start3A_105] : memref<10240xf32, #tpu.memory_space<vmem_shared>> -> memref<10240xf32, #tpu.memory_space<vmem_shared>>
      tpu.enqueue_indirect_dma source(%arg5 : memref<80xf32, #tpu.memory_space<vmem>>) target(%dma_start3A_106 : memref<10240xf32, #tpu.memory_space<vmem_shared>>) offsets(%dma_start3A_104 : memref<80xi32, #tpu.memory_space<vmem>>) semaphore(%arg8 : memref<!tpu.dma_semaphore, #tpu.memory_space<semaphore_mem>>) {add = true}
      %add3A_107 = arith.constant 2 : i32
      %add3A_108 = arith.addi %mul3A_92, %add3A_107 : i32
      %dma_start3A_109 = arith.constant 0 : i32
      %dma_start3A_110 = tpu.memref_slice %arg4[%add3A_108, %dma_start3A_109] : memref<125x80xi32, #tpu.memory_space<vmem>> -> memref<1x80xi32, #tpu.memory_space<vmem>>
      %dma_start3A_111 = tpu.memref_squeeze %dma_start3A_110 : memref<1x80xi32, #tpu.memory_space<vmem>> -> memref<80xi32, #tpu.memory_space<vmem>>
      %dma_start3A_112 = arith.constant 0 : i32
      %dma_start3A_113 = tpu.memref_slice %arg7[%dma_start3A_112] : memref<10240xf32, #tpu.memory_space<vmem_shared>> -> memref<10240xf32, #tpu.memory_space<vmem_shared>>
      tpu.enqueue_indirect_dma source(%arg5 : memref<80xf32, #tpu.memory_space<vmem>>) target(%dma_start3A_113 : memref<10240xf32, #tpu.memory_space<vmem_shared>>) offsets(%dma_start3A_111 : memref<80xi32, #tpu.memory_space<vmem>>) semaphore(%arg8 : memref<!tpu.dma_semaphore, #tpu.memory_space<semaphore_mem>>) {add = true}
      %add3A_114 = arith.constant 3 : i32
      %add3A_115 = arith.addi %mul3A_92, %add3A_114 : i32
      %dma_start3A_116 = arith.constant 0 : i32
      %dma_start3A_117 = tpu.memref_slice %arg4[%add3A_115, %dma_start3A_116] : memref<125x80xi32, #tpu.memory_space<vmem>> -> memref<1x80xi32, #tpu.memory_space<vmem>>
      %dma_start3A_118 = tpu.memref_squeeze %dma_start3A_117 : memref<1x80xi32, #tpu.memory_space<vmem>> -> memref<80xi32, #tpu.memory_space<vmem>>
      %dma_start3A_119 = arith.constant 0 : i32
      %dma_start3A_120 = tpu.memref_slice %arg7[%dma_start3A_119] : memref<10240xf32, #tpu.memory_space<vmem_shared>> -> memref<10240xf32, #tpu.memory_space<vmem_shared>>
      tpu.enqueue_indirect_dma source(%arg5 : memref<80xf32, #tpu.memory_space<vmem>>) target(%dma_start3A_120 : memref<10240xf32, #tpu.memory_space<vmem_shared>>) offsets(%dma_start3A_118 : memref<80xi32, #tpu.memory_space<vmem>>) semaphore(%arg8 : memref<!tpu.dma_semaphore, #tpu.memory_space<semaphore_mem>>) {add = true}
      %add3A_121 = arith.constant 4 : i32
      %add3A_122 = arith.addi %mul3A_92, %add3A_121 : i32
      %dma_start3A_123 = arith.constant 0 : i32
      %dma_start3A_124 = tpu.memref_slice %arg4[%add3A_122, %dma_start3A_123] : memref<125x80xi32, #tpu.memory_space<vmem>> -> memref<1x80xi32, #tpu.memory_space<vmem>>
      %dma_start3A_125 = tpu.memref_squeeze %dma_start3A_124 : memref<1x80xi32, #tpu.memory_space<vmem>> -> memref<80xi32, #tpu.memory_space<vmem>>
      %dma_start3A_126 = arith.constant 0 : i32
      %dma_start3A_127 = tpu.memref_slice %arg7[%dma_start3A_126] : memref<10240xf32, #tpu.memory_space<vmem_shared>> -> memref<10240xf32, #tpu.memory_space<vmem_shared>>
      tpu.enqueue_indirect_dma source(%arg5 : memref<80xf32, #tpu.memory_space<vmem>>) target(%dma_start3A_127 : memref<10240xf32, #tpu.memory_space<vmem_shared>>) offsets(%dma_start3A_125 : memref<80xi32, #tpu.memory_space<vmem>>) semaphore(%arg8 : memref<!tpu.dma_semaphore, #tpu.memory_space<semaphore_mem>>) {add = true}
      %add3A_128 = arith.constant 5 : i32
      %add3A_129 = arith.addi %mul3A_92, %add3A_128 : i32
      %dma_start3A_130 = arith.constant 0 : i32
      %dma_start3A_131 = tpu.memref_slice %arg4[%add3A_129, %dma_start3A_130] : memref<125x80xi32, #tpu.memory_space<vmem>> -> memref<1x80xi32, #tpu.memory_space<vmem>>
      %dma_start3A_132 = tpu.memref_squeeze %dma_start3A_131 : memref<1x80xi32, #tpu.memory_space<vmem>> -> memref<80xi32, #tpu.memory_space<vmem>>
      %dma_start3A_133 = arith.constant 0 : i32
      %dma_start3A_134 = tpu.memref_slice %arg7[%dma_start3A_133] : memref<10240xf32, #tpu.memory_space<vmem_shared>> -> memref<10240xf32, #tpu.memory_space<vmem_shared>>
      tpu.enqueue_indirect_dma source(%arg5 : memref<80xf32, #tpu.memory_space<vmem>>) target(%dma_start3A_134 : memref<10240xf32, #tpu.memory_space<vmem_shared>>) offsets(%dma_start3A_132 : memref<80xi32, #tpu.memory_space<vmem>>) semaphore(%arg8 : memref<!tpu.dma_semaphore, #tpu.memory_space<semaphore_mem>>) {add = true}
      %add3A_135 = arith.constant 6 : i32
      %add3A_136 = arith.addi %mul3A_92, %add3A_135 : i32
      %dma_start3A_137 = arith.constant 0 : i32
      %dma_start3A_138 = tpu.memref_slice %arg4[%add3A_136, %dma_start3A_137] : memref<125x80xi32, #tpu.memory_space<vmem>> -> memref<1x80xi32, #tpu.memory_space<vmem>>
      %dma_start3A_139 = tpu.memref_squeeze %dma_start3A_138 : memref<1x80xi32, #tpu.memory_space<vmem>> -> memref<80xi32, #tpu.memory_space<vmem>>
      %dma_start3A_140 = arith.constant 0 : i32
      %dma_start3A_141 = tpu.memref_slice %arg7[%dma_start3A_140] : memref<10240xf32, #tpu.memory_space<vmem_shared>> -> memref<10240xf32, #tpu.memory_space<vmem_shared>>
      tpu.enqueue_indirect_dma source(%arg5 : memref<80xf32, #tpu.memory_space<vmem>>) target(%dma_start3A_141 : memref<10240xf32, #tpu.memory_space<vmem_shared>>) offsets(%dma_start3A_139 : memref<80xi32, #tpu.memory_space<vmem>>) semaphore(%arg8 : memref<!tpu.dma_semaphore, #tpu.memory_space<semaphore_mem>>) {add = true}
      %add3A_142 = arith.constant 7 : i32
      %add3A_143 = arith.addi %mul3A_92, %add3A_142 : i32
      %dma_start3A_144 = arith.constant 0 : i32
      %dma_start3A_145 = tpu.memref_slice %arg4[%add3A_143, %dma_start3A_144] : memref<125x80xi32, #tpu.memory_space<vmem>> -> memref<1x80xi32, #tpu.memory_space<vmem>>
      %dma_start3A_146 = tpu.memref_squeeze %dma_start3A_145 : memref<1x80xi32, #tpu.memory_space<vmem>> -> memref<80xi32, #tpu.memory_space<vmem>>
      %dma_start3A_147 = arith.constant 0 : i32
      %dma_start3A_148 = tpu.memref_slice %arg7[%dma_start3A_147] : memref<10240xf32, #tpu.memory_space<vmem_shared>> -> memref<10240xf32, #tpu.memory_space<vmem_shared>>
      tpu.enqueue_indirect_dma source(%arg5 : memref<80xf32, #tpu.memory_space<vmem>>) target(%dma_start3A_148 : memref<10240xf32, #tpu.memory_space<vmem_shared>>) offsets(%dma_start3A_146 : memref<80xi32, #tpu.memory_space<vmem>>) semaphore(%arg8 : memref<!tpu.dma_semaphore, #tpu.memory_space<semaphore_mem>>) {add = true}
      %add3A_149 = arith.constant 8 : i32
      %add3A_150 = arith.addi %mul3A_92, %add3A_149 : i32
      %dma_start3A_151 = arith.constant 0 : i32
      %dma_start3A_152 = tpu.memref_slice %arg4[%add3A_150, %dma_start3A_151] : memref<125x80xi32, #tpu.memory_space<vmem>> -> memref<1x80xi32, #tpu.memory_space<vmem>>
      %dma_start3A_153 = tpu.memref_squeeze %dma_start3A_152 : memref<1x80xi32, #tpu.memory_space<vmem>> -> memref<80xi32, #tpu.memory_space<vmem>>
      %dma_start3A_154 = arith.constant 0 : i32
      %dma_start3A_155 = tpu.memref_slice %arg7[%dma_start3A_154] : memref<10240xf32, #tpu.memory_space<vmem_shared>> -> memref<10240xf32, #tpu.memory_space<vmem_shared>>
      tpu.enqueue_indirect_dma source(%arg5 : memref<80xf32, #tpu.memory_space<vmem>>) target(%dma_start3A_155 : memref<10240xf32, #tpu.memory_space<vmem_shared>>) offsets(%dma_start3A_153 : memref<80xi32, #tpu.memory_space<vmem>>) semaphore(%arg8 : memref<!tpu.dma_semaphore, #tpu.memory_space<semaphore_mem>>) {add = true}
      %add3A_156 = arith.constant 9 : i32
      %add3A_157 = arith.addi %mul3A_92, %add3A_156 : i32
      %dma_start3A_158 = arith.constant 0 : i32
      %dma_start3A_159 = tpu.memref_slice %arg4[%add3A_157, %dma_start3A_158] : memref<125x80xi32, #tpu.memory_space<vmem>> -> memref<1x80xi32, #tpu.memory_space<vmem>>
      %dma_start3A_160 = tpu.memref_squeeze %dma_start3A_159 : memref<1x80xi32, #tpu.memory_space<vmem>> -> memref<80xi32, #tpu.memory_space<vmem>>
      %dma_start3A_161 = arith.constant 0 : i32
      %dma_start3A_162 = tpu.memref_slice %arg7[%dma_start3A_161] : memref<10240xf32, #tpu.memory_space<vmem_shared>> -> memref<10240xf32, #tpu.memory_space<vmem_shared>>
      tpu.enqueue_indirect_dma source(%arg5 : memref<80xf32, #tpu.memory_space<vmem>>) target(%dma_start3A_162 : memref<10240xf32, #tpu.memory_space<vmem_shared>>) offsets(%dma_start3A_160 : memref<80xi32, #tpu.memory_space<vmem>>) semaphore(%arg8 : memref<!tpu.dma_semaphore, #tpu.memory_space<semaphore_mem>>) {add = true}
      %dma_wait3A_163 = arith.constant 0 : i32
      %dma_wait3A_164 = tpu.memref_slice %arg4[%add3A_94, %dma_wait3A_163] : memref<125x80xi32, #tpu.memory_space<vmem>> -> memref<1x80xi32, #tpu.memory_space<vmem>>
      %dma_wait3A_165 = tpu.memref_squeeze %dma_wait3A_164 : memref<1x80xi32, #tpu.memory_space<vmem>> -> memref<80xi32, #tpu.memory_space<vmem>>
      %dma_wait3A_166 = arith.constant 0 : i32
      %dma_wait3A_167 = tpu.memref_slice %arg7[%dma_wait3A_166] : memref<10240xf32, #tpu.memory_space<vmem_shared>> -> memref<10240xf32, #tpu.memory_space<vmem_shared>>
      tpu.wait_indirect_dma semaphore(%arg8 : memref<!tpu.dma_semaphore, #tpu.memory_space<semaphore_mem>>) src(%arg5 : memref<80xf32, #tpu.memory_space<vmem>>) dst(%dma_wait3A_167 : memref<10240xf32, #tpu.memory_space<vmem_shared>>)
      %dma_wait3A_168 = arith.constant 0 : i32
      %dma_wait3A_169 = tpu.memref_slice %arg4[%add3A_101, %dma_wait3A_168] : memref<125x80xi32, #tpu.memory_space<vmem>> -> memref<1x80xi32, #tpu.memory_space<vmem>>
      %dma_wait3A_170 = tpu.memref_squeeze %dma_wait3A_169 : memref<1x80xi32, #tpu.memory_space<vmem>> -> memref<80xi32, #tpu.memory_space<vmem>>
      %dma_wait3A_171 = arith.constant 0 : i32
      %dma_wait3A_172 = tpu.memref_slice %arg7[%dma_wait3A_171] : memref<10240xf32, #tpu.memory_space<vmem_shared>> -> memref<10240xf32, #tpu.memory_space<vmem_shared>>
      tpu.wait_indirect_dma semaphore(%arg8 : memref<!tpu.dma_semaphore, #tpu.memory_space<semaphore_mem>>) src(%arg5 : memref<80xf32, #tpu.memory_space<vmem>>) dst(%dma_wait3A_172 : memref<10240xf32, #tpu.memory_space<vmem_shared>>)
      %dma_wait3A_173 = arith.constant 0 : i32
      %dma_wait3A_174 = tpu.memref_slice %arg4[%add3A_108, %dma_wait3A_173] : memref<125x80xi32, #tpu.memory_space<vmem>> -> memref<1x80xi32, #tpu.memory_space<vmem>>
      %dma_wait3A_175 = tpu.memref_squeeze %dma_wait3A_174 : memref<1x80xi32, #tpu.memory_space<vmem>> -> memref<80xi32, #tpu.memory_space<vmem>>
      %dma_wait3A_176 = arith.constant 0 : i32
      %dma_wait3A_177 = tpu.memref_slice %arg7[%dma_wait3A_176] : memref<10240xf32, #tpu.memory_space<vmem_shared>> -> memref<10240xf32, #tpu.memory_space<vmem_shared>>
      tpu.wait_indirect_dma semaphore(%arg8 : memref<!tpu.dma_semaphore, #tpu.memory_space<semaphore_mem>>) src(%arg5 : memref<80xf32, #tpu.memory_space<vmem>>) dst(%dma_wait3A_177 : memref<10240xf32, #tpu.memory_space<vmem_shared>>)
      %dma_wait3A_178 = arith.constant 0 : i32
      %dma_wait3A_179 = tpu.memref_slice %arg4[%add3A_115, %dma_wait3A_178] : memref<125x80xi32, #tpu.memory_space<vmem>> -> memref<1x80xi32, #tpu.memory_space<vmem>>
      %dma_wait3A_180 = tpu.memref_squeeze %dma_wait3A_179 : memref<1x80xi32, #tpu.memory_space<vmem>> -> memref<80xi32, #tpu.memory_space<vmem>>
      %dma_wait3A_181 = arith.constant 0 : i32
      %dma_wait3A_182 = tpu.memref_slice %arg7[%dma_wait3A_181] : memref<10240xf32, #tpu.memory_space<vmem_shared>> -> memref<10240xf32, #tpu.memory_space<vmem_shared>>
      tpu.wait_indirect_dma semaphore(%arg8 : memref<!tpu.dma_semaphore, #tpu.memory_space<semaphore_mem>>) src(%arg5 : memref<80xf32, #tpu.memory_space<vmem>>) dst(%dma_wait3A_182 : memref<10240xf32, #tpu.memory_space<vmem_shared>>)
      %dma_wait3A_183 = arith.constant 0 : i32
      %dma_wait3A_184 = tpu.memref_slice %arg4[%add3A_122, %dma_wait3A_183] : memref<125x80xi32, #tpu.memory_space<vmem>> -> memref<1x80xi32, #tpu.memory_space<vmem>>
      %dma_wait3A_185 = tpu.memref_squeeze %dma_wait3A_184 : memref<1x80xi32, #tpu.memory_space<vmem>> -> memref<80xi32, #tpu.memory_space<vmem>>
      %dma_wait3A_186 = arith.constant 0 : i32
      %dma_wait3A_187 = tpu.memref_slice %arg7[%dma_wait3A_186] : memref<10240xf32, #tpu.memory_space<vmem_shared>> -> memref<10240xf32, #tpu.memory_space<vmem_shared>>
      tpu.wait_indirect_dma semaphore(%arg8 : memref<!tpu.dma_semaphore, #tpu.memory_space<semaphore_mem>>) src(%arg5 : memref<80xf32, #tpu.memory_space<vmem>>) dst(%dma_wait3A_187 : memref<10240xf32, #tpu.memory_space<vmem_shared>>)
      %dma_wait3A_188 = arith.constant 0 : i32
      %dma_wait3A_189 = tpu.memref_slice %arg4[%add3A_129, %dma_wait3A_188] : memref<125x80xi32, #tpu.memory_space<vmem>> -> memref<1x80xi32, #tpu.memory_space<vmem>>
      %dma_wait3A_190 = tpu.memref_squeeze %dma_wait3A_189 : memref<1x80xi32, #tpu.memory_space<vmem>> -> memref<80xi32, #tpu.memory_space<vmem>>
      %dma_wait3A_191 = arith.constant 0 : i32
      %dma_wait3A_192 = tpu.memref_slice %arg7[%dma_wait3A_191] : memref<10240xf32, #tpu.memory_space<vmem_shared>> -> memref<10240xf32, #tpu.memory_space<vmem_shared>>
      tpu.wait_indirect_dma semaphore(%arg8 : memref<!tpu.dma_semaphore, #tpu.memory_space<semaphore_mem>>) src(%arg5 : memref<80xf32, #tpu.memory_space<vmem>>) dst(%dma_wait3A_192 : memref<10240xf32, #tpu.memory_space<vmem_shared>>)
      %dma_wait3A_193 = arith.constant 0 : i32
      %dma_wait3A_194 = tpu.memref_slice %arg4[%add3A_136, %dma_wait3A_193] : memref<125x80xi32, #tpu.memory_space<vmem>> -> memref<1x80xi32, #tpu.memory_space<vmem>>
      %dma_wait3A_195 = tpu.memref_squeeze %dma_wait3A_194 : memref<1x80xi32, #tpu.memory_space<vmem>> -> memref<80xi32, #tpu.memory_space<vmem>>
      %dma_wait3A_196 = arith.constant 0 : i32
      %dma_wait3A_197 = tpu.memref_slice %arg7[%dma_wait3A_196] : memref<10240xf32, #tpu.memory_space<vmem_shared>> -> memref<10240xf32, #tpu.memory_space<vmem_shared>>
      tpu.wait_indirect_dma semaphore(%arg8 : memref<!tpu.dma_semaphore, #tpu.memory_space<semaphore_mem>>) src(%arg5 : memref<80xf32, #tpu.memory_space<vmem>>) dst(%dma_wait3A_197 : memref<10240xf32, #tpu.memory_space<vmem_shared>>)
      %dma_wait3A_198 = arith.constant 0 : i32
      %dma_wait3A_199 = tpu.memref_slice %arg4[%add3A_143, %dma_wait3A_198] : memref<125x80xi32, #tpu.memory_space<vmem>> -> memref<1x80xi32, #tpu.memory_space<vmem>>
      %dma_wait3A_200 = tpu.memref_squeeze %dma_wait3A_199 : memref<1x80xi32, #tpu.memory_space<vmem>> -> memref<80xi32, #tpu.memory_space<vmem>>
      %dma_wait3A_201 = arith.constant 0 : i32
      %dma_wait3A_202 = tpu.memref_slice %arg7[%dma_wait3A_201] : memref<10240xf32, #tpu.memory_space<vmem_shared>> -> memref<10240xf32, #tpu.memory_space<vmem_shared>>
      tpu.wait_indirect_dma semaphore(%arg8 : memref<!tpu.dma_semaphore, #tpu.memory_space<semaphore_mem>>) src(%arg5 : memref<80xf32, #tpu.memory_space<vmem>>) dst(%dma_wait3A_202 : memref<10240xf32, #tpu.memory_space<vmem_shared>>)
      %dma_wait3A_203 = arith.constant 0 : i32
      %dma_wait3A_204 = tpu.memref_slice %arg4[%add3A_150, %dma_wait3A_203] : memref<125x80xi32, #tpu.memory_space<vmem>> -> memref<1x80xi32, #tpu.memory_space<vmem>>
      %dma_wait3A_205 = tpu.memref_squeeze %dma_wait3A_204 : memref<1x80xi32, #tpu.memory_space<vmem>> -> memref<80xi32, #tpu.memory_space<vmem>>
      %dma_wait3A_206 = arith.constant 0 : i32
      %dma_wait3A_207 = tpu.memref_slice %arg7[%dma_wait3A_206] : memref<10240xf32, #tpu.memory_space<vmem_shared>> -> memref<10240xf32, #tpu.memory_space<vmem_shared>>
      tpu.wait_indirect_dma semaphore(%arg8 : memref<!tpu.dma_semaphore, #tpu.memory_space<semaphore_mem>>) src(%arg5 : memref<80xf32, #tpu.memory_space<vmem>>) dst(%dma_wait3A_207 : memref<10240xf32, #tpu.memory_space<vmem_shared>>)
      %dma_wait3A_208 = arith.constant 0 : i32
      %dma_wait3A_209 = tpu.memref_slice %arg4[%add3A_157, %dma_wait3A_208] : memref<125x80xi32, #tpu.memory_space<vmem>> -> memref<1x80xi32, #tpu.memory_space<vmem>>
      %dma_wait3A_210 = tpu.memref_squeeze %dma_wait3A_209 : memref<1x80xi32, #tpu.memory_space<vmem>> -> memref<80xi32, #tpu.memory_space<vmem>>
      %dma_wait3A_211 = arith.constant 0 : i32
      %dma_wait3A_212 = tpu.memref_slice %arg7[%dma_wait3A_211] : memref<10240xf32, #tpu.memory_space<vmem_shared>> -> memref<10240xf32, #tpu.memory_space<vmem_shared>>
      tpu.wait_indirect_dma semaphore(%arg8 : memref<!tpu.dma_semaphore, #tpu.memory_space<semaphore_mem>>) src(%arg5 : memref<80xf32, #tpu.memory_space<vmem>>) dst(%dma_wait3A_212 : memref<10240xf32, #tpu.memory_space<vmem_shared>>)
      %scan3A_213 = arith.constant 0 : i32
      scf.yield %scan3A_213 : i32
    }
    %scan3A_24 = arith.constant 12 : i32
    %dma_start3A = arith.constant 120 : i32
    %dma_start3A_25 = arith.constant 0 : i32
    %dma_start3A_26 = tpu.memref_slice %arg4[%dma_start3A, %dma_start3A_25] : memref<125x80xi32, #tpu.memory_space<vmem>> -> memref<1x80xi32, #tpu.memory_space<vmem>>
    %dma_start3A_27 = tpu.memref_squeeze %dma_start3A_26 : memref<1x80xi32, #tpu.memory_space<vmem>> -> memref<80xi32, #tpu.memory_space<vmem>>
    %dma_start3A_28 = arith.constant 0 : i32
    %dma_start3A_29 = tpu.memref_slice %arg7[%dma_start3A_28] : memref<10240xf32, #tpu.memory_space<vmem_shared>> -> memref<10240xf32, #tpu.memory_space<vmem_shared>>
    tpu.enqueue_indirect_dma source(%arg5 : memref<80xf32, #tpu.memory_space<vmem>>) target(%dma_start3A_29 : memref<10240xf32, #tpu.memory_space<vmem_shared>>) offsets(%dma_start3A_27 : memref<80xi32, #tpu.memory_space<vmem>>) semaphore(%arg8 : memref<!tpu.dma_semaphore, #tpu.memory_space<semaphore_mem>>) {add = true}
    %dma_start3A_30 = arith.constant 121 : i32
    %dma_start3A_31 = arith.constant 0 : i32
    %dma_start3A_32 = tpu.memref_slice %arg4[%dma_start3A_30, %dma_start3A_31] : memref<125x80xi32, #tpu.memory_space<vmem>> -> memref<1x80xi32, #tpu.memory_space<vmem>>
    %dma_start3A_33 = tpu.memref_squeeze %dma_start3A_32 : memref<1x80xi32, #tpu.memory_space<vmem>> -> memref<80xi32, #tpu.memory_space<vmem>>
    %dma_start3A_34 = arith.constant 0 : i32
    %dma_start3A_35 = tpu.memref_slice %arg7[%dma_start3A_34] : memref<10240xf32, #tpu.memory_space<vmem_shared>> -> memref<10240xf32, #tpu.memory_space<vmem_shared>>
    tpu.enqueue_indirect_dma source(%arg5 : memref<80xf32, #tpu.memory_space<vmem>>) target(%dma_start3A_35 : memref<10240xf32, #tpu.memory_space<vmem_shared>>) offsets(%dma_start3A_33 : memref<80xi32, #tpu.memory_space<vmem>>) semaphore(%arg8 : memref<!tpu.dma_semaphore, #tpu.memory_space<semaphore_mem>>) {add = true}
    %dma_start3A_36 = arith.constant 122 : i32
    %dma_start3A_37 = arith.constant 0 : i32
    %dma_start3A_38 = tpu.memref_slice %arg4[%dma_start3A_36, %dma_start3A_37] : memref<125x80xi32, #tpu.memory_space<vmem>> -> memref<1x80xi32, #tpu.memory_space<vmem>>
    %dma_start3A_39 = tpu.memref_squeeze %dma_start3A_38 : memref<1x80xi32, #tpu.memory_space<vmem>> -> memref<80xi32, #tpu.memory_space<vmem>>
    %dma_start3A_40 = arith.constant 0 : i32
    %dma_start3A_41 = tpu.memref_slice %arg7[%dma_start3A_40] : memref<10240xf32, #tpu.memory_space<vmem_shared>> -> memref<10240xf32, #tpu.memory_space<vmem_shared>>
    tpu.enqueue_indirect_dma source(%arg5 : memref<80xf32, #tpu.memory_space<vmem>>) target(%dma_start3A_41 : memref<10240xf32, #tpu.memory_space<vmem_shared>>) offsets(%dma_start3A_39 : memref<80xi32, #tpu.memory_space<vmem>>) semaphore(%arg8 : memref<!tpu.dma_semaphore, #tpu.memory_space<semaphore_mem>>) {add = true}
    %dma_start3A_42 = arith.constant 123 : i32
    %dma_start3A_43 = arith.constant 0 : i32
    %dma_start3A_44 = tpu.memref_slice %arg4[%dma_start3A_42, %dma_start3A_43] : memref<125x80xi32, #tpu.memory_space<vmem>> -> memref<1x80xi32, #tpu.memory_space<vmem>>
    %dma_start3A_45 = tpu.memref_squeeze %dma_start3A_44 : memref<1x80xi32, #tpu.memory_space<vmem>> -> memref<80xi32, #tpu.memory_space<vmem>>
    %dma_start3A_46 = arith.constant 0 : i32
    %dma_start3A_47 = tpu.memref_slice %arg7[%dma_start3A_46] : memref<10240xf32, #tpu.memory_space<vmem_shared>> -> memref<10240xf32, #tpu.memory_space<vmem_shared>>
    tpu.enqueue_indirect_dma source(%arg5 : memref<80xf32, #tpu.memory_space<vmem>>) target(%dma_start3A_47 : memref<10240xf32, #tpu.memory_space<vmem_shared>>) offsets(%dma_start3A_45 : memref<80xi32, #tpu.memory_space<vmem>>) semaphore(%arg8 : memref<!tpu.dma_semaphore, #tpu.memory_space<semaphore_mem>>) {add = true}
    %dma_start3A_48 = arith.constant 124 : i32
    %dma_start3A_49 = arith.constant 0 : i32
    %dma_start3A_50 = tpu.memref_slice %arg4[%dma_start3A_48, %dma_start3A_49] : memref<125x80xi32, #tpu.memory_space<vmem>> -> memref<1x80xi32, #tpu.memory_space<vmem>>
    %dma_start3A_51 = tpu.memref_squeeze %dma_start3A_50 : memref<1x80xi32, #tpu.memory_space<vmem>> -> memref<80xi32, #tpu.memory_space<vmem>>
    %dma_start3A_52 = arith.constant 0 : i32
    %dma_start3A_53 = tpu.memref_slice %arg7[%dma_start3A_52] : memref<10240xf32, #tpu.memory_space<vmem_shared>> -> memref<10240xf32, #tpu.memory_space<vmem_shared>>
    tpu.enqueue_indirect_dma source(%arg5 : memref<80xf32, #tpu.memory_space<vmem>>) target(%dma_start3A_53 : memref<10240xf32, #tpu.memory_space<vmem_shared>>) offsets(%dma_start3A_51 : memref<80xi32, #tpu.memory_space<vmem>>) semaphore(%arg8 : memref<!tpu.dma_semaphore, #tpu.memory_space<semaphore_mem>>) {add = true}
    %dma_wait3A = arith.constant 120 : i32
    %dma_wait3A_54 = arith.constant 0 : i32
    %dma_wait3A_55 = tpu.memref_slice %arg4[%dma_wait3A, %dma_wait3A_54] : memref<125x80xi32, #tpu.memory_space<vmem>> -> memref<1x80xi32, #tpu.memory_space<vmem>>
    %dma_wait3A_56 = tpu.memref_squeeze %dma_wait3A_55 : memref<1x80xi32, #tpu.memory_space<vmem>> -> memref<80xi32, #tpu.memory_space<vmem>>
    %dma_wait3A_57 = arith.constant 0 : i32
    %dma_wait3A_58 = tpu.memref_slice %arg7[%dma_wait3A_57] : memref<10240xf32, #tpu.memory_space<vmem_shared>> -> memref<10240xf32, #tpu.memory_space<vmem_shared>>
    tpu.wait_indirect_dma semaphore(%arg8 : memref<!tpu.dma_semaphore, #tpu.memory_space<semaphore_mem>>) src(%arg5 : memref<80xf32, #tpu.memory_space<vmem>>) dst(%dma_wait3A_58 : memref<10240xf32, #tpu.memory_space<vmem_shared>>)
    %dma_wait3A_59 = arith.constant 121 : i32
    %dma_wait3A_60 = arith.constant 0 : i32
    %dma_wait3A_61 = tpu.memref_slice %arg4[%dma_wait3A_59, %dma_wait3A_60] : memref<125x80xi32, #tpu.memory_space<vmem>> -> memref<1x80xi32, #tpu.memory_space<vmem>>
    %dma_wait3A_62 = tpu.memref_squeeze %dma_wait3A_61 : memref<1x80xi32, #tpu.memory_space<vmem>> -> memref<80xi32, #tpu.memory_space<vmem>>
    %dma_wait3A_63 = arith.constant 0 : i32
    %dma_wait3A_64 = tpu.memref_slice %arg7[%dma_wait3A_63] : memref<10240xf32, #tpu.memory_space<vmem_shared>> -> memref<10240xf32, #tpu.memory_space<vmem_shared>>
    tpu.wait_indirect_dma semaphore(%arg8 : memref<!tpu.dma_semaphore, #tpu.memory_space<semaphore_mem>>) src(%arg5 : memref<80xf32, #tpu.memory_space<vmem>>) dst(%dma_wait3A_64 : memref<10240xf32, #tpu.memory_space<vmem_shared>>)
    %dma_wait3A_65 = arith.constant 122 : i32
    %dma_wait3A_66 = arith.constant 0 : i32
    %dma_wait3A_67 = tpu.memref_slice %arg4[%dma_wait3A_65, %dma_wait3A_66] : memref<125x80xi32, #tpu.memory_space<vmem>> -> memref<1x80xi32, #tpu.memory_space<vmem>>
    %dma_wait3A_68 = tpu.memref_squeeze %dma_wait3A_67 : memref<1x80xi32, #tpu.memory_space<vmem>> -> memref<80xi32, #tpu.memory_space<vmem>>
    %dma_wait3A_69 = arith.constant 0 : i32
    %dma_wait3A_70 = tpu.memref_slice %arg7[%dma_wait3A_69] : memref<10240xf32, #tpu.memory_space<vmem_shared>> -> memref<10240xf32, #tpu.memory_space<vmem_shared>>
    tpu.wait_indirect_dma semaphore(%arg8 : memref<!tpu.dma_semaphore, #tpu.memory_space<semaphore_mem>>) src(%arg5 : memref<80xf32, #tpu.memory_space<vmem>>) dst(%dma_wait3A_70 : memref<10240xf32, #tpu.memory_space<vmem_shared>>)
    %dma_wait3A_71 = arith.constant 123 : i32
    %dma_wait3A_72 = arith.constant 0 : i32
    %dma_wait3A_73 = tpu.memref_slice %arg4[%dma_wait3A_71, %dma_wait3A_72] : memref<125x80xi32, #tpu.memory_space<vmem>> -> memref<1x80xi32, #tpu.memory_space<vmem>>
    %dma_wait3A_74 = tpu.memref_squeeze %dma_wait3A_73 : memref<1x80xi32, #tpu.memory_space<vmem>> -> memref<80xi32, #tpu.memory_space<vmem>>
    %dma_wait3A_75 = arith.constant 0 : i32
    %dma_wait3A_76 = tpu.memref_slice %arg7[%dma_wait3A_75] : memref<10240xf32, #tpu.memory_space<vmem_shared>> -> memref<10240xf32, #tpu.memory_space<vmem_shared>>
    tpu.wait_indirect_dma semaphore(%arg8 : memref<!tpu.dma_semaphore, #tpu.memory_space<semaphore_mem>>) src(%arg5 : memref<80xf32, #tpu.memory_space<vmem>>) dst(%dma_wait3A_76 : memref<10240xf32, #tpu.memory_space<vmem_shared>>)
    %dma_wait3A_77 = arith.constant 124 : i32
    %dma_wait3A_78 = arith.constant 0 : i32
    %dma_wait3A_79 = tpu.memref_slice %arg4[%dma_wait3A_77, %dma_wait3A_78] : memref<125x80xi32, #tpu.memory_space<vmem>> -> memref<1x80xi32, #tpu.memory_space<vmem>>
    %dma_wait3A_80 = tpu.memref_squeeze %dma_wait3A_79 : memref<1x80xi32, #tpu.memory_space<vmem>> -> memref<80xi32, #tpu.memory_space<vmem>>
    %dma_wait3A_81 = arith.constant 0 : i32
    %dma_wait3A_82 = tpu.memref_slice %arg7[%dma_wait3A_81] : memref<10240xf32, #tpu.memory_space<vmem_shared>> -> memref<10240xf32, #tpu.memory_space<vmem_shared>>
    tpu.wait_indirect_dma semaphore(%arg8 : memref<!tpu.dma_semaphore, #tpu.memory_space<semaphore_mem>>) src(%arg5 : memref<80xf32, #tpu.memory_space<vmem>>) dst(%dma_wait3A_82 : memref<10240xf32, #tpu.memory_space<vmem_shared>>)
    %barrier3A_83 = arith.constant 0 : index
    tpu.barrier barrier_id(%barrier3A_83)
    %mul3A_84 = arith.constant 640 : i32
    %mul3A_85 = arith.muli %arg1, %mul3A_84 : i32
    "tpu.region"() ({
      %run_scoped3A_89 = tpu.sem_alloc : memref<!tpu.dma_semaphore, #tpu.memory_space<semaphore_mem>>
      %dma_start3A_90 = tpu.memref_slice %arg7[%mul3A_85] : memref<10240xf32, #tpu.memory_space<vmem_shared>> -> memref<640xf32, #tpu.memory_space<vmem_shared>>
      %dma_start3A_91 = tpu.memref_slice %arg7[%mul3A_85] : memref<10240xf32, #tpu.memory_space<vmem_shared>> -> memref<640xf32, #tpu.memory_space<vmem_shared>>
      tpu.enqueue_dma source(%dma_start3A_91 : memref<640xf32, #tpu.memory_space<vmem_shared>>) target(%arg6 : memref<640xf32, #tpu.memory_space<vmem>>) target_semaphore(%run_scoped3A_89 : memref<!tpu.dma_semaphore, #tpu.memory_space<semaphore_mem>>)
      %dma_wait3A_92 = tpu.memref_slice %arg7[%mul3A_85] : memref<10240xf32, #tpu.memory_space<vmem_shared>> -> memref<640xf32, #tpu.memory_space<vmem_shared>>
      %dma_wait3A_93 = tpu.memref_slice %arg7[%mul3A_85] : memref<10240xf32, #tpu.memory_space<vmem_shared>> -> memref<640xf32, #tpu.memory_space<vmem_shared>>
      tpu.wait_dma2 semaphore(%run_scoped3A_89 : memref<!tpu.dma_semaphore, #tpu.memory_space<semaphore_mem>>) src(%dma_wait3A_93 : memref<640xf32, #tpu.memory_space<vmem_shared>>) dst(%arg6 : memref<640xf32, #tpu.memory_space<vmem>>)
      tpu.yield
    }) : () -> ()
    %mul3A_86 = arith.constant 640 : i32
    %mul3A_87 = arith.muli %arg1, %mul3A_86 : i32
    %run_scoped3A_88 = arith.constant 0 : i32
    "tpu.region"() ({
      %run_scoped3A_89 = tpu.sem_alloc : memref<!tpu.dma_semaphore, #tpu.memory_space<semaphore_mem>>
      %dma_start3A_90 = tpu.memref_slice %arg3[%arg0, %run_scoped3A_88, %mul3A_87] : memref<2x1x10240xf32, #tpu.memory_space<hbm>> -> memref<1x1x640xf32, #tpu.memory_space<hbm>>
      %dma_start3A_91 = tpu.memref_squeeze %dma_start3A_90 : memref<1x1x640xf32, #tpu.memory_space<hbm>> -> memref<640xf32, #tpu.memory_space<hbm>>
      %dma_start3A_92 = tpu.memref_slice %arg3[%arg0, %run_scoped3A_88, %mul3A_87] : memref<2x1x10240xf32, #tpu.memory_space<hbm>> -> memref<1x1x640xf32, #tpu.memory_space<hbm>>
      %dma_start3A_93 = tpu.memref_squeeze %dma_start3A_92 : memref<1x1x640xf32, #tpu.memory_space<hbm>> -> memref<640xf32, #tpu.memory_space<hbm>>
      tpu.enqueue_dma source(%arg6 : memref<640xf32, #tpu.memory_space<vmem>>) target(%dma_start3A_93 : memref<640xf32, #tpu.memory_space<hbm>>) target_semaphore(%run_scoped3A_89 : memref<!tpu.dma_semaphore, #tpu.memory_space<semaphore_mem>>)
      %dma_wait3A_94 = tpu.memref_slice %arg3[%arg0, %run_scoped3A_88, %mul3A_87] : memref<2x1x10240xf32, #tpu.memory_space<hbm>> -> memref<1x1x640xf32, #tpu.memory_space<hbm>>
      %dma_wait3A_95 = tpu.memref_squeeze %dma_wait3A_94 : memref<1x1x640xf32, #tpu.memory_space<hbm>> -> memref<640xf32, #tpu.memory_space<hbm>>
      %dma_wait3A_96 = tpu.memref_slice %arg3[%arg0, %run_scoped3A_88, %mul3A_87] : memref<2x1x10240xf32, #tpu.memory_space<hbm>> -> memref<1x1x640xf32, #tpu.memory_space<hbm>>
      %dma_wait3A_97 = tpu.memref_squeeze %dma_wait3A_96 : memref<1x1x640xf32, #tpu.memory_space<hbm>> -> memref<640xf32, #tpu.memory_space<hbm>>
      tpu.wait_dma2 semaphore(%run_scoped3A_89 : memref<!tpu.dma_semaphore, #tpu.memory_space<semaphore_mem>>) src(%arg6 : memref<640xf32, #tpu.memory_space<vmem>>) dst(%dma_wait3A_97 : memref<640xf32, #tpu.memory_space<hbm>>)
      tpu.yield
    }) : () -> ()
    return
  }
}

module attributes {stable_mosaic.version = 14 : i64} {
  func.func @body(%arg0: memref<10000x128xf32, #tpu.memory_space<vmem>>, %arg1: memref<128x32xf32, #tpu.memory_space<vmem>>, %arg2: memref<10000x32xf32, #tpu.memory_space<vmem>>) attributes {dimension_semantics = [], scalar_prefetch = 0 : i64, scratch_operands = 0 : i64, tpu.core_type = #tpu.core_type<tc>} {
    %get3A = arith.constant 0 : index
    %get3A_0 = arith.constant 0 : index
    %get3A_1 = vector.load %arg0[%get3A, %get3A_0] : memref<10000x128xf32, #tpu.memory_space<vmem>>, vector<10000x128xf32>
    %get3A_2 = arith.constant 0 : index
    %get3A_3 = arith.constant 0 : index
    %get3A_4 = vector.load %arg1[%get3A_2, %get3A_3] : memref<128x32xf32, #tpu.memory_space<vmem>>, vector<128x32xf32>
    %dot_general3A = arith.constant dense<0.000000e+00> : vector<10000x32xf32>
    %dot_general3A_5 = tpu.matmul %get3A_1, %get3A_4, %dot_general3A {dimension_numbers = #tpu.dot_dimension_numbers<[1], [0], [0], [1], [0, 0, 1, 1], [], []>, transpose_lhs_hint = false} : vector<10000x128xf32>, vector<128x32xf32>, vector<10000x32xf32> -> vector<10000x32xf32>
    %swap3A = arith.constant 0 : index
    %swap3A_6 = arith.constant 0 : index
    %swap3A_7 = vector.load %arg2[%swap3A, %swap3A_6] : memref<10000x32xf32, #tpu.memory_space<vmem>>, vector<10000x32xf32>
    tpu.vector_store %arg2[%swap3A, %swap3A_6], %dot_general3A_5 {strides = array<i32>} : memref<10000x32xf32, #tpu.memory_space<vmem>>, vector<10000x32xf32>,
    return
  }
}

module attributes {stable_mosaic.version = 14 : i64} {
  func.func @body(%arg0: memref<10000x32xf32, #tpu.memory_space<vmem>>, %arg1: memref<10000x1xf32, #tpu.memory_space<vmem>>, %arg2: memref<10000x32xf32, #tpu.memory_space<vmem>>, %arg3: memref<10000x32xf32, #tpu.memory_space<vmem>>) attributes {dimension_semantics = [], scalar_prefetch = 0 : i64, scratch_operands = 0 : i64, tpu.core_type = #tpu.core_type<tc>} {
    %get3A = arith.constant 0 : index
    %get3A_0 = arith.constant 0 : index
    %get3A_1 = vector.load %arg1[%get3A, %get3A_0] : memref<10000x1xf32, #tpu.memory_space<vmem>>, vector<10000x1xf32>
    %rsqrt3A = math.rsqrt %get3A_1 : vector<10000x1xf32>
    %div3A = arith.constant 1.000000e+00 : f32
    %div3A_2 = vector.broadcast %div3A : f32 to vector<10000x1xf32>
    %div3A_3 = arith.divf %div3A_2, %get3A_1 : vector<10000x1xf32>
    %get3A_4 = arith.constant 0 : index
    %get3A_5 = arith.constant 0 : index
    %get3A_6 = vector.load %arg0[%get3A_4, %get3A_5] : memref<10000x32xf32, #tpu.memory_space<vmem>>, vector<10000x32xf32>
    %mul3A = vector.broadcast %rsqrt3A : vector<10000x1xf32> to vector<10000x32xf32>
    %mul3A_7 = arith.mulf %get3A_6, %mul3A : vector<10000x32xf32>
    %swap3A = arith.constant 0 : index
    %swap3A_8 = arith.constant 0 : index
    %swap3A_9 = vector.load %arg2[%swap3A, %swap3A_8] : memref<10000x32xf32, #tpu.memory_space<vmem>>, vector<10000x32xf32>
    tpu.vector_store %arg2[%swap3A, %swap3A_8], %mul3A_7 {strides = array<i32>} : memref<10000x32xf32, #tpu.memory_space<vmem>>, vector<10000x32xf32>,
    %mul3A_10 = vector.broadcast %div3A_3 : vector<10000x1xf32> to vector<10000x32xf32>
    %mul3A_11 = arith.mulf %get3A_6, %mul3A_10 : vector<10000x32xf32>
    %swap3A_12 = arith.constant 0 : index
    %swap3A_13 = arith.constant 0 : index
    %swap3A_14 = vector.load %arg3[%swap3A_12, %swap3A_13] : memref<10000x32xf32, #tpu.memory_space<vmem>>, vector<10000x32xf32>
    tpu.vector_store %arg3[%swap3A_12, %swap3A_13], %mul3A_11 {strides = array<i32>} : memref<10000x32xf32, #tpu.memory_space<vmem>>, vector<10000x32xf32>,
    return
  }
}

module attributes {stable_mosaic.version = 14 : i64} {
  func.func @body(%arg0: memref<2x10240x32xf32, #tpu.memory_space<vmem>>, %arg1: memref<10000x32xf32, #tpu.memory_space<vmem>>, %arg2: memref<1x32xf32, #tpu.memory_space<vmem>>, %arg3: memref<10000x1xf32, #tpu.memory_space<vmem>>, %arg4: memref<10000x32xf32, #tpu.memory_space<vmem>>, %arg5: memref<10000x32xf32, #tpu.memory_space<vmem>>) attributes {dimension_semantics = [], scalar_prefetch = 0 : i64, scratch_operands = 0 : i64, tpu.core_type = #tpu.core_type<tc>} {
    %get3A = arith.constant 0 : index
    %get3A_0 = arith.constant 0 : index
    %get3A_1 = vector.load %arg3[%get3A, %get3A_0] : memref<10000x1xf32, #tpu.memory_space<vmem>>, vector<10000x1xf32>
    %rsqrt3A = math.rsqrt %get3A_1 : vector<10000x1xf32>
    %div3A = arith.constant 1.000000e+00 : f32
    %div3A_2 = vector.broadcast %div3A : f32 to vector<10000x1xf32>
    %div3A_3 = arith.divf %div3A_2, %get3A_1 : vector<10000x1xf32>
    %get3A_4 = arith.constant 0 : index
    %get3A_5 = arith.constant 0 : index
    %get3A_6 = arith.constant 0 : index
    %get3A_7 = vector.load %arg0[%get3A_4, %get3A_5, %get3A_6] : memref<2x10240x32xf32, #tpu.memory_space<vmem>>, vector<1x10000x32xf32>
    %get3A_8 = vector.shape_cast %get3A_7 : vector<1x10000x32xf32> to vector<10000x32xf32>
    %get3A_9 = arith.constant 1 : index
    %get3A_10 = arith.constant 0 : index
    %get3A_11 = arith.constant 0 : index
    %get3A_12 = vector.load %arg0[%get3A_9, %get3A_10, %get3A_11] : memref<2x10240x32xf32, #tpu.memory_space<vmem>>, vector<1x10000x32xf32>
    %get3A_13 = vector.shape_cast %get3A_12 : vector<1x10000x32xf32> to vector<10000x32xf32>
    %add3A = arith.addf %get3A_8, %get3A_13 : vector<10000x32xf32>
    %mul3A = vector.broadcast %rsqrt3A : vector<10000x1xf32> to vector<10000x32xf32>
    %mul3A_14 = arith.mulf %add3A, %mul3A : vector<10000x32xf32>
    %get3A_15 = arith.constant 0 : index
    %get3A_16 = arith.constant 0 : index
    %get3A_17 = vector.load %arg1[%get3A_15, %get3A_16] : memref<10000x32xf32, #tpu.memory_space<vmem>>, vector<10000x32xf32>
    %add3A_18 = arith.addf %mul3A_14, %get3A_17 : vector<10000x32xf32>
    %get3A_19 = arith.constant 0 : index
    %get3A_20 = arith.constant 0 : index
    %get3A_21 = vector.load %arg2[%get3A_19, %get3A_20] : memref<1x32xf32, #tpu.memory_space<vmem>>, vector<1x32xf32>
    %add3A_22 = vector.broadcast %get3A_21 : vector<1x32xf32> to vector<10000x32xf32>
    %add3A_23 = arith.addf %add3A_18, %add3A_22 : vector<10000x32xf32>
    %max3A = arith.constant 0.000000e+00 : f32
    %max3A_24 = vector.broadcast %max3A : f32 to vector<10000x32xf32>
    %max3A_25 = arith.maximumf %add3A_23, %max3A_24 : vector<10000x32xf32>
    %mul3A_26 = vector.broadcast %rsqrt3A : vector<10000x1xf32> to vector<10000x32xf32>
    %mul3A_27 = arith.mulf %max3A_25, %mul3A_26 : vector<10000x32xf32>
    %swap3A = arith.constant 0 : index
    %swap3A_28 = arith.constant 0 : index
    %swap3A_29 = vector.load %arg4[%swap3A, %swap3A_28] : memref<10000x32xf32, #tpu.memory_space<vmem>>, vector<10000x32xf32>
    tpu.vector_store %arg4[%swap3A, %swap3A_28], %mul3A_27 {strides = array<i32>} : memref<10000x32xf32, #tpu.memory_space<vmem>>, vector<10000x32xf32>,
    %mul3A_30 = vector.broadcast %div3A_3 : vector<10000x1xf32> to vector<10000x32xf32>
    %mul3A_31 = arith.mulf %max3A_25, %mul3A_30 : vector<10000x32xf32>
    %swap3A_32 = arith.constant 0 : index
    %swap3A_33 = arith.constant 0 : index
    %swap3A_34 = vector.load %arg5[%swap3A_32, %swap3A_33] : memref<10000x32xf32, #tpu.memory_space<vmem>>, vector<10000x32xf32>
    tpu.vector_store %arg5[%swap3A_32, %swap3A_33], %mul3A_31 {strides = array<i32>} : memref<10000x32xf32, #tpu.memory_space<vmem>>, vector<10000x32xf32>,
    return
  }
}

module attributes {stable_mosaic.version = 14 : i64} {
  func.func @body(%arg0: memref<2x10240x32xf32, #tpu.memory_space<vmem>>, %arg1: memref<10000x32xf32, #tpu.memory_space<vmem>>, %arg2: memref<10000x1xf32, #tpu.memory_space<vmem>>, %arg3: memref<32x16xf32, #tpu.memory_space<vmem>>, %arg4: memref<1x16xf32, #tpu.memory_space<vmem>>, %arg5: memref<32x16xf32, #tpu.memory_space<vmem>>, %arg6: memref<1x16xf32, #tpu.memory_space<vmem>>, %arg7: memref<10000x16xf32, #tpu.memory_space<vmem>>, %arg8: memref<10000x16xf32, #tpu.memory_space<vmem>>) attributes {dimension_semantics = [], scalar_prefetch = 0 : i64, scratch_operands = 0 : i64, tpu.core_type = #tpu.core_type<tc>} {
    %get3A = arith.constant 0 : index
    %get3A_0 = arith.constant 0 : index
    %get3A_1 = vector.load %arg2[%get3A, %get3A_0] : memref<10000x1xf32, #tpu.memory_space<vmem>>, vector<10000x1xf32>
    %rsqrt3A = math.rsqrt %get3A_1 : vector<10000x1xf32>
    %get3A_2 = arith.constant 0 : index
    %get3A_3 = arith.constant 0 : index
    %get3A_4 = arith.constant 0 : index
    %get3A_5 = vector.load %arg0[%get3A_2, %get3A_3, %get3A_4] : memref<2x10240x32xf32, #tpu.memory_space<vmem>>, vector<1x10000x32xf32>
    %get3A_6 = vector.shape_cast %get3A_5 : vector<1x10000x32xf32> to vector<10000x32xf32>
    %get3A_7 = arith.constant 1 : index
    %get3A_8 = arith.constant 0 : index
    %get3A_9 = arith.constant 0 : index
    %get3A_10 = vector.load %arg0[%get3A_7, %get3A_8, %get3A_9] : memref<2x10240x32xf32, #tpu.memory_space<vmem>>, vector<1x10000x32xf32>
    %get3A_11 = vector.shape_cast %get3A_10 : vector<1x10000x32xf32> to vector<10000x32xf32>
    %add3A = arith.addf %get3A_6, %get3A_11 : vector<10000x32xf32>
    %mul3A = vector.broadcast %rsqrt3A : vector<10000x1xf32> to vector<10000x32xf32>
    %mul3A_12 = arith.mulf %add3A, %mul3A : vector<10000x32xf32>
    %get3A_13 = arith.constant 0 : index
    %get3A_14 = arith.constant 0 : index
    %get3A_15 = vector.load %arg1[%get3A_13, %get3A_14] : memref<10000x32xf32, #tpu.memory_space<vmem>>, vector<10000x32xf32>
    %add3A_16 = arith.addf %mul3A_12, %get3A_15 : vector<10000x32xf32>
    %get3A_17 = arith.constant 0 : index
    %get3A_18 = arith.constant 0 : index
    %get3A_19 = vector.load %arg3[%get3A_17, %get3A_18] : memref<32x16xf32, #tpu.memory_space<vmem>>, vector<32x16xf32>
    %dot_general3A = arith.constant dense<0.000000e+00> : vector<10000x16xf32>
    %dot_general3A_20 = tpu.matmul %add3A_16, %get3A_19, %dot_general3A {dimension_numbers = #tpu.dot_dimension_numbers<[1], [0], [0], [1], [0, 0, 1, 1], [], []>, transpose_lhs_hint = false} : vector<10000x32xf32>, vector<32x16xf32>, vector<10000x16xf32> -> vector<10000x16xf32>
    %get3A_21 = arith.constant 0 : index
    %get3A_22 = arith.constant 0 : index
    %get3A_23 = vector.load %arg4[%get3A_21, %get3A_22] : memref<1x16xf32, #tpu.memory_space<vmem>>, vector<1x16xf32>
    %add3A_24 = vector.broadcast %get3A_23 : vector<1x16xf32> to vector<10000x16xf32>
    %add3A_25 = arith.addf %dot_general3A_20, %add3A_24 : vector<10000x16xf32>
    %swap3A = arith.constant 0 : index
    %swap3A_26 = arith.constant 0 : index
    %swap3A_27 = vector.load %arg7[%swap3A, %swap3A_26] : memref<10000x16xf32, #tpu.memory_space<vmem>>, vector<10000x16xf32>
    tpu.vector_store %arg7[%swap3A, %swap3A_26], %add3A_25 {strides = array<i32>} : memref<10000x16xf32, #tpu.memory_space<vmem>>, vector<10000x16xf32>,
    %get3A_28 = arith.constant 0 : index
    %get3A_29 = arith.constant 0 : index
    %get3A_30 = vector.load %arg5[%get3A_28, %get3A_29] : memref<32x16xf32, #tpu.memory_space<vmem>>, vector<32x16xf32>
    %dot_general3A_31 = arith.constant dense<0.000000e+00> : vector<10000x16xf32>
    %dot_general3A_32 = tpu.matmul %add3A_16, %get3A_30, %dot_general3A_31 {dimension_numbers = #tpu.dot_dimension_numbers<[1], [0], [0], [1], [0, 0, 1, 1], [], []>, transpose_lhs_hint = false} : vector<10000x32xf32>, vector<32x16xf32>, vector<10000x16xf32> -> vector<10000x16xf32>
    %get3A_33 = arith.constant 0 : index
    %get3A_34 = arith.constant 0 : index
    %get3A_35 = vector.load %arg6[%get3A_33, %get3A_34] : memref<1x16xf32, #tpu.memory_space<vmem>>, vector<1x16xf32>
    %add3A_36 = vector.broadcast %get3A_35 : vector<1x16xf32> to vector<10000x16xf32>
    %add3A_37 = arith.addf %dot_general3A_32, %add3A_36 : vector<10000x16xf32>
    %swap3A_38 = arith.constant 0 : index
    %swap3A_39 = arith.constant 0 : index
    %swap3A_40 = vector.load %arg8[%swap3A_38, %swap3A_39] : memref<10000x16xf32, #tpu.memory_space<vmem>>, vector<10000x16xf32>
    tpu.vector_store %arg8[%swap3A_38, %swap3A_39], %add3A_37 {strides = array<i32>} : memref<10000x16xf32, #tpu.memory_space<vmem>>, vector<10000x16xf32>,
    return
  }
}

</mosaic_0001>

<sc_bundles>
// kernel: kernel.12.cloned.1.call-start
scs
__scs_entry_jumppad:
0x0: {  	(pc) =	sbr.rel $0x88, $3  }
0x1: {  	(tag) =	ssettag $0x0;
	lr =	simm.s32 $0x1  }
0x2: {  	[smem:$0x3F99] =	sst lr;
	_ =	strace $0xD0000000  }
0x3: {  	_ = 	snop  }
0x4: {  	_ = 	snop  }
0x5: {  	_ = 	snop  }
0x6: {  	_ = 	snop  }
0x7: {  	_ = 	snop  }
__scs_overlays_trampoline_lowered:
0x8: {  	[smem:$0x3FA8] =	sst s0  }
0x9: {  	[smem:$0x3FA9] =	sst s1  }
0xa: {  	[smem:$0x3FAA] =	sst s2  }
0xb: {  	[smem:$0x3FAB] =	sst s3  }
0xc: {  	[smem:$0x3FAC] =	sst s4  }
0xd: {  	[smem:$0x3FAD] =	sst s5  }
0xe: {  	[smem:$0x3FAE] =	sst s6  }
0xf: {  	[smem:$0x3FAF] =	sst s7  }
0x10: {  	[smem:$0x3FB0] =	sst s8  }
0x11: {  	[smem:$0x3FB1] =	sst s9;
	s0 =	simm.s32 @!p0 $0x0  }
0x12: {  	s1 =	sld [smem:$0x3F97];
	s0 =	simm.s32 @p0 $0x1  }
0x13: {  	[smem:$0x3FB2] =	sst s0;
	s0 =	simm.s32 @!p1 $0x0  }
0x14: {  	s2 =	sld [smem:$0x3F96];
	s0 =	simm.s32 @p1 $0x1  }
0x15: {  	[smem:$0x3FB3] =	sst s0;
	s0 =	simm.s32 @!p2 $0x0  }
0x16: {  	s3 =	sld [smem:$0x3FDB];
	s0 =	simm.s32 @p2 $0x1  }
0x17: {  	s4 =	simm.s32 $0x1BF5;
	[smem:$0x3FB5] =	sst s0  }
0x18: {  	s0 =	sld [smem:$0x3F98];
	_ =	swait.ge [sflag:s4], $0x0  }
0x19: {  	s7 =	sld [smem:$0x3F99]  }
0x1a: {  	s8 =	sadd.s32 $0xFFFFE003, lr  }
0x1b: {  	s9 =	sadd.s32 $0xFFFFFEF7, lr;
	s5 =	simm.s32 $0xFFFFFFFF;
	p2 =	slt.u32 s8, $0xFFFFF086  }
0x1c: {  	p1 =	slt.u32 s9, $0xF7A;
	s5 =	simm.s32 @!p2 $0x0  }
0x1d: {  	s5 =	simm.s32 @p1 $0x1;
	p0 =	seq.s32 s7, s2  }
0x1e: {  	s7 =	smul.u32 @!p0 $0xF7A, s2;
	p2 =	seq.s32 @!p0 s5, $0x0  }
0x1f: {  	s9 =	smul.u32 $0xF7A, s1;
	s8 =	simm.s32 @!p0 $0x1BF5;
	p2 =	por !p2, p0  }
0x20: {  	[sflag:s8] =	ssyncset.s32 @!p0 $0xFFFFF086;
	s6 =	sadd.s32 @!p0 s3, s7;
	s7 =	simm.s32 @!p0 $0x108  }
0x21: {  	s3 =	sadd.s32 s3, s9;
	s6 =	sadd.s32 @!p0 $0x88, s6;
	s7 =	simm.s32 @p2 $0x1082  }
0x22: {  	[simem:s7], [sflag:s8] =	dma.local @!p0 [hbm:s6], $0xF7A  }
0x23: {  	s9 =	sor.u32 $0xD0000000, s2;
	s6 =	simm.s32 $0x108;
	_ =	swait.ge @!p0 [sflag:s8], $0x0  }
0x24: {  	s3 =	sadd.s32 $0x88, s3;
	s6 =	simm.s32 @!p1 $0x1082;
	[sflag:s4] =	ssyncset.s32 $0xFFFFF086  }
0x25: {  	[simem:s6], [sflag:s4] =	dma.local [hbm:s3], $0xF7A  }
0x26: {  	[smem:$0x3F99] =	sst s1;
	(tag) =	ssettag s2;
	_ =	strace s9  }
0x27: {  	s1 =	sld [smem:$0x3FA9]  }
0x28: {  	s2 =	sld [smem:$0x3FAA]  }
0x29: {  	s4 =	sld [smem:$0x3FAC]  }
0x2a: {  	p0 =	seq.s32 s5, $0x0;
	s5 =	sld [smem:$0x3FAD]  }
0x2b: {  	s6 =	sld [smem:$0x3FAE]  }
0x2c: {  	s7 =	sld [smem:$0x3FAF]  }
0x2d: {  	s3 =	simm.s32 $0x108;
	s8 =	sld [smem:$0x3FB0]  }
0x2e: {  	s3 =	simm.s32 @!p0 $0x1082;
	s9 =	sld [smem:$0x3FB1]  }
0x2f: {  	lr =	sadd.s32 s0, s3;
	s0 =	sld [smem:$0x3FA8]  }
0x30: {  	s3 =	sld [smem:$0x3FAB]  }
0x31: {  	[smem:$0x3FB4] =	sst s10  }
0x32: {  	s10 =	sld [smem:$0x3FB2];
	_ =	sdelay $0x3  }
0x33: {  	p0 =	seq.s32 s10, $0x1;
	s10 =	sld [smem:$0x3FB4];
	_ =	sdelay $0x3  }
0x34: {  	[smem:$0x3FB4] =	sst s10  }
0x35: {  	s10 =	sld [smem:$0x3FB3];
	_ =	sdelay $0x3  }
0x36: {  	p1 =	seq.s32 s10, $0x1;
	s10 =	sld [smem:$0x3FB4];
	_ =	sdelay $0x3  }
0x37: {  	[smem:$0x3FB4] =	sst s10  }
0x38: {  	s10 =	sld [smem:$0x3FB5]  }
0x39: {  	_ = 	snop;
	(pc) =	sbr.ind lr, $3  }
0x3a: {  	_ = 	snop  }
0x3b: {  	_ = 	snop  }
0x3c: {  	p2 =	seq.s32 s10, $0x1;
	s10 =	sld [smem:$0x3FB4]  }
0x3d: {  	_ =	shalt  }
0x3e: {  	_ =	shalt  }
0x3f: {  	_ =	shalt  }
0x40: {  	_ =	shalt  }
0x41: {  	_ =	shalt  }
0x42: {  	_ =	shalt  }
0x43: {  	_ =	shalt  }
0x44: {  	_ =	shalt  }
0x45: {  	_ =	shalt  }
0x46: {  	_ =	shalt  }
0x47: {  	_ =	shalt  }
0x48: {  	_ =	shalt  }
0x49: {  	_ =	shalt  }
0x4a: {  	_ =	shalt  }
0x4b: {  	_ =	shalt  }
0x4c: {  	_ =	shalt  }
0x4d: {  	_ =	shalt  }
0x4e: {  	_ =	shalt  }
0x4f: {  	_ =	shalt  }
0x50: {  	_ =	shalt  }
0x51: {  	_ =	shalt  }
0x52: {  	_ =	shalt  }
0x53: {  	_ =	shalt  }
0x54: {  	_ =	shalt  }
0x55: {  	_ =	shalt  }
0x56: {  	_ =	shalt  }
0x57: {  	_ =	shalt  }
0x58: {  	_ =	shalt  }
0x59: {  	_ =	shalt  }
0x5a: {  	_ =	shalt  }
0x5b: {  	_ =	shalt  }
0x5c: {  	_ =	shalt  }
0x5d: {  	_ =	shalt  }
0x5e: {  	_ =	shalt  }
0x5f: {  	_ =	shalt  }
0x60: {  	_ =	shalt  }
0x61: {  	_ =	shalt  }
0x62: {  	_ =	shalt  }
0x63: {  	_ =	shalt  }
0x64: {  	_ =	shalt  }
0x65: {  	_ =	shalt  }
0x66: {  	_ =	shalt  }
0x67: {  	_ =	shalt  }
0x68: {  	_ =	shalt  }
0x69: {  	_ =	shalt  }
0x6a: {  	_ =	shalt  }
0x6b: {  	_ =	shalt  }
0x6c: {  	_ =	shalt  }
0x6d: {  	_ =	shalt  }
0x6e: {  	_ =	shalt  }
0x6f: {  	_ =	shalt  }
0x70: {  	_ =	shalt  }
0x71: {  	_ =	shalt  }
0x72: {  	_ =	shalt  }
0x73: {  	_ =	shalt  }
0x74: {  	_ =	shalt  }
0x75: {  	_ =	shalt  }
0x76: {  	_ =	shalt  }
0x77: {  	_ =	shalt  }
0x78: {  	_ =	shalt  }
0x79: {  	_ =	shalt  }
0x7a: {  	_ =	shalt  }
0x7b: {  	_ =	shalt  }
0x7c: {  	_ =	shalt  }
0x7d: {  	_ =	shalt  }
0x7e: {  	_ =	shalt  }
0x7f: {  	_ =	shalt  }
0x80: {  	_ =	shalt  }
0x81: {  	_ =	shalt  }
0x82: {  	_ =	shalt  }
0x83: {  	_ =	shalt  }
0x84: {  	_ =	shalt  }
0x85: {  	_ =	shalt  }
0x86: {  	_ =	shalt  }
0x87: {  	_ =	shalt  }
.Lfunc_end0:
.L_simem_size_0:
called_computation.1_lowered:
.L_overlay_start_0:
0x88: {  	s2 =	sld [smem:$0x3FD9]  }
0x89: {  	s3 =	sld [smem:$0x3FFE];
	_ =	sdelay $0x1  }
0x8a: {  	s1 =	srdreg.scid  }
0x8b: {  	s0 =	sand.u32 $0x1, s1  }
0x8c: {  	s16 =	sshll.u32 s0, $0xA;
	s2 =	sadd.s32 s3, s2  }
0x8d: {  	s2 =	sadd.s32 s2, s16  }
0x8e: {  	[smem:$0x3FC0] =	sst s2  }
0x8f: {  	_ = 	snop  }
0x90: {  	(tm) =	ssettm $0x1  }
0x91: {  	s17 =	sld [smem:$0x3FFB];
	_ =	sdelay $0x3  }
0x92: {  	_ =	strace s17  }
0x93: {  	s2 =	sld [smem:$0x3FFC];
	_ =	sdelay $0x3  }
0x94: {  	_ =	strace s2  }
0x95: {  	s2 =	sld [smem:$0x3FFD];
	_ =	sdelay $0x3  }
0x96: {  	_ =	strace s2  }
0x97: {  	_ =	strace $0x8FFFFFFF  }
0x98: {  	s18 =	sld [smem:$0x3FDB];
	_ =	sdelay $0x1  }
0x99: {  	s19 =	simm.s32 $_scs_section_size  }
0x9a: {  	s4 =	simm.s32 $_size__tile_overlayer_lowered;
	s5 =	simm.s32 $_tile_overlayer_lowered  }
0x9b: {  	s22 =	simm.s32 $0x1BFF;
	s21 =	sshll.u32 s5, $0x1;
	s2 =	sadd.s32 s19, s18  }
0x9c: {  	s6 =	simm.s32 $0x0;
	s20 =	sshll.u32 s4, $0x1;
	s4 =	sadd.s32 s21, s2  }
0x9d: {  	[timem:s6], [sflag:s22] =	dma.local [hbm:s4], s20  }
0x9e: {  	_ =	swait.ge [sflag:s22], s20  }
0x9f: {  	s3 =	ssub.s32 $0x0, s20;
	[sflag:s22] =	ssyncset.done $0x0  }
0xa0: {  	[sflag:s22] =	ssyncadd.s32 s3;
	_ =	sdelay $0x1  }
0xa1: {  	s23 =	simm.s32 $0x1B8B  }
0xa2: {  	_ =	swait.ge [sflag:s23], $0x1  }
0xa3: {  	[sflag:s23] =	ssyncset.done $0x0  }
0xa4: {  	s25 =	simm.s32 $0x1B8E;
	s24 =	sld [smem:$0x3FFE];
	[sflag:s23] =	ssyncadd.s32 $0xFFFFFFFF  }
0xa5: {  	s26 =	simm.s32 $execute0_lowered;
	[smem:$0x3FD2] =	sst s25  }
0xa6: {  	s4 =	sshll.u32 s26, $0x1;
	_ =	strace $0x80000049;
	[dreg:$0x1] =	wrdreg $0xFFFFFFFF  }
0xa7: {  	s28 =	simm.s32 $_size_execute0_lowered;
	s2 =	sadd.s32 s2, s4;
	[dreg:$0x0] =	wrdreg $0x0  }
0xa8: {  	s4 =	sshll.u32 s28, $0x1;
	[dreg:$0x2] =	wrdreg s2  }
0xa9: {  	[dreg:$0x3] =	wrdreg s4  }
0xaa: {  	[dreg:$0x4] =	wrdreg $0xC0  }
0xab: {  	_ =	task [dreg:s6], $0x5FFFF  }
0xac: {  	[dreg:$0x1] =	wrdreg $0xFFFFFFFF  }
0xad: {  	[dreg:$0x0] =	wrdreg $0x60  }
0xae: {  	[dreg:$0x2] =	wrdreg s24  }
0xaf: {  	[dreg:$0x3] =	wrdreg $0x102200  }
0xb0: {  	[dreg:$0x4] =	wrdreg $0x9  }
0xb1: {  	_ =	task.clear_ibuf [dreg:s6], $0x5FFFF;
	_ =	strace $0x90000049  }
0xb2: {  	s29 =	simm.s32 $0x9;
	_ =	strace $0x8000004B  }
0xb3: {  	_ =	swait.ge [sflag:s29], $0x1  }
0xb4: {  	[sflag:s29] =	ssyncadd.s32 $0xFFFFFFFF  }
0xb5: {  	_ =	strace $0x9000004B  }
0xb6: {  	_ =	sfence  }
0xb7: {  	s30 =	sld [smem:$0x0];
	_ =	sdelay $0x2  }
0xb8: {  	s31 =	sshll.u32 s1, $0xD;
	s1 =	sshrl.u32 s1, $0x2  }
0xb9: {  	s3 =	sand.u32 $0x4000, s31;
	s1 =	sadd.s32 s1, s30  }
0xba: {  	s0 =	sor.u32 s3, s0;
	s1 =	sshll.u32 s1, $0x11  }
0xbb: {  	s0 =	sor.u32 s1, s0  }
0xbc: {  	s0 =	sadd.s32 $0x8F2B, s0  }
0xbd: {  	[sflag:s0] =	ssyncadd.remote.s32 $0x1  }
0xbe: {  	_ =	sfence.sel $0xFFFF  }
0xbf: {  	[dreg:$0x0] =	wrdreg $0xFFFFFFFF;
	(pc) =	sbr.abs _section_cstart, $3  }
0xc0: {  	[dreg:$0x1] =	wrdreg $0xFFFFFFFF  }
0xc1: {  	_ =	task.clear_ibuf [dreg:s6], $0x2FFFF;
	_ =	strace $0x9FFFFFFF  }
0xc2: {  	(tm) =	ssettm $0x7FFFFFFF  }
0xc3: {  	_ =	shalt  }
tec
execute0_lowered:
.L_overlay_start_1:
0x0: {  	(tag) =	ssettag $0x1  }
0x1: {  	s0 =	srdreg.scid  }
0x2: {  	s4 =	stileid.u32;
	s5 =	rddreg [dreg:$0x0]  }
0x3: {  	s2 =	rddreg [dreg:$0x1];
	s3 =	simm.s32 $0x0;
	s10 =	simm.s32 $0x4  }
0x4: {  	s12 =	simm.s32 $0xB220;
	s13 =	simm.s32 $0x50;
	s14 =	simm.s32 $0x4E20  }
0x5: {  	s15 =	simm.s32 $0x5820;
	s17 =	simm.s32 $0x6220;
	s19 =	simm.s32 $0x6C20  }
0x6: {  	s21 =	simm.s32 $0x7620;
	s22 =	simm.s32 $0x8020;
	s23 =	simm.s32 $0x8A20  }
0x7: {  	s24 =	simm.s32 $0x9420;
	s25 =	simm.s32 $0x9E20;
	s26 =	simm.s32 $0xA820  }
0x8: {  	s28 =	simm.s32 $0x1;
	s29 =	simm.s32 $0x3;
	s30 =	simm.s32 $0x2  }
0x9: {  	s0 =	sand.u32 $0x1, s0;
	s1 =	sshll.u32 s4, $0x1;
	s7 =	smul.u32 $0x5000, s4  }
0xa: {  	s16 =	simm.s32 $0x4DD0;
	s1 =	sor.u32 s0, s1;
	s6 =	smul.u32 $0x50000, s0  }
0xb: {  	s18 =	simm.s32 $0x0;
	[smem:$0x7FF] =	sst s3;
	s1 =	smul.u32 $0x2710, s1  }
0xc: {  	s4 =	sadd.s32 $0x16000, s5;
	_ =	strace $0x8000004A;
	s0 =	ssub.s32 $0x2, s0  }
0xd: {  	s8 =	sshrl.u32 s0, $0x1;
	s6 =	sadd.s32 s7, s6;
	s1 =	sshrl.u32 s1, $0x3  }
0xe: {  	s0 =	ssub.s32 s0, s8;
	s6 =	sshrl.u32 s6, $0x3;
	s1 =	sadd.s32 s1, s5  }
0xf: {  	s7 =	sadd.s32 s7, s2;
	s9 =	sadd.s32 s6, s5;
	s5 =	sadd.s32 $0x2600, s1  }
0x10: {  	v0 =	vimm.f32 $0.0e+00;
	s6 =	sadd.s32 $0xC240, s1;
	s8 =	sadd.s32 $0x1FE00, s9;
	s9 =	smax.u32 s0, $0x1  }
.LBB2_1:
0x11: {  	[tilespmem:s3], [sflag:$0x4] =	stream.linear.gather [hbm4b:s5+s3], $0x2710, $0x38;
	[tilespmem:$0x15220] =	vst v63  }
0x12: {  	_ =	swait.ge [sflag:s10], $0x2710  }
0x13: {  	[sflag:s10] =	ssyncset.done $0x0  }
0x14: {  	s0 =	simm.s32 $0x2710;
	[sflag:s10] =	ssyncadd.s32 $0xFFFFD8F0  }
0x15: {  	[tilespmem:s0], [sflag:$0x4] =	stream.linear.gather [hbm4b:s6+s3], $0x2710, $0x38;
	[tilespmem:$0x15220] =	vst v63  }
0x16: {  	_ =	swait.ge [sflag:s10], $0x2710  }
0x17: {  	[sflag:s10] =	ssyncset.done $0x0  }
0x18: {  	s1 =	simm.s32 $0x80;
	s0 =	simm.s32 $0x0;
	[sflag:s10] =	ssyncadd.s32 $0xFFFFD8F0  }
.LBB2_2:
0x19: {  	p0 =	sne.s32 s1, $0x13F80;
	[tilespmem:s0+$0xB220] =	vst v0;
	s20 =	smov.u32 s1;
	s1 =	sadd.s32 $0x80, s1  }
.Ltmp0:
0x1a: {  	[tilespmem:s0+$0xB230] =	vst v0;
	(pc) =	sbr.rel @p0 .LBB2_2-.Ltmp0, $2  }
0x1b: {  	_ =	sdelay $0x2  }
0x1c: {  	s0 =	sshra.s32 s20, $0x2  }
0x1d: {  	[tilespmem:s0+$0xB220] =	vst v0  }
0x1e: {  	[tilespmem:s0+$0xB230] =	vst v0  }
0x1f: {  	[spmem:s7] =	stream.linear.scatter [tilespmem:s12], [sflag:$0x4], $0x5000, $0x38;
	[tilespmem:$0x15220] =	vst v63  }
0x20: {  	_ =	swait.ge [sflag:s10], $0x5000  }
0x21: {  	[sflag:s10] =	ssyncset.done $0x0  }
0x22: {  	[sflag:s10] =	ssyncadd.s32 $0xFFFFB000  }
0x23: {  	s1 =	simm.s32 $0x0;
	[bflag:$0x0] =	sbarrier.arrive $0xFFFF  }
0x24: {  	[tilespmem:s14], [sflag:$0x1] =	stream.indirect.gather [hbm4b:s4+s13], $0x20, s1, s13, $0xb8;
	[tilespmem:$0x15220] =	vst v63  }
0x25: {  	_ = 	snop  }
0x26: {  	[tilespmem:s15], [sflag:$0x1] =	stream.indirect.gather [hbm4b:s4+s13], $0x20, s13, s13, $0xb8;
	[tilespmem:$0x15220] =	vst v63  }
0x27: {  	s11 =	simm.s32 $0xA0  }
0x28: {  	[tilespmem:s17], [sflag:$0x1] =	stream.indirect.gather [hbm4b:s4+s13], $0x20, s11, s13, $0xb8;
	[tilespmem:$0x15220] =	vst v63  }
0x29: {  	s20 =	simm.s32 $0xF0  }
0x2a: {  	[tilespmem:s19], [sflag:$0x1] =	stream.indirect.gather [hbm4b:s4+s13], $0x20, s20, s13, $0xb8;
	[tilespmem:$0x15220] =	vst v63  }
0x2b: {  	s1 =	simm.s32 $0x140  }
0x2c: {  	[tilespmem:s21], [sflag:$0x1] =	stream.indirect.gather [hbm4b:s4+s13], $0x20, s1, s13, $0xb8;
	[tilespmem:$0x15220] =	vst v63  }
0x2d: {  	s11 =	simm.s32 $0x190  }
0x2e: {  	[tilespmem:s22], [sflag:$0x2] =	stream.indirect.gather [hbm4b:s4+s13], $0x20, s11, s13, $0xb8;
	[tilespmem:$0x15220] =	vst v63  }
0x2f: {  	s20 =	simm.s32 $0x1E0  }
0x30: {  	[tilespmem:s23], [sflag:$0x2] =	stream.indirect.gather [hbm4b:s4+s13], $0x20, s20, s13, $0xb8;
	[tilespmem:$0x15220] =	vst v63  }
0x31: {  	s1 =	simm.s32 $0x230  }
0x32: {  	[tilespmem:s24], [sflag:$0x2] =	stream.indirect.gather [hbm4b:s4+s13], $0x20, s1, s13, $0xb8;
	[tilespmem:$0x15220] =	vst v63  }
0x33: {  	s11 =	simm.s32 $0x280  }
0x34: {  	[tilespmem:s25], [sflag:$0x2] =	stream.indirect.gather [hbm4b:s4+s13], $0x20, s11, s13, $0xb8;
	[tilespmem:$0x15220] =	vst v63  }
0x35: {  	s20 =	simm.s32 $0x2D0  }
0x36: {  	[tilespmem:s26], [sflag:$0x2] =	stream.indirect.gather [hbm4b:s4+s13], $0x20, s20, s13, $0xb8;
	[tilespmem:$0x15220] =	vst v63  }
0x37: {  	_ =	swait.ge [sflag:s28], $0xA00  }
0x38: {  	[sflag:s28] =	ssyncset.done $0x0  }
0x39: {  	[sflag:s28] =	ssyncadd.s32 $0xFFFFF600  }
0x3a: {  	_ =	swait.ge [sflag:s28], $0xA00  }
0x3b: {  	[sflag:s28] =	ssyncset.done $0x0  }
0x3c: {  	[sflag:s28] =	ssyncadd.s32 $0xFFFFF600  }
0x3d: {  	_ =	swait.ge [sflag:s28], $0xA00  }
0x3e: {  	[sflag:s28] =	ssyncset.done $0x0  }
0x3f: {  	[sflag:s28] =	ssyncadd.s32 $0xFFFFF600  }
0x40: {  	_ =	swait.ge [sflag:s28], $0xA00  }
0x41: {  	[sflag:s28] =	ssyncset.done $0x0  }
0x42: {  	[sflag:s28] =	ssyncadd.s32 $0xFFFFF600  }
0x43: {  	_ =	swait.ge [sflag:s28], $0xA00  }
0x44: {  	[sflag:s28] =	ssyncset.done $0x0  }
0x45: {  	s1 =	simm.s32 $0x2710;
	[sflag:s28] =	ssyncadd.s32 $0xFFFFF600  }
0x46: {  	[spmem:s2] =	stream.indirect.scatter.add.f32 [tilespmem:s14], [sflag:$0x3], $0x20, s1, s13, $0xb8;
	[tilespmem:$0x15220] =	vst v63  }
0x47: {  	s11 =	simm.s32 $0x2760  }
0x48: {  	[spmem:s2] =	stream.indirect.scatter.add.f32 [tilespmem:s15], [sflag:$0x3], $0x20, s11, s13, $0xb8;
	[tilespmem:$0x15220] =	vst v63  }
0x49: {  	s20 =	simm.s32 $0x27B0  }
0x4a: {  	[spmem:s2] =	stream.indirect.scatter.add.f32 [tilespmem:s17], [sflag:$0x3], $0x20, s20, s13, $0xb8;
	[tilespmem:$0x15220] =	vst v63  }
0x4b: {  	s1 =	simm.s32 $0x2800  }
0x4c: {  	[spmem:s2] =	stream.indirect.scatter.add.f32 [tilespmem:s19], [sflag:$0x3], $0x20, s1, s13, $0xb8;
	[tilespmem:$0x15220] =	vst v63  }
0x4d: {  	s11 =	simm.s32 $0x2850  }
0x4e: {  	[spmem:s2] =	stream.indirect.scatter.add.f32 [tilespmem:s21], [sflag:$0x3], $0x20, s11, s13, $0xb8;
	[tilespmem:$0x15220] =	vst v63  }
0x4f: {  	_ =	swait.ge [sflag:s29], $0xA00  }
0x50: {  	[sflag:s29] =	ssyncset.done $0x0  }
0x51: {  	[sflag:s29] =	ssyncadd.s32 $0xFFFFF600  }
0x52: {  	_ =	swait.ge [sflag:s29], $0xA00  }
0x53: {  	[sflag:s29] =	ssyncset.done $0x0  }
0x54: {  	[sflag:s29] =	ssyncadd.s32 $0xFFFFF600  }
0x55: {  	_ =	swait.ge [sflag:s29], $0xA00  }
0x56: {  	[sflag:s29] =	ssyncset.done $0x0  }
0x57: {  	[sflag:s29] =	ssyncadd.s32 $0xFFFFF600  }
0x58: {  	_ =	swait.ge [sflag:s29], $0xA00  }
0x59: {  	[sflag:s29] =	ssyncset.done $0x0  }
0x5a: {  	[sflag:s29] =	ssyncadd.s32 $0xFFFFF600  }
0x5b: {  	_ =	swait.ge [sflag:s29], $0xA00  }
0x5c: {  	[sflag:s29] =	ssyncset.done $0x0  }
0x5d: {  	s20 =	simm.s32 $0x320;
	[sflag:s29] =	ssyncadd.s32 $0xFFFFF600  }
0x5e: {  	[tilespmem:s14], [sflag:$0x1] =	stream.indirect.gather [hbm4b:s4+s13], $0x20, s20, s13, $0xb8;
	[tilespmem:$0x15220] =	vst v63  }
0x5f: {  	s1 =	simm.s32 $0x370  }
0x60: {  	[tilespmem:s15], [sflag:$0x1] =	stream.indirect.gather [hbm4b:s4+s13], $0x20, s1, s13, $0xb8;
	[tilespmem:$0x15220] =	vst v63  }
0x61: {  	s11 =	simm.s32 $0x3C0  }
0x62: {  	[tilespmem:s17], [sflag:$0x1] =	stream.indirect.gather [hbm4b:s4+s13], $0x20, s11, s13, $0xb8;
	[tilespmem:$0x15220] =	vst v63  }
0x63: {  	s20 =	simm.s32 $0x410  }
0x64: {  	[tilespmem:s19], [sflag:$0x1] =	stream.indirect.gather [hbm4b:s4+s13], $0x20, s20, s13, $0xb8;
	[tilespmem:$0x15220] =	vst v63  }
0x65: {  	s1 =	simm.s32 $0x460  }
0x66: {  	[tilespmem:s21], [sflag:$0x1] =	stream.indirect.gather [hbm4b:s4+s13], $0x20, s1, s13, $0xb8;
	[tilespmem:$0x15220] =	vst v63  }
0x67: {  	_ =	swait.ge [sflag:s30], $0xA00  }
0x68: {  	[sflag:s30] =	ssyncset.done $0x0  }
0x69: {  	[sflag:s30] =	ssyncadd.s32 $0xFFFFF600  }
0x6a: {  	_ =	swait.ge [sflag:s30], $0xA00  }
0x6b: {  	[sflag:s30] =	ssyncset.done $0x0  }
0x6c: {  	[sflag:s30] =	ssyncadd.s32 $0xFFFFF600  }
0x6d: {  	_ =	swait.ge [sflag:s30], $0xA00  }
0x6e: {  	[sflag:s30] =	ssyncset.done $0x0  }
0x6f: {  	[sflag:s30] =	ssyncadd.s32 $0xFFFFF600  }
0x70: {  	_ =	swait.ge [sflag:s30], $0xA00  }
0x71: {  	[sflag:s30] =	ssyncset.done $0x0  }
0x72: {  	[sflag:s30] =	ssyncadd.s32 $0xFFFFF600  }
0x73: {  	_ =	swait.ge [sflag:s30], $0xA00  }
0x74: {  	[sflag:s30] =	ssyncset.done $0x0  }
0x75: {  	s11 =	simm.s32 $0x28A0;
	[sflag:s30] =	ssyncadd.s32 $0xFFFFF600  }
0x76: {  	[spmem:s2] =	stream.indirect.scatter.add.f32 [tilespmem:s22], [sflag:$0x3], $0x20, s11, s13, $0xb8;
	[tilespmem:$0x15220] =	vst v63  }
0x77: {  	s20 =	simm.s32 $0x28F0  }
0x78: {  	[spmem:s2] =	stream.indirect.scatter.add.f32 [tilespmem:s23], [sflag:$0x3], $0x20, s20, s13, $0xb8;
	[tilespmem:$0x15220] =	vst v63  }
0x79: {  	s1 =	simm.s32 $0x2940  }
0x7a: {  	[spmem:s2] =	stream.indirect.scatter.add.f32 [tilespmem:s24], [sflag:$0x3], $0x20, s1, s13, $0xb8;
	[tilespmem:$0x15220] =	vst v63  }
0x7b: {  	s11 =	simm.s32 $0x2990  }
0x7c: {  	[spmem:s2] =	stream.indirect.scatter.add.f32 [tilespmem:s25], [sflag:$0x3], $0x20, s11, s13, $0xb8;
	[tilespmem:$0x15220] =	vst v63  }
0x7d: {  	s20 =	simm.s32 $0x29E0  }
0x7e: {  	[spmem:s2] =	stream.indirect.scatter.add.f32 [tilespmem:s26], [sflag:$0x3], $0x20, s20, s13, $0xb8;
	[tilespmem:$0x15220] =	vst v63  }
0x7f: {  	_ =	swait.ge [sflag:s29], $0xA00  }
0x80: {  	[sflag:s29] =	ssyncset.done $0x0  }
0x81: {  	[sflag:s29] =	ssyncadd.s32 $0xFFFFF600  }
0x82: {  	_ =	swait.ge [sflag:s29], $0xA00  }
0x83: {  	[sflag:s29] =	ssyncset.done $0x0  }
0x84: {  	[sflag:s29] =	ssyncadd.s32 $0xFFFFF600  }
0x85: {  	_ =	swait.ge [sflag:s29], $0xA00  }
0x86: {  	[sflag:s29] =	ssyncset.done $0x0  }
0x87: {  	[sflag:s29] =	ssyncadd.s32 $0xFFFFF600  }
0x88: {  	_ =	swait.ge [sflag:s29], $0xA00  }
0x89: {  	[sflag:s29] =	ssyncset.done $0x0  }
0x8a: {  	[sflag:s29] =	ssyncadd.s32 $0xFFFFF600  }
0x8b: {  	_ =	swait.ge [sflag:s29], $0xA00  }
0x8c: {  	s31 =	simm.s32 $0x1900;
	s20 =	simm.s32 $0x320;
	[sflag:s29] =	ssyncset.done $0x0  }
.LBB2_4:
0x8d: {  	s11 =	sadd.s32 $0x190, s20  }
0x8e: {  	[sflag:s29] =	ssyncadd.s32 $0xFFFFF600;
	s1 =	smov.u32 s31;
	s0 =	sadd.s32 $0xC80, s31  }
0x8f: {  	[tilespmem:s22], [sflag:$0x2] =	stream.indirect.gather [hbm4b:s4+s13], $0x20, s11, s13, $0xb8;
	[tilespmem:$0x15220] =	vst v63  }
0x90: {  	p0 =	sne.s32 s31, $0x8980;
	s11 =	sadd.s32 $0x1E0, s20  }
0x91: {  	[tilespmem:s23], [sflag:$0x2] =	stream.indirect.gather [hbm4b:s4+s13], $0x20, s11, s13, $0xb8;
	[tilespmem:$0x15220] =	vst v63  }
0x92: {  	s11 =	sadd.s32 $0x230, s20  }
0x93: {  	[tilespmem:s24], [sflag:$0x2] =	stream.indirect.gather [hbm4b:s4+s13], $0x20, s11, s13, $0xb8;
	[tilespmem:$0x15220] =	vst v63  }
0x94: {  	s11 =	sadd.s32 $0x280, s20  }
0x95: {  	[tilespmem:s25], [sflag:$0x2] =	stream.indirect.gather [hbm4b:s4+s13], $0x20, s11, s13, $0xb8;
	[tilespmem:$0x15220] =	vst v63  }
0x96: {  	s11 =	sadd.s32 $0x2D0, s20  }
0x97: {  	[tilespmem:s26], [sflag:$0x2] =	stream.indirect.gather [hbm4b:s4+s13], $0x20, s11, s13, $0xb8;
	[tilespmem:$0x15220] =	vst v63  }
0x98: {  	_ =	swait.ge [sflag:s28], $0xA00  }
0x99: {  	[sflag:s28] =	ssyncset.done $0x0  }
0x9a: {  	[sflag:s28] =	ssyncadd.s32 $0xFFFFF600  }
0x9b: {  	_ =	swait.ge [sflag:s28], $0xA00  }
0x9c: {  	[sflag:s28] =	ssyncset.done $0x0  }
0x9d: {  	[sflag:s28] =	ssyncadd.s32 $0xFFFFF600  }
0x9e: {  	_ =	swait.ge [sflag:s28], $0xA00  }
0x9f: {  	[sflag:s28] =	ssyncset.done $0x0  }
0xa0: {  	[sflag:s28] =	ssyncadd.s32 $0xFFFFF600  }
0xa1: {  	_ =	swait.ge [sflag:s28], $0xA00  }
0xa2: {  	[sflag:s28] =	ssyncset.done $0x0  }
0xa3: {  	[sflag:s28] =	ssyncadd.s32 $0xFFFFF600  }
0xa4: {  	_ =	swait.ge [sflag:s28], $0xA00  }
0xa5: {  	[sflag:s28] =	ssyncset.done $0x0  }
0xa6: {  	s11 =	sadd.s32 $0x2710, s20;
	[sflag:s28] =	ssyncadd.s32 $0xFFFFF600  }
0xa7: {  	[spmem:s2] =	stream.indirect.scatter.add.f32 [tilespmem:s14], [sflag:$0x3], $0x20, s11, s13, $0xb8;
	[tilespmem:$0x15220] =	vst v63  }
0xa8: {  	s11 =	sadd.s32 $0x2760, s20  }
0xa9: {  	[spmem:s2] =	stream.indirect.scatter.add.f32 [tilespmem:s15], [sflag:$0x3], $0x20, s11, s13, $0xb8;
	[tilespmem:$0x15220] =	vst v63  }
0xaa: {  	s11 =	sadd.s32 $0x27B0, s20  }
0xab: {  	[spmem:s2] =	stream.indirect.scatter.add.f32 [tilespmem:s17], [sflag:$0x3], $0x20, s11, s13, $0xb8;
	[tilespmem:$0x15220] =	vst v63  }
0xac: {  	s11 =	sadd.s32 $0x2800, s20  }
0xad: {  	[spmem:s2] =	stream.indirect.scatter.add.f32 [tilespmem:s19], [sflag:$0x3], $0x20, s11, s13, $0xb8;
	[tilespmem:$0x15220] =	vst v63  }
0xae: {  	s11 =	sadd.s32 $0x2850, s20  }
0xaf: {  	[spmem:s2] =	stream.indirect.scatter.add.f32 [tilespmem:s21], [sflag:$0x3], $0x20, s11, s13, $0xb8;
	[tilespmem:$0x15220] =	vst v63  }
0xb0: {  	_ =	swait.ge [sflag:s29], $0xA00  }
0xb1: {  	[sflag:s29] =	ssyncset.done $0x0  }
0xb2: {  	[sflag:s29] =	ssyncadd.s32 $0xFFFFF600  }
0xb3: {  	_ =	swait.ge [sflag:s29], $0xA00  }
0xb4: {  	[sflag:s29] =	ssyncset.done $0x0  }
0xb5: {  	[sflag:s29] =	ssyncadd.s32 $0xFFFFF600  }
0xb6: {  	_ =	swait.ge [sflag:s29], $0xA00  }
0xb7: {  	[sflag:s29] =	ssyncset.done $0x0  }
0xb8: {  	[sflag:s29] =	ssyncadd.s32 $0xFFFFF600  }
0xb9: {  	_ =	swait.ge [sflag:s29], $0xA00  }
0xba: {  	[sflag:s29] =	ssyncset.done $0x0  }
0xbb: {  	[sflag:s29] =	ssyncadd.s32 $0xFFFFF600  }
0xbc: {  	_ =	swait.ge [sflag:s29], $0xA00  }
0xbd: {  	[sflag:s29] =	ssyncset.done $0x0  }
0xbe: {  	s11 =	sadd.s32 $0x320, s20;
	[sflag:s29] =	ssyncadd.s32 $0xFFFFF600  }
0xbf: {  	[tilespmem:s14], [sflag:$0x1] =	stream.indirect.gather [hbm4b:s4+s13], $0x20, s11, s13, $0xb8;
	[tilespmem:$0x15220] =	vst v63  }
0xc0: {  	s11 =	sadd.s32 $0x370, s20  }
0xc1: {  	[tilespmem:s15], [sflag:$0x1] =	stream.indirect.gather [hbm4b:s4+s13], $0x20, s11, s13, $0xb8;
	[tilespmem:$0x15220] =	vst v63  }
0xc2: {  	s11 =	sadd.s32 $0x3C0, s20  }
0xc3: {  	[tilespmem:s17], [sflag:$0x1] =	stream.indirect.gather [hbm4b:s4+s13], $0x20, s11, s13, $0xb8;
	[tilespmem:$0x15220] =	vst v63  }
0xc4: {  	s11 =	sadd.s32 $0x410, s20  }
0xc5: {  	[tilespmem:s19], [sflag:$0x1] =	stream.indirect.gather [hbm4b:s4+s13], $0x20, s11, s13, $0xb8;
	[tilespmem:$0x15220] =	vst v63  }
0xc6: {  	s11 =	sadd.s32 $0x460, s20  }
0xc7: {  	[tilespmem:s21], [sflag:$0x1] =	stream.indirect.gather [hbm4b:s4+s13], $0x20, s11, s13, $0xb8;
	[tilespmem:$0x15220] =	vst v63  }
0xc8: {  	_ =	swait.ge [sflag:s30], $0xA00  }
0xc9: {  	[sflag:s30] =	ssyncset.done $0x0  }
0xca: {  	[sflag:s30] =	ssyncadd.s32 $0xFFFFF600  }
0xcb: {  	_ =	swait.ge [sflag:s30], $0xA00  }
0xcc: {  	[sflag:s30] =	ssyncset.done $0x0  }
0xcd: {  	[sflag:s30] =	ssyncadd.s32 $0xFFFFF600  }
0xce: {  	_ =	swait.ge [sflag:s30], $0xA00  }
0xcf: {  	[sflag:s30] =	ssyncset.done $0x0  }
0xd0: {  	[sflag:s30] =	ssyncadd.s32 $0xFFFFF600  }
0xd1: {  	_ =	swait.ge [sflag:s30], $0xA00  }
0xd2: {  	[sflag:s30] =	ssyncset.done $0x0  }
0xd3: {  	[sflag:s30] =	ssyncadd.s32 $0xFFFFF600  }
0xd4: {  	_ =	swait.ge [sflag:s30], $0xA00  }
0xd5: {  	[sflag:s30] =	ssyncset.done $0x0  }
0xd6: {  	s11 =	sadd.s32 $0x28A0, s20;
	[sflag:s30] =	ssyncadd.s32 $0xFFFFF600  }
0xd7: {  	[spmem:s2] =	stream.indirect.scatter.add.f32 [tilespmem:s22], [sflag:$0x3], $0x20, s11, s13, $0xb8;
	[tilespmem:$0x15220] =	vst v63  }
0xd8: {  	s11 =	sadd.s32 $0x28F0, s20  }
0xd9: {  	[spmem:s2] =	stream.indirect.scatter.add.f32 [tilespmem:s23], [sflag:$0x3], $0x20, s11, s13, $0xb8;
	[tilespmem:$0x15220] =	vst v63  }
0xda: {  	s11 =	sadd.s32 $0x2940, s20  }
0xdb: {  	[spmem:s2] =	stream.indirect.scatter.add.f32 [tilespmem:s24], [sflag:$0x3], $0x20, s11, s13, $0xb8;
	[tilespmem:$0x15220] =	vst v63  }
0xdc: {  	s11 =	sadd.s32 $0x2990, s20  }
0xdd: {  	[spmem:s2] =	stream.indirect.scatter.add.f32 [tilespmem:s25], [sflag:$0x3], $0x20, s11, s13, $0xb8;
	[tilespmem:$0x15220] =	vst v63  }
0xde: {  	s11 =	sadd.s32 $0x29E0, s20  }
0xdf: {  	[spmem:s2] =	stream.indirect.scatter.add.f32 [tilespmem:s26], [sflag:$0x3], $0x20, s11, s13, $0xb8;
	[tilespmem:$0x15220] =	vst v63  }
0xe0: {  	_ =	swait.ge [sflag:s29], $0xA00  }
0xe1: {  	[sflag:s29] =	ssyncset.done $0x0  }
0xe2: {  	[sflag:s29] =	ssyncadd.s32 $0xFFFFF600  }
0xe3: {  	_ =	swait.ge [sflag:s29], $0xA00  }
0xe4: {  	[sflag:s29] =	ssyncset.done $0x0  }
0xe5: {  	[sflag:s29] =	ssyncadd.s32 $0xFFFFF600  }
0xe6: {  	_ =	swait.ge [sflag:s29], $0xA00  }
0xe7: {  	[sflag:s29] =	ssyncset.done $0x0  }
0xe8: {  	[sflag:s29] =	ssyncadd.s32 $0xFFFFF600  }
.Ltmp1:
0xe9: {  	_ =	swait.ge [sflag:s29], $0xA00;
	(pc) =	sbr.rel @p0 .LBB2_4-.Ltmp1, $4  }
0xea: {  	[sflag:s29] =	ssyncset.done $0x0  }
0xeb: {  	[sflag:s29] =	ssyncadd.s32 $0xFFFFF600  }
0xec: {  	_ =	swait.ge [sflag:s29], $0xA00  }
0xed: {  	s31 =	smov.u32 s0;
	s20 =	sshra.s32 s1, $0x2;
	[sflag:s29] =	ssyncset.done $0x0  }
0xee: {  	s0 =	sadd.s32 $0x190, s20;
	[sflag:s29] =	ssyncadd.s32 $0xFFFFF600  }
0xef: {  	[tilespmem:s22], [sflag:$0x2] =	stream.indirect.gather [hbm4b:s4+s13], $0x20, s0, s13, $0xb8;
	[tilespmem:$0x15220] =	vst v63  }
0xf0: {  	s31 =	sadd.s32 $0x1E0, s20  }
0xf1: {  	[tilespmem:s23], [sflag:$0x2] =	stream.indirect.gather [hbm4b:s4+s13], $0x20, s31, s13, $0xb8;
	[tilespmem:$0x15220] =	vst v63  }
0xf2: {  	s1 =	sadd.s32 $0x230, s20  }
0xf3: {  	[tilespmem:s24], [sflag:$0x2] =	stream.indirect.gather [hbm4b:s4+s13], $0x20, s1, s13, $0xb8;
	[tilespmem:$0x15220] =	vst v63  }
0xf4: {  	s11 =	sadd.s32 $0x280, s20  }
0xf5: {  	[tilespmem:s25], [sflag:$0x2] =	stream.indirect.gather [hbm4b:s4+s13], $0x20, s11, s13, $0xb8;
	[tilespmem:$0x15220] =	vst v63  }
0xf6: {  	s31 =	sadd.s32 $0x2D0, s20  }
0xf7: {  	[tilespmem:s26], [sflag:$0x2] =	stream.indirect.gather [hbm4b:s4+s13], $0x20, s31, s13, $0xb8;
	[tilespmem:$0x15220] =	vst v63  }
0xf8: {  	_ =	swait.ge [sflag:s28], $0xA00  }
0xf9: {  	[sflag:s28] =	ssyncset.done $0x0  }
0xfa: {  	[sflag:s28] =	ssyncadd.s32 $0xFFFFF600  }
0xfb: {  	_ =	swait.ge [sflag:s28], $0xA00  }
0xfc: {  	[sflag:s28] =	ssyncset.done $0x0  }
0xfd: {  	[sflag:s28] =	ssyncadd.s32 $0xFFFFF600  }
0xfe: {  	_ =	swait.ge [sflag:s28], $0xA00  }
0xff: {  	[sflag:s28] =	ssyncset.done $0x0  }
0x100: {  	[sflag:s28] =	ssyncadd.s32 $0xFFFFF600  }
0x101: {  	_ =	swait.ge [sflag:s28], $0xA00  }
0x102: {  	[sflag:s28] =	ssyncset.done $0x0  }
0x103: {  	[sflag:s28] =	ssyncadd.s32 $0xFFFFF600  }
0x104: {  	_ =	swait.ge [sflag:s28], $0xA00  }
0x105: {  	[sflag:s28] =	ssyncset.done $0x0  }
0x106: {  	s1 =	sadd.s32 $0x2710, s20;
	[sflag:s28] =	ssyncadd.s32 $0xFFFFF600  }
0x107: {  	[spmem:s2] =	stream.indirect.scatter.add.f32 [tilespmem:s14], [sflag:$0x3], $0x20, s1, s13, $0xb8;
	[tilespmem:$0x15220] =	vst v63  }
0x108: {  	s11 =	sadd.s32 $0x2760, s20  }
0x109: {  	[spmem:s2] =	stream.indirect.scatter.add.f32 [tilespmem:s15], [sflag:$0x3], $0x20, s11, s13, $0xb8;
	[tilespmem:$0x15220] =	vst v63  }
0x10a: {  	s31 =	sadd.s32 $0x27B0, s20  }
0x10b: {  	[spmem:s2] =	stream.indirect.scatter.add.f32 [tilespmem:s17], [sflag:$0x3], $0x20, s31, s13, $0xb8;
	[tilespmem:$0x15220] =	vst v63  }
0x10c: {  	s1 =	sadd.s32 $0x2800, s20  }
0x10d: {  	[spmem:s2] =	stream.indirect.scatter.add.f32 [tilespmem:s19], [sflag:$0x3], $0x20, s1, s13, $0xb8;
	[tilespmem:$0x15220] =	vst v63  }
0x10e: {  	s11 =	sadd.s32 $0x2850, s20  }
0x10f: {  	[spmem:s2] =	stream.indirect.scatter.add.f32 [tilespmem:s21], [sflag:$0x3], $0x20, s11, s13, $0xb8;
	[tilespmem:$0x15220] =	vst v63  }
0x110: {  	_ =	swait.ge [sflag:s29], $0xA00  }
0x111: {  	[sflag:s29] =	ssyncset.done $0x0  }
0x112: {  	[sflag:s29] =	ssyncadd.s32 $0xFFFFF600  }
0x113: {  	_ =	swait.ge [sflag:s29], $0xA00  }
0x114: {  	[sflag:s29] =	ssyncset.done $0x0  }
0x115: {  	[sflag:s29] =	ssyncadd.s32 $0xFFFFF600  }
0x116: {  	_ =	swait.ge [sflag:s29], $0xA00  }
0x117: {  	[sflag:s29] =	ssyncset.done $0x0  }
0x118: {  	[sflag:s29] =	ssyncadd.s32 $0xFFFFF600  }
0x119: {  	_ =	swait.ge [sflag:s29], $0xA00  }
0x11a: {  	[sflag:s29] =	ssyncset.done $0x0  }
0x11b: {  	[sflag:s29] =	ssyncadd.s32 $0xFFFFF600  }
0x11c: {  	_ =	swait.ge [sflag:s29], $0xA00  }
0x11d: {  	[sflag:s29] =	ssyncset.done $0x0  }
0x11e: {  	s31 =	sadd.s32 $0x320, s20;
	[sflag:s29] =	ssyncadd.s32 $0xFFFFF600  }
0x11f: {  	[tilespmem:s14], [sflag:$0x1] =	stream.indirect.gather [hbm4b:s4+s13], $0x20, s31, s13, $0xb8;
	[tilespmem:$0x15220] =	vst v63  }
0x120: {  	s1 =	sadd.s32 $0x370, s20  }
0x121: {  	[tilespmem:s15], [sflag:$0x1] =	stream.indirect.gather [hbm4b:s4+s13], $0x20, s1, s13, $0xb8;
	[tilespmem:$0x15220] =	vst v63  }
0x122: {  	s11 =	sadd.s32 $0x3C0, s20  }
0x123: {  	[tilespmem:s17], [sflag:$0x1] =	stream.indirect.gather [hbm4b:s4+s13], $0x20, s11, s13, $0xb8;
	[tilespmem:$0x15220] =	vst v63  }
0x124: {  	s31 =	sadd.s32 $0x410, s20  }
0x125: {  	[tilespmem:s19], [sflag:$0x1] =	stream.indirect.gather [hbm4b:s4+s13], $0x20, s31, s13, $0xb8;
	[tilespmem:$0x15220] =	vst v63  }
0x126: {  	s1 =	sadd.s32 $0x460, s20  }
0x127: {  	[tilespmem:s21], [sflag:$0x1] =	stream.indirect.gather [hbm4b:s4+s13], $0x20, s1, s13, $0xb8;
	[tilespmem:$0x15220] =	vst v63  }
0x128: {  	_ =	swait.ge [sflag:s30], $0xA00  }
0x129: {  	[sflag:s30] =	ssyncset.done $0x0  }
0x12a: {  	[sflag:s30] =	ssyncadd.s32 $0xFFFFF600  }
0x12b: {  	_ =	swait.ge [sflag:s30], $0xA00  }
0x12c: {  	[sflag:s30] =	ssyncset.done $0x0  }
0x12d: {  	[sflag:s30] =	ssyncadd.s32 $0xFFFFF600  }
0x12e: {  	_ =	swait.ge [sflag:s30], $0xA00  }
0x12f: {  	[sflag:s30] =	ssyncset.done $0x0  }
0x130: {  	[sflag:s30] =	ssyncadd.s32 $0xFFFFF600  }
0x131: {  	_ =	swait.ge [sflag:s30], $0xA00  }
0x132: {  	[sflag:s30] =	ssyncset.done $0x0  }
0x133: {  	[sflag:s30] =	ssyncadd.s32 $0xFFFFF600  }
0x134: {  	_ =	swait.ge [sflag:s30], $0xA00  }
0x135: {  	[sflag:s30] =	ssyncset.done $0x0  }
0x136: {  	s11 =	sadd.s32 $0x28A0, s20;
	[sflag:s30] =	ssyncadd.s32 $0xFFFFF600  }
0x137: {  	[spmem:s2] =	stream.indirect.scatter.add.f32 [tilespmem:s22], [sflag:$0x3], $0x20, s11, s13, $0xb8;
	[tilespmem:$0x15220] =	vst v63  }
0x138: {  	s31 =	sadd.s32 $0x28F0, s20  }
0x139: {  	[spmem:s2] =	stream.indirect.scatter.add.f32 [tilespmem:s23], [sflag:$0x3], $0x20, s31, s13, $0xb8;
	[tilespmem:$0x15220] =	vst v63  }
0x13a: {  	s1 =	sadd.s32 $0x2940, s20  }
0x13b: {  	[spmem:s2] =	stream.indirect.scatter.add.f32 [tilespmem:s24], [sflag:$0x3], $0x20, s1, s13, $0xb8;
	[tilespmem:$0x15220] =	vst v63  }
0x13c: {  	s11 =	sadd.s32 $0x2990, s20  }
0x13d: {  	[spmem:s2] =	stream.indirect.scatter.add.f32 [tilespmem:s25], [sflag:$0x3], $0x20, s11, s13, $0xb8;
	[tilespmem:$0x15220] =	vst v63  }
0x13e: {  	s31 =	sadd.s32 $0x29E0, s20  }
0x13f: {  	[spmem:s2] =	stream.indirect.scatter.add.f32 [tilespmem:s26], [sflag:$0x3], $0x20, s31, s13, $0xb8;
	[tilespmem:$0x15220] =	vst v63  }
0x140: {  	_ =	swait.ge [sflag:s29], $0xA00  }
0x141: {  	[sflag:s29] =	ssyncset.done $0x0  }
0x142: {  	[sflag:s29] =	ssyncadd.s32 $0xFFFFF600  }
0x143: {  	_ =	swait.ge [sflag:s29], $0xA00  }
0x144: {  	[sflag:s29] =	ssyncset.done $0x0  }
0x145: {  	[sflag:s29] =	ssyncadd.s32 $0xFFFFF600  }
0x146: {  	_ =	swait.ge [sflag:s29], $0xA00  }
0x147: {  	[sflag:s29] =	ssyncset.done $0x0  }
0x148: {  	[sflag:s29] =	ssyncadd.s32 $0xFFFFF600  }
0x149: {  	_ =	swait.ge [sflag:s29], $0xA00  }
0x14a: {  	[sflag:s29] =	ssyncset.done $0x0  }
0x14b: {  	[sflag:s29] =	ssyncadd.s32 $0xFFFFF600  }
0x14c: {  	_ =	swait.ge [sflag:s29], $0xA00  }
0x14d: {  	[sflag:s29] =	ssyncset.done $0x0  }
0x14e: {  	[sflag:s29] =	ssyncadd.s32 $0xFFFFF600  }
0x14f: {  	_ =	swait.ge [sflag:s28], $0xA00  }
0x150: {  	[sflag:s28] =	ssyncset.done $0x0  }
0x151: {  	[sflag:s28] =	ssyncadd.s32 $0xFFFFF600  }
0x152: {  	_ =	swait.ge [sflag:s28], $0xA00  }
0x153: {  	[sflag:s28] =	ssyncset.done $0x0  }
0x154: {  	[sflag:s28] =	ssyncadd.s32 $0xFFFFF600  }
0x155: {  	_ =	swait.ge [sflag:s28], $0xA00  }
0x156: {  	[sflag:s28] =	ssyncset.done $0x0  }
0x157: {  	[sflag:s28] =	ssyncadd.s32 $0xFFFFF600  }
0x158: {  	_ =	swait.ge [sflag:s28], $0xA00  }
0x159: {  	[sflag:s28] =	ssyncset.done $0x0  }
0x15a: {  	[sflag:s28] =	ssyncadd.s32 $0xFFFFF600  }
0x15b: {  	_ =	swait.ge [sflag:s28], $0xA00  }
0x15c: {  	[sflag:s28] =	ssyncset.done $0x0  }
0x15d: {  	s1 =	simm.s32 $0x4C90;
	[sflag:s28] =	ssyncadd.s32 $0xFFFFF600  }
0x15e: {  	[spmem:s2] =	stream.indirect.scatter.add.f32 [tilespmem:s14], [sflag:$0x3], $0x20, s1, s13, $0xb8;
	[tilespmem:$0x15220] =	vst v63  }
0x15f: {  	s11 =	simm.s32 $0x4CE0  }
0x160: {  	[spmem:s2] =	stream.indirect.scatter.add.f32 [tilespmem:s15], [sflag:$0x3], $0x20, s11, s13, $0xb8;
	[tilespmem:$0x15220] =	vst v63  }
0x161: {  	s20 =	simm.s32 $0x4D30  }
0x162: {  	[spmem:s2] =	stream.indirect.scatter.add.f32 [tilespmem:s17], [sflag:$0x3], $0x20, s20, s13, $0xb8;
	[tilespmem:$0x15220] =	vst v63  }
0x163: {  	s31 =	simm.s32 $0x4D80  }
0x164: {  	[spmem:s2] =	stream.indirect.scatter.add.f32 [tilespmem:s19], [sflag:$0x3], $0x20, s31, s13, $0xb8;
	[tilespmem:$0x15220] =	vst v63  }
0x165: {  	_ = 	snop  }
0x166: {  	[spmem:s2] =	stream.indirect.scatter.add.f32 [tilespmem:s21], [sflag:$0x3], $0x20, s16, s13, $0xb8;
	[tilespmem:$0x15220] =	vst v63  }
0x167: {  	_ =	swait.ge [sflag:s29], $0xA00  }
0x168: {  	[sflag:s29] =	ssyncset.done $0x0  }
0x169: {  	[sflag:s29] =	ssyncadd.s32 $0xFFFFF600  }
0x16a: {  	_ =	swait.ge [sflag:s29], $0xA00  }
0x16b: {  	[sflag:s29] =	ssyncset.done $0x0  }
0x16c: {  	[sflag:s29] =	ssyncadd.s32 $0xFFFFF600  }
0x16d: {  	_ =	swait.ge [sflag:s29], $0xA00  }
0x16e: {  	[sflag:s29] =	ssyncset.done $0x0  }
0x16f: {  	[sflag:s29] =	ssyncadd.s32 $0xFFFFF600  }
0x170: {  	_ =	swait.ge [sflag:s29], $0xA00  }
0x171: {  	[sflag:s29] =	ssyncset.done $0x0  }
0x172: {  	[sflag:s29] =	ssyncadd.s32 $0xFFFFF600  }
0x173: {  	_ =	swait.ge [sflag:s29], $0xA00  }
0x174: {  	[sflag:s29] =	ssyncset.done $0x0  }
0x175: {  	[sflag:s29] =	ssyncadd.s32 $0xFFFFF600  }
0x176: {  	[bflag:$0x0] =	sbarrier.arrive $0xFFFF  }
0x177: {  	[tilespmem:s12], [sflag:$0x4] =	stream.linear.gather [spmem:s7], $0x5000, $0x38;
	[tilespmem:$0x15220] =	vst v63  }
0x178: {  	s18 =	sadd.s32 $0x1, s18;
	_ =	swait.ge [sflag:s10], $0x5000  }
0x179: {  	p0 =	sne.s32 s18, s9;
	[sflag:s10] =	ssyncset.done $0x0  }
.Ltmp2:
0x17a: {  	[sflag:s10] =	ssyncadd.s32 $0xFFFFB000;
	(pc) =	sbr.rel @p0 .LBB2_1-.Ltmp2, $4  }
0x17b: {  	[hbm4b:s8+s3] =	stream.linear.scatter [tilespmem:s12], [sflag:$0x4], $0x5000, $0x38;
	[tilespmem:$0x15220] =	vst v63  }
0x17c: {  	_ =	swait.ge [sflag:s10], $0x5000  }
0x17d: {  	[sflag:s10] =	ssyncset.done $0x0  }
0x17e: {  	[sflag:s10] =	ssyncadd.s32 $0xFFFFB000  }
0x17f: {  	_ =	sfence.sel $0x180000  }
0x180: {  	[bflag:$0x0] =	sbarrier.arrive $0xFFFF  }
0x181: {  	_ =	strace $0x9000004A  }
0x182: {  	s0 =	stileid.u32;
	[bflag:$0x2] =	sbarrier.arrive $0xFFFF  }
0x183: {  	p0 =	sne.s32 s0, $0x0;
	s0 =	rddreg [dreg:$0x2]  }
0x184: {  	s0 =	sadd.s32 @!p0 $0x100000, s0  }
0x185: {  	[sflag:s0] =	ssyncadd.tile.s32 @!p0 $0x1;
	_ =	shalt  }
.Lfunc_end2:
_tile_overlayer_lowered:
.L_overlay_start_2:
0x186: {  	(tag) =	ssettag $0x2  }
0x187: {  	s0 =	rddreg [dreg:$0x0];
	s2 =	stileid.u32  }
0x188: {  	s1 =	rddreg [dreg:$0x1];
	p0 =	sne.s32 s2, $0x0  }
0x189: {  	s3 =	rddreg [dreg:$0x2];
	[bflag:$0x3] =	sbarrier.arrive $0xFFFF;
	s2 =	simm.s32 @!p0 $0x1C04  }
0x18a: {  	[timem:s3], [sflag:s2] =	dma.local @!p0 [hbm:s0], s1  }
0x18b: {  	s0 =	simm.s32 @!p0 $0x4  }
0x18c: {  	_ =	swait.ge @!p0 [sflag:s0], s1  }
0x18d: {  	s1 =	ssub.s32 @!p0 $0x0, s1;
	[sflag:s0] =	ssyncset.done @!p0 $0x0  }
0x18e: {  	[sflag:s0] =	ssyncadd.s32 @!p0 s1  }
0x18f: {  	[bflag:$0x3] =	sbarrier.arrive $0xFFFF  }
0x190: {  	_ =	shalt  }

// kernel: kernel.15.cloned.1.call-start
scs
__scs_entry_jumppad:
0x0: {  	(pc) =	sbr.rel $0x88, $3  }
0x1: {  	(tag) =	ssettag $0x0;
	lr =	simm.s32 $0x1  }
0x2: {  	[smem:$0x3F99] =	sst lr;
	_ =	strace $0xD0000000  }
0x3: {  	_ = 	snop  }
0x4: {  	_ = 	snop  }
0x5: {  	_ = 	snop  }
0x6: {  	_ = 	snop  }
0x7: {  	_ = 	snop  }
__scs_overlays_trampoline_lowered:
0x8: {  	[smem:$0x3FA8] =	sst s0  }
0x9: {  	[smem:$0x3FA9] =	sst s1  }
0xa: {  	[smem:$0x3FAA] =	sst s2  }
0xb: {  	[smem:$0x3FAB] =	sst s3  }
0xc: {  	[smem:$0x3FAC] =	sst s4  }
0xd: {  	[smem:$0x3FAD] =	sst s5  }
0xe: {  	[smem:$0x3FAE] =	sst s6  }
0xf: {  	[smem:$0x3FAF] =	sst s7  }
0x10: {  	[smem:$0x3FB0] =	sst s8  }
0x11: {  	[smem:$0x3FB1] =	sst s9;
	s0 =	simm.s32 @!p0 $0x0  }
0x12: {  	s1 =	sld [smem:$0x3F97];
	s0 =	simm.s32 @p0 $0x1  }
0x13: {  	[smem:$0x3FB2] =	sst s0;
	s0 =	simm.s32 @!p1 $0x0  }
0x14: {  	s2 =	sld [smem:$0x3F96];
	s0 =	simm.s32 @p1 $0x1  }
0x15: {  	[smem:$0x3FB3] =	sst s0;
	s0 =	simm.s32 @!p2 $0x0  }
0x16: {  	s3 =	sld [smem:$0x3FDB];
	s0 =	simm.s32 @p2 $0x1  }
0x17: {  	s4 =	simm.s32 $0x1BF5;
	[smem:$0x3FB5] =	sst s0  }
0x18: {  	s0 =	sld [smem:$0x3F98];
	_ =	swait.ge [sflag:s4], $0x0  }
0x19: {  	s7 =	sld [smem:$0x3F99]  }
0x1a: {  	s8 =	sadd.s32 $0xFFFFE003, lr  }
0x1b: {  	s9 =	sadd.s32 $0xFFFFFEF7, lr;
	s5 =	simm.s32 $0xFFFFFFFF;
	p2 =	slt.u32 s8, $0xFFFFF086  }
0x1c: {  	p1 =	slt.u32 s9, $0xF7A;
	s5 =	simm.s32 @!p2 $0x0  }
0x1d: {  	s5 =	simm.s32 @p1 $0x1;
	p0 =	seq.s32 s7, s2  }
0x1e: {  	s7 =	smul.u32 @!p0 $0xF7A, s2;
	p2 =	seq.s32 @!p0 s5, $0x0  }
0x1f: {  	s9 =	smul.u32 $0xF7A, s1;
	s8 =	simm.s32 @!p0 $0x1BF5;
	p2 =	por !p2, p0  }
0x20: {  	[sflag:s8] =	ssyncset.s32 @!p0 $0xFFFFF086;
	s6 =	sadd.s32 @!p0 s3, s7;
	s7 =	simm.s32 @!p0 $0x108  }
0x21: {  	s3 =	sadd.s32 s3, s9;
	s6 =	sadd.s32 @!p0 $0x88, s6;
	s7 =	simm.s32 @p2 $0x1082  }
0x22: {  	[simem:s7], [sflag:s8] =	dma.local @!p0 [hbm:s6], $0xF7A  }
0x23: {  	s9 =	sor.u32 $0xD0000000, s2;
	s6 =	simm.s32 $0x108;
	_ =	swait.ge @!p0 [sflag:s8], $0x0  }
0x24: {  	s3 =	sadd.s32 $0x88, s3;
	s6 =	simm.s32 @!p1 $0x1082;
	[sflag:s4] =	ssyncset.s32 $0xFFFFF086  }
0x25: {  	[simem:s6], [sflag:s4] =	dma.local [hbm:s3], $0xF7A  }
0x26: {  	[smem:$0x3F99] =	sst s1;
	(tag) =	ssettag s2;
	_ =	strace s9  }
0x27: {  	s1 =	sld [smem:$0x3FA9]  }
0x28: {  	s2 =	sld [smem:$0x3FAA]  }
0x29: {  	s4 =	sld [smem:$0x3FAC]  }
0x2a: {  	p0 =	seq.s32 s5, $0x0;
	s5 =	sld [smem:$0x3FAD]  }
0x2b: {  	s6 =	sld [smem:$0x3FAE]  }
0x2c: {  	s7 =	sld [smem:$0x3FAF]  }
0x2d: {  	s3 =	simm.s32 $0x108;
	s8 =	sld [smem:$0x3FB0]  }
0x2e: {  	s3 =	simm.s32 @!p0 $0x1082;
	s9 =	sld [smem:$0x3FB1]  }
0x2f: {  	lr =	sadd.s32 s0, s3;
	s0 =	sld [smem:$0x3FA8]  }
0x30: {  	s3 =	sld [smem:$0x3FAB]  }
0x31: {  	[smem:$0x3FB4] =	sst s10  }
0x32: {  	s10 =	sld [smem:$0x3FB2];
	_ =	sdelay $0x3  }
0x33: {  	p0 =	seq.s32 s10, $0x1;
	s10 =	sld [smem:$0x3FB4];
	_ =	sdelay $0x3  }
0x34: {  	[smem:$0x3FB4] =	sst s10  }
0x35: {  	s10 =	sld [smem:$0x3FB3];
	_ =	sdelay $0x3  }
0x36: {  	p1 =	seq.s32 s10, $0x1;
	s10 =	sld [smem:$0x3FB4];
	_ =	sdelay $0x3  }
0x37: {  	[smem:$0x3FB4] =	sst s10  }
0x38: {  	s10 =	sld [smem:$0x3FB5]  }
0x39: {  	_ = 	snop;
	(pc) =	sbr.ind lr, $3  }
0x3a: {  	_ = 	snop  }
0x3b: {  	_ = 	snop  }
0x3c: {  	p2 =	seq.s32 s10, $0x1;
	s10 =	sld [smem:$0x3FB4]  }
0x3d: {  	_ =	shalt  }
0x3e: {  	_ =	shalt  }
0x3f: {  	_ =	shalt  }
0x40: {  	_ =	shalt  }
0x41: {  	_ =	shalt  }
0x42: {  	_ =	shalt  }
0x43: {  	_ =	shalt  }
0x44: {  	_ =	shalt  }
0x45: {  	_ =	shalt  }
0x46: {  	_ =	shalt  }
0x47: {  	_ =	shalt  }
0x48: {  	_ =	shalt  }
0x49: {  	_ =	shalt  }
0x4a: {  	_ =	shalt  }
0x4b: {  	_ =	shalt  }
0x4c: {  	_ =	shalt  }
0x4d: {  	_ =	shalt  }
0x4e: {  	_ =	shalt  }
0x4f: {  	_ =	shalt  }
0x50: {  	_ =	shalt  }
0x51: {  	_ =	shalt  }
0x52: {  	_ =	shalt  }
0x53: {  	_ =	shalt  }
0x54: {  	_ =	shalt  }
0x55: {  	_ =	shalt  }
0x56: {  	_ =	shalt  }
0x57: {  	_ =	shalt  }
0x58: {  	_ =	shalt  }
0x59: {  	_ =	shalt  }
0x5a: {  	_ =	shalt  }
0x5b: {  	_ =	shalt  }
0x5c: {  	_ =	shalt  }
0x5d: {  	_ =	shalt  }
0x5e: {  	_ =	shalt  }
0x5f: {  	_ =	shalt  }
0x60: {  	_ =	shalt  }
0x61: {  	_ =	shalt  }
0x62: {  	_ =	shalt  }
0x63: {  	_ =	shalt  }
0x64: {  	_ =	shalt  }
0x65: {  	_ =	shalt  }
0x66: {  	_ =	shalt  }
0x67: {  	_ =	shalt  }
0x68: {  	_ =	shalt  }
0x69: {  	_ =	shalt  }
0x6a: {  	_ =	shalt  }
0x6b: {  	_ =	shalt  }
0x6c: {  	_ =	shalt  }
0x6d: {  	_ =	shalt  }
0x6e: {  	_ =	shalt  }
0x6f: {  	_ =	shalt  }
0x70: {  	_ =	shalt  }
0x71: {  	_ =	shalt  }
0x72: {  	_ =	shalt  }
0x73: {  	_ =	shalt  }
0x74: {  	_ =	shalt  }
0x75: {  	_ =	shalt  }
0x76: {  	_ =	shalt  }
0x77: {  	_ =	shalt  }
0x78: {  	_ =	shalt  }
0x79: {  	_ =	shalt  }
0x7a: {  	_ =	shalt  }
0x7b: {  	_ =	shalt  }
0x7c: {  	_ =	shalt  }
0x7d: {  	_ =	shalt  }
0x7e: {  	_ =	shalt  }
0x7f: {  	_ =	shalt  }
0x80: {  	_ =	shalt  }
0x81: {  	_ =	shalt  }
0x82: {  	_ =	shalt  }
0x83: {  	_ =	shalt  }
0x84: {  	_ =	shalt  }
0x85: {  	_ =	shalt  }
0x86: {  	_ =	shalt  }
0x87: {  	_ =	shalt  }
.Lfunc_end0:
.L_simem_size_0:
called_computation.2_lowered:
.L_overlay_start_0:
0x88: {  	s2 =	sld [smem:$0x3FD9]  }
0x89: {  	s3 =	sld [smem:$0x3FFE];
	_ =	sdelay $0x1  }
0x8a: {  	s1 =	srdreg.scid  }
0x8b: {  	s0 =	sand.u32 $0x1, s1  }
0x8c: {  	s16 =	sshll.u32 s0, $0xA;
	s2 =	sadd.s32 s3, s2  }
0x8d: {  	s2 =	sadd.s32 s2, s16  }
0x8e: {  	[smem:$0x3FC0] =	sst s2  }
0x8f: {  	_ = 	snop  }
0x90: {  	(tm) =	ssettm $0x1  }
0x91: {  	s17 =	sld [smem:$0x3FFB];
	_ =	sdelay $0x3  }
0x92: {  	_ =	strace s17  }
0x93: {  	s2 =	sld [smem:$0x3FFC];
	_ =	sdelay $0x3  }
0x94: {  	_ =	strace s2  }
0x95: {  	s2 =	sld [smem:$0x3FFD];
	_ =	sdelay $0x3  }
0x96: {  	_ =	strace s2  }
0x97: {  	_ =	strace $0x8FFFFFFF  }
0x98: {  	s18 =	sld [smem:$0x3FDB];
	_ =	sdelay $0x1  }
0x99: {  	s19 =	simm.s32 $_scs_section_size  }
0x9a: {  	s4 =	simm.s32 $_size__tile_overlayer_lowered;
	s5 =	simm.s32 $_tile_overlayer_lowered  }
0x9b: {  	s22 =	simm.s32 $0x1BFF;
	s21 =	sshll.u32 s5, $0x1;
	s2 =	sadd.s32 s19, s18  }
0x9c: {  	s6 =	simm.s32 $0x0;
	s20 =	sshll.u32 s4, $0x1;
	s4 =	sadd.s32 s21, s2  }
0x9d: {  	[timem:s6], [sflag:s22] =	dma.local [hbm:s4], s20  }
0x9e: {  	_ =	swait.ge [sflag:s22], s20  }
0x9f: {  	s3 =	ssub.s32 $0x0, s20;
	[sflag:s22] =	ssyncset.done $0x0  }
0xa0: {  	[sflag:s22] =	ssyncadd.s32 s3;
	_ =	sdelay $0x1  }
0xa1: {  	s23 =	simm.s32 $0x1B8B  }
0xa2: {  	_ =	swait.ge [sflag:s23], $0x1  }
0xa3: {  	[sflag:s23] =	ssyncset.done $0x0  }
0xa4: {  	s25 =	simm.s32 $0x1B8E;
	s24 =	sld [smem:$0x3FFE];
	[sflag:s23] =	ssyncadd.s32 $0xFFFFFFFF  }
0xa5: {  	s26 =	simm.s32 $execute0_lowered;
	[smem:$0x3FD2] =	sst s25  }
0xa6: {  	s4 =	sshll.u32 s26, $0x1;
	_ =	strace $0x8000004C;
	[dreg:$0x1] =	wrdreg $0xFFFFFFFF  }
0xa7: {  	s28 =	simm.s32 $_size_execute0_lowered;
	s2 =	sadd.s32 s2, s4;
	[dreg:$0x0] =	wrdreg $0x0  }
0xa8: {  	s4 =	sshll.u32 s28, $0x1;
	[dreg:$0x2] =	wrdreg s2  }
0xa9: {  	[dreg:$0x3] =	wrdreg s4  }
0xaa: {  	[dreg:$0x4] =	wrdreg $0xC0  }
0xab: {  	_ =	task [dreg:s6], $0x5FFFF  }
0xac: {  	[dreg:$0x1] =	wrdreg $0xFFFFFFFF  }
0xad: {  	[dreg:$0x0] =	wrdreg $0x60  }
0xae: {  	[dreg:$0x2] =	wrdreg s24  }
0xaf: {  	[dreg:$0x3] =	wrdreg $0x102200  }
0xb0: {  	[dreg:$0x4] =	wrdreg $0x9  }
0xb1: {  	_ =	task.clear_ibuf [dreg:s6], $0x5FFFF;
	_ =	strace $0x9000004C  }
0xb2: {  	s29 =	simm.s32 $0x9;
	_ =	strace $0x8000004E  }
0xb3: {  	_ =	swait.ge [sflag:s29], $0x1  }
0xb4: {  	[sflag:s29] =	ssyncadd.s32 $0xFFFFFFFF  }
0xb5: {  	_ =	strace $0x9000004E  }
0xb6: {  	_ =	sfence  }
0xb7: {  	s30 =	sld [smem:$0x0];
	_ =	sdelay $0x2  }
0xb8: {  	s31 =	sshll.u32 s1, $0xD;
	s1 =	sshrl.u32 s1, $0x2  }
0xb9: {  	s3 =	sand.u32 $0x4000, s31;
	s1 =	sadd.s32 s1, s30  }
0xba: {  	s0 =	sor.u32 s3, s0;
	s1 =	sshll.u32 s1, $0x11  }
0xbb: {  	s0 =	sor.u32 s1, s0  }
0xbc: {  	s0 =	sadd.s32 $0x8F2B, s0  }
0xbd: {  	[sflag:s0] =	ssyncadd.remote.s32 $0x1  }
0xbe: {  	_ =	sfence.sel $0xFFFF  }
0xbf: {  	[dreg:$0x0] =	wrdreg $0xFFFFFFFF;
	(pc) =	sbr.abs _section_cstart, $3  }
0xc0: {  	[dreg:$0x1] =	wrdreg $0xFFFFFFFF  }
0xc1: {  	_ =	task.clear_ibuf [dreg:s6], $0x2FFFF;
	_ =	strace $0x9FFFFFFF  }
0xc2: {  	(tm) =	ssettm $0x7FFFFFFF  }
0xc3: {  	_ =	shalt  }
tec
execute0_lowered:
.L_overlay_start_1:
0x0: {  	(tag) =	ssettag $0x1  }
0x1: {  	s0 =	srdreg.scid  }
0x2: {  	s4 =	stileid.u32;
	s5 =	rddreg [dreg:$0x0]  }
0x3: {  	s2 =	rddreg [dreg:$0x1];
	s3 =	simm.s32 $0x0;
	s10 =	simm.s32 $0x4  }
0x4: {  	s12 =	simm.s32 $0xB220;
	s13 =	simm.s32 $0x50;
	s14 =	simm.s32 $0x4E20  }
0x5: {  	s15 =	simm.s32 $0x5820;
	s17 =	simm.s32 $0x6220;
	s19 =	simm.s32 $0x6C20  }
0x6: {  	s21 =	simm.s32 $0x7620;
	s22 =	simm.s32 $0x8020;
	s23 =	simm.s32 $0x8A20  }
0x7: {  	s24 =	simm.s32 $0x9420;
	s25 =	simm.s32 $0x9E20;
	s26 =	simm.s32 $0xA820  }
0x8: {  	s28 =	simm.s32 $0x1;
	s29 =	simm.s32 $0x3;
	s30 =	simm.s32 $0x2  }
0x9: {  	s0 =	sand.u32 $0x1, s0;
	s1 =	sshll.u32 s4, $0x1;
	s7 =	smul.u32 $0x5000, s4  }
0xa: {  	s16 =	simm.s32 $0x4DD0;
	s1 =	sor.u32 s0, s1;
	s6 =	smul.u32 $0x50000, s0  }
0xb: {  	s18 =	simm.s32 $0x0;
	[smem:$0x7FF] =	sst s3;
	s1 =	smul.u32 $0x2710, s1  }
0xc: {  	s4 =	sadd.s32 $0x16000, s5;
	_ =	strace $0x8000004D;
	s0 =	ssub.s32 $0x2, s0  }
0xd: {  	s8 =	sshrl.u32 s0, $0x1;
	s6 =	sadd.s32 s7, s6;
	s1 =	sshrl.u32 s1, $0x3  }
0xe: {  	s0 =	ssub.s32 s0, s8;
	s6 =	sshrl.u32 s6, $0x3;
	s1 =	sadd.s32 s1, s5  }
0xf: {  	s7 =	sadd.s32 s7, s2;
	s9 =	sadd.s32 s6, s5;
	s5 =	sadd.s32 $0x2600, s1  }
0x10: {  	v0 =	vimm.f32 $0.0e+00;
	s6 =	sadd.s32 $0xC240, s1;
	s8 =	sadd.s32 $0x1FE00, s9;
	s9 =	smax.u32 s0, $0x1  }
.LBB2_1:
0x11: {  	[tilespmem:s3], [sflag:$0x4] =	stream.linear.gather [hbm4b:s5+s3], $0x2710, $0x38;
	[tilespmem:$0x15220] =	vst v63  }
0x12: {  	_ =	swait.ge [sflag:s10], $0x2710  }
0x13: {  	[sflag:s10] =	ssyncset.done $0x0  }
0x14: {  	s0 =	simm.s32 $0x2710;
	[sflag:s10] =	ssyncadd.s32 $0xFFFFD8F0  }
0x15: {  	[tilespmem:s0], [sflag:$0x4] =	stream.linear.gather [hbm4b:s6+s3], $0x2710, $0x38;
	[tilespmem:$0x15220] =	vst v63  }
0x16: {  	_ =	swait.ge [sflag:s10], $0x2710  }
0x17: {  	[sflag:s10] =	ssyncset.done $0x0  }
0x18: {  	s1 =	simm.s32 $0x80;
	s0 =	simm.s32 $0x0;
	[sflag:s10] =	ssyncadd.s32 $0xFFFFD8F0  }
.LBB2_2:
0x19: {  	p0 =	sne.s32 s1, $0x13F80;
	[tilespmem:s0+$0xB220] =	vst v0;
	s20 =	smov.u32 s1;
	s1 =	sadd.s32 $0x80, s1  }
.Ltmp0:
0x1a: {  	[tilespmem:s0+$0xB230] =	vst v0;
	(pc) =	sbr.rel @p0 .LBB2_2-.Ltmp0, $2  }
0x1b: {  	_ =	sdelay $0x2  }
0x1c: {  	s0 =	sshra.s32 s20, $0x2  }
0x1d: {  	[tilespmem:s0+$0xB220] =	vst v0  }
0x1e: {  	[tilespmem:s0+$0xB230] =	vst v0  }
0x1f: {  	[spmem:s7] =	stream.linear.scatter [tilespmem:s12], [sflag:$0x4], $0x5000, $0x38;
	[tilespmem:$0x15220] =	vst v63  }
0x20: {  	_ =	swait.ge [sflag:s10], $0x5000  }
0x21: {  	[sflag:s10] =	ssyncset.done $0x0  }
0x22: {  	[sflag:s10] =	ssyncadd.s32 $0xFFFFB000  }
0x23: {  	s1 =	simm.s32 $0x0;
	[bflag:$0x0] =	sbarrier.arrive $0xFFFF  }
0x24: {  	[tilespmem:s14], [sflag:$0x1] =	stream.indirect.gather [hbm4b:s4+s13], $0x20, s1, s13, $0xb8;
	[tilespmem:$0x15220] =	vst v63  }
0x25: {  	_ = 	snop  }
0x26: {  	[tilespmem:s15], [sflag:$0x1] =	stream.indirect.gather [hbm4b:s4+s13], $0x20, s13, s13, $0xb8;
	[tilespmem:$0x15220] =	vst v63  }
0x27: {  	s11 =	simm.s32 $0xA0  }
0x28: {  	[tilespmem:s17], [sflag:$0x1] =	stream.indirect.gather [hbm4b:s4+s13], $0x20, s11, s13, $0xb8;
	[tilespmem:$0x15220] =	vst v63  }
0x29: {  	s20 =	simm.s32 $0xF0  }
0x2a: {  	[tilespmem:s19], [sflag:$0x1] =	stream.indirect.gather [hbm4b:s4+s13], $0x20, s20, s13, $0xb8;
	[tilespmem:$0x15220] =	vst v63  }
0x2b: {  	s1 =	simm.s32 $0x140  }
0x2c: {  	[tilespmem:s21], [sflag:$0x1] =	stream.indirect.gather [hbm4b:s4+s13], $0x20, s1, s13, $0xb8;
	[tilespmem:$0x15220] =	vst v63  }
0x2d: {  	s11 =	simm.s32 $0x190  }
0x2e: {  	[tilespmem:s22], [sflag:$0x2] =	stream.indirect.gather [hbm4b:s4+s13], $0x20, s11, s13, $0xb8;
	[tilespmem:$0x15220] =	vst v63  }
0x2f: {  	s20 =	simm.s32 $0x1E0  }
0x30: {  	[tilespmem:s23], [sflag:$0x2] =	stream.indirect.gather [hbm4b:s4+s13], $0x20, s20, s13, $0xb8;
	[tilespmem:$0x15220] =	vst v63  }
0x31: {  	s1 =	simm.s32 $0x230  }
0x32: {  	[tilespmem:s24], [sflag:$0x2] =	stream.indirect.gather [hbm4b:s4+s13], $0x20, s1, s13, $0xb8;
	[tilespmem:$0x15220] =	vst v63  }
0x33: {  	s11 =	simm.s32 $0x280  }
0x34: {  	[tilespmem:s25], [sflag:$0x2] =	stream.indirect.gather [hbm4b:s4+s13], $0x20, s11, s13, $0xb8;
	[tilespmem:$0x15220] =	vst v63  }
0x35: {  	s20 =	simm.s32 $0x2D0  }
0x36: {  	[tilespmem:s26], [sflag:$0x2] =	stream.indirect.gather [hbm4b:s4+s13], $0x20, s20, s13, $0xb8;
	[tilespmem:$0x15220] =	vst v63  }
0x37: {  	_ =	swait.ge [sflag:s28], $0xA00  }
0x38: {  	[sflag:s28] =	ssyncset.done $0x0  }
0x39: {  	[sflag:s28] =	ssyncadd.s32 $0xFFFFF600  }
0x3a: {  	_ =	swait.ge [sflag:s28], $0xA00  }
0x3b: {  	[sflag:s28] =	ssyncset.done $0x0  }
0x3c: {  	[sflag:s28] =	ssyncadd.s32 $0xFFFFF600  }
0x3d: {  	_ =	swait.ge [sflag:s28], $0xA00  }
0x3e: {  	[sflag:s28] =	ssyncset.done $0x0  }
0x3f: {  	[sflag:s28] =	ssyncadd.s32 $0xFFFFF600  }
0x40: {  	_ =	swait.ge [sflag:s28], $0xA00  }
0x41: {  	[sflag:s28] =	ssyncset.done $0x0  }
0x42: {  	[sflag:s28] =	ssyncadd.s32 $0xFFFFF600  }
0x43: {  	_ =	swait.ge [sflag:s28], $0xA00  }
0x44: {  	[sflag:s28] =	ssyncset.done $0x0  }
0x45: {  	s1 =	simm.s32 $0x2710;
	[sflag:s28] =	ssyncadd.s32 $0xFFFFF600  }
0x46: {  	[spmem:s2] =	stream.indirect.scatter.add.f32 [tilespmem:s14], [sflag:$0x3], $0x20, s1, s13, $0xb8;
	[tilespmem:$0x15220] =	vst v63  }
0x47: {  	s11 =	simm.s32 $0x2760  }
0x48: {  	[spmem:s2] =	stream.indirect.scatter.add.f32 [tilespmem:s15], [sflag:$0x3], $0x20, s11, s13, $0xb8;
	[tilespmem:$0x15220] =	vst v63  }
0x49: {  	s20 =	simm.s32 $0x27B0  }
0x4a: {  	[spmem:s2] =	stream.indirect.scatter.add.f32 [tilespmem:s17], [sflag:$0x3], $0x20, s20, s13, $0xb8;
	[tilespmem:$0x15220] =	vst v63  }
0x4b: {  	s1 =	simm.s32 $0x2800  }
0x4c: {  	[spmem:s2] =	stream.indirect.scatter.add.f32 [tilespmem:s19], [sflag:$0x3], $0x20, s1, s13, $0xb8;
	[tilespmem:$0x15220] =	vst v63  }
0x4d: {  	s11 =	simm.s32 $0x2850  }
0x4e: {  	[spmem:s2] =	stream.indirect.scatter.add.f32 [tilespmem:s21], [sflag:$0x3], $0x20, s11, s13, $0xb8;
	[tilespmem:$0x15220] =	vst v63  }
0x4f: {  	_ =	swait.ge [sflag:s29], $0xA00  }
0x50: {  	[sflag:s29] =	ssyncset.done $0x0  }
0x51: {  	[sflag:s29] =	ssyncadd.s32 $0xFFFFF600  }
0x52: {  	_ =	swait.ge [sflag:s29], $0xA00  }
0x53: {  	[sflag:s29] =	ssyncset.done $0x0  }
0x54: {  	[sflag:s29] =	ssyncadd.s32 $0xFFFFF600  }
0x55: {  	_ =	swait.ge [sflag:s29], $0xA00  }
0x56: {  	[sflag:s29] =	ssyncset.done $0x0  }
0x57: {  	[sflag:s29] =	ssyncadd.s32 $0xFFFFF600  }
0x58: {  	_ =	swait.ge [sflag:s29], $0xA00  }
0x59: {  	[sflag:s29] =	ssyncset.done $0x0  }
0x5a: {  	[sflag:s29] =	ssyncadd.s32 $0xFFFFF600  }
0x5b: {  	_ =	swait.ge [sflag:s29], $0xA00  }
0x5c: {  	[sflag:s29] =	ssyncset.done $0x0  }
0x5d: {  	s20 =	simm.s32 $0x320;
	[sflag:s29] =	ssyncadd.s32 $0xFFFFF600  }
0x5e: {  	[tilespmem:s14], [sflag:$0x1] =	stream.indirect.gather [hbm4b:s4+s13], $0x20, s20, s13, $0xb8;
	[tilespmem:$0x15220] =	vst v63  }
0x5f: {  	s1 =	simm.s32 $0x370  }
0x60: {  	[tilespmem:s15], [sflag:$0x1] =	stream.indirect.gather [hbm4b:s4+s13], $0x20, s1, s13, $0xb8;
	[tilespmem:$0x15220] =	vst v63  }
0x61: {  	s11 =	simm.s32 $0x3C0  }
0x62: {  	[tilespmem:s17], [sflag:$0x1] =	stream.indirect.gather [hbm4b:s4+s13], $0x20, s11, s13, $0xb8;
	[tilespmem:$0x15220] =	vst v63  }
0x63: {  	s20 =	simm.s32 $0x410  }
0x64: {  	[tilespmem:s19], [sflag:$0x1] =	stream.indirect.gather [hbm4b:s4+s13], $0x20, s20, s13, $0xb8;
	[tilespmem:$0x15220] =	vst v63  }
0x65: {  	s1 =	simm.s32 $0x460  }
0x66: {  	[tilespmem:s21], [sflag:$0x1] =	stream.indirect.gather [hbm4b:s4+s13], $0x20, s1, s13, $0xb8;
	[tilespmem:$0x15220] =	vst v63  }
0x67: {  	_ =	swait.ge [sflag:s30], $0xA00  }
0x68: {  	[sflag:s30] =	ssyncset.done $0x0  }
0x69: {  	[sflag:s30] =	ssyncadd.s32 $0xFFFFF600  }
0x6a: {  	_ =	swait.ge [sflag:s30], $0xA00  }
0x6b: {  	[sflag:s30] =	ssyncset.done $0x0  }
0x6c: {  	[sflag:s30] =	ssyncadd.s32 $0xFFFFF600  }
0x6d: {  	_ =	swait.ge [sflag:s30], $0xA00  }
0x6e: {  	[sflag:s30] =	ssyncset.done $0x0  }
0x6f: {  	[sflag:s30] =	ssyncadd.s32 $0xFFFFF600  }
0x70: {  	_ =	swait.ge [sflag:s30], $0xA00  }
0x71: {  	[sflag:s30] =	ssyncset.done $0x0  }
0x72: {  	[sflag:s30] =	ssyncadd.s32 $0xFFFFF600  }
0x73: {  	_ =	swait.ge [sflag:s30], $0xA00  }
0x74: {  	[sflag:s30] =	ssyncset.done $0x0  }
0x75: {  	s11 =	simm.s32 $0x28A0;
	[sflag:s30] =	ssyncadd.s32 $0xFFFFF600  }
0x76: {  	[spmem:s2] =	stream.indirect.scatter.add.f32 [tilespmem:s22], [sflag:$0x3], $0x20, s11, s13, $0xb8;
	[tilespmem:$0x15220] =	vst v63  }
0x77: {  	s20 =	simm.s32 $0x28F0  }
0x78: {  	[spmem:s2] =	stream.indirect.scatter.add.f32 [tilespmem:s23], [sflag:$0x3], $0x20, s20, s13, $0xb8;
	[tilespmem:$0x15220] =	vst v63  }
0x79: {  	s1 =	simm.s32 $0x2940  }
0x7a: {  	[spmem:s2] =	stream.indirect.scatter.add.f32 [tilespmem:s24], [sflag:$0x3], $0x20, s1, s13, $0xb8;
	[tilespmem:$0x15220] =	vst v63  }
0x7b: {  	s11 =	simm.s32 $0x2990  }
0x7c: {  	[spmem:s2] =	stream.indirect.scatter.add.f32 [tilespmem:s25], [sflag:$0x3], $0x20, s11, s13, $0xb8;
	[tilespmem:$0x15220] =	vst v63  }
0x7d: {  	s20 =	simm.s32 $0x29E0  }
0x7e: {  	[spmem:s2] =	stream.indirect.scatter.add.f32 [tilespmem:s26], [sflag:$0x3], $0x20, s20, s13, $0xb8;
	[tilespmem:$0x15220] =	vst v63  }
0x7f: {  	_ =	swait.ge [sflag:s29], $0xA00  }
0x80: {  	[sflag:s29] =	ssyncset.done $0x0  }
0x81: {  	[sflag:s29] =	ssyncadd.s32 $0xFFFFF600  }
0x82: {  	_ =	swait.ge [sflag:s29], $0xA00  }
0x83: {  	[sflag:s29] =	ssyncset.done $0x0  }
0x84: {  	[sflag:s29] =	ssyncadd.s32 $0xFFFFF600  }
0x85: {  	_ =	swait.ge [sflag:s29], $0xA00  }
0x86: {  	[sflag:s29] =	ssyncset.done $0x0  }
0x87: {  	[sflag:s29] =	ssyncadd.s32 $0xFFFFF600  }
0x88: {  	_ =	swait.ge [sflag:s29], $0xA00  }
0x89: {  	[sflag:s29] =	ssyncset.done $0x0  }
0x8a: {  	[sflag:s29] =	ssyncadd.s32 $0xFFFFF600  }
0x8b: {  	_ =	swait.ge [sflag:s29], $0xA00  }
0x8c: {  	s31 =	simm.s32 $0x1900;
	s20 =	simm.s32 $0x320;
	[sflag:s29] =	ssyncset.done $0x0  }
.LBB2_4:
0x8d: {  	s11 =	sadd.s32 $0x190, s20  }
0x8e: {  	[sflag:s29] =	ssyncadd.s32 $0xFFFFF600;
	s1 =	smov.u32 s31;
	s0 =	sadd.s32 $0xC80, s31  }
0x8f: {  	[tilespmem:s22], [sflag:$0x2] =	stream.indirect.gather [hbm4b:s4+s13], $0x20, s11, s13, $0xb8;
	[tilespmem:$0x15220] =	vst v63  }
0x90: {  	p0 =	sne.s32 s31, $0x8980;
	s11 =	sadd.s32 $0x1E0, s20  }
0x91: {  	[tilespmem:s23], [sflag:$0x2] =	stream.indirect.gather [hbm4b:s4+s13], $0x20, s11, s13, $0xb8;
	[tilespmem:$0x15220] =	vst v63  }
0x92: {  	s11 =	sadd.s32 $0x230, s20  }
0x93: {  	[tilespmem:s24], [sflag:$0x2] =	stream.indirect.gather [hbm4b:s4+s13], $0x20, s11, s13, $0xb8;
	[tilespmem:$0x15220] =	vst v63  }
0x94: {  	s11 =	sadd.s32 $0x280, s20  }
0x95: {  	[tilespmem:s25], [sflag:$0x2] =	stream.indirect.gather [hbm4b:s4+s13], $0x20, s11, s13, $0xb8;
	[tilespmem:$0x15220] =	vst v63  }
0x96: {  	s11 =	sadd.s32 $0x2D0, s20  }
0x97: {  	[tilespmem:s26], [sflag:$0x2] =	stream.indirect.gather [hbm4b:s4+s13], $0x20, s11, s13, $0xb8;
	[tilespmem:$0x15220] =	vst v63  }
0x98: {  	_ =	swait.ge [sflag:s28], $0xA00  }
0x99: {  	[sflag:s28] =	ssyncset.done $0x0  }
0x9a: {  	[sflag:s28] =	ssyncadd.s32 $0xFFFFF600  }
0x9b: {  	_ =	swait.ge [sflag:s28], $0xA00  }
0x9c: {  	[sflag:s28] =	ssyncset.done $0x0  }
0x9d: {  	[sflag:s28] =	ssyncadd.s32 $0xFFFFF600  }
0x9e: {  	_ =	swait.ge [sflag:s28], $0xA00  }
0x9f: {  	[sflag:s28] =	ssyncset.done $0x0  }
0xa0: {  	[sflag:s28] =	ssyncadd.s32 $0xFFFFF600  }
0xa1: {  	_ =	swait.ge [sflag:s28], $0xA00  }
0xa2: {  	[sflag:s28] =	ssyncset.done $0x0  }
0xa3: {  	[sflag:s28] =	ssyncadd.s32 $0xFFFFF600  }
0xa4: {  	_ =	swait.ge [sflag:s28], $0xA00  }
0xa5: {  	[sflag:s28] =	ssyncset.done $0x0  }
0xa6: {  	s11 =	sadd.s32 $0x2710, s20;
	[sflag:s28] =	ssyncadd.s32 $0xFFFFF600  }
0xa7: {  	[spmem:s2] =	stream.indirect.scatter.add.f32 [tilespmem:s14], [sflag:$0x3], $0x20, s11, s13, $0xb8;
	[tilespmem:$0x15220] =	vst v63  }
0xa8: {  	s11 =	sadd.s32 $0x2760, s20  }
0xa9: {  	[spmem:s2] =	stream.indirect.scatter.add.f32 [tilespmem:s15], [sflag:$0x3], $0x20, s11, s13, $0xb8;
	[tilespmem:$0x15220] =	vst v63  }
0xaa: {  	s11 =	sadd.s32 $0x27B0, s20  }
0xab: {  	[spmem:s2] =	stream.indirect.scatter.add.f32 [tilespmem:s17], [sflag:$0x3], $0x20, s11, s13, $0xb8;
	[tilespmem:$0x15220] =	vst v63  }
0xac: {  	s11 =	sadd.s32 $0x2800, s20  }
0xad: {  	[spmem:s2] =	stream.indirect.scatter.add.f32 [tilespmem:s19], [sflag:$0x3], $0x20, s11, s13, $0xb8;
	[tilespmem:$0x15220] =	vst v63  }
0xae: {  	s11 =	sadd.s32 $0x2850, s20  }
0xaf: {  	[spmem:s2] =	stream.indirect.scatter.add.f32 [tilespmem:s21], [sflag:$0x3], $0x20, s11, s13, $0xb8;
	[tilespmem:$0x15220] =	vst v63  }
0xb0: {  	_ =	swait.ge [sflag:s29], $0xA00  }
0xb1: {  	[sflag:s29] =	ssyncset.done $0x0  }
0xb2: {  	[sflag:s29] =	ssyncadd.s32 $0xFFFFF600  }
0xb3: {  	_ =	swait.ge [sflag:s29], $0xA00  }
0xb4: {  	[sflag:s29] =	ssyncset.done $0x0  }
0xb5: {  	[sflag:s29] =	ssyncadd.s32 $0xFFFFF600  }
0xb6: {  	_ =	swait.ge [sflag:s29], $0xA00  }
0xb7: {  	[sflag:s29] =	ssyncset.done $0x0  }
0xb8: {  	[sflag:s29] =	ssyncadd.s32 $0xFFFFF600  }
0xb9: {  	_ =	swait.ge [sflag:s29], $0xA00  }
0xba: {  	[sflag:s29] =	ssyncset.done $0x0  }
0xbb: {  	[sflag:s29] =	ssyncadd.s32 $0xFFFFF600  }
0xbc: {  	_ =	swait.ge [sflag:s29], $0xA00  }
0xbd: {  	[sflag:s29] =	ssyncset.done $0x0  }
0xbe: {  	s11 =	sadd.s32 $0x320, s20;
	[sflag:s29] =	ssyncadd.s32 $0xFFFFF600  }
0xbf: {  	[tilespmem:s14], [sflag:$0x1] =	stream.indirect.gather [hbm4b:s4+s13], $0x20, s11, s13, $0xb8;
	[tilespmem:$0x15220] =	vst v63  }
0xc0: {  	s11 =	sadd.s32 $0x370, s20  }
0xc1: {  	[tilespmem:s15], [sflag:$0x1] =	stream.indirect.gather [hbm4b:s4+s13], $0x20, s11, s13, $0xb8;
	[tilespmem:$0x15220] =	vst v63  }
0xc2: {  	s11 =	sadd.s32 $0x3C0, s20  }
0xc3: {  	[tilespmem:s17], [sflag:$0x1] =	stream.indirect.gather [hbm4b:s4+s13], $0x20, s11, s13, $0xb8;
	[tilespmem:$0x15220] =	vst v63  }
0xc4: {  	s11 =	sadd.s32 $0x410, s20  }
0xc5: {  	[tilespmem:s19], [sflag:$0x1] =	stream.indirect.gather [hbm4b:s4+s13], $0x20, s11, s13, $0xb8;
	[tilespmem:$0x15220] =	vst v63  }
0xc6: {  	s11 =	sadd.s32 $0x460, s20  }
0xc7: {  	[tilespmem:s21], [sflag:$0x1] =	stream.indirect.gather [hbm4b:s4+s13], $0x20, s11, s13, $0xb8;
	[tilespmem:$0x15220] =	vst v63  }
0xc8: {  	_ =	swait.ge [sflag:s30], $0xA00  }
0xc9: {  	[sflag:s30] =	ssyncset.done $0x0  }
0xca: {  	[sflag:s30] =	ssyncadd.s32 $0xFFFFF600  }
0xcb: {  	_ =	swait.ge [sflag:s30], $0xA00  }
0xcc: {  	[sflag:s30] =	ssyncset.done $0x0  }
0xcd: {  	[sflag:s30] =	ssyncadd.s32 $0xFFFFF600  }
0xce: {  	_ =	swait.ge [sflag:s30], $0xA00  }
0xcf: {  	[sflag:s30] =	ssyncset.done $0x0  }
0xd0: {  	[sflag:s30] =	ssyncadd.s32 $0xFFFFF600  }
0xd1: {  	_ =	swait.ge [sflag:s30], $0xA00  }
0xd2: {  	[sflag:s30] =	ssyncset.done $0x0  }
0xd3: {  	[sflag:s30] =	ssyncadd.s32 $0xFFFFF600  }
0xd4: {  	_ =	swait.ge [sflag:s30], $0xA00  }
0xd5: {  	[sflag:s30] =	ssyncset.done $0x0  }
0xd6: {  	s11 =	sadd.s32 $0x28A0, s20;
	[sflag:s30] =	ssyncadd.s32 $0xFFFFF600  }
0xd7: {  	[spmem:s2] =	stream.indirect.scatter.add.f32 [tilespmem:s22], [sflag:$0x3], $0x20, s11, s13, $0xb8;
	[tilespmem:$0x15220] =	vst v63  }
0xd8: {  	s11 =	sadd.s32 $0x28F0, s20  }
0xd9: {  	[spmem:s2] =	stream.indirect.scatter.add.f32 [tilespmem:s23], [sflag:$0x3], $0x20, s11, s13, $0xb8;
	[tilespmem:$0x15220] =	vst v63  }
0xda: {  	s11 =	sadd.s32 $0x2940, s20  }
0xdb: {  	[spmem:s2] =	stream.indirect.scatter.add.f32 [tilespmem:s24], [sflag:$0x3], $0x20, s11, s13, $0xb8;
	[tilespmem:$0x15220] =	vst v63  }
0xdc: {  	s11 =	sadd.s32 $0x2990, s20  }
0xdd: {  	[spmem:s2] =	stream.indirect.scatter.add.f32 [tilespmem:s25], [sflag:$0x3], $0x20, s11, s13, $0xb8;
	[tilespmem:$0x15220] =	vst v63  }
0xde: {  	s11 =	sadd.s32 $0x29E0, s20  }
0xdf: {  	[spmem:s2] =	stream.indirect.scatter.add.f32 [tilespmem:s26], [sflag:$0x3], $0x20, s11, s13, $0xb8;
	[tilespmem:$0x15220] =	vst v63  }
0xe0: {  	_ =	swait.ge [sflag:s29], $0xA00  }
0xe1: {  	[sflag:s29] =	ssyncset.done $0x0  }
0xe2: {  	[sflag:s29] =	ssyncadd.s32 $0xFFFFF600  }
0xe3: {  	_ =	swait.ge [sflag:s29], $0xA00  }
0xe4: {  	[sflag:s29] =	ssyncset.done $0x0  }
0xe5: {  	[sflag:s29] =	ssyncadd.s32 $0xFFFFF600  }
0xe6: {  	_ =	swait.ge [sflag:s29], $0xA00  }
0xe7: {  	[sflag:s29] =	ssyncset.done $0x0  }
0xe8: {  	[sflag:s29] =	ssyncadd.s32 $0xFFFFF600  }
.Ltmp1:
0xe9: {  	_ =	swait.ge [sflag:s29], $0xA00;
	(pc) =	sbr.rel @p0 .LBB2_4-.Ltmp1, $4  }
0xea: {  	[sflag:s29] =	ssyncset.done $0x0  }
0xeb: {  	[sflag:s29] =	ssyncadd.s32 $0xFFFFF600  }
0xec: {  	_ =	swait.ge [sflag:s29], $0xA00  }
0xed: {  	s31 =	smov.u32 s0;
	s20 =	sshra.s32 s1, $0x2;
	[sflag:s29] =	ssyncset.done $0x0  }
0xee: {  	s0 =	sadd.s32 $0x190, s20;
	[sflag:s29] =	ssyncadd.s32 $0xFFFFF600  }
0xef: {  	[tilespmem:s22], [sflag:$0x2] =	stream.indirect.gather [hbm4b:s4+s13], $0x20, s0, s13, $0xb8;
	[tilespmem:$0x15220] =	vst v63  }
0xf0: {  	s31 =	sadd.s32 $0x1E0, s20  }
0xf1: {  	[tilespmem:s23], [sflag:$0x2] =	stream.indirect.gather [hbm4b:s4+s13], $0x20, s31, s13, $0xb8;
	[tilespmem:$0x15220] =	vst v63  }
0xf2: {  	s1 =	sadd.s32 $0x230, s20  }
0xf3: {  	[tilespmem:s24], [sflag:$0x2] =	stream.indirect.gather [hbm4b:s4+s13], $0x20, s1, s13, $0xb8;
	[tilespmem:$0x15220] =	vst v63  }
0xf4: {  	s11 =	sadd.s32 $0x280, s20  }
0xf5: {  	[tilespmem:s25], [sflag:$0x2] =	stream.indirect.gather [hbm4b:s4+s13], $0x20, s11, s13, $0xb8;
	[tilespmem:$0x15220] =	vst v63  }
0xf6: {  	s31 =	sadd.s32 $0x2D0, s20  }
0xf7: {  	[tilespmem:s26], [sflag:$0x2] =	stream.indirect.gather [hbm4b:s4+s13], $0x20, s31, s13, $0xb8;
	[tilespmem:$0x15220] =	vst v63  }
0xf8: {  	_ =	swait.ge [sflag:s28], $0xA00  }
0xf9: {  	[sflag:s28] =	ssyncset.done $0x0  }
0xfa: {  	[sflag:s28] =	ssyncadd.s32 $0xFFFFF600  }
0xfb: {  	_ =	swait.ge [sflag:s28], $0xA00  }
0xfc: {  	[sflag:s28] =	ssyncset.done $0x0  }
0xfd: {  	[sflag:s28] =	ssyncadd.s32 $0xFFFFF600  }
0xfe: {  	_ =	swait.ge [sflag:s28], $0xA00  }
0xff: {  	[sflag:s28] =	ssyncset.done $0x0  }
0x100: {  	[sflag:s28] =	ssyncadd.s32 $0xFFFFF600  }
0x101: {  	_ =	swait.ge [sflag:s28], $0xA00  }
0x102: {  	[sflag:s28] =	ssyncset.done $0x0  }
0x103: {  	[sflag:s28] =	ssyncadd.s32 $0xFFFFF600  }
0x104: {  	_ =	swait.ge [sflag:s28], $0xA00  }
0x105: {  	[sflag:s28] =	ssyncset.done $0x0  }
0x106: {  	s1 =	sadd.s32 $0x2710, s20;
	[sflag:s28] =	ssyncadd.s32 $0xFFFFF600  }
0x107: {  	[spmem:s2] =	stream.indirect.scatter.add.f32 [tilespmem:s14], [sflag:$0x3], $0x20, s1, s13, $0xb8;
	[tilespmem:$0x15220] =	vst v63  }
0x108: {  	s11 =	sadd.s32 $0x2760, s20  }
0x109: {  	[spmem:s2] =	stream.indirect.scatter.add.f32 [tilespmem:s15], [sflag:$0x3], $0x20, s11, s13, $0xb8;
	[tilespmem:$0x15220] =	vst v63  }
0x10a: {  	s31 =	sadd.s32 $0x27B0, s20  }
0x10b: {  	[spmem:s2] =	stream.indirect.scatter.add.f32 [tilespmem:s17], [sflag:$0x3], $0x20, s31, s13, $0xb8;
	[tilespmem:$0x15220] =	vst v63  }
0x10c: {  	s1 =	sadd.s32 $0x2800, s20  }
0x10d: {  	[spmem:s2] =	stream.indirect.scatter.add.f32 [tilespmem:s19], [sflag:$0x3], $0x20, s1, s13, $0xb8;
	[tilespmem:$0x15220] =	vst v63  }
0x10e: {  	s11 =	sadd.s32 $0x2850, s20  }
0x10f: {  	[spmem:s2] =	stream.indirect.scatter.add.f32 [tilespmem:s21], [sflag:$0x3], $0x20, s11, s13, $0xb8;
	[tilespmem:$0x15220] =	vst v63  }
0x110: {  	_ =	swait.ge [sflag:s29], $0xA00  }
0x111: {  	[sflag:s29] =	ssyncset.done $0x0  }
0x112: {  	[sflag:s29] =	ssyncadd.s32 $0xFFFFF600  }
0x113: {  	_ =	swait.ge [sflag:s29], $0xA00  }
0x114: {  	[sflag:s29] =	ssyncset.done $0x0  }
0x115: {  	[sflag:s29] =	ssyncadd.s32 $0xFFFFF600  }
0x116: {  	_ =	swait.ge [sflag:s29], $0xA00  }
0x117: {  	[sflag:s29] =	ssyncset.done $0x0  }
0x118: {  	[sflag:s29] =	ssyncadd.s32 $0xFFFFF600  }
0x119: {  	_ =	swait.ge [sflag:s29], $0xA00  }
0x11a: {  	[sflag:s29] =	ssyncset.done $0x0  }
0x11b: {  	[sflag:s29] =	ssyncadd.s32 $0xFFFFF600  }
0x11c: {  	_ =	swait.ge [sflag:s29], $0xA00  }
0x11d: {  	[sflag:s29] =	ssyncset.done $0x0  }
0x11e: {  	s31 =	sadd.s32 $0x320, s20;
	[sflag:s29] =	ssyncadd.s32 $0xFFFFF600  }
0x11f: {  	[tilespmem:s14], [sflag:$0x1] =	stream.indirect.gather [hbm4b:s4+s13], $0x20, s31, s13, $0xb8;
	[tilespmem:$0x15220] =	vst v63  }
0x120: {  	s1 =	sadd.s32 $0x370, s20  }
0x121: {  	[tilespmem:s15], [sflag:$0x1] =	stream.indirect.gather [hbm4b:s4+s13], $0x20, s1, s13, $0xb8;
	[tilespmem:$0x15220] =	vst v63  }
0x122: {  	s11 =	sadd.s32 $0x3C0, s20  }
0x123: {  	[tilespmem:s17], [sflag:$0x1] =	stream.indirect.gather [hbm4b:s4+s13], $0x20, s11, s13, $0xb8;
	[tilespmem:$0x15220] =	vst v63  }
0x124: {  	s31 =	sadd.s32 $0x410, s20  }
0x125: {  	[tilespmem:s19], [sflag:$0x1] =	stream.indirect.gather [hbm4b:s4+s13], $0x20, s31, s13, $0xb8;
	[tilespmem:$0x15220] =	vst v63  }
0x126: {  	s1 =	sadd.s32 $0x460, s20  }
0x127: {  	[tilespmem:s21], [sflag:$0x1] =	stream.indirect.gather [hbm4b:s4+s13], $0x20, s1, s13, $0xb8;
	[tilespmem:$0x15220] =	vst v63  }
0x128: {  	_ =	swait.ge [sflag:s30], $0xA00  }
0x129: {  	[sflag:s30] =	ssyncset.done $0x0  }
0x12a: {  	[sflag:s30] =	ssyncadd.s32 $0xFFFFF600  }
0x12b: {  	_ =	swait.ge [sflag:s30], $0xA00  }
0x12c: {  	[sflag:s30] =	ssyncset.done $0x0  }
0x12d: {  	[sflag:s30] =	ssyncadd.s32 $0xFFFFF600  }
0x12e: {  	_ =	swait.ge [sflag:s30], $0xA00  }
0x12f: {  	[sflag:s30] =	ssyncset.done $0x0  }
0x130: {  	[sflag:s30] =	ssyncadd.s32 $0xFFFFF600  }
0x131: {  	_ =	swait.ge [sflag:s30], $0xA00  }
0x132: {  	[sflag:s30] =	ssyncset.done $0x0  }
0x133: {  	[sflag:s30] =	ssyncadd.s32 $0xFFFFF600  }
0x134: {  	_ =	swait.ge [sflag:s30], $0xA00  }
0x135: {  	[sflag:s30] =	ssyncset.done $0x0  }
0x136: {  	s11 =	sadd.s32 $0x28A0, s20;
	[sflag:s30] =	ssyncadd.s32 $0xFFFFF600  }
0x137: {  	[spmem:s2] =	stream.indirect.scatter.add.f32 [tilespmem:s22], [sflag:$0x3], $0x20, s11, s13, $0xb8;
	[tilespmem:$0x15220] =	vst v63  }
0x138: {  	s31 =	sadd.s32 $0x28F0, s20  }
0x139: {  	[spmem:s2] =	stream.indirect.scatter.add.f32 [tilespmem:s23], [sflag:$0x3], $0x20, s31, s13, $0xb8;
	[tilespmem:$0x15220] =	vst v63  }
0x13a: {  	s1 =	sadd.s32 $0x2940, s20  }
0x13b: {  	[spmem:s2] =	stream.indirect.scatter.add.f32 [tilespmem:s24], [sflag:$0x3], $0x20, s1, s13, $0xb8;
	[tilespmem:$0x15220] =	vst v63  }
0x13c: {  	s11 =	sadd.s32 $0x2990, s20  }
0x13d: {  	[spmem:s2] =	stream.indirect.scatter.add.f32 [tilespmem:s25], [sflag:$0x3], $0x20, s11, s13, $0xb8;
	[tilespmem:$0x15220] =	vst v63  }
0x13e: {  	s31 =	sadd.s32 $0x29E0, s20  }
0x13f: {  	[spmem:s2] =	stream.indirect.scatter.add.f32 [tilespmem:s26], [sflag:$0x3], $0x20, s31, s13, $0xb8;
	[tilespmem:$0x15220] =	vst v63  }
0x140: {  	_ =	swait.ge [sflag:s29], $0xA00  }
0x141: {  	[sflag:s29] =	ssyncset.done $0x0  }
0x142: {  	[sflag:s29] =	ssyncadd.s32 $0xFFFFF600  }
0x143: {  	_ =	swait.ge [sflag:s29], $0xA00  }
0x144: {  	[sflag:s29] =	ssyncset.done $0x0  }
0x145: {  	[sflag:s29] =	ssyncadd.s32 $0xFFFFF600  }
0x146: {  	_ =	swait.ge [sflag:s29], $0xA00  }
0x147: {  	[sflag:s29] =	ssyncset.done $0x0  }
0x148: {  	[sflag:s29] =	ssyncadd.s32 $0xFFFFF600  }
0x149: {  	_ =	swait.ge [sflag:s29], $0xA00  }
0x14a: {  	[sflag:s29] =	ssyncset.done $0x0  }
0x14b: {  	[sflag:s29] =	ssyncadd.s32 $0xFFFFF600  }
0x14c: {  	_ =	swait.ge [sflag:s29], $0xA00  }
0x14d: {  	[sflag:s29] =	ssyncset.done $0x0  }
0x14e: {  	[sflag:s29] =	ssyncadd.s32 $0xFFFFF600  }
0x14f: {  	_ =	swait.ge [sflag:s28], $0xA00  }
0x150: {  	[sflag:s28] =	ssyncset.done $0x0  }
0x151: {  	[sflag:s28] =	ssyncadd.s32 $0xFFFFF600  }
0x152: {  	_ =	swait.ge [sflag:s28], $0xA00  }
0x153: {  	[sflag:s28] =	ssyncset.done $0x0  }
0x154: {  	[sflag:s28] =	ssyncadd.s32 $0xFFFFF600  }
0x155: {  	_ =	swait.ge [sflag:s28], $0xA00  }
0x156: {  	[sflag:s28] =	ssyncset.done $0x0  }
0x157: {  	[sflag:s28] =	ssyncadd.s32 $0xFFFFF600  }
0x158: {  	_ =	swait.ge [sflag:s28], $0xA00  }
0x159: {  	[sflag:s28] =	ssyncset.done $0x0  }
0x15a: {  	[sflag:s28] =	ssyncadd.s32 $0xFFFFF600  }
0x15b: {  	_ =	swait.ge [sflag:s28], $0xA00  }
0x15c: {  	[sflag:s28] =	ssyncset.done $0x0  }
0x15d: {  	s1 =	simm.s32 $0x4C90;
	[sflag:s28] =	ssyncadd.s32 $0xFFFFF600  }
0x15e: {  	[spmem:s2] =	stream.indirect.scatter.add.f32 [tilespmem:s14], [sflag:$0x3], $0x20, s1, s13, $0xb8;
	[tilespmem:$0x15220] =	vst v63  }
0x15f: {  	s11 =	simm.s32 $0x4CE0  }
0x160: {  	[spmem:s2] =	stream.indirect.scatter.add.f32 [tilespmem:s15], [sflag:$0x3], $0x20, s11, s13, $0xb8;
	[tilespmem:$0x15220] =	vst v63  }
0x161: {  	s20 =	simm.s32 $0x4D30  }
0x162: {  	[spmem:s2] =	stream.indirect.scatter.add.f32 [tilespmem:s17], [sflag:$0x3], $0x20, s20, s13, $0xb8;
	[tilespmem:$0x15220] =	vst v63  }
0x163: {  	s31 =	simm.s32 $0x4D80  }
0x164: {  	[spmem:s2] =	stream.indirect.scatter.add.f32 [tilespmem:s19], [sflag:$0x3], $0x20, s31, s13, $0xb8;
	[tilespmem:$0x15220] =	vst v63  }
0x165: {  	_ = 	snop  }
0x166: {  	[spmem:s2] =	stream.indirect.scatter.add.f32 [tilespmem:s21], [sflag:$0x3], $0x20, s16, s13, $0xb8;
	[tilespmem:$0x15220] =	vst v63  }
0x167: {  	_ =	swait.ge [sflag:s29], $0xA00  }
0x168: {  	[sflag:s29] =	ssyncset.done $0x0  }
0x169: {  	[sflag:s29] =	ssyncadd.s32 $0xFFFFF600  }
0x16a: {  	_ =	swait.ge [sflag:s29], $0xA00  }
0x16b: {  	[sflag:s29] =	ssyncset.done $0x0  }
0x16c: {  	[sflag:s29] =	ssyncadd.s32 $0xFFFFF600  }
0x16d: {  	_ =	swait.ge [sflag:s29], $0xA00  }
0x16e: {  	[sflag:s29] =	ssyncset.done $0x0  }
0x16f: {  	[sflag:s29] =	ssyncadd.s32 $0xFFFFF600  }
0x170: {  	_ =	swait.ge [sflag:s29], $0xA00  }
0x171: {  	[sflag:s29] =	ssyncset.done $0x0  }
0x172: {  	[sflag:s29] =	ssyncadd.s32 $0xFFFFF600  }
0x173: {  	_ =	swait.ge [sflag:s29], $0xA00  }
0x174: {  	[sflag:s29] =	ssyncset.done $0x0  }
0x175: {  	[sflag:s29] =	ssyncadd.s32 $0xFFFFF600  }
0x176: {  	[bflag:$0x0] =	sbarrier.arrive $0xFFFF  }
0x177: {  	[tilespmem:s12], [sflag:$0x4] =	stream.linear.gather [spmem:s7], $0x5000, $0x38;
	[tilespmem:$0x15220] =	vst v63  }
0x178: {  	s18 =	sadd.s32 $0x1, s18;
	_ =	swait.ge [sflag:s10], $0x5000  }
0x179: {  	p0 =	sne.s32 s18, s9;
	[sflag:s10] =	ssyncset.done $0x0  }
.Ltmp2:
0x17a: {  	[sflag:s10] =	ssyncadd.s32 $0xFFFFB000;
	(pc) =	sbr.rel @p0 .LBB2_1-.Ltmp2, $4  }
0x17b: {  	[hbm4b:s8+s3] =	stream.linear.scatter [tilespmem:s12], [sflag:$0x4], $0x5000, $0x38;
	[tilespmem:$0x15220] =	vst v63  }
0x17c: {  	_ =	swait.ge [sflag:s10], $0x5000  }
0x17d: {  	[sflag:s10] =	ssyncset.done $0x0  }
0x17e: {  	[sflag:s10] =	ssyncadd.s32 $0xFFFFB000  }
0x17f: {  	_ =	sfence.sel $0x180000  }
0x180: {  	[bflag:$0x0] =	sbarrier.arrive $0xFFFF  }
0x181: {  	_ =	strace $0x9000004D  }
0x182: {  	s0 =	stileid.u32;
	[bflag:$0x2] =	sbarrier.arrive $0xFFFF  }
0x183: {  	p0 =	sne.s32 s0, $0x0;
	s0 =	rddreg [dreg:$0x2]  }
0x184: {  	s0 =	sadd.s32 @!p0 $0x100000, s0  }
0x185: {  	[sflag:s0] =	ssyncadd.tile.s32 @!p0 $0x1;
	_ =	shalt  }
.Lfunc_end2:
_tile_overlayer_lowered:
.L_overlay_start_2:
0x186: {  	(tag) =	ssettag $0x2  }
0x187: {  	s0 =	rddreg [dreg:$0x0];
	s2 =	stileid.u32  }
0x188: {  	s1 =	rddreg [dreg:$0x1];
	p0 =	sne.s32 s2, $0x0  }
0x189: {  	s3 =	rddreg [dreg:$0x2];
	[bflag:$0x3] =	sbarrier.arrive $0xFFFF;
	s2 =	simm.s32 @!p0 $0x1C04  }
0x18a: {  	[timem:s3], [sflag:s2] =	dma.local @!p0 [hbm:s0], s1  }
0x18b: {  	s0 =	simm.s32 @!p0 $0x4  }
0x18c: {  	_ =	swait.ge @!p0 [sflag:s0], s1  }
0x18d: {  	s1 =	ssub.s32 @!p0 $0x0, s1;
	[sflag:s0] =	ssyncset.done @!p0 $0x0  }
0x18e: {  	[sflag:s0] =	ssyncadd.s32 @!p0 s1  }
0x18f: {  	[bflag:$0x3] =	sbarrier.arrive $0xFFFF  }
0x190: {  	_ =	shalt  }

// kernel: kernel.9.cloned.1.call-start
scs
__scs_entry_jumppad:
0x0: {  	(pc) =	sbr.rel $0x88, $3  }
0x1: {  	(tag) =	ssettag $0x0;
	lr =	simm.s32 $0x1  }
0x2: {  	[smem:$0x3F99] =	sst lr;
	_ =	strace $0xD0000000  }
0x3: {  	_ = 	snop  }
0x4: {  	_ = 	snop  }
0x5: {  	_ = 	snop  }
0x6: {  	_ = 	snop  }
0x7: {  	_ = 	snop  }
__scs_overlays_trampoline_lowered:
0x8: {  	[smem:$0x3FA8] =	sst s0  }
0x9: {  	[smem:$0x3FA9] =	sst s1  }
0xa: {  	[smem:$0x3FAA] =	sst s2  }
0xb: {  	[smem:$0x3FAB] =	sst s3  }
0xc: {  	[smem:$0x3FAC] =	sst s4  }
0xd: {  	[smem:$0x3FAD] =	sst s5  }
0xe: {  	[smem:$0x3FAE] =	sst s6  }
0xf: {  	[smem:$0x3FAF] =	sst s7  }
0x10: {  	[smem:$0x3FB0] =	sst s8  }
0x11: {  	[smem:$0x3FB1] =	sst s9;
	s0 =	simm.s32 @!p0 $0x0  }
0x12: {  	s1 =	sld [smem:$0x3F97];
	s0 =	simm.s32 @p0 $0x1  }
0x13: {  	[smem:$0x3FB2] =	sst s0;
	s0 =	simm.s32 @!p1 $0x0  }
0x14: {  	s2 =	sld [smem:$0x3F96];
	s0 =	simm.s32 @p1 $0x1  }
0x15: {  	[smem:$0x3FB3] =	sst s0;
	s0 =	simm.s32 @!p2 $0x0  }
0x16: {  	s3 =	sld [smem:$0x3FDB];
	s0 =	simm.s32 @p2 $0x1  }
0x17: {  	s4 =	simm.s32 $0x1BF5;
	[smem:$0x3FB5] =	sst s0  }
0x18: {  	s0 =	sld [smem:$0x3F98];
	_ =	swait.ge [sflag:s4], $0x0  }
0x19: {  	s7 =	sld [smem:$0x3F99]  }
0x1a: {  	s8 =	sadd.s32 $0xFFFFE003, lr  }
0x1b: {  	s9 =	sadd.s32 $0xFFFFFEF7, lr;
	s5 =	simm.s32 $0xFFFFFFFF;
	p2 =	slt.u32 s8, $0xFFFFF086  }
0x1c: {  	p1 =	slt.u32 s9, $0xF7A;
	s5 =	simm.s32 @!p2 $0x0  }
0x1d: {  	s5 =	simm.s32 @p1 $0x1;
	p0 =	seq.s32 s7, s2  }
0x1e: {  	s7 =	smul.u32 @!p0 $0xF7A, s2;
	p2 =	seq.s32 @!p0 s5, $0x0  }
0x1f: {  	s9 =	smul.u32 $0xF7A, s1;
	s8 =	simm.s32 @!p0 $0x1BF5;
	p2 =	por !p2, p0  }
0x20: {  	[sflag:s8] =	ssyncset.s32 @!p0 $0xFFFFF086;
	s6 =	sadd.s32 @!p0 s3, s7;
	s7 =	simm.s32 @!p0 $0x108  }
0x21: {  	s3 =	sadd.s32 s3, s9;
	s6 =	sadd.s32 @!p0 $0x88, s6;
	s7 =	simm.s32 @p2 $0x1082  }
0x22: {  	[simem:s7], [sflag:s8] =	dma.local @!p0 [hbm:s6], $0xF7A  }
0x23: {  	s9 =	sor.u32 $0xD0000000, s2;
	s6 =	simm.s32 $0x108;
	_ =	swait.ge @!p0 [sflag:s8], $0x0  }
0x24: {  	s3 =	sadd.s32 $0x88, s3;
	s6 =	simm.s32 @!p1 $0x1082;
	[sflag:s4] =	ssyncset.s32 $0xFFFFF086  }
0x25: {  	[simem:s6], [sflag:s4] =	dma.local [hbm:s3], $0xF7A  }
0x26: {  	[smem:$0x3F99] =	sst s1;
	(tag) =	ssettag s2;
	_ =	strace s9  }
0x27: {  	s1 =	sld [smem:$0x3FA9]  }
0x28: {  	s2 =	sld [smem:$0x3FAA]  }
0x29: {  	s4 =	sld [smem:$0x3FAC]  }
0x2a: {  	p0 =	seq.s32 s5, $0x0;
	s5 =	sld [smem:$0x3FAD]  }
0x2b: {  	s6 =	sld [smem:$0x3FAE]  }
0x2c: {  	s7 =	sld [smem:$0x3FAF]  }
0x2d: {  	s3 =	simm.s32 $0x108;
	s8 =	sld [smem:$0x3FB0]  }
0x2e: {  	s3 =	simm.s32 @!p0 $0x1082;
	s9 =	sld [smem:$0x3FB1]  }
0x2f: {  	lr =	sadd.s32 s0, s3;
	s0 =	sld [smem:$0x3FA8]  }
0x30: {  	s3 =	sld [smem:$0x3FAB]  }
0x31: {  	[smem:$0x3FB4] =	sst s10  }
0x32: {  	s10 =	sld [smem:$0x3FB2];
	_ =	sdelay $0x3  }
0x33: {  	p0 =	seq.s32 s10, $0x1;
	s10 =	sld [smem:$0x3FB4];
	_ =	sdelay $0x3  }
0x34: {  	[smem:$0x3FB4] =	sst s10  }
0x35: {  	s10 =	sld [smem:$0x3FB3];
	_ =	sdelay $0x3  }
0x36: {  	p1 =	seq.s32 s10, $0x1;
	s10 =	sld [smem:$0x3FB4];
	_ =	sdelay $0x3  }
0x37: {  	[smem:$0x3FB4] =	sst s10  }
0x38: {  	s10 =	sld [smem:$0x3FB5]  }
0x39: {  	_ = 	snop;
	(pc) =	sbr.ind lr, $3  }
0x3a: {  	_ = 	snop  }
0x3b: {  	_ = 	snop  }
0x3c: {  	p2 =	seq.s32 s10, $0x1;
	s10 =	sld [smem:$0x3FB4]  }
0x3d: {  	_ =	shalt  }
0x3e: {  	_ =	shalt  }
0x3f: {  	_ =	shalt  }
0x40: {  	_ =	shalt  }
0x41: {  	_ =	shalt  }
0x42: {  	_ =	shalt  }
0x43: {  	_ =	shalt  }
0x44: {  	_ =	shalt  }
0x45: {  	_ =	shalt  }
0x46: {  	_ =	shalt  }
0x47: {  	_ =	shalt  }
0x48: {  	_ =	shalt  }
0x49: {  	_ =	shalt  }
0x4a: {  	_ =	shalt  }
0x4b: {  	_ =	shalt  }
0x4c: {  	_ =	shalt  }
0x4d: {  	_ =	shalt  }
0x4e: {  	_ =	shalt  }
0x4f: {  	_ =	shalt  }
0x50: {  	_ =	shalt  }
0x51: {  	_ =	shalt  }
0x52: {  	_ =	shalt  }
0x53: {  	_ =	shalt  }
0x54: {  	_ =	shalt  }
0x55: {  	_ =	shalt  }
0x56: {  	_ =	shalt  }
0x57: {  	_ =	shalt  }
0x58: {  	_ =	shalt  }
0x59: {  	_ =	shalt  }
0x5a: {  	_ =	shalt  }
0x5b: {  	_ =	shalt  }
0x5c: {  	_ =	shalt  }
0x5d: {  	_ =	shalt  }
0x5e: {  	_ =	shalt  }
0x5f: {  	_ =	shalt  }
0x60: {  	_ =	shalt  }
0x61: {  	_ =	shalt  }
0x62: {  	_ =	shalt  }
0x63: {  	_ =	shalt  }
0x64: {  	_ =	shalt  }
0x65: {  	_ =	shalt  }
0x66: {  	_ =	shalt  }
0x67: {  	_ =	shalt  }
0x68: {  	_ =	shalt  }
0x69: {  	_ =	shalt  }
0x6a: {  	_ =	shalt  }
0x6b: {  	_ =	shalt  }
0x6c: {  	_ =	shalt  }
0x6d: {  	_ =	shalt  }
0x6e: {  	_ =	shalt  }
0x6f: {  	_ =	shalt  }
0x70: {  	_ =	shalt  }
0x71: {  	_ =	shalt  }
0x72: {  	_ =	shalt  }
0x73: {  	_ =	shalt  }
0x74: {  	_ =	shalt  }
0x75: {  	_ =	shalt  }
0x76: {  	_ =	shalt  }
0x77: {  	_ =	shalt  }
0x78: {  	_ =	shalt  }
0x79: {  	_ =	shalt  }
0x7a: {  	_ =	shalt  }
0x7b: {  	_ =	shalt  }
0x7c: {  	_ =	shalt  }
0x7d: {  	_ =	shalt  }
0x7e: {  	_ =	shalt  }
0x7f: {  	_ =	shalt  }
0x80: {  	_ =	shalt  }
0x81: {  	_ =	shalt  }
0x82: {  	_ =	shalt  }
0x83: {  	_ =	shalt  }
0x84: {  	_ =	shalt  }
0x85: {  	_ =	shalt  }
0x86: {  	_ =	shalt  }
0x87: {  	_ =	shalt  }
.Lfunc_end0:
.L_simem_size_0:
called_computation_lowered:
.L_overlay_start_0:
0x88: {  	s2 =	sld [smem:$0x3FD9]  }
0x89: {  	s3 =	sld [smem:$0x3FFE];
	_ =	sdelay $0x1  }
0x8a: {  	s1 =	srdreg.scid  }
0x8b: {  	s0 =	sand.u32 $0x1, s1  }
0x8c: {  	s14 =	sshll.u32 s0, $0xA;
	s2 =	sadd.s32 s3, s2  }
0x8d: {  	s2 =	sadd.s32 s2, s14  }
0x8e: {  	[smem:$0x3FC0] =	sst s2  }
0x8f: {  	_ = 	snop  }
0x90: {  	s2 =	sld [smem:$0x3FD0];
	_ =	sdelay $0x2  }
0x91: {  	s15 =	simm.s32 $0xA;
	s4 =	simm.s32 $0x10  }
0x92: {  	[smem:s4], [sflag:s15] =	dma.local [hbm:s2], $0x1  }
0x93: {  	_ =	swait.eq [sflag:s15], $0x1  }
0x94: {  	[sflag:s15] =	ssyncset.done $0x0  }
0x95: {  	[sflag:s15] =	ssyncadd.s32 $0xFFFFFFFF  }
0x96: {  	s16 =	sld [smem:$0x11];
	(tm) =	ssettm $0x1  }
0x97: {  	s17 =	sld [smem:$0x3FFB];
	_ =	sdelay $0x3  }
0x98: {  	_ =	strace s17  }
0x99: {  	s3 =	sld [smem:$0x3FFC];
	_ =	sdelay $0x3  }
0x9a: {  	_ =	strace s3  }
0x9b: {  	s3 =	sld [smem:$0x3FFD];
	_ =	sdelay $0x3  }
0x9c: {  	_ =	strace s3  }
0x9d: {  	_ =	strace $0x8FFFFFFF  }
0x9e: {  	s18 =	sld [smem:$0x3FDB];
	_ =	sdelay $0x1  }
0x9f: {  	s19 =	simm.s32 $_scs_section_size  }
0xa0: {  	s5 =	simm.s32 $_size__tile_overlayer_lowered;
	s6 =	simm.s32 $_tile_overlayer_lowered  }
0xa1: {  	s22 =	simm.s32 $0x1BFF;
	s21 =	sshll.u32 s6, $0x1;
	s3 =	sadd.s32 s19, s18  }
0xa2: {  	s7 =	simm.s32 $0x0;
	s20 =	sshll.u32 s5, $0x1;
	s5 =	sadd.s32 s21, s3  }
0xa3: {  	[timem:s7], [sflag:s22] =	dma.local [hbm:s5], s20  }
0xa4: {  	_ =	swait.ge [sflag:s22], s20  }
0xa5: {  	s4 =	ssub.s32 $0x0, s20;
	[sflag:s22] =	ssyncset.done $0x0  }
0xa6: {  	[sflag:s22] =	ssyncadd.s32 s4;
	_ =	sdelay $0x1  }
0xa7: {  	s23 =	simm.s32 $0x1B8B  }
0xa8: {  	_ =	swait.ge [sflag:s23], $0x1  }
0xa9: {  	[sflag:s23] =	ssyncset.done $0x0  }
0xaa: {  	s25 =	simm.s32 $0x1B8E;
	s24 =	sld [smem:$0x3FFE];
	[sflag:s23] =	ssyncadd.s32 $0xFFFFFFFF  }
0xab: {  	s26 =	simm.s32 $execute0_lowered;
	[smem:$0x3FD2] =	sst s25  }
0xac: {  	s5 =	sshll.u32 s26, $0x1;
	_ =	strace $0x80000046;
	[dreg:$0x1] =	wrdreg $0xFFFFFFFF  }
0xad: {  	s28 =	simm.s32 $_size_execute0_lowered;
	s3 =	sadd.s32 s3, s5;
	[dreg:$0x0] =	wrdreg $0x0  }
0xae: {  	s5 =	sshll.u32 s28, $0x1;
	[dreg:$0x2] =	wrdreg s3  }
0xaf: {  	[dreg:$0x3] =	wrdreg s5  }
0xb0: {  	[dreg:$0x4] =	wrdreg $0xC0  }
0xb1: {  	_ =	task [dreg:s7], $0x5FFFF  }
0xb2: {  	[dreg:$0x1] =	wrdreg $0xFFFFFFFF  }
0xb3: {  	[dreg:$0x0] =	wrdreg $0x60  }
0xb4: {  	[dreg:$0x2] =	wrdreg s24  }
0xb5: {  	[dreg:$0x3] =	wrdreg s16  }
0xb6: {  	[dreg:$0x4] =	wrdreg $0x29E00  }
0xb7: {  	[dreg:$0x5] =	wrdreg $0x9  }
0xb8: {  	_ =	task.clear_ibuf [dreg:s7], $0x6FFFF;
	_ =	strace $0x90000046  }
0xb9: {  	s29 =	simm.s32 $0x9;
	_ =	strace $0x80000048  }
0xba: {  	_ =	swait.ge [sflag:s29], $0x1  }
0xbb: {  	[sflag:s29] =	ssyncadd.s32 $0xFFFFFFFF  }
0xbc: {  	_ =	strace $0x90000048  }
0xbd: {  	_ =	sfence  }
0xbe: {  	s30 =	sld [smem:$0x0];
	_ =	sdelay $0x2  }
0xbf: {  	s31 =	sshll.u32 s1, $0xD;
	s1 =	sshrl.u32 s1, $0x2  }
0xc0: {  	s3 =	sand.u32 $0x4000, s31;
	s1 =	sadd.s32 s1, s30  }
0xc1: {  	s0 =	sor.u32 s3, s0;
	s1 =	sshll.u32 s1, $0x11  }
0xc2: {  	s0 =	sor.u32 s1, s0  }
0xc3: {  	s0 =	sadd.s32 $0x8F2B, s0  }
0xc4: {  	[sflag:s0] =	ssyncadd.remote.s32 $0x1  }
0xc5: {  	_ =	sfence.sel $0xFFFF  }
0xc6: {  	[dreg:$0x0] =	wrdreg $0xFFFFFFFF;
	(pc) =	sbr.abs _section_cstart, $3  }
0xc7: {  	[dreg:$0x1] =	wrdreg $0xFFFFFFFF  }
0xc8: {  	_ =	task.clear_ibuf [dreg:s7], $0x2FFFF;
	_ =	strace $0x9FFFFFFF  }
0xc9: {  	(tm) =	ssettm $0x7FFFFFFF  }
tec
execute0_lowered:
.L_overlay_start_1:
0x0: {  	(tag) =	ssettag $0x1  }
0x1: {  	s1 =	srdreg.scid;
	s4 =	rddreg [dreg:$0x0]  }
0x2: {  	s0 =	stileid.u32;
	s6 =	rddreg [dreg:$0x1]  }
0x3: {  	s2 =	rddreg [dreg:$0x2];
	s3 =	simm.s32 $0x0;
	s11 =	simm.s32 $0x2710  }
0x4: {  	s12 =	simm.s32 $0x1;
	s13 =	simm.s32 $0x2580;
	s14 =	simm.s32 $0x25D0  }
0x5: {  	s15 =	simm.s32 $0x2620;
	s16 =	simm.s32 $0x2670;
	s17 =	simm.s32 $0x26C0  }
0x6: {  	s5 =	sand.u32 $0x1, s1;
	s30 =	sshll.u32 s0, $0x1;
	s8 =	smul.u32 $0x280, s0  }
0x7: {  	s18 =	simm.s32 $0x0;
	s1 =	sor.u32 s5, s30;
	s9 =	smul.u32 $0x2800, s5  }
0x8: {  	[smem:$0x7FF] =	sst s3;
	s5 =	ssub.s32 $0x2, s5;
	s7 =	smul.u32 $0x2710, s1  }
0x9: {  	s1 =	rddreg [dreg:$0x3];
	_ =	strace $0x80000047;
	s10 =	sshrl.u32 s5, $0x1  }
0xa: {  	s9 =	sadd.s32 s8, s9;
	s10 =	ssub.s32 s5, s10;
	s5 =	sadd.s32 s8, s2  }
0xb: {  	s8 =	simm.s32 $0x2;
	s7 =	sshrl.u32 s7, $0x3;
	s31 =	sshrl.u32 s9, $0x3  }
0xc: {  	s9 =	simm.s32 $0x2760;
	s4 =	sadd.s32 s4, s7;
	s6 =	sadd.s32 s6, s31  }
0xd: {  	v0 =	vimm.f32 $1.000000000e+00;
	v1 =	vimm.f32 $0.0e+00;
	s7 =	smax.u32 s10, $0x1;
	s10 =	simm.s32 $0x50;
	s4 =	sadd.s32 $0xC240, s4  }
.LBB2_1:
0xe: {  	[tilespmem:s3], [sflag:$0x2] =	stream.linear.gather [hbm4b:s4+s3], $0x2710, $0x38;
	[tilespmem:$0x2C60] =	vst v63  }
0xf: {  	_ =	swait.ge [sflag:s8], $0x2710  }
0x10: {  	[sflag:s8] =	ssyncset.done $0x0  }
0x11: {  	[sflag:s8] =	ssyncadd.s32 $0xFFFFD8F0  }
0x12: {  	[tilespmem:$0x2710] =	vst v0  }
0x13: {  	[tilespmem:$0x2720] =	vst v0  }
0x14: {  	[tilespmem:$0x2730] =	vst v0  }
0x15: {  	[tilespmem:$0x2740] =	vst v0  }
0x16: {  	[tilespmem:$0x2750] =	vst v0  }
0x17: {  	[tilespmem:$0x2760] =	vst v1  }
0x18: {  	[tilespmem:$0x2770] =	vst v1  }
0x19: {  	[tilespmem:$0x2780] =	vst v1  }
0x1a: {  	[tilespmem:$0x2790] =	vst v1  }
0x1b: {  	[tilespmem:$0x27A0] =	vst v1  }
0x1c: {  	[tilespmem:$0x27B0] =	vst v1  }
0x1d: {  	[tilespmem:$0x27C0] =	vst v1  }
0x1e: {  	[tilespmem:$0x27D0] =	vst v1  }
0x1f: {  	[tilespmem:$0x27E0] =	vst v1  }
0x20: {  	[tilespmem:$0x27F0] =	vst v1  }
0x21: {  	[tilespmem:$0x2800] =	vst v1  }
0x22: {  	[tilespmem:$0x2810] =	vst v1  }
0x23: {  	[tilespmem:$0x2820] =	vst v1  }
0x24: {  	[tilespmem:$0x2830] =	vst v1  }
0x25: {  	[tilespmem:$0x2840] =	vst v1  }
0x26: {  	[tilespmem:$0x2850] =	vst v1  }
0x27: {  	[tilespmem:$0x2860] =	vst v1  }
0x28: {  	[tilespmem:$0x2870] =	vst v1  }
0x29: {  	[tilespmem:$0x2880] =	vst v1  }
0x2a: {  	[tilespmem:$0x2890] =	vst v1  }
0x2b: {  	[tilespmem:$0x28A0] =	vst v1  }
0x2c: {  	[tilespmem:$0x28B0] =	vst v1  }
0x2d: {  	[tilespmem:$0x28C0] =	vst v1  }
0x2e: {  	[tilespmem:$0x28D0] =	vst v1  }
0x2f: {  	[tilespmem:$0x28E0] =	vst v1  }
0x30: {  	[tilespmem:$0x28F0] =	vst v1  }
0x31: {  	[tilespmem:$0x2900] =	vst v1  }
0x32: {  	[tilespmem:$0x2910] =	vst v1  }
0x33: {  	[tilespmem:$0x2920] =	vst v1  }
0x34: {  	[tilespmem:$0x2930] =	vst v1  }
0x35: {  	[tilespmem:$0x2940] =	vst v1  }
0x36: {  	[tilespmem:$0x2950] =	vst v1  }
0x37: {  	[tilespmem:$0x2960] =	vst v1  }
0x38: {  	[tilespmem:$0x2970] =	vst v1  }
0x39: {  	[tilespmem:$0x2980] =	vst v1  }
0x3a: {  	[tilespmem:$0x2990] =	vst v1  }
0x3b: {  	[tilespmem:$0x29A0] =	vst v1  }
0x3c: {  	[tilespmem:$0x29B0] =	vst v1  }
0x3d: {  	[tilespmem:$0x29C0] =	vst v1  }
0x3e: {  	[tilespmem:$0x29D0] =	vst v1  }
0x3f: {  	[spmem:s5] =	stream.linear.scatter [tilespmem:s9], [sflag:$0x2], $0x280, $0x38;
	[tilespmem:$0x2C60] =	vst v63  }
0x40: {  	_ =	swait.ge [sflag:s8], $0x280  }
0x41: {  	[sflag:s8] =	ssyncset.done $0x0  }
0x42: {  	[sflag:s8] =	ssyncadd.s32 $0xFFFFFD80  }
0x43: {  	s19 =	simm.s32 $0x0;
	[bflag:$0x0] =	sbarrier.arrive $0xFFFF  }
0x44: {  	[spmem:s2] =	stream.indirect.scatter.add.f32 [tilespmem:s11], [sflag:$0x1], $0x1, s19, s10, $0xb8;
	[tilespmem:$0x2C60] =	vst v63  }
0x45: {  	s22 =	simm.s32 $0x50  }
0x46: {  	[spmem:s2] =	stream.indirect.scatter.add.f32 [tilespmem:s11], [sflag:$0x1], $0x1, s22, s10, $0xb8;
	[tilespmem:$0x2C60] =	vst v63  }
0x47: {  	s23 =	simm.s32 $0xA0  }
0x48: {  	[spmem:s2] =	stream.indirect.scatter.add.f32 [tilespmem:s11], [sflag:$0x1], $0x1, s23, s10, $0xb8;
	[tilespmem:$0x2C60] =	vst v63  }
0x49: {  	s24 =	simm.s32 $0xF0  }
0x4a: {  	[spmem:s2] =	stream.indirect.scatter.add.f32 [tilespmem:s11], [sflag:$0x1], $0x1, s24, s10, $0xb8;
	[tilespmem:$0x2C60] =	vst v63  }
0x4b: {  	s25 =	simm.s32 $0x140  }
0x4c: {  	[spmem:s2] =	stream.indirect.scatter.add.f32 [tilespmem:s11], [sflag:$0x1], $0x1, s25, s10, $0xb8;
	[tilespmem:$0x2C60] =	vst v63  }
0x4d: {  	s26 =	simm.s32 $0x190  }
0x4e: {  	[spmem:s2] =	stream.indirect.scatter.add.f32 [tilespmem:s11], [sflag:$0x1], $0x1, s26, s10, $0xb8;
	[tilespmem:$0x2C60] =	vst v63  }
0x4f: {  	s28 =	simm.s32 $0x1E0  }
0x50: {  	[spmem:s2] =	stream.indirect.scatter.add.f32 [tilespmem:s11], [sflag:$0x1], $0x1, s28, s10, $0xb8;
	[tilespmem:$0x2C60] =	vst v63  }
0x51: {  	s29 =	simm.s32 $0x230  }
0x52: {  	[spmem:s2] =	stream.indirect.scatter.add.f32 [tilespmem:s11], [sflag:$0x1], $0x1, s29, s10, $0xb8;
	[tilespmem:$0x2C60] =	vst v63  }
0x53: {  	s30 =	simm.s32 $0x280  }
0x54: {  	[spmem:s2] =	stream.indirect.scatter.add.f32 [tilespmem:s11], [sflag:$0x1], $0x1, s30, s10, $0xb8;
	[tilespmem:$0x2C60] =	vst v63  }
0x55: {  	s31 =	simm.s32 $0x2D0  }
0x56: {  	[spmem:s2] =	stream.indirect.scatter.add.f32 [tilespmem:s11], [sflag:$0x1], $0x1, s31, s10, $0xb8;
	[tilespmem:$0x2C60] =	vst v63  }
0x57: {  	_ =	swait.ge [sflag:s12], $0x50  }
0x58: {  	[sflag:s12] =	ssyncset.done $0x0  }
0x59: {  	[sflag:s12] =	ssyncadd.s32 $0xFFFFFFB0  }
0x5a: {  	_ =	swait.ge [sflag:s12], $0x50  }
0x5b: {  	[sflag:s12] =	ssyncset.done $0x0  }
0x5c: {  	[sflag:s12] =	ssyncadd.s32 $0xFFFFFFB0  }
0x5d: {  	_ =	swait.ge [sflag:s12], $0x50  }
0x5e: {  	[sflag:s12] =	ssyncset.done $0x0  }
0x5f: {  	[sflag:s12] =	ssyncadd.s32 $0xFFFFFFB0  }
0x60: {  	_ =	swait.ge [sflag:s12], $0x50  }
0x61: {  	[sflag:s12] =	ssyncset.done $0x0  }
0x62: {  	[sflag:s12] =	ssyncadd.s32 $0xFFFFFFB0  }
0x63: {  	_ =	swait.ge [sflag:s12], $0x50  }
0x64: {  	[sflag:s12] =	ssyncset.done $0x0  }
0x65: {  	[sflag:s12] =	ssyncadd.s32 $0xFFFFFFB0  }
0x66: {  	_ =	swait.ge [sflag:s12], $0x50  }
0x67: {  	[sflag:s12] =	ssyncset.done $0x0  }
0x68: {  	[sflag:s12] =	ssyncadd.s32 $0xFFFFFFB0  }
0x69: {  	_ =	swait.ge [sflag:s12], $0x50  }
0x6a: {  	[sflag:s12] =	ssyncset.done $0x0  }
0x6b: {  	[sflag:s12] =	ssyncadd.s32 $0xFFFFFFB0  }
0x6c: {  	_ =	swait.ge [sflag:s12], $0x50  }
0x6d: {  	[sflag:s12] =	ssyncset.done $0x0  }
0x6e: {  	[sflag:s12] =	ssyncadd.s32 $0xFFFFFFB0  }
0x6f: {  	_ =	swait.ge [sflag:s12], $0x50  }
0x70: {  	[sflag:s12] =	ssyncset.done $0x0  }
0x71: {  	[sflag:s12] =	ssyncadd.s32 $0xFFFFFFB0  }
0x72: {  	_ =	swait.ge [sflag:s12], $0x50  }
0x73: {  	s21 =	simm.s32 $0x1900;
	s19 =	simm.s32 $0xC80;
	[sflag:s12] =	ssyncset.done $0x0  }
.LBB2_2:
0x74: {  	s22 =	sshra.s32 s19, $0x2  }
0x75: {  	[sflag:s12] =	ssyncadd.s32 $0xFFFFFFB0;
	s19 =	smov.u32 s21;
	s20 =	sadd.s32 $0xC80, s21  }
0x76: {  	[spmem:s2] =	stream.indirect.scatter.add.f32 [tilespmem:s11], [sflag:$0x1], $0x1, s22, s10, $0xb8;
	[tilespmem:$0x2C60] =	vst v63  }
0x77: {  	p0 =	sne.s32 s21, $0x8980;
	s21 =	sadd.s32 $0x50, s22  }
0x78: {  	[spmem:s2] =	stream.indirect.scatter.add.f32 [tilespmem:s11], [sflag:$0x1], $0x1, s21, s10, $0xb8;
	[tilespmem:$0x2C60] =	vst v63  }
0x79: {  	s21 =	sadd.s32 $0xA0, s22  }
0x7a: {  	[spmem:s2] =	stream.indirect.scatter.add.f32 [tilespmem:s11], [sflag:$0x1], $0x1, s21, s10, $0xb8;
	[tilespmem:$0x2C60] =	vst v63  }
0x7b: {  	s21 =	sadd.s32 $0xF0, s22  }
0x7c: {  	[spmem:s2] =	stream.indirect.scatter.add.f32 [tilespmem:s11], [sflag:$0x1], $0x1, s21, s10, $0xb8;
	[tilespmem:$0x2C60] =	vst v63  }
0x7d: {  	s21 =	sadd.s32 $0x140, s22  }
0x7e: {  	[spmem:s2] =	stream.indirect.scatter.add.f32 [tilespmem:s11], [sflag:$0x1], $0x1, s21, s10, $0xb8;
	[tilespmem:$0x2C60] =	vst v63  }
0x7f: {  	s21 =	sadd.s32 $0x190, s22  }
0x80: {  	[spmem:s2] =	stream.indirect.scatter.add.f32 [tilespmem:s11], [sflag:$0x1], $0x1, s21, s10, $0xb8;
	[tilespmem:$0x2C60] =	vst v63  }
0x81: {  	s21 =	sadd.s32 $0x1E0, s22  }
0x82: {  	[spmem:s2] =	stream.indirect.scatter.add.f32 [tilespmem:s11], [sflag:$0x1], $0x1, s21, s10, $0xb8;
	[tilespmem:$0x2C60] =	vst v63  }
0x83: {  	s21 =	sadd.s32 $0x230, s22  }
0x84: {  	[spmem:s2] =	stream.indirect.scatter.add.f32 [tilespmem:s11], [sflag:$0x1], $0x1, s21, s10, $0xb8;
	[tilespmem:$0x2C60] =	vst v63  }
0x85: {  	s21 =	sadd.s32 $0x280, s22  }
0x86: {  	[spmem:s2] =	stream.indirect.scatter.add.f32 [tilespmem:s11], [sflag:$0x1], $0x1, s21, s10, $0xb8;
	[tilespmem:$0x2C60] =	vst v63  }
0x87: {  	s21 =	sadd.s32 $0x2D0, s22  }
0x88: {  	[spmem:s2] =	stream.indirect.scatter.add.f32 [tilespmem:s11], [sflag:$0x1], $0x1, s21, s10, $0xb8;
	[tilespmem:$0x2C60] =	vst v63  }
0x89: {  	_ =	swait.ge [sflag:s12], $0x50  }
0x8a: {  	[sflag:s12] =	ssyncset.done $0x0  }
0x8b: {  	[sflag:s12] =	ssyncadd.s32 $0xFFFFFFB0  }
0x8c: {  	_ =	swait.ge [sflag:s12], $0x50  }
0x8d: {  	[sflag:s12] =	ssyncset.done $0x0  }
0x8e: {  	[sflag:s12] =	ssyncadd.s32 $0xFFFFFFB0  }
0x8f: {  	_ =	swait.ge [sflag:s12], $0x50  }
0x90: {  	[sflag:s12] =	ssyncset.done $0x0  }
0x91: {  	[sflag:s12] =	ssyncadd.s32 $0xFFFFFFB0  }
0x92: {  	_ =	swait.ge [sflag:s12], $0x50  }
0x93: {  	[sflag:s12] =	ssyncset.done $0x0  }
0x94: {  	[sflag:s12] =	ssyncadd.s32 $0xFFFFFFB0  }
0x95: {  	_ =	swait.ge [sflag:s12], $0x50  }
0x96: {  	[sflag:s12] =	ssyncset.done $0x0  }
0x97: {  	[sflag:s12] =	ssyncadd.s32 $0xFFFFFFB0  }
0x98: {  	_ =	swait.ge [sflag:s12], $0x50  }
0x99: {  	[sflag:s12] =	ssyncset.done $0x0  }
0x9a: {  	[sflag:s12] =	ssyncadd.s32 $0xFFFFFFB0  }
0x9b: {  	_ =	swait.ge [sflag:s12], $0x50  }
0x9c: {  	[sflag:s12] =	ssyncset.done $0x0  }
0x9d: {  	[sflag:s12] =	ssyncadd.s32 $0xFFFFFFB0  }
0x9e: {  	_ =	swait.ge [sflag:s12], $0x50  }
0x9f: {  	[sflag:s12] =	ssyncset.done $0x0  }
0xa0: {  	[sflag:s12] =	ssyncadd.s32 $0xFFFFFFB0  }
.Ltmp0:
0xa1: {  	_ =	swait.ge [sflag:s12], $0x50;
	(pc) =	sbr.rel @p0 .LBB2_2-.Ltmp0, $4  }
0xa2: {  	[sflag:s12] =	ssyncset.done $0x0  }
0xa3: {  	[sflag:s12] =	ssyncadd.s32 $0xFFFFFFB0  }
0xa4: {  	_ =	swait.ge [sflag:s12], $0x50  }
0xa5: {  	s21 =	smov.u32 s20;
	[sflag:s12] =	ssyncset.done $0x0  }
0xa6: {  	s19 =	sshra.s32 s19, $0x2;
	[sflag:s12] =	ssyncadd.s32 $0xFFFFFFB0  }
0xa7: {  	[spmem:s2] =	stream.indirect.scatter.add.f32 [tilespmem:s11], [sflag:$0x1], $0x1, s19, s10, $0xb8;
	[tilespmem:$0x2C60] =	vst v63  }
0xa8: {  	s20 =	sadd.s32 $0x50, s19  }
0xa9: {  	[spmem:s2] =	stream.indirect.scatter.add.f32 [tilespmem:s11], [sflag:$0x1], $0x1, s20, s10, $0xb8;
	[tilespmem:$0x2C60] =	vst v63  }
0xaa: {  	s24 =	sadd.s32 $0xA0, s19  }
0xab: {  	[spmem:s2] =	stream.indirect.scatter.add.f32 [tilespmem:s11], [sflag:$0x1], $0x1, s24, s10, $0xb8;
	[tilespmem:$0x2C60] =	vst v63  }
0xac: {  	s25 =	sadd.s32 $0xF0, s19  }
0xad: {  	[spmem:s2] =	stream.indirect.scatter.add.f32 [tilespmem:s11], [sflag:$0x1], $0x1, s25, s10, $0xb8;
	[tilespmem:$0x2C60] =	vst v63  }
0xae: {  	s26 =	sadd.s32 $0x140, s19  }
0xaf: {  	[spmem:s2] =	stream.indirect.scatter.add.f32 [tilespmem:s11], [sflag:$0x1], $0x1, s26, s10, $0xb8;
	[tilespmem:$0x2C60] =	vst v63  }
0xb0: {  	s28 =	sadd.s32 $0x190, s19  }
0xb1: {  	[spmem:s2] =	stream.indirect.scatter.add.f32 [tilespmem:s11], [sflag:$0x1], $0x1, s28, s10, $0xb8;
	[tilespmem:$0x2C60] =	vst v63  }
0xb2: {  	s29 =	sadd.s32 $0x1E0, s19  }
0xb3: {  	[spmem:s2] =	stream.indirect.scatter.add.f32 [tilespmem:s11], [sflag:$0x1], $0x1, s29, s10, $0xb8;
	[tilespmem:$0x2C60] =	vst v63  }
0xb4: {  	s30 =	sadd.s32 $0x230, s19  }
0xb5: {  	[spmem:s2] =	stream.indirect.scatter.add.f32 [tilespmem:s11], [sflag:$0x1], $0x1, s30, s10, $0xb8;
	[tilespmem:$0x2C60] =	vst v63  }
0xb6: {  	s31 =	sadd.s32 $0x280, s19  }
0xb7: {  	[spmem:s2] =	stream.indirect.scatter.add.f32 [tilespmem:s11], [sflag:$0x1], $0x1, s31, s10, $0xb8;
	[tilespmem:$0x2C60] =	vst v63  }
0xb8: {  	s19 =	sadd.s32 $0x2D0, s19  }
0xb9: {  	[spmem:s2] =	stream.indirect.scatter.add.f32 [tilespmem:s11], [sflag:$0x1], $0x1, s19, s10, $0xb8;
	[tilespmem:$0x2C60] =	vst v63  }
0xba: {  	_ =	swait.ge [sflag:s12], $0x50  }
0xbb: {  	[sflag:s12] =	ssyncset.done $0x0  }
0xbc: {  	[sflag:s12] =	ssyncadd.s32 $0xFFFFFFB0  }
0xbd: {  	_ =	swait.ge [sflag:s12], $0x50  }
0xbe: {  	[sflag:s12] =	ssyncset.done $0x0  }
0xbf: {  	[sflag:s12] =	ssyncadd.s32 $0xFFFFFFB0  }
0xc0: {  	_ =	swait.ge [sflag:s12], $0x50  }
0xc1: {  	[sflag:s12] =	ssyncset.done $0x0  }
0xc2: {  	[sflag:s12] =	ssyncadd.s32 $0xFFFFFFB0  }
0xc3: {  	_ =	swait.ge [sflag:s12], $0x50  }
0xc4: {  	[sflag:s12] =	ssyncset.done $0x0  }
0xc5: {  	[sflag:s12] =	ssyncadd.s32 $0xFFFFFFB0  }
0xc6: {  	_ =	swait.ge [sflag:s12], $0x50  }
0xc7: {  	[sflag:s12] =	ssyncset.done $0x0  }
0xc8: {  	[sflag:s12] =	ssyncadd.s32 $0xFFFFFFB0  }
0xc9: {  	_ =	swait.ge [sflag:s12], $0x50  }
0xca: {  	[sflag:s12] =	ssyncset.done $0x0  }
0xcb: {  	[sflag:s12] =	ssyncadd.s32 $0xFFFFFFB0  }
0xcc: {  	_ =	swait.ge [sflag:s12], $0x50  }
0xcd: {  	[sflag:s12] =	ssyncset.done $0x0  }
0xce: {  	[sflag:s12] =	ssyncadd.s32 $0xFFFFFFB0  }
0xcf: {  	_ =	swait.ge [sflag:s12], $0x50  }
0xd0: {  	[sflag:s12] =	ssyncset.done $0x0  }
0xd1: {  	[sflag:s12] =	ssyncadd.s32 $0xFFFFFFB0  }
0xd2: {  	_ =	swait.ge [sflag:s12], $0x50  }
0xd3: {  	[sflag:s12] =	ssyncset.done $0x0  }
0xd4: {  	[sflag:s12] =	ssyncadd.s32 $0xFFFFFFB0  }
0xd5: {  	_ =	swait.ge [sflag:s12], $0x50  }
0xd6: {  	[sflag:s12] =	ssyncset.done $0x0  }
0xd7: {  	[sflag:s12] =	ssyncadd.s32 $0xFFFFFFB0  }
0xd8: {  	[spmem:s2] =	stream.indirect.scatter.add.f32 [tilespmem:s11], [sflag:$0x1], $0x1, s13, s10, $0xb8;
	[tilespmem:$0x2C60] =	vst v63  }
0xd9: {  	_ = 	snop  }
0xda: {  	[spmem:s2] =	stream.indirect.scatter.add.f32 [tilespmem:s11], [sflag:$0x1], $0x1, s14, s10, $0xb8;
	[tilespmem:$0x2C60] =	vst v63  }
0xdb: {  	_ = 	snop  }
0xdc: {  	[spmem:s2] =	stream.indirect.scatter.add.f32 [tilespmem:s11], [sflag:$0x1], $0x1, s15, s10, $0xb8;
	[tilespmem:$0x2C60] =	vst v63  }
0xdd: {  	_ = 	snop  }
0xde: {  	[spmem:s2] =	stream.indirect.scatter.add.f32 [tilespmem:s11], [sflag:$0x1], $0x1, s16, s10, $0xb8;
	[tilespmem:$0x2C60] =	vst v63  }
0xdf: {  	_ = 	snop  }
0xe0: {  	[spmem:s2] =	stream.indirect.scatter.add.f32 [tilespmem:s11], [sflag:$0x1], $0x1, s17, s10, $0xb8;
	[tilespmem:$0x2C60] =	vst v63  }
0xe1: {  	_ =	swait.ge [sflag:s12], $0x50  }
0xe2: {  	[sflag:s12] =	ssyncset.done $0x0  }
0xe3: {  	[sflag:s12] =	ssyncadd.s32 $0xFFFFFFB0  }
0xe4: {  	_ =	swait.ge [sflag:s12], $0x50  }
0xe5: {  	[sflag:s12] =	ssyncset.done $0x0  }
0xe6: {  	[sflag:s12] =	ssyncadd.s32 $0xFFFFFFB0  }
0xe7: {  	_ =	swait.ge [sflag:s12], $0x50  }
0xe8: {  	[sflag:s12] =	ssyncset.done $0x0  }
0xe9: {  	[sflag:s12] =	ssyncadd.s32 $0xFFFFFFB0  }
0xea: {  	_ =	swait.ge [sflag:s12], $0x50  }
0xeb: {  	[sflag:s12] =	ssyncset.done $0x0  }
0xec: {  	[sflag:s12] =	ssyncadd.s32 $0xFFFFFFB0  }
0xed: {  	_ =	swait.ge [sflag:s12], $0x50  }
0xee: {  	[sflag:s12] =	ssyncset.done $0x0  }
0xef: {  	[sflag:s12] =	ssyncadd.s32 $0xFFFFFFB0  }
0xf0: {  	[bflag:$0x0] =	sbarrier.arrive $0xFFFF  }
0xf1: {  	[tilespmem:s9], [sflag:$0x2] =	stream.linear.gather [spmem:s5], $0x280, $0x38;
	[tilespmem:$0x2C60] =	vst v63  }
0xf2: {  	s18 =	sadd.s32 $0x1, s18;
	_ =	swait.ge [sflag:s8], $0x280  }
0xf3: {  	p0 =	sne.s32 s18, s7;
	[sflag:s8] =	ssyncset.done $0x0  }
.Ltmp1:
0xf4: {  	[sflag:s8] =	ssyncadd.s32 $0xFFFFFD80;
	(pc) =	sbr.rel @p0 .LBB2_1-.Ltmp1, $4  }
0xf5: {  	[hbm4b:s6+s3] =	stream.linear.scatter [tilespmem:s9], [sflag:$0x2], $0x280, $0x38;
	[tilespmem:$0x2C60] =	vst v63  }
0xf6: {  	_ =	swait.ge [sflag:s8], $0x280  }
0xf7: {  	[sflag:s8] =	ssyncset.done $0x0  }
0xf8: {  	[sflag:s8] =	ssyncadd.s32 $0xFFFFFD80  }
0xf9: {  	_ =	sfence.sel $0x180000  }
0xfa: {  	[bflag:$0x0] =	sbarrier.arrive $0xFFFF  }
0xfb: {  	p0 =	sne.s32 s0, $0x0;
	_ =	strace $0x90000047  }
0xfc: {  	s0 =	sadd.s32 @!p0 $0x100000, s1;
	[bflag:$0x2] =	sbarrier.arrive $0xFFFF  }
0xfd: {  	[sflag:s0] =	ssyncadd.tile.s32 @!p0 $0x1;
	_ =	shalt  }
.Lfunc_end2:
_tile_overlayer_lowered:
.L_overlay_start_2:
0xfe: {  	(tag) =	ssettag $0x2  }
0xff: {  	s0 =	rddreg [dreg:$0x0];
	s2 =	stileid.u32  }
0x100: {  	s1 =	rddreg [dreg:$0x1];
	p0 =	sne.s32 s2, $0x0  }
0x101: {  	s3 =	rddreg [dreg:$0x2];
	[bflag:$0x3] =	sbarrier.arrive $0xFFFF;
	s2 =	simm.s32 @!p0 $0x1C02  }
0x102: {  	[timem:s3], [sflag:s2] =	dma.local @!p0 [hbm:s0], s1  }
0x103: {  	s0 =	simm.s32 @!p0 $0x2  }
0x104: {  	_ =	swait.ge @!p0 [sflag:s0], s1  }
0x105: {  	s1 =	ssub.s32 @!p0 $0x0, s1;
	[sflag:s0] =	ssyncset.done @!p0 $0x0  }
0x106: {  	[sflag:s0] =	ssyncadd.s32 @!p0 s1  }
0x107: {  	[bflag:$0x3] =	sbarrier.arrive $0xFFFF  }
0x108: {  	_ =	shalt  }

</sc_bundles>
